<compile_context>
chip_gen: v7x
topology: tpu7x:2x2x1
jax: 0.10.2.dev20260603
libtpu: 0.0.44.dev20260713+nightly
codegen_flags: <defaults>
</compile_context>

<pallas_src>
import jax
import jax.numpy as jnp
import numpy as np
from jax import lax
from jax.experimental import pallas as pl
from jax.experimental.pallas import tpu as pltpu
from jax.experimental.pallas import tpu_sc as plsc

N = 10000
NP = 10240
E = 160000
ET = E + N
NT = 16
NCH = 168
B = 64
EPAD = NT * NCH * B
RPT = NP // NT
EH = NCH // 2
HALF = 128
DROW = NP // HALF


def _rsqrt16(v):
    i = plsc.bitcast(v, jnp.int32)
    i = jnp.int32(0x5F3759DF) - lax.shift_right_logical(i, 1)
    y = plsc.bitcast(i, jnp.float32)
    for _ in range(3):
        y = y * (1.5 - 0.5 * v * y * y)
    return y


def _sc_body(x, ed3, out, xp,
             ed_v, deg_v, dinv_v, id_v, sidx0, didx0, sidx1, didx1,
             rows_a, rows_b, shared_deg, shared_agg,
             sem_a, sem_b, sem_sa, sem_sb):
    c = lax.axis_index("c")
    s = lax.axis_index("s")
    half = c * NP
    col = c * HALF
    base = s * RPT

    zeros16 = jnp.zeros((16,), jnp.float32)
    ones16 = jnp.ones((16,), jnp.float32)

    def _zrow(i, _):
        rows_a[i // 8, pl.ds((i % 8) * 16, 16)] = zeros16
        return 0
    lax.fori_loop(0, B * 8, _zrow, 0)
    nz = DROW // NT
    pltpu.sync_copy(rows_a.at[pl.ds(0, nz)], shared_deg.at[pl.ds(s * nz, nz)])

    def _zdeg(i, _):
        deg_v[i // 8, pl.ds((i % 8) * 16, 16)] = zeros16
        return 0
    lax.fori_loop(0, DROW * 8, _zdeg, 0)

    def _hist(i, _):
        j = i // (B // 16)
        k = i % (B // 16)
        p = ed_v[j, pl.ds(k * 16, 16)]
        dv = p & 16383
        plsc.addupdate_scatter(
            deg_v, [lax.shift_right_logical(dv, 7), dv & 127], ones16)
        return 0

    for h in range(NCH // EH):
        pltpu.sync_copy(ed3.at[s * (NCH // EH) + h], ed_v)
        lax.fori_loop(0, EH * (B // 16), _hist, 0)

    for g in range(DROW // 16):
        id_v[pl.ds(g * 16, 16)] = lax.iota(jnp.int32, 16) + g * 16

    plsc.subcore_barrier()
    pltpu.sync_copy(deg_v, shared_deg.at[id_v], add=True)
    plsc.subcore_barrier()

    pltpu.sync_copy(shared_deg.at[pl.ds(s * nz, nz)], deg_v.at[pl.ds(0, nz)])

    def _dinv(i, _):
        v = deg_v[i // 8, pl.ds((i % 8) * 16, 16)]
        dinv_v[pl.ds(i * 16, 16)] = _rsqrt16(v)
        return 0
    lax.fori_loop(0, RPT // 16, _dinv, 0)

    for ch in range(RPT // B):
        g = base + ch * B
        ro = pl.multiple_of(jnp.minimum(g, N - B), 16)
        pltpu.sync_copy(x.at[pl.ds(ro, B), pl.ds(col, HALF)], rows_b)

        def _scale_in(r, _):
            idx16 = jnp.full((16,), ro - base + r, jnp.int32)
            d16 = plsc.load_gather(dinv_v, [idx16])
            for k in range(8):
                rows_b[r, pl.ds(k * 16, 16)] = rows_b[r, pl.ds(k * 16, 16)] * d16
            return 0
        lax.fori_loop(0, B, _scale_in, 0)
        pltpu.sync_copy(rows_b, xp.at[pl.ds(half + ro, B)])
        pltpu.sync_copy(rows_a, shared_agg.at[pl.ds(base + ch * B, B)])

    plsc.subcore_barrier()

    def _prep(j, sidx, didx):
        for g in range(B // 16):
            p = ed_v[j, pl.ds(g * 16, 16)]
            sidx[pl.ds(g * 16, 16)] = lax.shift_right_logical(p, 14) + half
            didx[pl.ds(g * 16, 16)] = p & 16383

    NI = EH // 2
    for h in range(NCH // EH):
        pltpu.sync_copy(ed3.at[s * (NCH // EH) + h], ed_v)
        _prep(0, sidx0, didx0)
        pltpu.async_copy(xp.at[sidx0], rows_a, sem_a)

        def _edges(i, _):
            _prep(2 * i + 1, sidx1, didx1)
            pltpu.make_async_copy(xp.at[sidx0], rows_a, sem_a).wait()
            pltpu.async_copy(xp.at[sidx1], rows_b, sem_b)
            pltpu.make_async_copy(
                rows_a, shared_agg.at[didx0], sem_sa).start(add=True)
            pltpu.make_async_copy(xp.at[sidx1], rows_b, sem_b).wait()
            pltpu.make_async_copy(
                rows_b, shared_agg.at[didx1], sem_sb).start(add=True)
            pltpu.make_async_copy(rows_a, shared_agg.at[didx0], sem_sa).wait()

            @pl.when(i < NI - 1)
            def _():
                _prep(2 * i + 2, sidx0, didx0)
                pltpu.async_copy(xp.at[sidx0], rows_a, sem_a)

            pltpu.make_async_copy(rows_b, shared_agg.at[didx1], sem_sb).wait()
            return 0
        lax.fori_loop(0, NI, _edges, 0)

    plsc.subcore_barrier()

    for ch in range(RPT // B):
        g = base + ch * B
        ro = pl.multiple_of(jnp.minimum(g, N - B), 16)
        pltpu.sync_copy(shared_agg.at[pl.ds(ro, B)], rows_a)

        def _scale_out(r, _):
            idx16 = jnp.full((16,), ro - base + r, jnp.int32)
            d16 = plsc.load_gather(dinv_v, [idx16])
            for k in range(8):
                rows_a[r, pl.ds(k * 16, 16)] = rows_a[r, pl.ds(k * 16, 16)] * d16
            return 0
        lax.fori_loop(0, B, _scale_out, 0)
        pltpu.sync_copy(rows_a, out.at[pl.ds(ro, B), pl.ds(col, HALF)])


_sc_agg = pl.kernel(
    _sc_body,
    out_type=(
        jax.ShapeDtypeStruct((N, 256), jnp.float32),
        jax.ShapeDtypeStruct((2 * NP, HALF), jnp.float32),
    ),
    mesh=plsc.VectorSubcoreMesh(core_axis_name="c", subcore_axis_name="s"),
    scratch_types=[
        pltpu.VMEM((EH, B), jnp.int32),
        pltpu.VMEM((DROW, HALF), jnp.float32),
        pltpu.VMEM((RPT,), jnp.float32),
        pltpu.VMEM((DROW,), jnp.int32),
        pltpu.VMEM((B,), jnp.int32),
        pltpu.VMEM((B,), jnp.int32),
        pltpu.VMEM((B,), jnp.int32),
        pltpu.VMEM((B,), jnp.int32),
        pltpu.VMEM((B, HALF), jnp.float32),
        pltpu.VMEM((B, HALF), jnp.float32),
        pltpu.VMEM_SHARED((DROW, HALF), jnp.float32),
        pltpu.VMEM_SHARED((NP, HALF), jnp.float32),
        pltpu.SemaphoreType.DMA,
        pltpu.SemaphoreType.DMA,
        pltpu.SemaphoreType.DMA,
        pltpu.SemaphoreType.DMA,
    ],
    compiler_params=pltpu.CompilerParams(needs_layout_passes=False),
)


def _mlp_body(x_ref, w1_ref, b1_ref, w2_ref, b2_ref, o_ref):
    h = jnp.dot(x_ref[...], w1_ref[...], preferred_element_type=jnp.float32)
    h = jnp.maximum(h + b1_ref[...], 0.0)
    o = jnp.dot(h, w2_ref[...], preferred_element_type=jnp.float32)
    o_ref[...] = jnp.maximum(o + b2_ref[...], 0.0)


_mlp = pl.pallas_call(
    _mlp_body,
    grid=(10,),
    in_specs=[
        pl.BlockSpec((1000, 256), lambda i: (i, 0)),
        pl.BlockSpec((256, 512), lambda i: (0, 0)),
        pl.BlockSpec((1, 512), lambda i: (0, 0)),
        pl.BlockSpec((512, 256), lambda i: (0, 0)),
        pl.BlockSpec((1, 256), lambda i: (0, 0)),
    ],
    out_specs=pl.BlockSpec((1000, 256), lambda i: (i, 0)),
    out_shape=jax.ShapeDtypeStruct((N, 256), jnp.float32),
)


_LOOPPAD = np.concatenate([
    np.arange(N, dtype=np.int64) * 16384 + np.arange(N, dtype=np.int64),
    np.full(EPAD - ET, N, dtype=np.int64),
]).astype(np.int32)


def kernel(x, edge_index, W1, b1, W2, b2):
    x = x.astype(jnp.float32)
    ei = edge_index.astype(jnp.int32)
    packed = jnp.concatenate([ei[0] * 16384 + ei[1], jnp.asarray(_LOOPPAD)])
    ed3 = packed.reshape(NT * (NCH // EH), EH, B)

    aggx, _ = _sc_agg(x, ed3)
    return _mlp(aggx, W1, b1.reshape(1, 512), W2, b2.reshape(1, 256))

# --- scband reference (transcript-rebuilt; emitter-appended) ---
"""Pipeline reference for scband-gnnmodel-64338610094887 (READ-ONLY COPY).

The authoritative reference and input builder live on the scoring server;
editing this copy changes nothing except your own understanding.
"""

import jax, jax.numpy as jnp
import numpy as np

N_NODES = 10000
N_EDGES = 160000
D_IN = 256
D_HID = 512
D_OUT = 256

def setup_inputs(seed: int = 0) -> dict:
    key = jax.random.key(seed)
    k1, k2, k3, k4, k5, k6 = jax.random.split(key, 6)
    x = jax.random.normal(k1, (N_NODES, D_IN), dtype=jnp.float32)
    edge_index = jax.random.randint(k2, (2, N_EDGES), 0, N_NODES, dtype=jnp.int64)
    # GCNConv weight (PyG uses glorot init); linear layer weight/bias
    W1 = jax.random.normal(k3, (D_IN, D_HID), dtype=jnp.float32) * (1.0 / np.sqrt(D_IN))
    b1 = jnp.zeros((D_HID,), dtype=jnp.float32)
    W2 = jax.random.normal(k4, (D_HID, D_OUT), dtype=jnp.float32) * (1.0 / np.sqrt(D_HID))
    b2 = jax.random.normal(k5, (D_OUT,), dtype=jnp.float32) * (1.0 / np.sqrt(D_HID))
    return {"x": x, "edge_index": edge_index, "W1": W1, "b1": b1, "W2": W2, "b2": b2}

def reference(x, edge_index, W1, b1, W2, b2):
    N = x.shape[0]
    # Add self-loops (PyG GCNConv default add_self_loops=True)
    loop = jnp.arange(N, dtype=edge_index.dtype)
    src = jnp.concatenate([edge_index[0], loop])
    dst = jnp.concatenate([edge_index[1], loop])
    # Linear transform first
    xw = x @ W1
    # Symmetric normalization: deg computed on dst (in-degree incl. self-loop)
    ones = jnp.ones_like(dst, dtype=jnp.float32)
    deg = jnp.zeros((N,), dtype=jnp.float32).at[dst].add(ones)
    deg_inv_sqrt = jnp.where(deg > 0, jax.lax.rsqrt(deg), 0.0)
    norm = deg_inv_sqrt[src] * deg_inv_sqrt[dst]
    # Message passing: gather from src, scale, scatter-add into dst
    msg = xw[src] * norm[:, None]
    agg = jax.ops.segment_sum(msg, dst, num_segments=N)
    h = agg + b1  # GCNConv bias
    h = jax.nn.relu(h)
    out = h @ W2 + b2
    out = jax.nn.relu(out)
    return out

if __name__ == "__main__":
    import jax
    _d = setup_inputs()
    print(jax.jit(kernel)(*tuple(_d.values())))

</pallas_src>

<mosaic_0001>
#map = affine_map<(d0, d1) -> (0, 0)>
#map1 = affine_map<(d0, d1) -> (0, 0, 0)>
module attributes {stable_mosaic.version = 14 : i64} {
  func.func @_sc_body(%arg0: i32, %arg1: i32, %arg2: memref<10000x256xf32, #tpu.memory_space<hbm>>, %arg3: memref<32x84x64xi32, #tpu.memory_space<hbm>>, %arg4: memref<10000x256xf32, #tpu.memory_space<hbm>>, %arg5: memref<20480x128xf32, #tpu.memory_space<hbm>>, %arg6: memref<84x64xi32, #tpu.memory_space<vmem>>, %arg7: memref<80x128xf32, #tpu.memory_space<vmem>>, %arg8: memref<640xf32, #tpu.memory_space<vmem>>, %arg9: memref<80xi32, #tpu.memory_space<vmem>>, %arg10: memref<64xi32, #tpu.memory_space<vmem>>, %arg11: memref<64xi32, #tpu.memory_space<vmem>>, %arg12: memref<64xi32, #tpu.memory_space<vmem>>, %arg13: memref<64xi32, #tpu.memory_space<vmem>>, %arg14: memref<64x128xf32, #tpu.memory_space<vmem>>, %arg15: memref<64x128xf32, #tpu.memory_space<vmem>>, %arg16: memref<80x128xf32, #tpu.memory_space<vmem_shared>>, %arg17: memref<10240x128xf32, #tpu.memory_space<vmem_shared>>, %arg18: memref<!tpu.dma_semaphore, #tpu.memory_space<semaphore_mem>>, %arg19: memref<!tpu.dma_semaphore, #tpu.memory_space<semaphore_mem>>, %arg20: memref<!tpu.dma_semaphore, #tpu.memory_space<semaphore_mem>>, %arg21: memref<!tpu.dma_semaphore, #tpu.memory_space<semaphore_mem>>) attributes {dimension_semantics = [#tpu.dimension_semantics<core_parallel>, #tpu.dimension_semantics<subcore_parallel>], iteration_bounds = array<i64: 2, 16>, scalar_prefetch = 0 : i64, scratch_operands = 16 : i64, tpu.core_type = #tpu.core_type<sc_vector_subcore>, window_params = [{transform_indices = #map}, {transform_indices = #map1}, {transform_indices = #map}, {transform_indices = #map}]} {
    %mul3A = arith.constant 10240 : i32
    %mul3A_0 = arith.muli %arg0, %mul3A : i32
    %mul3A_1 = arith.constant 128 : i32
    %mul3A_2 = arith.muli %arg0, %mul3A_1 : i32
    %mul3A_3 = arith.constant 640 : i32
    %mul3A_4 = arith.muli %arg1, %mul3A_3 : i32
    %broadcast_in_dim3A = arith.constant 0.000000e+00 : f32
    %broadcast_in_dim3A_5 = vector.broadcast %broadcast_in_dim3A : f32 to vector<16xf32>
    %broadcast_in_dim3A_6 = arith.constant 1.000000e+00 : f32
    %broadcast_in_dim3A_7 = vector.broadcast %broadcast_in_dim3A_6 : f32 to vector<16xf32>
    %scan3A = arith.constant 0 : i32
    %scan3A_8 = arith.constant 0 : i32
    %scan3A_9 = arith.constant 512 : i32
    %scan3A_10 = arith.addi %scan3A_8, %scan3A_9 : i32
    %scan3A_11 = arith.constant 1 : i32
    %scan3A_12 = scf.for %scan3A_504 = %scan3A_8 to %scan3A_10 step %scan3A_11 iter_args(%scan3A_505 = %scan3A) -> (i32)  : i32 {
      %jit3A = arith.constant 8 : i32
      %div3A = arith.divsi %scan3A_504, %jit3A : i32
      %sign3A = arith.constant 0 : i32
      %sign3A_506 = arith.cmpi sgt, %scan3A_504, %sign3A : i32
      %sign3A_507 = arith.extui %sign3A_506 : i1 to i32
      %sign3A_508 = arith.constant 0 : i32
      %sign3A_509 = arith.cmpi slt, %scan3A_504, %sign3A_508 : i32
      %sign3A_510 = arith.extui %sign3A_509 : i1 to i32
      %sign3A_511 = arith.subi %sign3A_507, %sign3A_510 : i32
      %sign3A_512 = arith.constant 0 : i32
      %sign3A_513 = arith.cmpi sgt, %jit3A, %sign3A_512 : i32
      %sign3A_514 = arith.extui %sign3A_513 : i1 to i32
      %sign3A_515 = arith.constant 0 : i32
      %sign3A_516 = arith.cmpi slt, %jit3A, %sign3A_515 : i32
      %sign3A_517 = arith.extui %sign3A_516 : i1 to i32
      %sign3A_518 = arith.subi %sign3A_514, %sign3A_517 : i32
      %ne3A = arith.cmpi ne, %sign3A_511, %sign3A_518 : i32
      %rem3A = arith.remsi %scan3A_504, %jit3A : i32
      %ne3A_519 = arith.constant 0 : i32
      %ne3A_520 = arith.cmpi ne, %rem3A, %ne3A_519 : i32
      %and3A_521 = arith.andi %ne3A, %ne3A_520 : i1
      %sub3A = arith.constant 1 : i32
      %sub3A_522 = arith.subi %div3A, %sub3A : i32
      %select_n3A = arith.select %and3A_521, %sub3A_522, %div3A : i32
      %jit3A_523 = arith.constant 8 : i32
      %eq3A = arith.constant 0 : i32
      %eq3A_524 = arith.cmpi eq, %jit3A_523, %eq3A : i32
      %jit3A_525 = arith.constant 1 : i32
      %select_n3A_526 = arith.select %eq3A_524, %jit3A_525, %jit3A_523 : i32
      %rem3A_527 = arith.remsi %scan3A_504, %select_n3A_526 : i32
      %ne3A_528 = arith.constant 0 : i32
      %ne3A_529 = arith.cmpi ne, %rem3A_527, %ne3A_528 : i32
      %lt3A = arith.constant 0 : i32
      %lt3A_530 = arith.cmpi slt, %rem3A_527, %lt3A : i32
      %lt3A_531 = arith.constant 0 : i32
      %lt3A_532 = arith.cmpi slt, %select_n3A_526, %lt3A_531 : i32
      %ne3A_533 = arith.xori %lt3A_530, %lt3A_532 : i1
      %and3A_534 = arith.andi %ne3A_533, %ne3A_529 : i1
      %add3A_535 = arith.addi %rem3A_527, %select_n3A_526 : i32
      %select_n3A_536 = arith.select %and3A_534, %add3A_535, %rem3A_527 : i32
      %mul3A_537 = arith.constant 16 : i32
      %mul3A_538 = arith.muli %select_n3A_536, %mul3A_537 : i32
      %swap3A_539 = arith.index_cast %select_n3A : i32 to index
      %swap3A_540 = arith.index_cast %mul3A_538 : i32 to index
      %swap3A_541 = tpu.vector_load %arg14[%swap3A_539, %swap3A_540] {strides = array<i32>} : memref<64x128xf32, #tpu.memory_space<vmem>>, vector<16xf32>,
      tpu.vector_store %arg14[%swap3A_539, %swap3A_540], %broadcast_in_dim3A_5 {strides = array<i32>} : memref<64x128xf32, #tpu.memory_space<vmem>>, vector<16xf32>,
      %scan3A_542 = arith.constant 0 : i32
      scf.yield %scan3A_542 : i32
    }
    %scan3A_13 = arith.constant 512 : i32
    %mul3A_14 = arith.constant 5 : i32
    %mul3A_15 = arith.muli %arg1, %mul3A_14 : i32
    "tpu.region"() ({
      %run_scoped3A = tpu.sem_alloc : memref<!tpu.dma_semaphore, #tpu.memory_space<semaphore_mem>>
      %dma_start3A_504 = arith.constant 0 : i32
      %dma_start3A_505 = arith.constant 0 : i32
      %dma_start3A_506 = tpu.memref_slice %arg14[%dma_start3A_504, %dma_start3A_505] : memref<64x128xf32, #tpu.memory_space<vmem>> -> memref<5x128xf32, #tpu.memory_space<vmem>>
      %dma_start3A_507 = arith.constant 0 : i32
      %dma_start3A_508 = tpu.memref_slice %arg16[%mul3A_15, %dma_start3A_507] : memref<80x128xf32, #tpu.memory_space<vmem_shared>> -> memref<5x128xf32, #tpu.memory_space<vmem_shared>>
      %dma_start3A_509 = arith.constant 0 : i32
      %dma_start3A_510 = tpu.memref_slice %arg16[%mul3A_15, %dma_start3A_509] : memref<80x128xf32, #tpu.memory_space<vmem_shared>> -> memref<5x128xf32, #tpu.memory_space<vmem_shared>>
      %dma_start3A_511 = arith.constant 0 : i32
      %dma_start3A_512 = arith.constant 0 : i32
      %dma_start3A_513 = tpu.memref_slice %arg14[%dma_start3A_511, %dma_start3A_512] : memref<64x128xf32, #tpu.memory_space<vmem>> -> memref<5x128xf32, #tpu.memory_space<vmem>>
      tpu.enqueue_dma source(%dma_start3A_513 : memref<5x128xf32, #tpu.memory_space<vmem>>) target(%dma_start3A_510 : memref<5x128xf32, #tpu.memory_space<vmem_shared>>) target_semaphore(%run_scoped3A : memref<!tpu.dma_semaphore, #tpu.memory_space<semaphore_mem>>)
      %dma_wait3A = arith.constant 0 : i32
      %dma_wait3A_514 = arith.constant 0 : i32
      %dma_wait3A_515 = tpu.memref_slice %arg14[%dma_wait3A, %dma_wait3A_514] : memref<64x128xf32, #tpu.memory_space<vmem>> -> memref<5x128xf32, #tpu.memory_space<vmem>>
      %dma_wait3A_516 = arith.constant 0 : i32
      %dma_wait3A_517 = tpu.memref_slice %arg16[%mul3A_15, %dma_wait3A_516] : memref<80x128xf32, #tpu.memory_space<vmem_shared>> -> memref<5x128xf32, #tpu.memory_space<vmem_shared>>
      %dma_wait3A_518 = arith.constant 0 : i32
      %dma_wait3A_519 = tpu.memref_slice %arg16[%mul3A_15, %dma_wait3A_518] : memref<80x128xf32, #tpu.memory_space<vmem_shared>> -> memref<5x128xf32, #tpu.memory_space<vmem_shared>>
      %dma_wait3A_520 = arith.constant 0 : i32
      %dma_wait3A_521 = arith.constant 0 : i32
      %dma_wait3A_522 = tpu.memref_slice %arg14[%dma_wait3A_520, %dma_wait3A_521] : memref<64x128xf32, #tpu.memory_space<vmem>> -> memref<5x128xf32, #tpu.memory_space<vmem>>
      tpu.wait_dma2 semaphore(%run_scoped3A : memref<!tpu.dma_semaphore, #tpu.memory_space<semaphore_mem>>) src(%dma_wait3A_522 : memref<5x128xf32, #tpu.memory_space<vmem>>) dst(%dma_wait3A_519 : memref<5x128xf32, #tpu.memory_space<vmem_shared>>)
      tpu.yield
    }) : () -> ()
    %scan3A_16 = arith.constant 0 : i32
    %scan3A_17 = arith.constant 0 : i32
    %scan3A_18 = arith.constant 640 : i32
    %scan3A_19 = arith.addi %scan3A_17, %scan3A_18 : i32
    %scan3A_20 = arith.constant 1 : i32
    %scan3A_21 = scf.for %scan3A_504 = %scan3A_17 to %scan3A_19 step %scan3A_20 iter_args(%scan3A_505 = %scan3A_16) -> (i32)  : i32 {
      %jit3A = arith.constant 8 : i32
      %div3A = arith.divsi %scan3A_504, %jit3A : i32
      %sign3A = arith.constant 0 : i32
      %sign3A_506 = arith.cmpi sgt, %scan3A_504, %sign3A : i32
      %sign3A_507 = arith.extui %sign3A_506 : i1 to i32
      %sign3A_508 = arith.constant 0 : i32
      %sign3A_509 = arith.cmpi slt, %scan3A_504, %sign3A_508 : i32
      %sign3A_510 = arith.extui %sign3A_509 : i1 to i32
      %sign3A_511 = arith.subi %sign3A_507, %sign3A_510 : i32
      %sign3A_512 = arith.constant 0 : i32
      %sign3A_513 = arith.cmpi sgt, %jit3A, %sign3A_512 : i32
      %sign3A_514 = arith.extui %sign3A_513 : i1 to i32
      %sign3A_515 = arith.constant 0 : i32
      %sign3A_516 = arith.cmpi slt, %jit3A, %sign3A_515 : i32
      %sign3A_517 = arith.extui %sign3A_516 : i1 to i32
      %sign3A_518 = arith.subi %sign3A_514, %sign3A_517 : i32
      %ne3A = arith.cmpi ne, %sign3A_511, %sign3A_518 : i32
      %rem3A = arith.remsi %scan3A_504, %jit3A : i32
      %ne3A_519 = arith.constant 0 : i32
      %ne3A_520 = arith.cmpi ne, %rem3A, %ne3A_519 : i32
      %and3A_521 = arith.andi %ne3A, %ne3A_520 : i1
      %sub3A = arith.constant 1 : i32
      %sub3A_522 = arith.subi %div3A, %sub3A : i32
      %select_n3A = arith.select %and3A_521, %sub3A_522, %div3A : i32
      %jit3A_523 = arith.constant 8 : i32
      %eq3A = arith.constant 0 : i32
      %eq3A_524 = arith.cmpi eq, %jit3A_523, %eq3A : i32
      %jit3A_525 = arith.constant 1 : i32
      %select_n3A_526 = arith.select %eq3A_524, %jit3A_525, %jit3A_523 : i32
      %rem3A_527 = arith.remsi %scan3A_504, %select_n3A_526 : i32
      %ne3A_528 = arith.constant 0 : i32
      %ne3A_529 = arith.cmpi ne, %rem3A_527, %ne3A_528 : i32
      %lt3A = arith.constant 0 : i32
      %lt3A_530 = arith.cmpi slt, %rem3A_527, %lt3A : i32
      %lt3A_531 = arith.constant 0 : i32
      %lt3A_532 = arith.cmpi slt, %select_n3A_526, %lt3A_531 : i32
      %ne3A_533 = arith.xori %lt3A_530, %lt3A_532 : i1
      %and3A_534 = arith.andi %ne3A_533, %ne3A_529 : i1
      %add3A_535 = arith.addi %rem3A_527, %select_n3A_526 : i32
      %select_n3A_536 = arith.select %and3A_534, %add3A_535, %rem3A_527 : i32
      %mul3A_537 = arith.constant 16 : i32
      %mul3A_538 = arith.muli %select_n3A_536, %mul3A_537 : i32
      %swap3A_539 = arith.index_cast %select_n3A : i32 to index
      %swap3A_540 = arith.index_cast %mul3A_538 : i32 to index
      %swap3A_541 = tpu.vector_load %arg7[%swap3A_539, %swap3A_540] {strides = array<i32>} : memref<80x128xf32, #tpu.memory_space<vmem>>, vector<16xf32>,
      tpu.vector_store %arg7[%swap3A_539, %swap3A_540], %broadcast_in_dim3A_5 {strides = array<i32>} : memref<80x128xf32, #tpu.memory_space<vmem>>, vector<16xf32>,
      %scan3A_542 = arith.constant 0 : i32
      scf.yield %scan3A_542 : i32
    }
    %scan3A_22 = arith.constant 640 : i32
    %mul3A_23 = arith.constant 2 : i32
    %mul3A_24 = arith.muli %arg1, %mul3A_23 : i32
    %add3A = arith.constant 0 : i32
    %add3A_25 = arith.addi %mul3A_24, %add3A : i32
    "tpu.region"() ({
      %run_scoped3A = tpu.sem_alloc : memref<!tpu.dma_semaphore, #tpu.memory_space<semaphore_mem>>
      %dma_start3A_504 = arith.constant 0 : i32
      %dma_start3A_505 = arith.constant 0 : i32
      %dma_start3A_506 = tpu.memref_slice %arg3[%add3A_25, %dma_start3A_504, %dma_start3A_505] : memref<32x84x64xi32, #tpu.memory_space<hbm>> -> memref<1x84x64xi32, #tpu.memory_space<hbm>>
      %dma_start3A_507 = tpu.memref_squeeze %dma_start3A_506 : memref<1x84x64xi32, #tpu.memory_space<hbm>> -> memref<84x64xi32, #tpu.memory_space<hbm>>
      %dma_start3A_508 = arith.constant 0 : i32
      %dma_start3A_509 = arith.constant 0 : i32
      %dma_start3A_510 = tpu.memref_slice %arg3[%add3A_25, %dma_start3A_508, %dma_start3A_509] : memref<32x84x64xi32, #tpu.memory_space<hbm>> -> memref<1x84x64xi32, #tpu.memory_space<hbm>>
      %dma_start3A_511 = tpu.memref_squeeze %dma_start3A_510 : memref<1x84x64xi32, #tpu.memory_space<hbm>> -> memref<84x64xi32, #tpu.memory_space<hbm>>
      tpu.enqueue_dma source(%dma_start3A_511 : memref<84x64xi32, #tpu.memory_space<hbm>>) target(%arg6 : memref<84x64xi32, #tpu.memory_space<vmem>>) target_semaphore(%run_scoped3A : memref<!tpu.dma_semaphore, #tpu.memory_space<semaphore_mem>>)
      %dma_wait3A = arith.constant 0 : i32
      %dma_wait3A_512 = arith.constant 0 : i32
      %dma_wait3A_513 = tpu.memref_slice %arg3[%add3A_25, %dma_wait3A, %dma_wait3A_512] : memref<32x84x64xi32, #tpu.memory_space<hbm>> -> memref<1x84x64xi32, #tpu.memory_space<hbm>>
      %dma_wait3A_514 = tpu.memref_squeeze %dma_wait3A_513 : memref<1x84x64xi32, #tpu.memory_space<hbm>> -> memref<84x64xi32, #tpu.memory_space<hbm>>
      %dma_wait3A_515 = arith.constant 0 : i32
      %dma_wait3A_516 = arith.constant 0 : i32
      %dma_wait3A_517 = tpu.memref_slice %arg3[%add3A_25, %dma_wait3A_515, %dma_wait3A_516] : memref<32x84x64xi32, #tpu.memory_space<hbm>> -> memref<1x84x64xi32, #tpu.memory_space<hbm>>
      %dma_wait3A_518 = tpu.memref_squeeze %dma_wait3A_517 : memref<1x84x64xi32, #tpu.memory_space<hbm>> -> memref<84x64xi32, #tpu.memory_space<hbm>>
      tpu.wait_dma2 semaphore(%run_scoped3A : memref<!tpu.dma_semaphore, #tpu.memory_space<semaphore_mem>>) src(%dma_wait3A_518 : memref<84x64xi32, #tpu.memory_space<hbm>>) dst(%arg6 : memref<84x64xi32, #tpu.memory_space<vmem>>)
      tpu.yield
    }) : () -> ()
    %scan3A_26 = arith.constant 0 : i32
    %scan3A_27 = arith.constant 0 : i32
    %scan3A_28 = arith.constant 336 : i32
    %scan3A_29 = arith.addi %scan3A_27, %scan3A_28 : i32
    %scan3A_30 = arith.constant 1 : i32
    %scan3A_31 = scf.for %scan3A_504 = %scan3A_27 to %scan3A_29 step %scan3A_30 iter_args(%scan3A_505 = %scan3A_26) -> (i32)  : i32 {
      %jit3A = arith.constant 4 : i32
      %div3A = arith.divsi %scan3A_504, %jit3A : i32
      %sign3A = arith.constant 0 : i32
      %sign3A_506 = arith.cmpi sgt, %scan3A_504, %sign3A : i32
      %sign3A_507 = arith.extui %sign3A_506 : i1 to i32
      %sign3A_508 = arith.constant 0 : i32
      %sign3A_509 = arith.cmpi slt, %scan3A_504, %sign3A_508 : i32
      %sign3A_510 = arith.extui %sign3A_509 : i1 to i32
      %sign3A_511 = arith.subi %sign3A_507, %sign3A_510 : i32
      %sign3A_512 = arith.constant 0 : i32
      %sign3A_513 = arith.cmpi sgt, %jit3A, %sign3A_512 : i32
      %sign3A_514 = arith.extui %sign3A_513 : i1 to i32
      %sign3A_515 = arith.constant 0 : i32
      %sign3A_516 = arith.cmpi slt, %jit3A, %sign3A_515 : i32
      %sign3A_517 = arith.extui %sign3A_516 : i1 to i32
      %sign3A_518 = arith.subi %sign3A_514, %sign3A_517 : i32
      %ne3A = arith.cmpi ne, %sign3A_511, %sign3A_518 : i32
      %rem3A = arith.remsi %scan3A_504, %jit3A : i32
      %ne3A_519 = arith.constant 0 : i32
      %ne3A_520 = arith.cmpi ne, %rem3A, %ne3A_519 : i32
      %and3A_521 = arith.andi %ne3A, %ne3A_520 : i1
      %sub3A = arith.constant 1 : i32
      %sub3A_522 = arith.subi %div3A, %sub3A : i32
      %select_n3A = arith.select %and3A_521, %sub3A_522, %div3A : i32
      %jit3A_523 = arith.constant 4 : i32
      %eq3A = arith.constant 0 : i32
      %eq3A_524 = arith.cmpi eq, %jit3A_523, %eq3A : i32
      %jit3A_525 = arith.constant 1 : i32
      %select_n3A_526 = arith.select %eq3A_524, %jit3A_525, %jit3A_523 : i32
      %rem3A_527 = arith.remsi %scan3A_504, %select_n3A_526 : i32
      %ne3A_528 = arith.constant 0 : i32
      %ne3A_529 = arith.cmpi ne, %rem3A_527, %ne3A_528 : i32
      %lt3A = arith.constant 0 : i32
      %lt3A_530 = arith.cmpi slt, %rem3A_527, %lt3A : i32
      %lt3A_531 = arith.constant 0 : i32
      %lt3A_532 = arith.cmpi slt, %select_n3A_526, %lt3A_531 : i32
      %ne3A_533 = arith.xori %lt3A_530, %lt3A_532 : i1
      %and3A_534 = arith.andi %ne3A_533, %ne3A_529 : i1
      %add3A_535 = arith.addi %rem3A_527, %select_n3A_526 : i32
      %select_n3A_536 = arith.select %and3A_534, %add3A_535, %rem3A_527 : i32
      %mul3A_537 = arith.constant 16 : i32
      %mul3A_538 = arith.muli %select_n3A_536, %mul3A_537 : i32
      %get3A_539 = arith.index_cast %select_n3A : i32 to index
      %get3A_540 = arith.index_cast %mul3A_538 : i32 to index
      %get3A_541 = tpu.vector_load %arg6[%get3A_539, %get3A_540] {strides = array<i32>} : memref<84x64xi32, #tpu.memory_space<vmem>>, vector<16xi32>,
      %and3A_542 = arith.constant 16383 : i32
      %and3A_543 = vector.broadcast %and3A_542 : i32 to vector<16xi32>
      %and3A_544 = arith.andi %get3A_541, %and3A_543 : vector<16xi32>
      %shift_right_logical3A_545 = arith.constant 7 : i32
      %shift_right_logical3A_546 = vector.broadcast %shift_right_logical3A_545 : i32 to vector<16xi32>
      %shift_right_logical3A_547 = arith.shrui %and3A_544, %shift_right_logical3A_546 : vector<16xi32>
      %and3A_548 = arith.constant 127 : i32
      %and3A_549 = vector.broadcast %and3A_548 : i32 to vector<16xi32>
      %and3A_550 = arith.andi %and3A_544, %and3A_549 : vector<16xi32>
      tpu.vector_store_idx %arg7[%shift_right_logical3A_547, %and3A_550], %broadcast_in_dim3A_7 {add = true} : memref<80x128xf32, #tpu.memory_space<vmem>>[vector<16xi32>, vector<16xi32>], vector<16xf32>,
      %scan3A_551 = arith.constant 0 : i32
      scf.yield %scan3A_551 : i32
    }
    %scan3A_32 = arith.constant 336 : i32
    %mul3A_33 = arith.constant 2 : i32
    %mul3A_34 = arith.muli %arg1, %mul3A_33 : i32
    %add3A_35 = arith.constant 1 : i32
    %add3A_36 = arith.addi %mul3A_34, %add3A_35 : i32
    "tpu.region"() ({
      %run_scoped3A = tpu.sem_alloc : memref<!tpu.dma_semaphore, #tpu.memory_space<semaphore_mem>>
      %dma_start3A_504 = arith.constant 0 : i32
      %dma_start3A_505 = arith.constant 0 : i32
      %dma_start3A_506 = tpu.memref_slice %arg3[%add3A_36, %dma_start3A_504, %dma_start3A_505] : memref<32x84x64xi32, #tpu.memory_space<hbm>> -> memref<1x84x64xi32, #tpu.memory_space<hbm>>
      %dma_start3A_507 = tpu.memref_squeeze %dma_start3A_506 : memref<1x84x64xi32, #tpu.memory_space<hbm>> -> memref<84x64xi32, #tpu.memory_space<hbm>>
      %dma_start3A_508 = arith.constant 0 : i32
      %dma_start3A_509 = arith.constant 0 : i32
      %dma_start3A_510 = tpu.memref_slice %arg3[%add3A_36, %dma_start3A_508, %dma_start3A_509] : memref<32x84x64xi32, #tpu.memory_space<hbm>> -> memref<1x84x64xi32, #tpu.memory_space<hbm>>
      %dma_start3A_511 = tpu.memref_squeeze %dma_start3A_510 : memref<1x84x64xi32, #tpu.memory_space<hbm>> -> memref<84x64xi32, #tpu.memory_space<hbm>>
      tpu.enqueue_dma source(%dma_start3A_511 : memref<84x64xi32, #tpu.memory_space<hbm>>) target(%arg6 : memref<84x64xi32, #tpu.memory_space<vmem>>) target_semaphore(%run_scoped3A : memref<!tpu.dma_semaphore, #tpu.memory_space<semaphore_mem>>)
      %dma_wait3A = arith.constant 0 : i32
      %dma_wait3A_512 = arith.constant 0 : i32
      %dma_wait3A_513 = tpu.memref_slice %arg3[%add3A_36, %dma_wait3A, %dma_wait3A_512] : memref<32x84x64xi32, #tpu.memory_space<hbm>> -> memref<1x84x64xi32, #tpu.memory_space<hbm>>
      %dma_wait3A_514 = tpu.memref_squeeze %dma_wait3A_513 : memref<1x84x64xi32, #tpu.memory_space<hbm>> -> memref<84x64xi32, #tpu.memory_space<hbm>>
      %dma_wait3A_515 = arith.constant 0 : i32
      %dma_wait3A_516 = arith.constant 0 : i32
      %dma_wait3A_517 = tpu.memref_slice %arg3[%add3A_36, %dma_wait3A_515, %dma_wait3A_516] : memref<32x84x64xi32, #tpu.memory_space<hbm>> -> memref<1x84x64xi32, #tpu.memory_space<hbm>>
      %dma_wait3A_518 = tpu.memref_squeeze %dma_wait3A_517 : memref<1x84x64xi32, #tpu.memory_space<hbm>> -> memref<84x64xi32, #tpu.memory_space<hbm>>
      tpu.wait_dma2 semaphore(%run_scoped3A : memref<!tpu.dma_semaphore, #tpu.memory_space<semaphore_mem>>) src(%dma_wait3A_518 : memref<84x64xi32, #tpu.memory_space<hbm>>) dst(%arg6 : memref<84x64xi32, #tpu.memory_space<vmem>>)
      tpu.yield
    }) : () -> ()
    %scan3A_37 = arith.constant 0 : i32
    %scan3A_38 = arith.constant 0 : i32
    %scan3A_39 = arith.constant 336 : i32
    %scan3A_40 = arith.addi %scan3A_38, %scan3A_39 : i32
    %scan3A_41 = arith.constant 1 : i32
    %scan3A_42 = scf.for %scan3A_504 = %scan3A_38 to %scan3A_40 step %scan3A_41 iter_args(%scan3A_505 = %scan3A_37) -> (i32)  : i32 {
      %jit3A = arith.constant 4 : i32
      %div3A = arith.divsi %scan3A_504, %jit3A : i32
      %sign3A = arith.constant 0 : i32
      %sign3A_506 = arith.cmpi sgt, %scan3A_504, %sign3A : i32
      %sign3A_507 = arith.extui %sign3A_506 : i1 to i32
      %sign3A_508 = arith.constant 0 : i32
      %sign3A_509 = arith.cmpi slt, %scan3A_504, %sign3A_508 : i32
      %sign3A_510 = arith.extui %sign3A_509 : i1 to i32
      %sign3A_511 = arith.subi %sign3A_507, %sign3A_510 : i32
      %sign3A_512 = arith.constant 0 : i32
      %sign3A_513 = arith.cmpi sgt, %jit3A, %sign3A_512 : i32
      %sign3A_514 = arith.extui %sign3A_513 : i1 to i32
      %sign3A_515 = arith.constant 0 : i32
      %sign3A_516 = arith.cmpi slt, %jit3A, %sign3A_515 : i32
      %sign3A_517 = arith.extui %sign3A_516 : i1 to i32
      %sign3A_518 = arith.subi %sign3A_514, %sign3A_517 : i32
      %ne3A = arith.cmpi ne, %sign3A_511, %sign3A_518 : i32
      %rem3A = arith.remsi %scan3A_504, %jit3A : i32
      %ne3A_519 = arith.constant 0 : i32
      %ne3A_520 = arith.cmpi ne, %rem3A, %ne3A_519 : i32
      %and3A_521 = arith.andi %ne3A, %ne3A_520 : i1
      %sub3A = arith.constant 1 : i32
      %sub3A_522 = arith.subi %div3A, %sub3A : i32
      %select_n3A = arith.select %and3A_521, %sub3A_522, %div3A : i32
      %jit3A_523 = arith.constant 4 : i32
      %eq3A = arith.constant 0 : i32
      %eq3A_524 = arith.cmpi eq, %jit3A_523, %eq3A : i32
      %jit3A_525 = arith.constant 1 : i32
      %select_n3A_526 = arith.select %eq3A_524, %jit3A_525, %jit3A_523 : i32
      %rem3A_527 = arith.remsi %scan3A_504, %select_n3A_526 : i32
      %ne3A_528 = arith.constant 0 : i32
      %ne3A_529 = arith.cmpi ne, %rem3A_527, %ne3A_528 : i32
      %lt3A = arith.constant 0 : i32
      %lt3A_530 = arith.cmpi slt, %rem3A_527, %lt3A : i32
      %lt3A_531 = arith.constant 0 : i32
      %lt3A_532 = arith.cmpi slt, %select_n3A_526, %lt3A_531 : i32
      %ne3A_533 = arith.xori %lt3A_530, %lt3A_532 : i1
      %and3A_534 = arith.andi %ne3A_533, %ne3A_529 : i1
      %add3A_535 = arith.addi %rem3A_527, %select_n3A_526 : i32
      %select_n3A_536 = arith.select %and3A_534, %add3A_535, %rem3A_527 : i32
      %mul3A_537 = arith.constant 16 : i32
      %mul3A_538 = arith.muli %select_n3A_536, %mul3A_537 : i32
      %get3A_539 = arith.index_cast %select_n3A : i32 to index
      %get3A_540 = arith.index_cast %mul3A_538 : i32 to index
      %get3A_541 = tpu.vector_load %arg6[%get3A_539, %get3A_540] {strides = array<i32>} : memref<84x64xi32, #tpu.memory_space<vmem>>, vector<16xi32>,
      %and3A_542 = arith.constant 16383 : i32
      %and3A_543 = vector.broadcast %and3A_542 : i32 to vector<16xi32>
      %and3A_544 = arith.andi %get3A_541, %and3A_543 : vector<16xi32>
      %shift_right_logical3A_545 = arith.constant 7 : i32
      %shift_right_logical3A_546 = vector.broadcast %shift_right_logical3A_545 : i32 to vector<16xi32>
      %shift_right_logical3A_547 = arith.shrui %and3A_544, %shift_right_logical3A_546 : vector<16xi32>
      %and3A_548 = arith.constant 127 : i32
      %and3A_549 = vector.broadcast %and3A_548 : i32 to vector<16xi32>
      %and3A_550 = arith.andi %and3A_544, %and3A_549 : vector<16xi32>
      tpu.vector_store_idx %arg7[%shift_right_logical3A_547, %and3A_550], %broadcast_in_dim3A_7 {add = true} : memref<80x128xf32, #tpu.memory_space<vmem>>[vector<16xi32>, vector<16xi32>], vector<16xf32>,
      %scan3A_551 = arith.constant 0 : i32
      scf.yield %scan3A_551 : i32
    }
    %scan3A_43 = arith.constant 336 : i32
    %iota3A = tpu.iota {dimensions = array<i32: 0>} : vector<16xi32>
    %add3A_44 = arith.constant 0 : i32
    %add3A_45 = vector.broadcast %add3A_44 : i32 to vector<16xi32>
    %add3A_46 = arith.addi %iota3A, %add3A_45 : vector<16xi32>
    %swap3A = arith.constant 0 : index
    %swap3A_47 = tpu.vector_load %arg9[%swap3A] {strides = array<i32>} : memref<80xi32, #tpu.memory_space<vmem>>, vector<16xi32>,
    tpu.vector_store %arg9[%swap3A], %add3A_46 {strides = array<i32>} : memref<80xi32, #tpu.memory_space<vmem>>, vector<16xi32>,
    %iota3A_48 = tpu.iota {dimensions = array<i32: 0>} : vector<16xi32>
    %add3A_49 = arith.constant 16 : i32
    %add3A_50 = vector.broadcast %add3A_49 : i32 to vector<16xi32>
    %add3A_51 = arith.addi %iota3A_48, %add3A_50 : vector<16xi32>
    %swap3A_52 = arith.constant 16 : index
    %swap3A_53 = tpu.vector_load %arg9[%swap3A_52] {strides = array<i32>} : memref<80xi32, #tpu.memory_space<vmem>>, vector<16xi32>,
    tpu.vector_store %arg9[%swap3A_52], %add3A_51 {strides = array<i32>} : memref<80xi32, #tpu.memory_space<vmem>>, vector<16xi32>,
    %iota3A_54 = tpu.iota {dimensions = array<i32: 0>} : vector<16xi32>
    %add3A_55 = arith.constant 32 : i32
    %add3A_56 = vector.broadcast %add3A_55 : i32 to vector<16xi32>
    %add3A_57 = arith.addi %iota3A_54, %add3A_56 : vector<16xi32>
    %swap3A_58 = arith.constant 32 : index
    %swap3A_59 = tpu.vector_load %arg9[%swap3A_58] {strides = array<i32>} : memref<80xi32, #tpu.memory_space<vmem>>, vector<16xi32>,
    tpu.vector_store %arg9[%swap3A_58], %add3A_57 {strides = array<i32>} : memref<80xi32, #tpu.memory_space<vmem>>, vector<16xi32>,
    %iota3A_60 = tpu.iota {dimensions = array<i32: 0>} : vector<16xi32>
    %add3A_61 = arith.constant 48 : i32
    %add3A_62 = vector.broadcast %add3A_61 : i32 to vector<16xi32>
    %add3A_63 = arith.addi %iota3A_60, %add3A_62 : vector<16xi32>
    %swap3A_64 = arith.constant 48 : index
    %swap3A_65 = tpu.vector_load %arg9[%swap3A_64] {strides = array<i32>} : memref<80xi32, #tpu.memory_space<vmem>>, vector<16xi32>,
    tpu.vector_store %arg9[%swap3A_64], %add3A_63 {strides = array<i32>} : memref<80xi32, #tpu.memory_space<vmem>>, vector<16xi32>,
    %iota3A_66 = tpu.iota {dimensions = array<i32: 0>} : vector<16xi32>
    %add3A_67 = arith.constant 64 : i32
    %add3A_68 = vector.broadcast %add3A_67 : i32 to vector<16xi32>
    %add3A_69 = arith.addi %iota3A_66, %add3A_68 : vector<16xi32>
    %swap3A_70 = arith.constant 64 : index
    %swap3A_71 = tpu.vector_load %arg9[%swap3A_70] {strides = array<i32>} : memref<80xi32, #tpu.memory_space<vmem>>, vector<16xi32>,
    tpu.vector_store %arg9[%swap3A_70], %add3A_69 {strides = array<i32>} : memref<80xi32, #tpu.memory_space<vmem>>, vector<16xi32>,
    %barrier3A = arith.constant 0 : index
    tpu.barrier barrier_id(%barrier3A)
    "tpu.region"() ({
      %run_scoped3A = tpu.sem_alloc : memref<!tpu.dma_semaphore, #tpu.memory_space<semaphore_mem>>
      %dma_start3A_504 = arith.constant 0 : i32
      %dma_start3A_505 = arith.constant 0 : i32
      %dma_start3A_506 = tpu.memref_slice %arg16[%dma_start3A_504, %dma_start3A_505] : memref<80x128xf32, #tpu.memory_space<vmem_shared>> -> memref<80x128xf32, #tpu.memory_space<vmem_shared>>
      tpu.enqueue_indirect_dma source(%arg7 : memref<80x128xf32, #tpu.memory_space<vmem>>) target(%dma_start3A_506 : memref<80x128xf32, #tpu.memory_space<vmem_shared>>) offsets(%arg9 : memref<80xi32, #tpu.memory_space<vmem>>) semaphore(%run_scoped3A : memref<!tpu.dma_semaphore, #tpu.memory_space<semaphore_mem>>) {add = true}
      %dma_wait3A = arith.constant 0 : i32
      %dma_wait3A_507 = arith.constant 0 : i32
      %dma_wait3A_508 = tpu.memref_slice %arg16[%dma_wait3A, %dma_wait3A_507] : memref<80x128xf32, #tpu.memory_space<vmem_shared>> -> memref<80x128xf32, #tpu.memory_space<vmem_shared>>
      tpu.wait_indirect_dma semaphore(%run_scoped3A : memref<!tpu.dma_semaphore, #tpu.memory_space<semaphore_mem>>) src(%arg7 : memref<80x128xf32, #tpu.memory_space<vmem>>) dst(%dma_wait3A_508 : memref<80x128xf32, #tpu.memory_space<vmem_shared>>)
      tpu.yield
    }) : () -> ()
    %barrier3A_72 = arith.constant 0 : index
    tpu.barrier barrier_id(%barrier3A_72)
    %mul3A_73 = arith.constant 5 : i32
    %mul3A_74 = arith.muli %arg1, %mul3A_73 : i32
    "tpu.region"() ({
      %run_scoped3A = tpu.sem_alloc : memref<!tpu.dma_semaphore, #tpu.memory_space<semaphore_mem>>
      %dma_start3A_504 = arith.constant 0 : i32
      %dma_start3A_505 = arith.constant 0 : i32
      %dma_start3A_506 = tpu.memref_slice %arg7[%dma_start3A_504, %dma_start3A_505] : memref<80x128xf32, #tpu.memory_space<vmem>> -> memref<5x128xf32, #tpu.memory_space<vmem>>
      %dma_start3A_507 = arith.constant 0 : i32
      %dma_start3A_508 = tpu.memref_slice %arg16[%mul3A_74, %dma_start3A_507] : memref<80x128xf32, #tpu.memory_space<vmem_shared>> -> memref<5x128xf32, #tpu.memory_space<vmem_shared>>
      %dma_start3A_509 = arith.constant 0 : i32
      %dma_start3A_510 = arith.constant 0 : i32
      %dma_start3A_511 = tpu.memref_slice %arg7[%dma_start3A_509, %dma_start3A_510] : memref<80x128xf32, #tpu.memory_space<vmem>> -> memref<5x128xf32, #tpu.memory_space<vmem>>
      %dma_start3A_512 = arith.constant 0 : i32
      %dma_start3A_513 = tpu.memref_slice %arg16[%mul3A_74, %dma_start3A_512] : memref<80x128xf32, #tpu.memory_space<vmem_shared>> -> memref<5x128xf32, #tpu.memory_space<vmem_shared>>
      tpu.enqueue_dma source(%dma_start3A_513 : memref<5x128xf32, #tpu.memory_space<vmem_shared>>) target(%dma_start3A_511 : memref<5x128xf32, #tpu.memory_space<vmem>>) target_semaphore(%run_scoped3A : memref<!tpu.dma_semaphore, #tpu.memory_space<semaphore_mem>>)
      %dma_wait3A = arith.constant 0 : i32
      %dma_wait3A_514 = arith.constant 0 : i32
      %dma_wait3A_515 = tpu.memref_slice %arg7[%dma_wait3A, %dma_wait3A_514] : memref<80x128xf32, #tpu.memory_space<vmem>> -> memref<5x128xf32, #tpu.memory_space<vmem>>
      %dma_wait3A_516 = arith.constant 0 : i32
      %dma_wait3A_517 = tpu.memref_slice %arg16[%mul3A_74, %dma_wait3A_516] : memref<80x128xf32, #tpu.memory_space<vmem_shared>> -> memref<5x128xf32, #tpu.memory_space<vmem_shared>>
      %dma_wait3A_518 = arith.constant 0 : i32
      %dma_wait3A_519 = arith.constant 0 : i32
      %dma_wait3A_520 = tpu.memref_slice %arg7[%dma_wait3A_518, %dma_wait3A_519] : memref<80x128xf32, #tpu.memory_space<vmem>> -> memref<5x128xf32, #tpu.memory_space<vmem>>
      %dma_wait3A_521 = arith.constant 0 : i32
      %dma_wait3A_522 = tpu.memref_slice %arg16[%mul3A_74, %dma_wait3A_521] : memref<80x128xf32, #tpu.memory_space<vmem_shared>> -> memref<5x128xf32, #tpu.memory_space<vmem_shared>>
      tpu.wait_dma2 semaphore(%run_scoped3A : memref<!tpu.dma_semaphore, #tpu.memory_space<semaphore_mem>>) src(%dma_wait3A_522 : memref<5x128xf32, #tpu.memory_space<vmem_shared>>) dst(%dma_wait3A_520 : memref<5x128xf32, #tpu.memory_space<vmem>>)
      tpu.yield
    }) : () -> ()
    %scan3A_75 = arith.constant 0 : i32
    %scan3A_76 = arith.constant 0 : i32
    %scan3A_77 = arith.constant 40 : i32
    %scan3A_78 = arith.addi %scan3A_76, %scan3A_77 : i32
    %scan3A_79 = arith.constant 1 : i32
    %scan3A_80 = scf.for %scan3A_504 = %scan3A_76 to %scan3A_78 step %scan3A_79 iter_args(%scan3A_505 = %scan3A_75) -> (i32)  : i32 {
      %jit3A = arith.constant 8 : i32
      %div3A = arith.divsi %scan3A_504, %jit3A : i32
      %sign3A = arith.constant 0 : i32
      %sign3A_506 = arith.cmpi sgt, %scan3A_504, %sign3A : i32
      %sign3A_507 = arith.extui %sign3A_506 : i1 to i32
      %sign3A_508 = arith.constant 0 : i32
      %sign3A_509 = arith.cmpi slt, %scan3A_504, %sign3A_508 : i32
      %sign3A_510 = arith.extui %sign3A_509 : i1 to i32
      %sign3A_511 = arith.subi %sign3A_507, %sign3A_510 : i32
      %sign3A_512 = arith.constant 0 : i32
      %sign3A_513 = arith.cmpi sgt, %jit3A, %sign3A_512 : i32
      %sign3A_514 = arith.extui %sign3A_513 : i1 to i32
      %sign3A_515 = arith.constant 0 : i32
      %sign3A_516 = arith.cmpi slt, %jit3A, %sign3A_515 : i32
      %sign3A_517 = arith.extui %sign3A_516 : i1 to i32
      %sign3A_518 = arith.subi %sign3A_514, %sign3A_517 : i32
      %ne3A = arith.cmpi ne, %sign3A_511, %sign3A_518 : i32
      %rem3A = arith.remsi %scan3A_504, %jit3A : i32
      %ne3A_519 = arith.constant 0 : i32
      %ne3A_520 = arith.cmpi ne, %rem3A, %ne3A_519 : i32
      %and3A_521 = arith.andi %ne3A, %ne3A_520 : i1
      %sub3A = arith.constant 1 : i32
      %sub3A_522 = arith.subi %div3A, %sub3A : i32
      %select_n3A = arith.select %and3A_521, %sub3A_522, %div3A : i32
      %jit3A_523 = arith.constant 8 : i32
      %eq3A = arith.constant 0 : i32
      %eq3A_524 = arith.cmpi eq, %jit3A_523, %eq3A : i32
      %jit3A_525 = arith.constant 1 : i32
      %select_n3A_526 = arith.select %eq3A_524, %jit3A_525, %jit3A_523 : i32
      %rem3A_527 = arith.remsi %scan3A_504, %select_n3A_526 : i32
      %ne3A_528 = arith.constant 0 : i32
      %ne3A_529 = arith.cmpi ne, %rem3A_527, %ne3A_528 : i32
      %lt3A = arith.constant 0 : i32
      %lt3A_530 = arith.cmpi slt, %rem3A_527, %lt3A : i32
      %lt3A_531 = arith.constant 0 : i32
      %lt3A_532 = arith.cmpi slt, %select_n3A_526, %lt3A_531 : i32
      %ne3A_533 = arith.xori %lt3A_530, %lt3A_532 : i1
      %and3A_534 = arith.andi %ne3A_533, %ne3A_529 : i1
      %add3A_535 = arith.addi %rem3A_527, %select_n3A_526 : i32
      %select_n3A_536 = arith.select %and3A_534, %add3A_535, %rem3A_527 : i32
      %mul3A_537 = arith.constant 16 : i32
      %mul3A_538 = arith.muli %select_n3A_536, %mul3A_537 : i32
      %get3A_539 = arith.index_cast %select_n3A : i32 to index
      %get3A_540 = arith.index_cast %mul3A_538 : i32 to index
      %get3A_541 = tpu.vector_load %arg7[%get3A_539, %get3A_540] {strides = array<i32>} : memref<80x128xf32, #tpu.memory_space<vmem>>, vector<16xf32>,
      %bitcast3A = vector.bitcast %get3A_541 : vector<16xf32> to vector<16xi32>
      %shift_right_logical3A_542 = arith.constant 1 : i32
      %shift_right_logical3A_543 = vector.broadcast %shift_right_logical3A_542 : i32 to vector<16xi32>
      %shift_right_logical3A_544 = arith.shrui %bitcast3A, %shift_right_logical3A_543 : vector<16xi32>
      %sub3A_545 = arith.constant 1597463007 : i32
      %sub3A_546 = vector.broadcast %sub3A_545 : i32 to vector<16xi32>
      %sub3A_547 = arith.subi %sub3A_546, %shift_right_logical3A_544 : vector<16xi32>
      %bitcast3A_548 = vector.bitcast %sub3A_547 : vector<16xi32> to vector<16xf32>
      %mul3A_549 = arith.constant 5.000000e-01 : f32
      %mul3A_550 = vector.broadcast %mul3A_549 : f32 to vector<16xf32>
      %mul3A_551 = arith.mulf %mul3A_550, %get3A_541 : vector<16xf32>
      %mul3A_552 = arith.mulf %mul3A_551, %bitcast3A_548 : vector<16xf32>
      %mul3A_553 = arith.mulf %mul3A_552, %bitcast3A_548 : vector<16xf32>
      %sub3A_554 = arith.constant 1.500000e+00 : f32
      %sub3A_555 = vector.broadcast %sub3A_554 : f32 to vector<16xf32>
      %sub3A_556 = arith.subf %sub3A_555, %mul3A_553 : vector<16xf32>
      %mul3A_557 = arith.mulf %bitcast3A_548, %sub3A_556 : vector<16xf32>
      %mul3A_558 = arith.constant 5.000000e-01 : f32
      %mul3A_559 = vector.broadcast %mul3A_558 : f32 to vector<16xf32>
      %mul3A_560 = arith.mulf %mul3A_559, %get3A_541 : vector<16xf32>
      %mul3A_561 = arith.mulf %mul3A_560, %mul3A_557 : vector<16xf32>
      %mul3A_562 = arith.mulf %mul3A_561, %mul3A_557 : vector<16xf32>
      %sub3A_563 = arith.constant 1.500000e+00 : f32
      %sub3A_564 = vector.broadcast %sub3A_563 : f32 to vector<16xf32>
      %sub3A_565 = arith.subf %sub3A_564, %mul3A_562 : vector<16xf32>
      %mul3A_566 = arith.mulf %mul3A_557, %sub3A_565 : vector<16xf32>
      %mul3A_567 = arith.constant 5.000000e-01 : f32
      %mul3A_568 = vector.broadcast %mul3A_567 : f32 to vector<16xf32>
      %mul3A_569 = arith.mulf %mul3A_568, %get3A_541 : vector<16xf32>
      %mul3A_570 = arith.mulf %mul3A_569, %mul3A_566 : vector<16xf32>
      %mul3A_571 = arith.mulf %mul3A_570, %mul3A_566 : vector<16xf32>
      %sub3A_572 = arith.constant 1.500000e+00 : f32
      %sub3A_573 = vector.broadcast %sub3A_572 : f32 to vector<16xf32>
      %sub3A_574 = arith.subf %sub3A_573, %mul3A_571 : vector<16xf32>
      %mul3A_575 = arith.mulf %mul3A_566, %sub3A_574 : vector<16xf32>
      %mul3A_576 = arith.constant 16 : i32
      %mul3A_577 = arith.muli %scan3A_504, %mul3A_576 : i32
      %swap3A_578 = arith.index_cast %mul3A_577 : i32 to index
      %swap3A_579 = tpu.vector_load %arg8[%swap3A_578] {strides = array<i32>} : memref<640xf32, #tpu.memory_space<vmem>>, vector<16xf32>,
      tpu.vector_store %arg8[%swap3A_578], %mul3A_575 {strides = array<i32>} : memref<640xf32, #tpu.memory_space<vmem>>, vector<16xf32>,
      %scan3A_580 = arith.constant 0 : i32
      scf.yield %scan3A_580 : i32
    }
    %scan3A_81 = arith.constant 40 : i32
    %add3A_82 = arith.constant 0 : i32
    %add3A_83 = arith.addi %mul3A_4, %add3A_82 : i32
    %min3A = arith.constant 9936 : i32
    %min3A_84 = arith.minsi %add3A_83, %min3A : i32
    %multiple_of3A = tpu.assume_multiple %min3A_84, 16 : i32
    "tpu.region"() ({
      %run_scoped3A = tpu.sem_alloc : memref<!tpu.dma_semaphore, #tpu.memory_space<semaphore_mem>>
      %dma_start3A_504 = tpu.memref_slice %arg2[%multiple_of3A, %mul3A_2] : memref<10000x256xf32, #tpu.memory_space<hbm>> -> memref<64x128xf32, #tpu.memory_space<hbm>>
      %dma_start3A_505 = tpu.memref_slice %arg2[%multiple_of3A, %mul3A_2] : memref<10000x256xf32, #tpu.memory_space<hbm>> -> memref<64x128xf32, #tpu.memory_space<hbm>>
      tpu.enqueue_dma source(%dma_start3A_505 : memref<64x128xf32, #tpu.memory_space<hbm>>) target(%arg15 : memref<64x128xf32, #tpu.memory_space<vmem>>) target_semaphore(%run_scoped3A : memref<!tpu.dma_semaphore, #tpu.memory_space<semaphore_mem>>)
      %dma_wait3A = tpu.memref_slice %arg2[%multiple_of3A, %mul3A_2] : memref<10000x256xf32, #tpu.memory_space<hbm>> -> memref<64x128xf32, #tpu.memory_space<hbm>>
      %dma_wait3A_506 = tpu.memref_slice %arg2[%multiple_of3A, %mul3A_2] : memref<10000x256xf32, #tpu.memory_space<hbm>> -> memref<64x128xf32, #tpu.memory_space<hbm>>
      tpu.wait_dma2 semaphore(%run_scoped3A : memref<!tpu.dma_semaphore, #tpu.memory_space<semaphore_mem>>) src(%dma_wait3A_506 : memref<64x128xf32, #tpu.memory_space<hbm>>) dst(%arg15 : memref<64x128xf32, #tpu.memory_space<vmem>>)
      tpu.yield
    }) : () -> ()
    %scan3A_85 = arith.constant 0 : i32
    %scan3A_86 = arith.constant 0 : i32
    %scan3A_87 = arith.constant 64 : i32
    %scan3A_88 = arith.addi %scan3A_86, %scan3A_87 : i32
    %scan3A_89 = arith.constant 1 : i32
    %scan3A_90 = scf.for %scan3A_504 = %scan3A_86 to %scan3A_88 step %scan3A_89 iter_args(%scan3A_505 = %scan3A_85) -> (i32)  : i32 {
      %sub3A = arith.subi %multiple_of3A, %mul3A_4 : i32
      %add3A_506 = arith.addi %sub3A, %scan3A_504 : i32
      %broadcast_in_dim3A_507 = vector.broadcast %add3A_506 : i32 to vector<16xi32>
      %gather3A = tpu.vector_load_idx %arg8[%broadcast_in_dim3A_507] : memref<640xf32, #tpu.memory_space<vmem>>[vector<16xi32>], vector<16xf32>,
      %get3A_508 = arith.index_cast %scan3A_504 : i32 to index
      %get3A_509 = arith.constant 0 : index
      %get3A_510 = tpu.vector_load %arg15[%get3A_508, %get3A_509] {strides = array<i32>} : memref<64x128xf32, #tpu.memory_space<vmem>>, vector<16xf32>,
      %mul3A_511 = arith.mulf %get3A_510, %gather3A : vector<16xf32>
      %swap3A_512 = arith.index_cast %scan3A_504 : i32 to index
      %swap3A_513 = arith.constant 0 : index
      %swap3A_514 = tpu.vector_load %arg15[%swap3A_512, %swap3A_513] {strides = array<i32>} : memref<64x128xf32, #tpu.memory_space<vmem>>, vector<16xf32>,
      tpu.vector_store %arg15[%swap3A_512, %swap3A_513], %mul3A_511 {strides = array<i32>} : memref<64x128xf32, #tpu.memory_space<vmem>>, vector<16xf32>,
      %get3A_515 = arith.index_cast %scan3A_504 : i32 to index
      %get3A_516 = arith.constant 16 : index
      %get3A_517 = tpu.vector_load %arg15[%get3A_515, %get3A_516] {strides = array<i32>} : memref<64x128xf32, #tpu.memory_space<vmem>>, vector<16xf32>,
      %mul3A_518 = arith.mulf %get3A_517, %gather3A : vector<16xf32>
      %swap3A_519 = arith.index_cast %scan3A_504 : i32 to index
      %swap3A_520 = arith.constant 16 : index
      %swap3A_521 = tpu.vector_load %arg15[%swap3A_519, %swap3A_520] {strides = array<i32>} : memref<64x128xf32, #tpu.memory_space<vmem>>, vector<16xf32>,
      tpu.vector_store %arg15[%swap3A_519, %swap3A_520], %mul3A_518 {strides = array<i32>} : memref<64x128xf32, #tpu.memory_space<vmem>>, vector<16xf32>,
      %get3A_522 = arith.index_cast %scan3A_504 : i32 to index
      %get3A_523 = arith.constant 32 : index
      %get3A_524 = tpu.vector_load %arg15[%get3A_522, %get3A_523] {strides = array<i32>} : memref<64x128xf32, #tpu.memory_space<vmem>>, vector<16xf32>,
      %mul3A_525 = arith.mulf %get3A_524, %gather3A : vector<16xf32>
      %swap3A_526 = arith.index_cast %scan3A_504 : i32 to index
      %swap3A_527 = arith.constant 32 : index
      %swap3A_528 = tpu.vector_load %arg15[%swap3A_526, %swap3A_527] {strides = array<i32>} : memref<64x128xf32, #tpu.memory_space<vmem>>, vector<16xf32>,
      tpu.vector_store %arg15[%swap3A_526, %swap3A_527], %mul3A_525 {strides = array<i32>} : memref<64x128xf32, #tpu.memory_space<vmem>>, vector<16xf32>,
      %get3A_529 = arith.index_cast %scan3A_504 : i32 to index
      %get3A_530 = arith.constant 48 : index
      %get3A_531 = tpu.vector_load %arg15[%get3A_529, %get3A_530] {strides = array<i32>} : memref<64x128xf32, #tpu.memory_space<vmem>>, vector<16xf32>,
      %mul3A_532 = arith.mulf %get3A_531, %gather3A : vector<16xf32>
      %swap3A_533 = arith.index_cast %scan3A_504 : i32 to index
      %swap3A_534 = arith.constant 48 : index
      %swap3A_535 = tpu.vector_load %arg15[%swap3A_533, %swap3A_534] {strides = array<i32>} : memref<64x128xf32, #tpu.memory_space<vmem>>, vector<16xf32>,
      tpu.vector_store %arg15[%swap3A_533, %swap3A_534], %mul3A_532 {strides = array<i32>} : memref<64x128xf32, #tpu.memory_space<vmem>>, vector<16xf32>,
      %get3A_536 = arith.index_cast %scan3A_504 : i32 to index
      %get3A_537 = arith.constant 64 : index
      %get3A_538 = tpu.vector_load %arg15[%get3A_536, %get3A_537] {strides = array<i32>} : memref<64x128xf32, #tpu.memory_space<vmem>>, vector<16xf32>,
      %mul3A_539 = arith.mulf %get3A_538, %gather3A : vector<16xf32>
      %swap3A_540 = arith.index_cast %scan3A_504 : i32 to index
      %swap3A_541 = arith.constant 64 : index
      %swap3A_542 = tpu.vector_load %arg15[%swap3A_540, %swap3A_541] {strides = array<i32>} : memref<64x128xf32, #tpu.memory_space<vmem>>, vector<16xf32>,
      tpu.vector_store %arg15[%swap3A_540, %swap3A_541], %mul3A_539 {strides = array<i32>} : memref<64x128xf32, #tpu.memory_space<vmem>>, vector<16xf32>,
      %get3A_543 = arith.index_cast %scan3A_504 : i32 to index
      %get3A_544 = arith.constant 80 : index
      %get3A_545 = tpu.vector_load %arg15[%get3A_543, %get3A_544] {strides = array<i32>} : memref<64x128xf32, #tpu.memory_space<vmem>>, vector<16xf32>,
      %mul3A_546 = arith.mulf %get3A_545, %gather3A : vector<16xf32>
      %swap3A_547 = arith.index_cast %scan3A_504 : i32 to index
      %swap3A_548 = arith.constant 80 : index
      %swap3A_549 = tpu.vector_load %arg15[%swap3A_547, %swap3A_548] {strides = array<i32>} : memref<64x128xf32, #tpu.memory_space<vmem>>, vector<16xf32>,
      tpu.vector_store %arg15[%swap3A_547, %swap3A_548], %mul3A_546 {strides = array<i32>} : memref<64x128xf32, #tpu.memory_space<vmem>>, vector<16xf32>,
      %get3A_550 = arith.index_cast %scan3A_504 : i32 to index
      %get3A_551 = arith.constant 96 : index
      %get3A_552 = tpu.vector_load %arg15[%get3A_550, %get3A_551] {strides = array<i32>} : memref<64x128xf32, #tpu.memory_space<vmem>>, vector<16xf32>,
      %mul3A_553 = arith.mulf %get3A_552, %gather3A : vector<16xf32>
      %swap3A_554 = arith.index_cast %scan3A_504 : i32 to index
      %swap3A_555 = arith.constant 96 : index
      %swap3A_556 = tpu.vector_load %arg15[%swap3A_554, %swap3A_555] {strides = array<i32>} : memref<64x128xf32, #tpu.memory_space<vmem>>, vector<16xf32>,
      tpu.vector_store %arg15[%swap3A_554, %swap3A_555], %mul3A_553 {strides = array<i32>} : memref<64x128xf32, #tpu.memory_space<vmem>>, vector<16xf32>,
      %get3A_557 = arith.index_cast %scan3A_504 : i32 to index
      %get3A_558 = arith.constant 112 : index
      %get3A_559 = tpu.vector_load %arg15[%get3A_557, %get3A_558] {strides = array<i32>} : memref<64x128xf32, #tpu.memory_space<vmem>>, vector<16xf32>,
      %mul3A_560 = arith.mulf %get3A_559, %gather3A : vector<16xf32>
      %swap3A_561 = arith.index_cast %scan3A_504 : i32 to index
      %swap3A_562 = arith.constant 112 : index
      %swap3A_563 = tpu.vector_load %arg15[%swap3A_561, %swap3A_562] {strides = array<i32>} : memref<64x128xf32, #tpu.memory_space<vmem>>, vector<16xf32>,
      tpu.vector_store %arg15[%swap3A_561, %swap3A_562], %mul3A_560 {strides = array<i32>} : memref<64x128xf32, #tpu.memory_space<vmem>>, vector<16xf32>,
      %scan3A_564 = arith.constant 0 : i32
      scf.yield %scan3A_564 : i32
    }
    %scan3A_91 = arith.constant 64 : i32
    %add3A_92 = arith.addi %mul3A_0, %multiple_of3A : i32
    "tpu.region"() ({
      %run_scoped3A = tpu.sem_alloc : memref<!tpu.dma_semaphore, #tpu.memory_space<semaphore_mem>>
      %dma_start3A_504 = arith.constant 0 : i32
      %dma_start3A_505 = tpu.memref_slice %arg5[%add3A_92, %dma_start3A_504] : memref<20480x128xf32, #tpu.memory_space<hbm>> -> memref<64x128xf32, #tpu.memory_space<hbm>>
      %dma_start3A_506 = arith.constant 0 : i32
      %dma_start3A_507 = tpu.memref_slice %arg5[%add3A_92, %dma_start3A_506] : memref<20480x128xf32, #tpu.memory_space<hbm>> -> memref<64x128xf32, #tpu.memory_space<hbm>>
      tpu.enqueue_dma source(%arg15 : memref<64x128xf32, #tpu.memory_space<vmem>>) target(%dma_start3A_507 : memref<64x128xf32, #tpu.memory_space<hbm>>) target_semaphore(%run_scoped3A : memref<!tpu.dma_semaphore, #tpu.memory_space<semaphore_mem>>)
      %dma_wait3A = arith.constant 0 : i32
      %dma_wait3A_508 = tpu.memref_slice %arg5[%add3A_92, %dma_wait3A] : memref<20480x128xf32, #tpu.memory_space<hbm>> -> memref<64x128xf32, #tpu.memory_space<hbm>>
      %dma_wait3A_509 = arith.constant 0 : i32
      %dma_wait3A_510 = tpu.memref_slice %arg5[%add3A_92, %dma_wait3A_509] : memref<20480x128xf32, #tpu.memory_space<hbm>> -> memref<64x128xf32, #tpu.memory_space<hbm>>
      tpu.wait_dma2 semaphore(%run_scoped3A : memref<!tpu.dma_semaphore, #tpu.memory_space<semaphore_mem>>) src(%arg15 : memref<64x128xf32, #tpu.memory_space<vmem>>) dst(%dma_wait3A_510 : memref<64x128xf32, #tpu.memory_space<hbm>>)
      tpu.yield
    }) : () -> ()
    %add3A_93 = arith.constant 0 : i32
    %add3A_94 = arith.addi %mul3A_4, %add3A_93 : i32
    "tpu.region"() ({
      %run_scoped3A = tpu.sem_alloc : memref<!tpu.dma_semaphore, #tpu.memory_space<semaphore_mem>>
      %dma_start3A_504 = arith.constant 0 : i32
      %dma_start3A_505 = tpu.memref_slice %arg17[%add3A_94, %dma_start3A_504] : memref<10240x128xf32, #tpu.memory_space<vmem_shared>> -> memref<64x128xf32, #tpu.memory_space<vmem_shared>>
      %dma_start3A_506 = arith.constant 0 : i32
      %dma_start3A_507 = tpu.memref_slice %arg17[%add3A_94, %dma_start3A_506] : memref<10240x128xf32, #tpu.memory_space<vmem_shared>> -> memref<64x128xf32, #tpu.memory_space<vmem_shared>>
      tpu.enqueue_dma source(%arg14 : memref<64x128xf32, #tpu.memory_space<vmem>>) target(%dma_start3A_507 : memref<64x128xf32, #tpu.memory_space<vmem_shared>>) target_semaphore(%run_scoped3A : memref<!tpu.dma_semaphore, #tpu.memory_space<semaphore_mem>>)
      %dma_wait3A = arith.constant 0 : i32
      %dma_wait3A_508 = tpu.memref_slice %arg17[%add3A_94, %dma_wait3A] : memref<10240x128xf32, #tpu.memory_space<vmem_shared>> -> memref<64x128xf32, #tpu.memory_space<vmem_shared>>
      %dma_wait3A_509 = arith.constant 0 : i32
      %dma_wait3A_510 = tpu.memref_slice %arg17[%add3A_94, %dma_wait3A_509] : memref<10240x128xf32, #tpu.memory_space<vmem_shared>> -> memref<64x128xf32, #tpu.memory_space<vmem_shared>>
      tpu.wait_dma2 semaphore(%run_scoped3A : memref<!tpu.dma_semaphore, #tpu.memory_space<semaphore_mem>>) src(%arg14 : memref<64x128xf32, #tpu.memory_space<vmem>>) dst(%dma_wait3A_510 : memref<64x128xf32, #tpu.memory_space<vmem_shared>>)
      tpu.yield
    }) : () -> ()
    %add3A_95 = arith.constant 64 : i32
    %add3A_96 = arith.addi %mul3A_4, %add3A_95 : i32
    %min3A_97 = arith.constant 9936 : i32
    %min3A_98 = arith.minsi %add3A_96, %min3A_97 : i32
    %multiple_of3A_99 = tpu.assume_multiple %min3A_98, 16 : i32
    "tpu.region"() ({
      %run_scoped3A = tpu.sem_alloc : memref<!tpu.dma_semaphore, #tpu.memory_space<semaphore_mem>>
      %dma_start3A_504 = tpu.memref_slice %arg2[%multiple_of3A_99, %mul3A_2] : memref<10000x256xf32, #tpu.memory_space<hbm>> -> memref<64x128xf32, #tpu.memory_space<hbm>>
      %dma_start3A_505 = tpu.memref_slice %arg2[%multiple_of3A_99, %mul3A_2] : memref<10000x256xf32, #tpu.memory_space<hbm>> -> memref<64x128xf32, #tpu.memory_space<hbm>>
      tpu.enqueue_dma source(%dma_start3A_505 : memref<64x128xf32, #tpu.memory_space<hbm>>) target(%arg15 : memref<64x128xf32, #tpu.memory_space<vmem>>) target_semaphore(%run_scoped3A : memref<!tpu.dma_semaphore, #tpu.memory_space<semaphore_mem>>)
      %dma_wait3A = tpu.memref_slice %arg2[%multiple_of3A_99, %mul3A_2] : memref<10000x256xf32, #tpu.memory_space<hbm>> -> memref<64x128xf32, #tpu.memory_space<hbm>>
      %dma_wait3A_506 = tpu.memref_slice %arg2[%multiple_of3A_99, %mul3A_2] : memref<10000x256xf32, #tpu.memory_space<hbm>> -> memref<64x128xf32, #tpu.memory_space<hbm>>
      tpu.wait_dma2 semaphore(%run_scoped3A : memref<!tpu.dma_semaphore, #tpu.memory_space<semaphore_mem>>) src(%dma_wait3A_506 : memref<64x128xf32, #tpu.memory_space<hbm>>) dst(%arg15 : memref<64x128xf32, #tpu.memory_space<vmem>>)
      tpu.yield
    }) : () -> ()
    %scan3A_100 = arith.constant 0 : i32
    %scan3A_101 = arith.constant 0 : i32
    %scan3A_102 = arith.constant 64 : i32
    %scan3A_103 = arith.addi %scan3A_101, %scan3A_102 : i32
    %scan3A_104 = arith.constant 1 : i32
    %scan3A_105 = scf.for %scan3A_504 = %scan3A_101 to %scan3A_103 step %scan3A_104 iter_args(%scan3A_505 = %scan3A_100) -> (i32)  : i32 {
      %sub3A = arith.subi %multiple_of3A_99, %mul3A_4 : i32
      %add3A_506 = arith.addi %sub3A, %scan3A_504 : i32
      %broadcast_in_dim3A_507 = vector.broadcast %add3A_506 : i32 to vector<16xi32>
      %gather3A = tpu.vector_load_idx %arg8[%broadcast_in_dim3A_507] : memref<640xf32, #tpu.memory_space<vmem>>[vector<16xi32>], vector<16xf32>,
      %get3A_508 = arith.index_cast %scan3A_504 : i32 to index
      %get3A_509 = arith.constant 0 : index
      %get3A_510 = tpu.vector_load %arg15[%get3A_508, %get3A_509] {strides = array<i32>} : memref<64x128xf32, #tpu.memory_space<vmem>>, vector<16xf32>,
      %mul3A_511 = arith.mulf %get3A_510, %gather3A : vector<16xf32>
      %swap3A_512 = arith.index_cast %scan3A_504 : i32 to index
      %swap3A_513 = arith.constant 0 : index
      %swap3A_514 = tpu.vector_load %arg15[%swap3A_512, %swap3A_513] {strides = array<i32>} : memref<64x128xf32, #tpu.memory_space<vmem>>, vector<16xf32>,
      tpu.vector_store %arg15[%swap3A_512, %swap3A_513], %mul3A_511 {strides = array<i32>} : memref<64x128xf32, #tpu.memory_space<vmem>>, vector<16xf32>,
      %get3A_515 = arith.index_cast %scan3A_504 : i32 to index
      %get3A_516 = arith.constant 16 : index
      %get3A_517 = tpu.vector_load %arg15[%get3A_515, %get3A_516] {strides = array<i32>} : memref<64x128xf32, #tpu.memory_space<vmem>>, vector<16xf32>,
      %mul3A_518 = arith.mulf %get3A_517, %gather3A : vector<16xf32>
      %swap3A_519 = arith.index_cast %scan3A_504 : i32 to index
      %swap3A_520 = arith.constant 16 : index
      %swap3A_521 = tpu.vector_load %arg15[%swap3A_519, %swap3A_520] {strides = array<i32>} : memref<64x128xf32, #tpu.memory_space<vmem>>, vector<16xf32>,
      tpu.vector_store %arg15[%swap3A_519, %swap3A_520], %mul3A_518 {strides = array<i32>} : memref<64x128xf32, #tpu.memory_space<vmem>>, vector<16xf32>,
      %get3A_522 = arith.index_cast %scan3A_504 : i32 to index
      %get3A_523 = arith.constant 32 : index
      %get3A_524 = tpu.vector_load %arg15[%get3A_522, %get3A_523] {strides = array<i32>} : memref<64x128xf32, #tpu.memory_space<vmem>>, vector<16xf32>,
      %mul3A_525 = arith.mulf %get3A_524, %gather3A : vector<16xf32>
      %swap3A_526 = arith.index_cast %scan3A_504 : i32 to index
      %swap3A_527 = arith.constant 32 : index
      %swap3A_528 = tpu.vector_load %arg15[%swap3A_526, %swap3A_527] {strides = array<i32>} : memref<64x128xf32, #tpu.memory_space<vmem>>, vector<16xf32>,
      tpu.vector_store %arg15[%swap3A_526, %swap3A_527], %mul3A_525 {strides = array<i32>} : memref<64x128xf32, #tpu.memory_space<vmem>>, vector<16xf32>,
      %get3A_529 = arith.index_cast %scan3A_504 : i32 to index
      %get3A_530 = arith.constant 48 : index
      %get3A_531 = tpu.vector_load %arg15[%get3A_529, %get3A_530] {strides = array<i32>} : memref<64x128xf32, #tpu.memory_space<vmem>>, vector<16xf32>,
      %mul3A_532 = arith.mulf %get3A_531, %gather3A : vector<16xf32>
      %swap3A_533 = arith.index_cast %scan3A_504 : i32 to index
      %swap3A_534 = arith.constant 48 : index
      %swap3A_535 = tpu.vector_load %arg15[%swap3A_533, %swap3A_534] {strides = array<i32>} : memref<64x128xf32, #tpu.memory_space<vmem>>, vector<16xf32>,
      tpu.vector_store %arg15[%swap3A_533, %swap3A_534], %mul3A_532 {strides = array<i32>} : memref<64x128xf32, #tpu.memory_space<vmem>>, vector<16xf32>,
      %get3A_536 = arith.index_cast %scan3A_504 : i32 to index
      %get3A_537 = arith.constant 64 : index
      %get3A_538 = tpu.vector_load %arg15[%get3A_536, %get3A_537] {strides = array<i32>} : memref<64x128xf32, #tpu.memory_space<vmem>>, vector<16xf32>,
      %mul3A_539 = arith.mulf %get3A_538, %gather3A : vector<16xf32>
      %swap3A_540 = arith.index_cast %scan3A_504 : i32 to index
      %swap3A_541 = arith.constant 64 : index
      %swap3A_542 = tpu.vector_load %arg15[%swap3A_540, %swap3A_541] {strides = array<i32>} : memref<64x128xf32, #tpu.memory_space<vmem>>, vector<16xf32>,
      tpu.vector_store %arg15[%swap3A_540, %swap3A_541], %mul3A_539 {strides = array<i32>} : memref<64x128xf32, #tpu.memory_space<vmem>>, vector<16xf32>,
      %get3A_543 = arith.index_cast %scan3A_504 : i32 to index
      %get3A_544 = arith.constant 80 : index
      %get3A_545 = tpu.vector_load %arg15[%get3A_543, %get3A_544] {strides = array<i32>} : memref<64x128xf32, #tpu.memory_space<vmem>>, vector<16xf32>,
      %mul3A_546 = arith.mulf %get3A_545, %gather3A : vector<16xf32>
      %swap3A_547 = arith.index_cast %scan3A_504 : i32 to index
      %swap3A_548 = arith.constant 80 : index
      %swap3A_549 = tpu.vector_load %arg15[%swap3A_547, %swap3A_548] {strides = array<i32>} : memref<64x128xf32, #tpu.memory_space<vmem>>, vector<16xf32>,
      tpu.vector_store %arg15[%swap3A_547, %swap3A_548], %mul3A_546 {strides = array<i32>} : memref<64x128xf32, #tpu.memory_space<vmem>>, vector<16xf32>,
      %get3A_550 = arith.index_cast %scan3A_504 : i32 to index
      %get3A_551 = arith.constant 96 : index
      %get3A_552 = tpu.vector_load %arg15[%get3A_550, %get3A_551] {strides = array<i32>} : memref<64x128xf32, #tpu.memory_space<vmem>>, vector<16xf32>,
      %mul3A_553 = arith.mulf %get3A_552, %gather3A : vector<16xf32>
      %swap3A_554 = arith.index_cast %scan3A_504 : i32 to index
      %swap3A_555 = arith.constant 96 : index
      %swap3A_556 = tpu.vector_load %arg15[%swap3A_554, %swap3A_555] {strides = array<i32>} : memref<64x128xf32, #tpu.memory_space<vmem>>, vector<16xf32>,
      tpu.vector_store %arg15[%swap3A_554, %swap3A_555], %mul3A_553 {strides = array<i32>} : memref<64x128xf32, #tpu.memory_space<vmem>>, vector<16xf32>,
      %get3A_557 = arith.index_cast %scan3A_504 : i32 to index
      %get3A_558 = arith.constant 112 : index
      %get3A_559 = tpu.vector_load %arg15[%get3A_557, %get3A_558] {strides = array<i32>} : memref<64x128xf32, #tpu.memory_space<vmem>>, vector<16xf32>,
      %mul3A_560 = arith.mulf %get3A_559, %gather3A : vector<16xf32>
      %swap3A_561 = arith.index_cast %scan3A_504 : i32 to index
      %swap3A_562 = arith.constant 112 : index
      %swap3A_563 = tpu.vector_load %arg15[%swap3A_561, %swap3A_562] {strides = array<i32>} : memref<64x128xf32, #tpu.memory_space<vmem>>, vector<16xf32>,
      tpu.vector_store %arg15[%swap3A_561, %swap3A_562], %mul3A_560 {strides = array<i32>} : memref<64x128xf32, #tpu.memory_space<vmem>>, vector<16xf32>,
      %scan3A_564 = arith.constant 0 : i32
      scf.yield %scan3A_564 : i32
    }
    %scan3A_106 = arith.constant 64 : i32
    %add3A_107 = arith.addi %mul3A_0, %multiple_of3A_99 : i32
    "tpu.region"() ({
      %run_scoped3A = tpu.sem_alloc : memref<!tpu.dma_semaphore, #tpu.memory_space<semaphore_mem>>
      %dma_start3A_504 = arith.constant 0 : i32
      %dma_start3A_505 = tpu.memref_slice %arg5[%add3A_107, %dma_start3A_504] : memref<20480x128xf32, #tpu.memory_space<hbm>> -> memref<64x128xf32, #tpu.memory_space<hbm>>
      %dma_start3A_506 = arith.constant 0 : i32
      %dma_start3A_507 = tpu.memref_slice %arg5[%add3A_107, %dma_start3A_506] : memref<20480x128xf32, #tpu.memory_space<hbm>> -> memref<64x128xf32, #tpu.memory_space<hbm>>
      tpu.enqueue_dma source(%arg15 : memref<64x128xf32, #tpu.memory_space<vmem>>) target(%dma_start3A_507 : memref<64x128xf32, #tpu.memory_space<hbm>>) target_semaphore(%run_scoped3A : memref<!tpu.dma_semaphore, #tpu.memory_space<semaphore_mem>>)
      %dma_wait3A = arith.constant 0 : i32
      %dma_wait3A_508 = tpu.memref_slice %arg5[%add3A_107, %dma_wait3A] : memref<20480x128xf32, #tpu.memory_space<hbm>> -> memref<64x128xf32, #tpu.memory_space<hbm>>
      %dma_wait3A_509 = arith.constant 0 : i32
      %dma_wait3A_510 = tpu.memref_slice %arg5[%add3A_107, %dma_wait3A_509] : memref<20480x128xf32, #tpu.memory_space<hbm>> -> memref<64x128xf32, #tpu.memory_space<hbm>>
      tpu.wait_dma2 semaphore(%run_scoped3A : memref<!tpu.dma_semaphore, #tpu.memory_space<semaphore_mem>>) src(%arg15 : memref<64x128xf32, #tpu.memory_space<vmem>>) dst(%dma_wait3A_510 : memref<64x128xf32, #tpu.memory_space<hbm>>)
      tpu.yield
    }) : () -> ()
    %add3A_108 = arith.constant 64 : i32
    %add3A_109 = arith.addi %mul3A_4, %add3A_108 : i32
    "tpu.region"() ({
      %run_scoped3A = tpu.sem_alloc : memref<!tpu.dma_semaphore, #tpu.memory_space<semaphore_mem>>
      %dma_start3A_504 = arith.constant 0 : i32
      %dma_start3A_505 = tpu.memref_slice %arg17[%add3A_109, %dma_start3A_504] : memref<10240x128xf32, #tpu.memory_space<vmem_shared>> -> memref<64x128xf32, #tpu.memory_space<vmem_shared>>
      %dma_start3A_506 = arith.constant 0 : i32
      %dma_start3A_507 = tpu.memref_slice %arg17[%add3A_109, %dma_start3A_506] : memref<10240x128xf32, #tpu.memory_space<vmem_shared>> -> memref<64x128xf32, #tpu.memory_space<vmem_shared>>
      tpu.enqueue_dma source(%arg14 : memref<64x128xf32, #tpu.memory_space<vmem>>) target(%dma_start3A_507 : memref<64x128xf32, #tpu.memory_space<vmem_shared>>) target_semaphore(%run_scoped3A : memref<!tpu.dma_semaphore, #tpu.memory_space<semaphore_mem>>)
      %dma_wait3A = arith.constant 0 : i32
      %dma_wait3A_508 = tpu.memref_slice %arg17[%add3A_109, %dma_wait3A] : memref<10240x128xf32, #tpu.memory_space<vmem_shared>> -> memref<64x128xf32, #tpu.memory_space<vmem_shared>>
      %dma_wait3A_509 = arith.constant 0 : i32
      %dma_wait3A_510 = tpu.memref_slice %arg17[%add3A_109, %dma_wait3A_509] : memref<10240x128xf32, #tpu.memory_space<vmem_shared>> -> memref<64x128xf32, #tpu.memory_space<vmem_shared>>
      tpu.wait_dma2 semaphore(%run_scoped3A : memref<!tpu.dma_semaphore, #tpu.memory_space<semaphore_mem>>) src(%arg14 : memref<64x128xf32, #tpu.memory_space<vmem>>) dst(%dma_wait3A_510 : memref<64x128xf32, #tpu.memory_space<vmem_shared>>)
      tpu.yield
    }) : () -> ()
    %add3A_110 = arith.constant 128 : i32
    %add3A_111 = arith.addi %mul3A_4, %add3A_110 : i32
    %min3A_112 = arith.constant 9936 : i32
    %min3A_113 = arith.minsi %add3A_111, %min3A_112 : i32
    %multiple_of3A_114 = tpu.assume_multiple %min3A_113, 16 : i32
    "tpu.region"() ({
      %run_scoped3A = tpu.sem_alloc : memref<!tpu.dma_semaphore, #tpu.memory_space<semaphore_mem>>
      %dma_start3A_504 = tpu.memref_slice %arg2[%multiple_of3A_114, %mul3A_2] : memref<10000x256xf32, #tpu.memory_space<hbm>> -> memref<64x128xf32, #tpu.memory_space<hbm>>
      %dma_start3A_505 = tpu.memref_slice %arg2[%multiple_of3A_114, %mul3A_2] : memref<10000x256xf32, #tpu.memory_space<hbm>> -> memref<64x128xf32, #tpu.memory_space<hbm>>
      tpu.enqueue_dma source(%dma_start3A_505 : memref<64x128xf32, #tpu.memory_space<hbm>>) target(%arg15 : memref<64x128xf32, #tpu.memory_space<vmem>>) target_semaphore(%run_scoped3A : memref<!tpu.dma_semaphore, #tpu.memory_space<semaphore_mem>>)
      %dma_wait3A = tpu.memref_slice %arg2[%multiple_of3A_114, %mul3A_2] : memref<10000x256xf32, #tpu.memory_space<hbm>> -> memref<64x128xf32, #tpu.memory_space<hbm>>
      %dma_wait3A_506 = tpu.memref_slice %arg2[%multiple_of3A_114, %mul3A_2] : memref<10000x256xf32, #tpu.memory_space<hbm>> -> memref<64x128xf32, #tpu.memory_space<hbm>>
      tpu.wait_dma2 semaphore(%run_scoped3A : memref<!tpu.dma_semaphore, #tpu.memory_space<semaphore_mem>>) src(%dma_wait3A_506 : memref<64x128xf32, #tpu.memory_space<hbm>>) dst(%arg15 : memref<64x128xf32, #tpu.memory_space<vmem>>)
      tpu.yield
    }) : () -> ()
    %scan3A_115 = arith.constant 0 : i32
    %scan3A_116 = arith.constant 0 : i32
    %scan3A_117 = arith.constant 64 : i32
    %scan3A_118 = arith.addi %scan3A_116, %scan3A_117 : i32
    %scan3A_119 = arith.constant 1 : i32
    %scan3A_120 = scf.for %scan3A_504 = %scan3A_116 to %scan3A_118 step %scan3A_119 iter_args(%scan3A_505 = %scan3A_115) -> (i32)  : i32 {
      %sub3A = arith.subi %multiple_of3A_114, %mul3A_4 : i32
      %add3A_506 = arith.addi %sub3A, %scan3A_504 : i32
      %broadcast_in_dim3A_507 = vector.broadcast %add3A_506 : i32 to vector<16xi32>
      %gather3A = tpu.vector_load_idx %arg8[%broadcast_in_dim3A_507] : memref<640xf32, #tpu.memory_space<vmem>>[vector<16xi32>], vector<16xf32>,
      %get3A_508 = arith.index_cast %scan3A_504 : i32 to index
      %get3A_509 = arith.constant 0 : index
      %get3A_510 = tpu.vector_load %arg15[%get3A_508, %get3A_509] {strides = array<i32>} : memref<64x128xf32, #tpu.memory_space<vmem>>, vector<16xf32>,
      %mul3A_511 = arith.mulf %get3A_510, %gather3A : vector<16xf32>
      %swap3A_512 = arith.index_cast %scan3A_504 : i32 to index
      %swap3A_513 = arith.constant 0 : index
      %swap3A_514 = tpu.vector_load %arg15[%swap3A_512, %swap3A_513] {strides = array<i32>} : memref<64x128xf32, #tpu.memory_space<vmem>>, vector<16xf32>,
      tpu.vector_store %arg15[%swap3A_512, %swap3A_513], %mul3A_511 {strides = array<i32>} : memref<64x128xf32, #tpu.memory_space<vmem>>, vector<16xf32>,
      %get3A_515 = arith.index_cast %scan3A_504 : i32 to index
      %get3A_516 = arith.constant 16 : index
      %get3A_517 = tpu.vector_load %arg15[%get3A_515, %get3A_516] {strides = array<i32>} : memref<64x128xf32, #tpu.memory_space<vmem>>, vector<16xf32>,
      %mul3A_518 = arith.mulf %get3A_517, %gather3A : vector<16xf32>
      %swap3A_519 = arith.index_cast %scan3A_504 : i32 to index
      %swap3A_520 = arith.constant 16 : index
      %swap3A_521 = tpu.vector_load %arg15[%swap3A_519, %swap3A_520] {strides = array<i32>} : memref<64x128xf32, #tpu.memory_space<vmem>>, vector<16xf32>,
      tpu.vector_store %arg15[%swap3A_519, %swap3A_520], %mul3A_518 {strides = array<i32>} : memref<64x128xf32, #tpu.memory_space<vmem>>, vector<16xf32>,
      %get3A_522 = arith.index_cast %scan3A_504 : i32 to index
      %get3A_523 = arith.constant 32 : index
      %get3A_524 = tpu.vector_load %arg15[%get3A_522, %get3A_523] {strides = array<i32>} : memref<64x128xf32, #tpu.memory_space<vmem>>, vector<16xf32>,
      %mul3A_525 = arith.mulf %get3A_524, %gather3A : vector<16xf32>
      %swap3A_526 = arith.index_cast %scan3A_504 : i32 to index
      %swap3A_527 = arith.constant 32 : index
      %swap3A_528 = tpu.vector_load %arg15[%swap3A_526, %swap3A_527] {strides = array<i32>} : memref<64x128xf32, #tpu.memory_space<vmem>>, vector<16xf32>,
      tpu.vector_store %arg15[%swap3A_526, %swap3A_527], %mul3A_525 {strides = array<i32>} : memref<64x128xf32, #tpu.memory_space<vmem>>, vector<16xf32>,
      %get3A_529 = arith.index_cast %scan3A_504 : i32 to index
      %get3A_530 = arith.constant 48 : index
      %get3A_531 = tpu.vector_load %arg15[%get3A_529, %get3A_530] {strides = array<i32>} : memref<64x128xf32, #tpu.memory_space<vmem>>, vector<16xf32>,
      %mul3A_532 = arith.mulf %get3A_531, %gather3A : vector<16xf32>
      %swap3A_533 = arith.index_cast %scan3A_504 : i32 to index
      %swap3A_534 = arith.constant 48 : index
      %swap3A_535 = tpu.vector_load %arg15[%swap3A_533, %swap3A_534] {strides = array<i32>} : memref<64x128xf32, #tpu.memory_space<vmem>>, vector<16xf32>,
      tpu.vector_store %arg15[%swap3A_533, %swap3A_534], %mul3A_532 {strides = array<i32>} : memref<64x128xf32, #tpu.memory_space<vmem>>, vector<16xf32>,
      %get3A_536 = arith.index_cast %scan3A_504 : i32 to index
      %get3A_537 = arith.constant 64 : index
      %get3A_538 = tpu.vector_load %arg15[%get3A_536, %get3A_537] {strides = array<i32>} : memref<64x128xf32, #tpu.memory_space<vmem>>, vector<16xf32>,
      %mul3A_539 = arith.mulf %get3A_538, %gather3A : vector<16xf32>
      %swap3A_540 = arith.index_cast %scan3A_504 : i32 to index
      %swap3A_541 = arith.constant 64 : index
      %swap3A_542 = tpu.vector_load %arg15[%swap3A_540, %swap3A_541] {strides = array<i32>} : memref<64x128xf32, #tpu.memory_space<vmem>>, vector<16xf32>,
      tpu.vector_store %arg15[%swap3A_540, %swap3A_541], %mul3A_539 {strides = array<i32>} : memref<64x128xf32, #tpu.memory_space<vmem>>, vector<16xf32>,
      %get3A_543 = arith.index_cast %scan3A_504 : i32 to index
      %get3A_544 = arith.constant 80 : index
      %get3A_545 = tpu.vector_load %arg15[%get3A_543, %get3A_544] {strides = array<i32>} : memref<64x128xf32, #tpu.memory_space<vmem>>, vector<16xf32>,
      %mul3A_546 = arith.mulf %get3A_545, %gather3A : vector<16xf32>
      %swap3A_547 = arith.index_cast %scan3A_504 : i32 to index
      %swap3A_548 = arith.constant 80 : index
      %swap3A_549 = tpu.vector_load %arg15[%swap3A_547, %swap3A_548] {strides = array<i32>} : memref<64x128xf32, #tpu.memory_space<vmem>>, vector<16xf32>,
      tpu.vector_store %arg15[%swap3A_547, %swap3A_548], %mul3A_546 {strides = array<i32>} : memref<64x128xf32, #tpu.memory_space<vmem>>, vector<16xf32>,
      %get3A_550 = arith.index_cast %scan3A_504 : i32 to index
      %get3A_551 = arith.constant 96 : index
      %get3A_552 = tpu.vector_load %arg15[%get3A_550, %get3A_551] {strides = array<i32>} : memref<64x128xf32, #tpu.memory_space<vmem>>, vector<16xf32>,
      %mul3A_553 = arith.mulf %get3A_552, %gather3A : vector<16xf32>
      %swap3A_554 = arith.index_cast %scan3A_504 : i32 to index
      %swap3A_555 = arith.constant 96 : index
      %swap3A_556 = tpu.vector_load %arg15[%swap3A_554, %swap3A_555] {strides = array<i32>} : memref<64x128xf32, #tpu.memory_space<vmem>>, vector<16xf32>,
      tpu.vector_store %arg15[%swap3A_554, %swap3A_555], %mul3A_553 {strides = array<i32>} : memref<64x128xf32, #tpu.memory_space<vmem>>, vector<16xf32>,
      %get3A_557 = arith.index_cast %scan3A_504 : i32 to index
      %get3A_558 = arith.constant 112 : index
      %get3A_559 = tpu.vector_load %arg15[%get3A_557, %get3A_558] {strides = array<i32>} : memref<64x128xf32, #tpu.memory_space<vmem>>, vector<16xf32>,
      %mul3A_560 = arith.mulf %get3A_559, %gather3A : vector<16xf32>
      %swap3A_561 = arith.index_cast %scan3A_504 : i32 to index
      %swap3A_562 = arith.constant 112 : index
      %swap3A_563 = tpu.vector_load %arg15[%swap3A_561, %swap3A_562] {strides = array<i32>} : memref<64x128xf32, #tpu.memory_space<vmem>>, vector<16xf32>,
      tpu.vector_store %arg15[%swap3A_561, %swap3A_562], %mul3A_560 {strides = array<i32>} : memref<64x128xf32, #tpu.memory_space<vmem>>, vector<16xf32>,
      %scan3A_564 = arith.constant 0 : i32
      scf.yield %scan3A_564 : i32
    }
    %scan3A_121 = arith.constant 64 : i32
    %add3A_122 = arith.addi %mul3A_0, %multiple_of3A_114 : i32
    "tpu.region"() ({
      %run_scoped3A = tpu.sem_alloc : memref<!tpu.dma_semaphore, #tpu.memory_space<semaphore_mem>>
      %dma_start3A_504 = arith.constant 0 : i32
      %dma_start3A_505 = tpu.memref_slice %arg5[%add3A_122, %dma_start3A_504] : memref<20480x128xf32, #tpu.memory_space<hbm>> -> memref<64x128xf32, #tpu.memory_space<hbm>>
      %dma_start3A_506 = arith.constant 0 : i32
      %dma_start3A_507 = tpu.memref_slice %arg5[%add3A_122, %dma_start3A_506] : memref<20480x128xf32, #tpu.memory_space<hbm>> -> memref<64x128xf32, #tpu.memory_space<hbm>>
      tpu.enqueue_dma source(%arg15 : memref<64x128xf32, #tpu.memory_space<vmem>>) target(%dma_start3A_507 : memref<64x128xf32, #tpu.memory_space<hbm>>) target_semaphore(%run_scoped3A : memref<!tpu.dma_semaphore, #tpu.memory_space<semaphore_mem>>)
      %dma_wait3A = arith.constant 0 : i32
      %dma_wait3A_508 = tpu.memref_slice %arg5[%add3A_122, %dma_wait3A] : memref<20480x128xf32, #tpu.memory_space<hbm>> -> memref<64x128xf32, #tpu.memory_space<hbm>>
      %dma_wait3A_509 = arith.constant 0 : i32
      %dma_wait3A_510 = tpu.memref_slice %arg5[%add3A_122, %dma_wait3A_509] : memref<20480x128xf32, #tpu.memory_space<hbm>> -> memref<64x128xf32, #tpu.memory_space<hbm>>
      tpu.wait_dma2 semaphore(%run_scoped3A : memref<!tpu.dma_semaphore, #tpu.memory_space<semaphore_mem>>) src(%arg15 : memref<64x128xf32, #tpu.memory_space<vmem>>) dst(%dma_wait3A_510 : memref<64x128xf32, #tpu.memory_space<hbm>>)
      tpu.yield
    }) : () -> ()
    %add3A_123 = arith.constant 128 : i32
    %add3A_124 = arith.addi %mul3A_4, %add3A_123 : i32
    "tpu.region"() ({
      %run_scoped3A = tpu.sem_alloc : memref<!tpu.dma_semaphore, #tpu.memory_space<semaphore_mem>>
      %dma_start3A_504 = arith.constant 0 : i32
      %dma_start3A_505 = tpu.memref_slice %arg17[%add3A_124, %dma_start3A_504] : memref<10240x128xf32, #tpu.memory_space<vmem_shared>> -> memref<64x128xf32, #tpu.memory_space<vmem_shared>>
      %dma_start3A_506 = arith.constant 0 : i32
      %dma_start3A_507 = tpu.memref_slice %arg17[%add3A_124, %dma_start3A_506] : memref<10240x128xf32, #tpu.memory_space<vmem_shared>> -> memref<64x128xf32, #tpu.memory_space<vmem_shared>>
      tpu.enqueue_dma source(%arg14 : memref<64x128xf32, #tpu.memory_space<vmem>>) target(%dma_start3A_507 : memref<64x128xf32, #tpu.memory_space<vmem_shared>>) target_semaphore(%run_scoped3A : memref<!tpu.dma_semaphore, #tpu.memory_space<semaphore_mem>>)
      %dma_wait3A = arith.constant 0 : i32
      %dma_wait3A_508 = tpu.memref_slice %arg17[%add3A_124, %dma_wait3A] : memref<10240x128xf32, #tpu.memory_space<vmem_shared>> -> memref<64x128xf32, #tpu.memory_space<vmem_shared>>
      %dma_wait3A_509 = arith.constant 0 : i32
      %dma_wait3A_510 = tpu.memref_slice %arg17[%add3A_124, %dma_wait3A_509] : memref<10240x128xf32, #tpu.memory_space<vmem_shared>> -> memref<64x128xf32, #tpu.memory_space<vmem_shared>>
      tpu.wait_dma2 semaphore(%run_scoped3A : memref<!tpu.dma_semaphore, #tpu.memory_space<semaphore_mem>>) src(%arg14 : memref<64x128xf32, #tpu.memory_space<vmem>>) dst(%dma_wait3A_510 : memref<64x128xf32, #tpu.memory_space<vmem_shared>>)
      tpu.yield
    }) : () -> ()
    %add3A_125 = arith.constant 192 : i32
    %add3A_126 = arith.addi %mul3A_4, %add3A_125 : i32
    %min3A_127 = arith.constant 9936 : i32
    %min3A_128 = arith.minsi %add3A_126, %min3A_127 : i32
    %multiple_of3A_129 = tpu.assume_multiple %min3A_128, 16 : i32
    "tpu.region"() ({
      %run_scoped3A = tpu.sem_alloc : memref<!tpu.dma_semaphore, #tpu.memory_space<semaphore_mem>>
      %dma_start3A_504 = tpu.memref_slice %arg2[%multiple_of3A_129, %mul3A_2] : memref<10000x256xf32, #tpu.memory_space<hbm>> -> memref<64x128xf32, #tpu.memory_space<hbm>>
      %dma_start3A_505 = tpu.memref_slice %arg2[%multiple_of3A_129, %mul3A_2] : memref<10000x256xf32, #tpu.memory_space<hbm>> -> memref<64x128xf32, #tpu.memory_space<hbm>>
      tpu.enqueue_dma source(%dma_start3A_505 : memref<64x128xf32, #tpu.memory_space<hbm>>) target(%arg15 : memref<64x128xf32, #tpu.memory_space<vmem>>) target_semaphore(%run_scoped3A : memref<!tpu.dma_semaphore, #tpu.memory_space<semaphore_mem>>)
      %dma_wait3A = tpu.memref_slice %arg2[%multiple_of3A_129, %mul3A_2] : memref<10000x256xf32, #tpu.memory_space<hbm>> -> memref<64x128xf32, #tpu.memory_space<hbm>>
      %dma_wait3A_506 = tpu.memref_slice %arg2[%multiple_of3A_129, %mul3A_2] : memref<10000x256xf32, #tpu.memory_space<hbm>> -> memref<64x128xf32, #tpu.memory_space<hbm>>
      tpu.wait_dma2 semaphore(%run_scoped3A : memref<!tpu.dma_semaphore, #tpu.memory_space<semaphore_mem>>) src(%dma_wait3A_506 : memref<64x128xf32, #tpu.memory_space<hbm>>) dst(%arg15 : memref<64x128xf32, #tpu.memory_space<vmem>>)
      tpu.yield
    }) : () -> ()
    %scan3A_130 = arith.constant 0 : i32
    %scan3A_131 = arith.constant 0 : i32
    %scan3A_132 = arith.constant 64 : i32
    %scan3A_133 = arith.addi %scan3A_131, %scan3A_132 : i32
    %scan3A_134 = arith.constant 1 : i32
    %scan3A_135 = scf.for %scan3A_504 = %scan3A_131 to %scan3A_133 step %scan3A_134 iter_args(%scan3A_505 = %scan3A_130) -> (i32)  : i32 {
      %sub3A = arith.subi %multiple_of3A_129, %mul3A_4 : i32
      %add3A_506 = arith.addi %sub3A, %scan3A_504 : i32
      %broadcast_in_dim3A_507 = vector.broadcast %add3A_506 : i32 to vector<16xi32>
      %gather3A = tpu.vector_load_idx %arg8[%broadcast_in_dim3A_507] : memref<640xf32, #tpu.memory_space<vmem>>[vector<16xi32>], vector<16xf32>,
      %get3A_508 = arith.index_cast %scan3A_504 : i32 to index
      %get3A_509 = arith.constant 0 : index
      %get3A_510 = tpu.vector_load %arg15[%get3A_508, %get3A_509] {strides = array<i32>} : memref<64x128xf32, #tpu.memory_space<vmem>>, vector<16xf32>,
      %mul3A_511 = arith.mulf %get3A_510, %gather3A : vector<16xf32>
      %swap3A_512 = arith.index_cast %scan3A_504 : i32 to index
      %swap3A_513 = arith.constant 0 : index
      %swap3A_514 = tpu.vector_load %arg15[%swap3A_512, %swap3A_513] {strides = array<i32>} : memref<64x128xf32, #tpu.memory_space<vmem>>, vector<16xf32>,
      tpu.vector_store %arg15[%swap3A_512, %swap3A_513], %mul3A_511 {strides = array<i32>} : memref<64x128xf32, #tpu.memory_space<vmem>>, vector<16xf32>,
      %get3A_515 = arith.index_cast %scan3A_504 : i32 to index
      %get3A_516 = arith.constant 16 : index
      %get3A_517 = tpu.vector_load %arg15[%get3A_515, %get3A_516] {strides = array<i32>} : memref<64x128xf32, #tpu.memory_space<vmem>>, vector<16xf32>,
      %mul3A_518 = arith.mulf %get3A_517, %gather3A : vector<16xf32>
      %swap3A_519 = arith.index_cast %scan3A_504 : i32 to index
      %swap3A_520 = arith.constant 16 : index
      %swap3A_521 = tpu.vector_load %arg15[%swap3A_519, %swap3A_520] {strides = array<i32>} : memref<64x128xf32, #tpu.memory_space<vmem>>, vector<16xf32>,
      tpu.vector_store %arg15[%swap3A_519, %swap3A_520], %mul3A_518 {strides = array<i32>} : memref<64x128xf32, #tpu.memory_space<vmem>>, vector<16xf32>,
      %get3A_522 = arith.index_cast %scan3A_504 : i32 to index
      %get3A_523 = arith.constant 32 : index
      %get3A_524 = tpu.vector_load %arg15[%get3A_522, %get3A_523] {strides = array<i32>} : memref<64x128xf32, #tpu.memory_space<vmem>>, vector<16xf32>,
      %mul3A_525 = arith.mulf %get3A_524, %gather3A : vector<16xf32>
      %swap3A_526 = arith.index_cast %scan3A_504 : i32 to index
      %swap3A_527 = arith.constant 32 : index
      %swap3A_528 = tpu.vector_load %arg15[%swap3A_526, %swap3A_527] {strides = array<i32>} : memref<64x128xf32, #tpu.memory_space<vmem>>, vector<16xf32>,
      tpu.vector_store %arg15[%swap3A_526, %swap3A_527], %mul3A_525 {strides = array<i32>} : memref<64x128xf32, #tpu.memory_space<vmem>>, vector<16xf32>,
      %get3A_529 = arith.index_cast %scan3A_504 : i32 to index
      %get3A_530 = arith.constant 48 : index
      %get3A_531 = tpu.vector_load %arg15[%get3A_529, %get3A_530] {strides = array<i32>} : memref<64x128xf32, #tpu.memory_space<vmem>>, vector<16xf32>,
      %mul3A_532 = arith.mulf %get3A_531, %gather3A : vector<16xf32>
      %swap3A_533 = arith.index_cast %scan3A_504 : i32 to index
      %swap3A_534 = arith.constant 48 : index
      %swap3A_535 = tpu.vector_load %arg15[%swap3A_533, %swap3A_534] {strides = array<i32>} : memref<64x128xf32, #tpu.memory_space<vmem>>, vector<16xf32>,
      tpu.vector_store %arg15[%swap3A_533, %swap3A_534], %mul3A_532 {strides = array<i32>} : memref<64x128xf32, #tpu.memory_space<vmem>>, vector<16xf32>,
      %get3A_536 = arith.index_cast %scan3A_504 : i32 to index
      %get3A_537 = arith.constant 64 : index
      %get3A_538 = tpu.vector_load %arg15[%get3A_536, %get3A_537] {strides = array<i32>} : memref<64x128xf32, #tpu.memory_space<vmem>>, vector<16xf32>,
      %mul3A_539 = arith.mulf %get3A_538, %gather3A : vector<16xf32>
      %swap3A_540 = arith.index_cast %scan3A_504 : i32 to index
      %swap3A_541 = arith.constant 64 : index
      %swap3A_542 = tpu.vector_load %arg15[%swap3A_540, %swap3A_541] {strides = array<i32>} : memref<64x128xf32, #tpu.memory_space<vmem>>, vector<16xf32>,
      tpu.vector_store %arg15[%swap3A_540, %swap3A_541], %mul3A_539 {strides = array<i32>} : memref<64x128xf32, #tpu.memory_space<vmem>>, vector<16xf32>,
      %get3A_543 = arith.index_cast %scan3A_504 : i32 to index
      %get3A_544 = arith.constant 80 : index
      %get3A_545 = tpu.vector_load %arg15[%get3A_543, %get3A_544] {strides = array<i32>} : memref<64x128xf32, #tpu.memory_space<vmem>>, vector<16xf32>,
      %mul3A_546 = arith.mulf %get3A_545, %gather3A : vector<16xf32>
      %swap3A_547 = arith.index_cast %scan3A_504 : i32 to index
      %swap3A_548 = arith.constant 80 : index
      %swap3A_549 = tpu.vector_load %arg15[%swap3A_547, %swap3A_548] {strides = array<i32>} : memref<64x128xf32, #tpu.memory_space<vmem>>, vector<16xf32>,
      tpu.vector_store %arg15[%swap3A_547, %swap3A_548], %mul3A_546 {strides = array<i32>} : memref<64x128xf32, #tpu.memory_space<vmem>>, vector<16xf32>,
      %get3A_550 = arith.index_cast %scan3A_504 : i32 to index
      %get3A_551 = arith.constant 96 : index
      %get3A_552 = tpu.vector_load %arg15[%get3A_550, %get3A_551] {strides = array<i32>} : memref<64x128xf32, #tpu.memory_space<vmem>>, vector<16xf32>,
      %mul3A_553 = arith.mulf %get3A_552, %gather3A : vector<16xf32>
      %swap3A_554 = arith.index_cast %scan3A_504 : i32 to index
      %swap3A_555 = arith.constant 96 : index
      %swap3A_556 = tpu.vector_load %arg15[%swap3A_554, %swap3A_555] {strides = array<i32>} : memref<64x128xf32, #tpu.memory_space<vmem>>, vector<16xf32>,
      tpu.vector_store %arg15[%swap3A_554, %swap3A_555], %mul3A_553 {strides = array<i32>} : memref<64x128xf32, #tpu.memory_space<vmem>>, vector<16xf32>,
      %get3A_557 = arith.index_cast %scan3A_504 : i32 to index
      %get3A_558 = arith.constant 112 : index
      %get3A_559 = tpu.vector_load %arg15[%get3A_557, %get3A_558] {strides = array<i32>} : memref<64x128xf32, #tpu.memory_space<vmem>>, vector<16xf32>,
      %mul3A_560 = arith.mulf %get3A_559, %gather3A : vector<16xf32>
      %swap3A_561 = arith.index_cast %scan3A_504 : i32 to index
      %swap3A_562 = arith.constant 112 : index
      %swap3A_563 = tpu.vector_load %arg15[%swap3A_561, %swap3A_562] {strides = array<i32>} : memref<64x128xf32, #tpu.memory_space<vmem>>, vector<16xf32>,
      tpu.vector_store %arg15[%swap3A_561, %swap3A_562], %mul3A_560 {strides = array<i32>} : memref<64x128xf32, #tpu.memory_space<vmem>>, vector<16xf32>,
      %scan3A_564 = arith.constant 0 : i32
      scf.yield %scan3A_564 : i32
    }
    %scan3A_136 = arith.constant 64 : i32
    %add3A_137 = arith.addi %mul3A_0, %multiple_of3A_129 : i32
    "tpu.region"() ({
      %run_scoped3A = tpu.sem_alloc : memref<!tpu.dma_semaphore, #tpu.memory_space<semaphore_mem>>
      %dma_start3A_504 = arith.constant 0 : i32
      %dma_start3A_505 = tpu.memref_slice %arg5[%add3A_137, %dma_start3A_504] : memref<20480x128xf32, #tpu.memory_space<hbm>> -> memref<64x128xf32, #tpu.memory_space<hbm>>
      %dma_start3A_506 = arith.constant 0 : i32
      %dma_start3A_507 = tpu.memref_slice %arg5[%add3A_137, %dma_start3A_506] : memref<20480x128xf32, #tpu.memory_space<hbm>> -> memref<64x128xf32, #tpu.memory_space<hbm>>
      tpu.enqueue_dma source(%arg15 : memref<64x128xf32, #tpu.memory_space<vmem>>) target(%dma_start3A_507 : memref<64x128xf32, #tpu.memory_space<hbm>>) target_semaphore(%run_scoped3A : memref<!tpu.dma_semaphore, #tpu.memory_space<semaphore_mem>>)
      %dma_wait3A = arith.constant 0 : i32
      %dma_wait3A_508 = tpu.memref_slice %arg5[%add3A_137, %dma_wait3A] : memref<20480x128xf32, #tpu.memory_space<hbm>> -> memref<64x128xf32, #tpu.memory_space<hbm>>
      %dma_wait3A_509 = arith.constant 0 : i32
      %dma_wait3A_510 = tpu.memref_slice %arg5[%add3A_137, %dma_wait3A_509] : memref<20480x128xf32, #tpu.memory_space<hbm>> -> memref<64x128xf32, #tpu.memory_space<hbm>>
      tpu.wait_dma2 semaphore(%run_scoped3A : memref<!tpu.dma_semaphore, #tpu.memory_space<semaphore_mem>>) src(%arg15 : memref<64x128xf32, #tpu.memory_space<vmem>>) dst(%dma_wait3A_510 : memref<64x128xf32, #tpu.memory_space<hbm>>)
      tpu.yield
    }) : () -> ()
    %add3A_138 = arith.constant 192 : i32
    %add3A_139 = arith.addi %mul3A_4, %add3A_138 : i32
    "tpu.region"() ({
      %run_scoped3A = tpu.sem_alloc : memref<!tpu.dma_semaphore, #tpu.memory_space<semaphore_mem>>
      %dma_start3A_504 = arith.constant 0 : i32
      %dma_start3A_505 = tpu.memref_slice %arg17[%add3A_139, %dma_start3A_504] : memref<10240x128xf32, #tpu.memory_space<vmem_shared>> -> memref<64x128xf32, #tpu.memory_space<vmem_shared>>
      %dma_start3A_506 = arith.constant 0 : i32
      %dma_start3A_507 = tpu.memref_slice %arg17[%add3A_139, %dma_start3A_506] : memref<10240x128xf32, #tpu.memory_space<vmem_shared>> -> memref<64x128xf32, #tpu.memory_space<vmem_shared>>
      tpu.enqueue_dma source(%arg14 : memref<64x128xf32, #tpu.memory_space<vmem>>) target(%dma_start3A_507 : memref<64x128xf32, #tpu.memory_space<vmem_shared>>) target_semaphore(%run_scoped3A : memref<!tpu.dma_semaphore, #tpu.memory_space<semaphore_mem>>)
      %dma_wait3A = arith.constant 0 : i32
      %dma_wait3A_508 = tpu.memref_slice %arg17[%add3A_139, %dma_wait3A] : memref<10240x128xf32, #tpu.memory_space<vmem_shared>> -> memref<64x128xf32, #tpu.memory_space<vmem_shared>>
      %dma_wait3A_509 = arith.constant 0 : i32
      %dma_wait3A_510 = tpu.memref_slice %arg17[%add3A_139, %dma_wait3A_509] : memref<10240x128xf32, #tpu.memory_space<vmem_shared>> -> memref<64x128xf32, #tpu.memory_space<vmem_shared>>
      tpu.wait_dma2 semaphore(%run_scoped3A : memref<!tpu.dma_semaphore, #tpu.memory_space<semaphore_mem>>) src(%arg14 : memref<64x128xf32, #tpu.memory_space<vmem>>) dst(%dma_wait3A_510 : memref<64x128xf32, #tpu.memory_space<vmem_shared>>)
      tpu.yield
    }) : () -> ()
    %add3A_140 = arith.constant 256 : i32
    %add3A_141 = arith.addi %mul3A_4, %add3A_140 : i32
    %min3A_142 = arith.constant 9936 : i32
    %min3A_143 = arith.minsi %add3A_141, %min3A_142 : i32
    %multiple_of3A_144 = tpu.assume_multiple %min3A_143, 16 : i32
    "tpu.region"() ({
      %run_scoped3A = tpu.sem_alloc : memref<!tpu.dma_semaphore, #tpu.memory_space<semaphore_mem>>
      %dma_start3A_504 = tpu.memref_slice %arg2[%multiple_of3A_144, %mul3A_2] : memref<10000x256xf32, #tpu.memory_space<hbm>> -> memref<64x128xf32, #tpu.memory_space<hbm>>
      %dma_start3A_505 = tpu.memref_slice %arg2[%multiple_of3A_144, %mul3A_2] : memref<10000x256xf32, #tpu.memory_space<hbm>> -> memref<64x128xf32, #tpu.memory_space<hbm>>
      tpu.enqueue_dma source(%dma_start3A_505 : memref<64x128xf32, #tpu.memory_space<hbm>>) target(%arg15 : memref<64x128xf32, #tpu.memory_space<vmem>>) target_semaphore(%run_scoped3A : memref<!tpu.dma_semaphore, #tpu.memory_space<semaphore_mem>>)
      %dma_wait3A = tpu.memref_slice %arg2[%multiple_of3A_144, %mul3A_2] : memref<10000x256xf32, #tpu.memory_space<hbm>> -> memref<64x128xf32, #tpu.memory_space<hbm>>
      %dma_wait3A_506 = tpu.memref_slice %arg2[%multiple_of3A_144, %mul3A_2] : memref<10000x256xf32, #tpu.memory_space<hbm>> -> memref<64x128xf32, #tpu.memory_space<hbm>>
      tpu.wait_dma2 semaphore(%run_scoped3A : memref<!tpu.dma_semaphore, #tpu.memory_space<semaphore_mem>>) src(%dma_wait3A_506 : memref<64x128xf32, #tpu.memory_space<hbm>>) dst(%arg15 : memref<64x128xf32, #tpu.memory_space<vmem>>)
      tpu.yield
    }) : () -> ()
    %scan3A_145 = arith.constant 0 : i32
    %scan3A_146 = arith.constant 0 : i32
    %scan3A_147 = arith.constant 64 : i32
    %scan3A_148 = arith.addi %scan3A_146, %scan3A_147 : i32
    %scan3A_149 = arith.constant 1 : i32
    %scan3A_150 = scf.for %scan3A_504 = %scan3A_146 to %scan3A_148 step %scan3A_149 iter_args(%scan3A_505 = %scan3A_145) -> (i32)  : i32 {
      %sub3A = arith.subi %multiple_of3A_144, %mul3A_4 : i32
      %add3A_506 = arith.addi %sub3A, %scan3A_504 : i32
      %broadcast_in_dim3A_507 = vector.broadcast %add3A_506 : i32 to vector<16xi32>
      %gather3A = tpu.vector_load_idx %arg8[%broadcast_in_dim3A_507] : memref<640xf32, #tpu.memory_space<vmem>>[vector<16xi32>], vector<16xf32>,
      %get3A_508 = arith.index_cast %scan3A_504 : i32 to index
      %get3A_509 = arith.constant 0 : index
      %get3A_510 = tpu.vector_load %arg15[%get3A_508, %get3A_509] {strides = array<i32>} : memref<64x128xf32, #tpu.memory_space<vmem>>, vector<16xf32>,
      %mul3A_511 = arith.mulf %get3A_510, %gather3A : vector<16xf32>
      %swap3A_512 = arith.index_cast %scan3A_504 : i32 to index
      %swap3A_513 = arith.constant 0 : index
      %swap3A_514 = tpu.vector_load %arg15[%swap3A_512, %swap3A_513] {strides = array<i32>} : memref<64x128xf32, #tpu.memory_space<vmem>>, vector<16xf32>,
      tpu.vector_store %arg15[%swap3A_512, %swap3A_513], %mul3A_511 {strides = array<i32>} : memref<64x128xf32, #tpu.memory_space<vmem>>, vector<16xf32>,
      %get3A_515 = arith.index_cast %scan3A_504 : i32 to index
      %get3A_516 = arith.constant 16 : index
      %get3A_517 = tpu.vector_load %arg15[%get3A_515, %get3A_516] {strides = array<i32>} : memref<64x128xf32, #tpu.memory_space<vmem>>, vector<16xf32>,
      %mul3A_518 = arith.mulf %get3A_517, %gather3A : vector<16xf32>
      %swap3A_519 = arith.index_cast %scan3A_504 : i32 to index
      %swap3A_520 = arith.constant 16 : index
      %swap3A_521 = tpu.vector_load %arg15[%swap3A_519, %swap3A_520] {strides = array<i32>} : memref<64x128xf32, #tpu.memory_space<vmem>>, vector<16xf32>,
      tpu.vector_store %arg15[%swap3A_519, %swap3A_520], %mul3A_518 {strides = array<i32>} : memref<64x128xf32, #tpu.memory_space<vmem>>, vector<16xf32>,
      %get3A_522 = arith.index_cast %scan3A_504 : i32 to index
      %get3A_523 = arith.constant 32 : index
      %get3A_524 = tpu.vector_load %arg15[%get3A_522, %get3A_523] {strides = array<i32>} : memref<64x128xf32, #tpu.memory_space<vmem>>, vector<16xf32>,
      %mul3A_525 = arith.mulf %get3A_524, %gather3A : vector<16xf32>
      %swap3A_526 = arith.index_cast %scan3A_504 : i32 to index
      %swap3A_527 = arith.constant 32 : index
      %swap3A_528 = tpu.vector_load %arg15[%swap3A_526, %swap3A_527] {strides = array<i32>} : memref<64x128xf32, #tpu.memory_space<vmem>>, vector<16xf32>,
      tpu.vector_store %arg15[%swap3A_526, %swap3A_527], %mul3A_525 {strides = array<i32>} : memref<64x128xf32, #tpu.memory_space<vmem>>, vector<16xf32>,
      %get3A_529 = arith.index_cast %scan3A_504 : i32 to index
      %get3A_530 = arith.constant 48 : index
      %get3A_531 = tpu.vector_load %arg15[%get3A_529, %get3A_530] {strides = array<i32>} : memref<64x128xf32, #tpu.memory_space<vmem>>, vector<16xf32>,
      %mul3A_532 = arith.mulf %get3A_531, %gather3A : vector<16xf32>
      %swap3A_533 = arith.index_cast %scan3A_504 : i32 to index
      %swap3A_534 = arith.constant 48 : index
      %swap3A_535 = tpu.vector_load %arg15[%swap3A_533, %swap3A_534] {strides = array<i32>} : memref<64x128xf32, #tpu.memory_space<vmem>>, vector<16xf32>,
      tpu.vector_store %arg15[%swap3A_533, %swap3A_534], %mul3A_532 {strides = array<i32>} : memref<64x128xf32, #tpu.memory_space<vmem>>, vector<16xf32>,
      %get3A_536 = arith.index_cast %scan3A_504 : i32 to index
      %get3A_537 = arith.constant 64 : index
      %get3A_538 = tpu.vector_load %arg15[%get3A_536, %get3A_537] {strides = array<i32>} : memref<64x128xf32, #tpu.memory_space<vmem>>, vector<16xf32>,
      %mul3A_539 = arith.mulf %get3A_538, %gather3A : vector<16xf32>
      %swap3A_540 = arith.index_cast %scan3A_504 : i32 to index
      %swap3A_541 = arith.constant 64 : index
      %swap3A_542 = tpu.vector_load %arg15[%swap3A_540, %swap3A_541] {strides = array<i32>} : memref<64x128xf32, #tpu.memory_space<vmem>>, vector<16xf32>,
      tpu.vector_store %arg15[%swap3A_540, %swap3A_541], %mul3A_539 {strides = array<i32>} : memref<64x128xf32, #tpu.memory_space<vmem>>, vector<16xf32>,
      %get3A_543 = arith.index_cast %scan3A_504 : i32 to index
      %get3A_544 = arith.constant 80 : index
      %get3A_545 = tpu.vector_load %arg15[%get3A_543, %get3A_544] {strides = array<i32>} : memref<64x128xf32, #tpu.memory_space<vmem>>, vector<16xf32>,
      %mul3A_546 = arith.mulf %get3A_545, %gather3A : vector<16xf32>
      %swap3A_547 = arith.index_cast %scan3A_504 : i32 to index
      %swap3A_548 = arith.constant 80 : index
      %swap3A_549 = tpu.vector_load %arg15[%swap3A_547, %swap3A_548] {strides = array<i32>} : memref<64x128xf32, #tpu.memory_space<vmem>>, vector<16xf32>,
      tpu.vector_store %arg15[%swap3A_547, %swap3A_548], %mul3A_546 {strides = array<i32>} : memref<64x128xf32, #tpu.memory_space<vmem>>, vector<16xf32>,
      %get3A_550 = arith.index_cast %scan3A_504 : i32 to index
      %get3A_551 = arith.constant 96 : index
      %get3A_552 = tpu.vector_load %arg15[%get3A_550, %get3A_551] {strides = array<i32>} : memref<64x128xf32, #tpu.memory_space<vmem>>, vector<16xf32>,
      %mul3A_553 = arith.mulf %get3A_552, %gather3A : vector<16xf32>
      %swap3A_554 = arith.index_cast %scan3A_504 : i32 to index
      %swap3A_555 = arith.constant 96 : index
      %swap3A_556 = tpu.vector_load %arg15[%swap3A_554, %swap3A_555] {strides = array<i32>} : memref<64x128xf32, #tpu.memory_space<vmem>>, vector<16xf32>,
      tpu.vector_store %arg15[%swap3A_554, %swap3A_555], %mul3A_553 {strides = array<i32>} : memref<64x128xf32, #tpu.memory_space<vmem>>, vector<16xf32>,
      %get3A_557 = arith.index_cast %scan3A_504 : i32 to index
      %get3A_558 = arith.constant 112 : index
      %get3A_559 = tpu.vector_load %arg15[%get3A_557, %get3A_558] {strides = array<i32>} : memref<64x128xf32, #tpu.memory_space<vmem>>, vector<16xf32>,
      %mul3A_560 = arith.mulf %get3A_559, %gather3A : vector<16xf32>
      %swap3A_561 = arith.index_cast %scan3A_504 : i32 to index
      %swap3A_562 = arith.constant 112 : index
      %swap3A_563 = tpu.vector_load %arg15[%swap3A_561, %swap3A_562] {strides = array<i32>} : memref<64x128xf32, #tpu.memory_space<vmem>>, vector<16xf32>,
      tpu.vector_store %arg15[%swap3A_561, %swap3A_562], %mul3A_560 {strides = array<i32>} : memref<64x128xf32, #tpu.memory_space<vmem>>, vector<16xf32>,
      %scan3A_564 = arith.constant 0 : i32
      scf.yield %scan3A_564 : i32
    }
    %scan3A_151 = arith.constant 64 : i32
    %add3A_152 = arith.addi %mul3A_0, %multiple_of3A_144 : i32
    "tpu.region"() ({
      %run_scoped3A = tpu.sem_alloc : memref<!tpu.dma_semaphore, #tpu.memory_space<semaphore_mem>>
      %dma_start3A_504 = arith.constant 0 : i32
      %dma_start3A_505 = tpu.memref_slice %arg5[%add3A_152, %dma_start3A_504] : memref<20480x128xf32, #tpu.memory_space<hbm>> -> memref<64x128xf32, #tpu.memory_space<hbm>>
      %dma_start3A_506 = arith.constant 0 : i32
      %dma_start3A_507 = tpu.memref_slice %arg5[%add3A_152, %dma_start3A_506] : memref<20480x128xf32, #tpu.memory_space<hbm>> -> memref<64x128xf32, #tpu.memory_space<hbm>>
      tpu.enqueue_dma source(%arg15 : memref<64x128xf32, #tpu.memory_space<vmem>>) target(%dma_start3A_507 : memref<64x128xf32, #tpu.memory_space<hbm>>) target_semaphore(%run_scoped3A : memref<!tpu.dma_semaphore, #tpu.memory_space<semaphore_mem>>)
      %dma_wait3A = arith.constant 0 : i32
      %dma_wait3A_508 = tpu.memref_slice %arg5[%add3A_152, %dma_wait3A] : memref<20480x128xf32, #tpu.memory_space<hbm>> -> memref<64x128xf32, #tpu.memory_space<hbm>>
      %dma_wait3A_509 = arith.constant 0 : i32
      %dma_wait3A_510 = tpu.memref_slice %arg5[%add3A_152, %dma_wait3A_509] : memref<20480x128xf32, #tpu.memory_space<hbm>> -> memref<64x128xf32, #tpu.memory_space<hbm>>
      tpu.wait_dma2 semaphore(%run_scoped3A : memref<!tpu.dma_semaphore, #tpu.memory_space<semaphore_mem>>) src(%arg15 : memref<64x128xf32, #tpu.memory_space<vmem>>) dst(%dma_wait3A_510 : memref<64x128xf32, #tpu.memory_space<hbm>>)
      tpu.yield
    }) : () -> ()
    %add3A_153 = arith.constant 256 : i32
    %add3A_154 = arith.addi %mul3A_4, %add3A_153 : i32
    "tpu.region"() ({
      %run_scoped3A = tpu.sem_alloc : memref<!tpu.dma_semaphore, #tpu.memory_space<semaphore_mem>>
      %dma_start3A_504 = arith.constant 0 : i32
      %dma_start3A_505 = tpu.memref_slice %arg17[%add3A_154, %dma_start3A_504] : memref<10240x128xf32, #tpu.memory_space<vmem_shared>> -> memref<64x128xf32, #tpu.memory_space<vmem_shared>>
      %dma_start3A_506 = arith.constant 0 : i32
      %dma_start3A_507 = tpu.memref_slice %arg17[%add3A_154, %dma_start3A_506] : memref<10240x128xf32, #tpu.memory_space<vmem_shared>> -> memref<64x128xf32, #tpu.memory_space<vmem_shared>>
      tpu.enqueue_dma source(%arg14 : memref<64x128xf32, #tpu.memory_space<vmem>>) target(%dma_start3A_507 : memref<64x128xf32, #tpu.memory_space<vmem_shared>>) target_semaphore(%run_scoped3A : memref<!tpu.dma_semaphore, #tpu.memory_space<semaphore_mem>>)
      %dma_wait3A = arith.constant 0 : i32
      %dma_wait3A_508 = tpu.memref_slice %arg17[%add3A_154, %dma_wait3A] : memref<10240x128xf32, #tpu.memory_space<vmem_shared>> -> memref<64x128xf32, #tpu.memory_space<vmem_shared>>
      %dma_wait3A_509 = arith.constant 0 : i32
      %dma_wait3A_510 = tpu.memref_slice %arg17[%add3A_154, %dma_wait3A_509] : memref<10240x128xf32, #tpu.memory_space<vmem_shared>> -> memref<64x128xf32, #tpu.memory_space<vmem_shared>>
      tpu.wait_dma2 semaphore(%run_scoped3A : memref<!tpu.dma_semaphore, #tpu.memory_space<semaphore_mem>>) src(%arg14 : memref<64x128xf32, #tpu.memory_space<vmem>>) dst(%dma_wait3A_510 : memref<64x128xf32, #tpu.memory_space<vmem_shared>>)
      tpu.yield
    }) : () -> ()
    %add3A_155 = arith.constant 320 : i32
    %add3A_156 = arith.addi %mul3A_4, %add3A_155 : i32
    %min3A_157 = arith.constant 9936 : i32
    %min3A_158 = arith.minsi %add3A_156, %min3A_157 : i32
    %multiple_of3A_159 = tpu.assume_multiple %min3A_158, 16 : i32
    "tpu.region"() ({
      %run_scoped3A = tpu.sem_alloc : memref<!tpu.dma_semaphore, #tpu.memory_space<semaphore_mem>>
      %dma_start3A_504 = tpu.memref_slice %arg2[%multiple_of3A_159, %mul3A_2] : memref<10000x256xf32, #tpu.memory_space<hbm>> -> memref<64x128xf32, #tpu.memory_space<hbm>>
      %dma_start3A_505 = tpu.memref_slice %arg2[%multiple_of3A_159, %mul3A_2] : memref<10000x256xf32, #tpu.memory_space<hbm>> -> memref<64x128xf32, #tpu.memory_space<hbm>>
      tpu.enqueue_dma source(%dma_start3A_505 : memref<64x128xf32, #tpu.memory_space<hbm>>) target(%arg15 : memref<64x128xf32, #tpu.memory_space<vmem>>) target_semaphore(%run_scoped3A : memref<!tpu.dma_semaphore, #tpu.memory_space<semaphore_mem>>)
      %dma_wait3A = tpu.memref_slice %arg2[%multiple_of3A_159, %mul3A_2] : memref<10000x256xf32, #tpu.memory_space<hbm>> -> memref<64x128xf32, #tpu.memory_space<hbm>>
      %dma_wait3A_506 = tpu.memref_slice %arg2[%multiple_of3A_159, %mul3A_2] : memref<10000x256xf32, #tpu.memory_space<hbm>> -> memref<64x128xf32, #tpu.memory_space<hbm>>
      tpu.wait_dma2 semaphore(%run_scoped3A : memref<!tpu.dma_semaphore, #tpu.memory_space<semaphore_mem>>) src(%dma_wait3A_506 : memref<64x128xf32, #tpu.memory_space<hbm>>) dst(%arg15 : memref<64x128xf32, #tpu.memory_space<vmem>>)
      tpu.yield
    }) : () -> ()
    %scan3A_160 = arith.constant 0 : i32
    %scan3A_161 = arith.constant 0 : i32
    %scan3A_162 = arith.constant 64 : i32
    %scan3A_163 = arith.addi %scan3A_161, %scan3A_162 : i32
    %scan3A_164 = arith.constant 1 : i32
    %scan3A_165 = scf.for %scan3A_504 = %scan3A_161 to %scan3A_163 step %scan3A_164 iter_args(%scan3A_505 = %scan3A_160) -> (i32)  : i32 {
      %sub3A = arith.subi %multiple_of3A_159, %mul3A_4 : i32
      %add3A_506 = arith.addi %sub3A, %scan3A_504 : i32
      %broadcast_in_dim3A_507 = vector.broadcast %add3A_506 : i32 to vector<16xi32>
      %gather3A = tpu.vector_load_idx %arg8[%broadcast_in_dim3A_507] : memref<640xf32, #tpu.memory_space<vmem>>[vector<16xi32>], vector<16xf32>,
      %get3A_508 = arith.index_cast %scan3A_504 : i32 to index
      %get3A_509 = arith.constant 0 : index
      %get3A_510 = tpu.vector_load %arg15[%get3A_508, %get3A_509] {strides = array<i32>} : memref<64x128xf32, #tpu.memory_space<vmem>>, vector<16xf32>,
      %mul3A_511 = arith.mulf %get3A_510, %gather3A : vector<16xf32>
      %swap3A_512 = arith.index_cast %scan3A_504 : i32 to index
      %swap3A_513 = arith.constant 0 : index
      %swap3A_514 = tpu.vector_load %arg15[%swap3A_512, %swap3A_513] {strides = array<i32>} : memref<64x128xf32, #tpu.memory_space<vmem>>, vector<16xf32>,
      tpu.vector_store %arg15[%swap3A_512, %swap3A_513], %mul3A_511 {strides = array<i32>} : memref<64x128xf32, #tpu.memory_space<vmem>>, vector<16xf32>,
      %get3A_515 = arith.index_cast %scan3A_504 : i32 to index
      %get3A_516 = arith.constant 16 : index
      %get3A_517 = tpu.vector_load %arg15[%get3A_515, %get3A_516] {strides = array<i32>} : memref<64x128xf32, #tpu.memory_space<vmem>>, vector<16xf32>,
      %mul3A_518 = arith.mulf %get3A_517, %gather3A : vector<16xf32>
      %swap3A_519 = arith.index_cast %scan3A_504 : i32 to index
      %swap3A_520 = arith.constant 16 : index
      %swap3A_521 = tpu.vector_load %arg15[%swap3A_519, %swap3A_520] {strides = array<i32>} : memref<64x128xf32, #tpu.memory_space<vmem>>, vector<16xf32>,
      tpu.vector_store %arg15[%swap3A_519, %swap3A_520], %mul3A_518 {strides = array<i32>} : memref<64x128xf32, #tpu.memory_space<vmem>>, vector<16xf32>,
      %get3A_522 = arith.index_cast %scan3A_504 : i32 to index
      %get3A_523 = arith.constant 32 : index
      %get3A_524 = tpu.vector_load %arg15[%get3A_522, %get3A_523] {strides = array<i32>} : memref<64x128xf32, #tpu.memory_space<vmem>>, vector<16xf32>,
      %mul3A_525 = arith.mulf %get3A_524, %gather3A : vector<16xf32>
      %swap3A_526 = arith.index_cast %scan3A_504 : i32 to index
      %swap3A_527 = arith.constant 32 : index
      %swap3A_528 = tpu.vector_load %arg15[%swap3A_526, %swap3A_527] {strides = array<i32>} : memref<64x128xf32, #tpu.memory_space<vmem>>, vector<16xf32>,
      tpu.vector_store %arg15[%swap3A_526, %swap3A_527], %mul3A_525 {strides = array<i32>} : memref<64x128xf32, #tpu.memory_space<vmem>>, vector<16xf32>,
      %get3A_529 = arith.index_cast %scan3A_504 : i32 to index
      %get3A_530 = arith.constant 48 : index
      %get3A_531 = tpu.vector_load %arg15[%get3A_529, %get3A_530] {strides = array<i32>} : memref<64x128xf32, #tpu.memory_space<vmem>>, vector<16xf32>,
      %mul3A_532 = arith.mulf %get3A_531, %gather3A : vector<16xf32>
      %swap3A_533 = arith.index_cast %scan3A_504 : i32 to index
      %swap3A_534 = arith.constant 48 : index
      %swap3A_535 = tpu.vector_load %arg15[%swap3A_533, %swap3A_534] {strides = array<i32>} : memref<64x128xf32, #tpu.memory_space<vmem>>, vector<16xf32>,
      tpu.vector_store %arg15[%swap3A_533, %swap3A_534], %mul3A_532 {strides = array<i32>} : memref<64x128xf32, #tpu.memory_space<vmem>>, vector<16xf32>,
      %get3A_536 = arith.index_cast %scan3A_504 : i32 to index
      %get3A_537 = arith.constant 64 : index
      %get3A_538 = tpu.vector_load %arg15[%get3A_536, %get3A_537] {strides = array<i32>} : memref<64x128xf32, #tpu.memory_space<vmem>>, vector<16xf32>,
      %mul3A_539 = arith.mulf %get3A_538, %gather3A : vector<16xf32>
      %swap3A_540 = arith.index_cast %scan3A_504 : i32 to index
      %swap3A_541 = arith.constant 64 : index
      %swap3A_542 = tpu.vector_load %arg15[%swap3A_540, %swap3A_541] {strides = array<i32>} : memref<64x128xf32, #tpu.memory_space<vmem>>, vector<16xf32>,
      tpu.vector_store %arg15[%swap3A_540, %swap3A_541], %mul3A_539 {strides = array<i32>} : memref<64x128xf32, #tpu.memory_space<vmem>>, vector<16xf32>,
      %get3A_543 = arith.index_cast %scan3A_504 : i32 to index
      %get3A_544 = arith.constant 80 : index
      %get3A_545 = tpu.vector_load %arg15[%get3A_543, %get3A_544] {strides = array<i32>} : memref<64x128xf32, #tpu.memory_space<vmem>>, vector<16xf32>,
      %mul3A_546 = arith.mulf %get3A_545, %gather3A : vector<16xf32>
      %swap3A_547 = arith.index_cast %scan3A_504 : i32 to index
      %swap3A_548 = arith.constant 80 : index
      %swap3A_549 = tpu.vector_load %arg15[%swap3A_547, %swap3A_548] {strides = array<i32>} : memref<64x128xf32, #tpu.memory_space<vmem>>, vector<16xf32>,
      tpu.vector_store %arg15[%swap3A_547, %swap3A_548], %mul3A_546 {strides = array<i32>} : memref<64x128xf32, #tpu.memory_space<vmem>>, vector<16xf32>,
      %get3A_550 = arith.index_cast %scan3A_504 : i32 to index
      %get3A_551 = arith.constant 96 : index
      %get3A_552 = tpu.vector_load %arg15[%get3A_550, %get3A_551] {strides = array<i32>} : memref<64x128xf32, #tpu.memory_space<vmem>>, vector<16xf32>,
      %mul3A_553 = arith.mulf %get3A_552, %gather3A : vector<16xf32>
      %swap3A_554 = arith.index_cast %scan3A_504 : i32 to index
      %swap3A_555 = arith.constant 96 : index
      %swap3A_556 = tpu.vector_load %arg15[%swap3A_554, %swap3A_555] {strides = array<i32>} : memref<64x128xf32, #tpu.memory_space<vmem>>, vector<16xf32>,
      tpu.vector_store %arg15[%swap3A_554, %swap3A_555], %mul3A_553 {strides = array<i32>} : memref<64x128xf32, #tpu.memory_space<vmem>>, vector<16xf32>,
      %get3A_557 = arith.index_cast %scan3A_504 : i32 to index
      %get3A_558 = arith.constant 112 : index
      %get3A_559 = tpu.vector_load %arg15[%get3A_557, %get3A_558] {strides = array<i32>} : memref<64x128xf32, #tpu.memory_space<vmem>>, vector<16xf32>,
      %mul3A_560 = arith.mulf %get3A_559, %gather3A : vector<16xf32>
      %swap3A_561 = arith.index_cast %scan3A_504 : i32 to index
      %swap3A_562 = arith.constant 112 : index
      %swap3A_563 = tpu.vector_load %arg15[%swap3A_561, %swap3A_562] {strides = array<i32>} : memref<64x128xf32, #tpu.memory_space<vmem>>, vector<16xf32>,
      tpu.vector_store %arg15[%swap3A_561, %swap3A_562], %mul3A_560 {strides = array<i32>} : memref<64x128xf32, #tpu.memory_space<vmem>>, vector<16xf32>,
      %scan3A_564 = arith.constant 0 : i32
      scf.yield %scan3A_564 : i32
    }
    %scan3A_166 = arith.constant 64 : i32
    %add3A_167 = arith.addi %mul3A_0, %multiple_of3A_159 : i32
    "tpu.region"() ({
      %run_scoped3A = tpu.sem_alloc : memref<!tpu.dma_semaphore, #tpu.memory_space<semaphore_mem>>
      %dma_start3A_504 = arith.constant 0 : i32
      %dma_start3A_505 = tpu.memref_slice %arg5[%add3A_167, %dma_start3A_504] : memref<20480x128xf32, #tpu.memory_space<hbm>> -> memref<64x128xf32, #tpu.memory_space<hbm>>
      %dma_start3A_506 = arith.constant 0 : i32
      %dma_start3A_507 = tpu.memref_slice %arg5[%add3A_167, %dma_start3A_506] : memref<20480x128xf32, #tpu.memory_space<hbm>> -> memref<64x128xf32, #tpu.memory_space<hbm>>
      tpu.enqueue_dma source(%arg15 : memref<64x128xf32, #tpu.memory_space<vmem>>) target(%dma_start3A_507 : memref<64x128xf32, #tpu.memory_space<hbm>>) target_semaphore(%run_scoped3A : memref<!tpu.dma_semaphore, #tpu.memory_space<semaphore_mem>>)
      %dma_wait3A = arith.constant 0 : i32
      %dma_wait3A_508 = tpu.memref_slice %arg5[%add3A_167, %dma_wait3A] : memref<20480x128xf32, #tpu.memory_space<hbm>> -> memref<64x128xf32, #tpu.memory_space<hbm>>
      %dma_wait3A_509 = arith.constant 0 : i32
      %dma_wait3A_510 = tpu.memref_slice %arg5[%add3A_167, %dma_wait3A_509] : memref<20480x128xf32, #tpu.memory_space<hbm>> -> memref<64x128xf32, #tpu.memory_space<hbm>>
      tpu.wait_dma2 semaphore(%run_scoped3A : memref<!tpu.dma_semaphore, #tpu.memory_space<semaphore_mem>>) src(%arg15 : memref<64x128xf32, #tpu.memory_space<vmem>>) dst(%dma_wait3A_510 : memref<64x128xf32, #tpu.memory_space<hbm>>)
      tpu.yield
    }) : () -> ()
    %add3A_168 = arith.constant 320 : i32
    %add3A_169 = arith.addi %mul3A_4, %add3A_168 : i32
    "tpu.region"() ({
      %run_scoped3A = tpu.sem_alloc : memref<!tpu.dma_semaphore, #tpu.memory_space<semaphore_mem>>
      %dma_start3A_504 = arith.constant 0 : i32
      %dma_start3A_505 = tpu.memref_slice %arg17[%add3A_169, %dma_start3A_504] : memref<10240x128xf32, #tpu.memory_space<vmem_shared>> -> memref<64x128xf32, #tpu.memory_space<vmem_shared>>
      %dma_start3A_506 = arith.constant 0 : i32
      %dma_start3A_507 = tpu.memref_slice %arg17[%add3A_169, %dma_start3A_506] : memref<10240x128xf32, #tpu.memory_space<vmem_shared>> -> memref<64x128xf32, #tpu.memory_space<vmem_shared>>
      tpu.enqueue_dma source(%arg14 : memref<64x128xf32, #tpu.memory_space<vmem>>) target(%dma_start3A_507 : memref<64x128xf32, #tpu.memory_space<vmem_shared>>) target_semaphore(%run_scoped3A : memref<!tpu.dma_semaphore, #tpu.memory_space<semaphore_mem>>)
      %dma_wait3A = arith.constant 0 : i32
      %dma_wait3A_508 = tpu.memref_slice %arg17[%add3A_169, %dma_wait3A] : memref<10240x128xf32, #tpu.memory_space<vmem_shared>> -> memref<64x128xf32, #tpu.memory_space<vmem_shared>>
      %dma_wait3A_509 = arith.constant 0 : i32
      %dma_wait3A_510 = tpu.memref_slice %arg17[%add3A_169, %dma_wait3A_509] : memref<10240x128xf32, #tpu.memory_space<vmem_shared>> -> memref<64x128xf32, #tpu.memory_space<vmem_shared>>
      tpu.wait_dma2 semaphore(%run_scoped3A : memref<!tpu.dma_semaphore, #tpu.memory_space<semaphore_mem>>) src(%arg14 : memref<64x128xf32, #tpu.memory_space<vmem>>) dst(%dma_wait3A_510 : memref<64x128xf32, #tpu.memory_space<vmem_shared>>)
      tpu.yield
    }) : () -> ()
    %add3A_170 = arith.constant 384 : i32
    %add3A_171 = arith.addi %mul3A_4, %add3A_170 : i32
    %min3A_172 = arith.constant 9936 : i32
    %min3A_173 = arith.minsi %add3A_171, %min3A_172 : i32
    %multiple_of3A_174 = tpu.assume_multiple %min3A_173, 16 : i32
    "tpu.region"() ({
      %run_scoped3A = tpu.sem_alloc : memref<!tpu.dma_semaphore, #tpu.memory_space<semaphore_mem>>
      %dma_start3A_504 = tpu.memref_slice %arg2[%multiple_of3A_174, %mul3A_2] : memref<10000x256xf32, #tpu.memory_space<hbm>> -> memref<64x128xf32, #tpu.memory_space<hbm>>
      %dma_start3A_505 = tpu.memref_slice %arg2[%multiple_of3A_174, %mul3A_2] : memref<10000x256xf32, #tpu.memory_space<hbm>> -> memref<64x128xf32, #tpu.memory_space<hbm>>
      tpu.enqueue_dma source(%dma_start3A_505 : memref<64x128xf32, #tpu.memory_space<hbm>>) target(%arg15 : memref<64x128xf32, #tpu.memory_space<vmem>>) target_semaphore(%run_scoped3A : memref<!tpu.dma_semaphore, #tpu.memory_space<semaphore_mem>>)
      %dma_wait3A = tpu.memref_slice %arg2[%multiple_of3A_174, %mul3A_2] : memref<10000x256xf32, #tpu.memory_space<hbm>> -> memref<64x128xf32, #tpu.memory_space<hbm>>
      %dma_wait3A_506 = tpu.memref_slice %arg2[%multiple_of3A_174, %mul3A_2] : memref<10000x256xf32, #tpu.memory_space<hbm>> -> memref<64x128xf32, #tpu.memory_space<hbm>>
      tpu.wait_dma2 semaphore(%run_scoped3A : memref<!tpu.dma_semaphore, #tpu.memory_space<semaphore_mem>>) src(%dma_wait3A_506 : memref<64x128xf32, #tpu.memory_space<hbm>>) dst(%arg15 : memref<64x128xf32, #tpu.memory_space<vmem>>)
      tpu.yield
    }) : () -> ()
    %scan3A_175 = arith.constant 0 : i32
    %scan3A_176 = arith.constant 0 : i32
    %scan3A_177 = arith.constant 64 : i32
    %scan3A_178 = arith.addi %scan3A_176, %scan3A_177 : i32
    %scan3A_179 = arith.constant 1 : i32
    %scan3A_180 = scf.for %scan3A_504 = %scan3A_176 to %scan3A_178 step %scan3A_179 iter_args(%scan3A_505 = %scan3A_175) -> (i32)  : i32 {
      %sub3A = arith.subi %multiple_of3A_174, %mul3A_4 : i32
      %add3A_506 = arith.addi %sub3A, %scan3A_504 : i32
      %broadcast_in_dim3A_507 = vector.broadcast %add3A_506 : i32 to vector<16xi32>
      %gather3A = tpu.vector_load_idx %arg8[%broadcast_in_dim3A_507] : memref<640xf32, #tpu.memory_space<vmem>>[vector<16xi32>], vector<16xf32>,
      %get3A_508 = arith.index_cast %scan3A_504 : i32 to index
      %get3A_509 = arith.constant 0 : index
      %get3A_510 = tpu.vector_load %arg15[%get3A_508, %get3A_509] {strides = array<i32>} : memref<64x128xf32, #tpu.memory_space<vmem>>, vector<16xf32>,
      %mul3A_511 = arith.mulf %get3A_510, %gather3A : vector<16xf32>
      %swap3A_512 = arith.index_cast %scan3A_504 : i32 to index
      %swap3A_513 = arith.constant 0 : index
      %swap3A_514 = tpu.vector_load %arg15[%swap3A_512, %swap3A_513] {strides = array<i32>} : memref<64x128xf32, #tpu.memory_space<vmem>>, vector<16xf32>,
      tpu.vector_store %arg15[%swap3A_512, %swap3A_513], %mul3A_511 {strides = array<i32>} : memref<64x128xf32, #tpu.memory_space<vmem>>, vector<16xf32>,
      %get3A_515 = arith.index_cast %scan3A_504 : i32 to index
      %get3A_516 = arith.constant 16 : index
      %get3A_517 = tpu.vector_load %arg15[%get3A_515, %get3A_516] {strides = array<i32>} : memref<64x128xf32, #tpu.memory_space<vmem>>, vector<16xf32>,
      %mul3A_518 = arith.mulf %get3A_517, %gather3A : vector<16xf32>
      %swap3A_519 = arith.index_cast %scan3A_504 : i32 to index
      %swap3A_520 = arith.constant 16 : index
      %swap3A_521 = tpu.vector_load %arg15[%swap3A_519, %swap3A_520] {strides = array<i32>} : memref<64x128xf32, #tpu.memory_space<vmem>>, vector<16xf32>,
      tpu.vector_store %arg15[%swap3A_519, %swap3A_520], %mul3A_518 {strides = array<i32>} : memref<64x128xf32, #tpu.memory_space<vmem>>, vector<16xf32>,
      %get3A_522 = arith.index_cast %scan3A_504 : i32 to index
      %get3A_523 = arith.constant 32 : index
      %get3A_524 = tpu.vector_load %arg15[%get3A_522, %get3A_523] {strides = array<i32>} : memref<64x128xf32, #tpu.memory_space<vmem>>, vector<16xf32>,
      %mul3A_525 = arith.mulf %get3A_524, %gather3A : vector<16xf32>
      %swap3A_526 = arith.index_cast %scan3A_504 : i32 to index
      %swap3A_527 = arith.constant 32 : index
      %swap3A_528 = tpu.vector_load %arg15[%swap3A_526, %swap3A_527] {strides = array<i32>} : memref<64x128xf32, #tpu.memory_space<vmem>>, vector<16xf32>,
      tpu.vector_store %arg15[%swap3A_526, %swap3A_527], %mul3A_525 {strides = array<i32>} : memref<64x128xf32, #tpu.memory_space<vmem>>, vector<16xf32>,
      %get3A_529 = arith.index_cast %scan3A_504 : i32 to index
      %get3A_530 = arith.constant 48 : index
      %get3A_531 = tpu.vector_load %arg15[%get3A_529, %get3A_530] {strides = array<i32>} : memref<64x128xf32, #tpu.memory_space<vmem>>, vector<16xf32>,
      %mul3A_532 = arith.mulf %get3A_531, %gather3A : vector<16xf32>
      %swap3A_533 = arith.index_cast %scan3A_504 : i32 to index
      %swap3A_534 = arith.constant 48 : index
      %swap3A_535 = tpu.vector_load %arg15[%swap3A_533, %swap3A_534] {strides = array<i32>} : memref<64x128xf32, #tpu.memory_space<vmem>>, vector<16xf32>,
      tpu.vector_store %arg15[%swap3A_533, %swap3A_534], %mul3A_532 {strides = array<i32>} : memref<64x128xf32, #tpu.memory_space<vmem>>, vector<16xf32>,
      %get3A_536 = arith.index_cast %scan3A_504 : i32 to index
      %get3A_537 = arith.constant 64 : index
      %get3A_538 = tpu.vector_load %arg15[%get3A_536, %get3A_537] {strides = array<i32>} : memref<64x128xf32, #tpu.memory_space<vmem>>, vector<16xf32>,
      %mul3A_539 = arith.mulf %get3A_538, %gather3A : vector<16xf32>
      %swap3A_540 = arith.index_cast %scan3A_504 : i32 to index
      %swap3A_541 = arith.constant 64 : index
      %swap3A_542 = tpu.vector_load %arg15[%swap3A_540, %swap3A_541] {strides = array<i32>} : memref<64x128xf32, #tpu.memory_space<vmem>>, vector<16xf32>,
      tpu.vector_store %arg15[%swap3A_540, %swap3A_541], %mul3A_539 {strides = array<i32>} : memref<64x128xf32, #tpu.memory_space<vmem>>, vector<16xf32>,
      %get3A_543 = arith.index_cast %scan3A_504 : i32 to index
      %get3A_544 = arith.constant 80 : index
      %get3A_545 = tpu.vector_load %arg15[%get3A_543, %get3A_544] {strides = array<i32>} : memref<64x128xf32, #tpu.memory_space<vmem>>, vector<16xf32>,
      %mul3A_546 = arith.mulf %get3A_545, %gather3A : vector<16xf32>
      %swap3A_547 = arith.index_cast %scan3A_504 : i32 to index
      %swap3A_548 = arith.constant 80 : index
      %swap3A_549 = tpu.vector_load %arg15[%swap3A_547, %swap3A_548] {strides = array<i32>} : memref<64x128xf32, #tpu.memory_space<vmem>>, vector<16xf32>,
      tpu.vector_store %arg15[%swap3A_547, %swap3A_548], %mul3A_546 {strides = array<i32>} : memref<64x128xf32, #tpu.memory_space<vmem>>, vector<16xf32>,
      %get3A_550 = arith.index_cast %scan3A_504 : i32 to index
      %get3A_551 = arith.constant 96 : index
      %get3A_552 = tpu.vector_load %arg15[%get3A_550, %get3A_551] {strides = array<i32>} : memref<64x128xf32, #tpu.memory_space<vmem>>, vector<16xf32>,
      %mul3A_553 = arith.mulf %get3A_552, %gather3A : vector<16xf32>
      %swap3A_554 = arith.index_cast %scan3A_504 : i32 to index
      %swap3A_555 = arith.constant 96 : index
      %swap3A_556 = tpu.vector_load %arg15[%swap3A_554, %swap3A_555] {strides = array<i32>} : memref<64x128xf32, #tpu.memory_space<vmem>>, vector<16xf32>,
      tpu.vector_store %arg15[%swap3A_554, %swap3A_555], %mul3A_553 {strides = array<i32>} : memref<64x128xf32, #tpu.memory_space<vmem>>, vector<16xf32>,
      %get3A_557 = arith.index_cast %scan3A_504 : i32 to index
      %get3A_558 = arith.constant 112 : index
      %get3A_559 = tpu.vector_load %arg15[%get3A_557, %get3A_558] {strides = array<i32>} : memref<64x128xf32, #tpu.memory_space<vmem>>, vector<16xf32>,
      %mul3A_560 = arith.mulf %get3A_559, %gather3A : vector<16xf32>
      %swap3A_561 = arith.index_cast %scan3A_504 : i32 to index
      %swap3A_562 = arith.constant 112 : index
      %swap3A_563 = tpu.vector_load %arg15[%swap3A_561, %swap3A_562] {strides = array<i32>} : memref<64x128xf32, #tpu.memory_space<vmem>>, vector<16xf32>,
      tpu.vector_store %arg15[%swap3A_561, %swap3A_562], %mul3A_560 {strides = array<i32>} : memref<64x128xf32, #tpu.memory_space<vmem>>, vector<16xf32>,
      %scan3A_564 = arith.constant 0 : i32
      scf.yield %scan3A_564 : i32
    }
    %scan3A_181 = arith.constant 64 : i32
    %add3A_182 = arith.addi %mul3A_0, %multiple_of3A_174 : i32
    "tpu.region"() ({
      %run_scoped3A = tpu.sem_alloc : memref<!tpu.dma_semaphore, #tpu.memory_space<semaphore_mem>>
      %dma_start3A_504 = arith.constant 0 : i32
      %dma_start3A_505 = tpu.memref_slice %arg5[%add3A_182, %dma_start3A_504] : memref<20480x128xf32, #tpu.memory_space<hbm>> -> memref<64x128xf32, #tpu.memory_space<hbm>>
      %dma_start3A_506 = arith.constant 0 : i32
      %dma_start3A_507 = tpu.memref_slice %arg5[%add3A_182, %dma_start3A_506] : memref<20480x128xf32, #tpu.memory_space<hbm>> -> memref<64x128xf32, #tpu.memory_space<hbm>>
      tpu.enqueue_dma source(%arg15 : memref<64x128xf32, #tpu.memory_space<vmem>>) target(%dma_start3A_507 : memref<64x128xf32, #tpu.memory_space<hbm>>) target_semaphore(%run_scoped3A : memref<!tpu.dma_semaphore, #tpu.memory_space<semaphore_mem>>)
      %dma_wait3A = arith.constant 0 : i32
      %dma_wait3A_508 = tpu.memref_slice %arg5[%add3A_182, %dma_wait3A] : memref<20480x128xf32, #tpu.memory_space<hbm>> -> memref<64x128xf32, #tpu.memory_space<hbm>>
      %dma_wait3A_509 = arith.constant 0 : i32
      %dma_wait3A_510 = tpu.memref_slice %arg5[%add3A_182, %dma_wait3A_509] : memref<20480x128xf32, #tpu.memory_space<hbm>> -> memref<64x128xf32, #tpu.memory_space<hbm>>
      tpu.wait_dma2 semaphore(%run_scoped3A : memref<!tpu.dma_semaphore, #tpu.memory_space<semaphore_mem>>) src(%arg15 : memref<64x128xf32, #tpu.memory_space<vmem>>) dst(%dma_wait3A_510 : memref<64x128xf32, #tpu.memory_space<hbm>>)
      tpu.yield
    }) : () -> ()
    %add3A_183 = arith.constant 384 : i32
    %add3A_184 = arith.addi %mul3A_4, %add3A_183 : i32
    "tpu.region"() ({
      %run_scoped3A = tpu.sem_alloc : memref<!tpu.dma_semaphore, #tpu.memory_space<semaphore_mem>>
      %dma_start3A_504 = arith.constant 0 : i32
      %dma_start3A_505 = tpu.memref_slice %arg17[%add3A_184, %dma_start3A_504] : memref<10240x128xf32, #tpu.memory_space<vmem_shared>> -> memref<64x128xf32, #tpu.memory_space<vmem_shared>>
      %dma_start3A_506 = arith.constant 0 : i32
      %dma_start3A_507 = tpu.memref_slice %arg17[%add3A_184, %dma_start3A_506] : memref<10240x128xf32, #tpu.memory_space<vmem_shared>> -> memref<64x128xf32, #tpu.memory_space<vmem_shared>>
      tpu.enqueue_dma source(%arg14 : memref<64x128xf32, #tpu.memory_space<vmem>>) target(%dma_start3A_507 : memref<64x128xf32, #tpu.memory_space<vmem_shared>>) target_semaphore(%run_scoped3A : memref<!tpu.dma_semaphore, #tpu.memory_space<semaphore_mem>>)
      %dma_wait3A = arith.constant 0 : i32
      %dma_wait3A_508 = tpu.memref_slice %arg17[%add3A_184, %dma_wait3A] : memref<10240x128xf32, #tpu.memory_space<vmem_shared>> -> memref<64x128xf32, #tpu.memory_space<vmem_shared>>
      %dma_wait3A_509 = arith.constant 0 : i32
      %dma_wait3A_510 = tpu.memref_slice %arg17[%add3A_184, %dma_wait3A_509] : memref<10240x128xf32, #tpu.memory_space<vmem_shared>> -> memref<64x128xf32, #tpu.memory_space<vmem_shared>>
      tpu.wait_dma2 semaphore(%run_scoped3A : memref<!tpu.dma_semaphore, #tpu.memory_space<semaphore_mem>>) src(%arg14 : memref<64x128xf32, #tpu.memory_space<vmem>>) dst(%dma_wait3A_510 : memref<64x128xf32, #tpu.memory_space<vmem_shared>>)
      tpu.yield
    }) : () -> ()
    %add3A_185 = arith.constant 448 : i32
    %add3A_186 = arith.addi %mul3A_4, %add3A_185 : i32
    %min3A_187 = arith.constant 9936 : i32
    %min3A_188 = arith.minsi %add3A_186, %min3A_187 : i32
    %multiple_of3A_189 = tpu.assume_multiple %min3A_188, 16 : i32
    "tpu.region"() ({
      %run_scoped3A = tpu.sem_alloc : memref<!tpu.dma_semaphore, #tpu.memory_space<semaphore_mem>>
      %dma_start3A_504 = tpu.memref_slice %arg2[%multiple_of3A_189, %mul3A_2] : memref<10000x256xf32, #tpu.memory_space<hbm>> -> memref<64x128xf32, #tpu.memory_space<hbm>>
      %dma_start3A_505 = tpu.memref_slice %arg2[%multiple_of3A_189, %mul3A_2] : memref<10000x256xf32, #tpu.memory_space<hbm>> -> memref<64x128xf32, #tpu.memory_space<hbm>>
      tpu.enqueue_dma source(%dma_start3A_505 : memref<64x128xf32, #tpu.memory_space<hbm>>) target(%arg15 : memref<64x128xf32, #tpu.memory_space<vmem>>) target_semaphore(%run_scoped3A : memref<!tpu.dma_semaphore, #tpu.memory_space<semaphore_mem>>)
      %dma_wait3A = tpu.memref_slice %arg2[%multiple_of3A_189, %mul3A_2] : memref<10000x256xf32, #tpu.memory_space<hbm>> -> memref<64x128xf32, #tpu.memory_space<hbm>>
      %dma_wait3A_506 = tpu.memref_slice %arg2[%multiple_of3A_189, %mul3A_2] : memref<10000x256xf32, #tpu.memory_space<hbm>> -> memref<64x128xf32, #tpu.memory_space<hbm>>
      tpu.wait_dma2 semaphore(%run_scoped3A : memref<!tpu.dma_semaphore, #tpu.memory_space<semaphore_mem>>) src(%dma_wait3A_506 : memref<64x128xf32, #tpu.memory_space<hbm>>) dst(%arg15 : memref<64x128xf32, #tpu.memory_space<vmem>>)
      tpu.yield
    }) : () -> ()
    %scan3A_190 = arith.constant 0 : i32
    %scan3A_191 = arith.constant 0 : i32
    %scan3A_192 = arith.constant 64 : i32
    %scan3A_193 = arith.addi %scan3A_191, %scan3A_192 : i32
    %scan3A_194 = arith.constant 1 : i32
    %scan3A_195 = scf.for %scan3A_504 = %scan3A_191 to %scan3A_193 step %scan3A_194 iter_args(%scan3A_505 = %scan3A_190) -> (i32)  : i32 {
      %sub3A = arith.subi %multiple_of3A_189, %mul3A_4 : i32
      %add3A_506 = arith.addi %sub3A, %scan3A_504 : i32
      %broadcast_in_dim3A_507 = vector.broadcast %add3A_506 : i32 to vector<16xi32>
      %gather3A = tpu.vector_load_idx %arg8[%broadcast_in_dim3A_507] : memref<640xf32, #tpu.memory_space<vmem>>[vector<16xi32>], vector<16xf32>,
      %get3A_508 = arith.index_cast %scan3A_504 : i32 to index
      %get3A_509 = arith.constant 0 : index
      %get3A_510 = tpu.vector_load %arg15[%get3A_508, %get3A_509] {strides = array<i32>} : memref<64x128xf32, #tpu.memory_space<vmem>>, vector<16xf32>,
      %mul3A_511 = arith.mulf %get3A_510, %gather3A : vector<16xf32>
      %swap3A_512 = arith.index_cast %scan3A_504 : i32 to index
      %swap3A_513 = arith.constant 0 : index
      %swap3A_514 = tpu.vector_load %arg15[%swap3A_512, %swap3A_513] {strides = array<i32>} : memref<64x128xf32, #tpu.memory_space<vmem>>, vector<16xf32>,
      tpu.vector_store %arg15[%swap3A_512, %swap3A_513], %mul3A_511 {strides = array<i32>} : memref<64x128xf32, #tpu.memory_space<vmem>>, vector<16xf32>,
      %get3A_515 = arith.index_cast %scan3A_504 : i32 to index
      %get3A_516 = arith.constant 16 : index
      %get3A_517 = tpu.vector_load %arg15[%get3A_515, %get3A_516] {strides = array<i32>} : memref<64x128xf32, #tpu.memory_space<vmem>>, vector<16xf32>,
      %mul3A_518 = arith.mulf %get3A_517, %gather3A : vector<16xf32>
      %swap3A_519 = arith.index_cast %scan3A_504 : i32 to index
      %swap3A_520 = arith.constant 16 : index
      %swap3A_521 = tpu.vector_load %arg15[%swap3A_519, %swap3A_520] {strides = array<i32>} : memref<64x128xf32, #tpu.memory_space<vmem>>, vector<16xf32>,
      tpu.vector_store %arg15[%swap3A_519, %swap3A_520], %mul3A_518 {strides = array<i32>} : memref<64x128xf32, #tpu.memory_space<vmem>>, vector<16xf32>,
      %get3A_522 = arith.index_cast %scan3A_504 : i32 to index
      %get3A_523 = arith.constant 32 : index
      %get3A_524 = tpu.vector_load %arg15[%get3A_522, %get3A_523] {strides = array<i32>} : memref<64x128xf32, #tpu.memory_space<vmem>>, vector<16xf32>,
      %mul3A_525 = arith.mulf %get3A_524, %gather3A : vector<16xf32>
      %swap3A_526 = arith.index_cast %scan3A_504 : i32 to index
      %swap3A_527 = arith.constant 32 : index
      %swap3A_528 = tpu.vector_load %arg15[%swap3A_526, %swap3A_527] {strides = array<i32>} : memref<64x128xf32, #tpu.memory_space<vmem>>, vector<16xf32>,
      tpu.vector_store %arg15[%swap3A_526, %swap3A_527], %mul3A_525 {strides = array<i32>} : memref<64x128xf32, #tpu.memory_space<vmem>>, vector<16xf32>,
      %get3A_529 = arith.index_cast %scan3A_504 : i32 to index
      %get3A_530 = arith.constant 48 : index
      %get3A_531 = tpu.vector_load %arg15[%get3A_529, %get3A_530] {strides = array<i32>} : memref<64x128xf32, #tpu.memory_space<vmem>>, vector<16xf32>,
      %mul3A_532 = arith.mulf %get3A_531, %gather3A : vector<16xf32>
      %swap3A_533 = arith.index_cast %scan3A_504 : i32 to index
      %swap3A_534 = arith.constant 48 : index
      %swap3A_535 = tpu.vector_load %arg15[%swap3A_533, %swap3A_534] {strides = array<i32>} : memref<64x128xf32, #tpu.memory_space<vmem>>, vector<16xf32>,
      tpu.vector_store %arg15[%swap3A_533, %swap3A_534], %mul3A_532 {strides = array<i32>} : memref<64x128xf32, #tpu.memory_space<vmem>>, vector<16xf32>,
      %get3A_536 = arith.index_cast %scan3A_504 : i32 to index
      %get3A_537 = arith.constant 64 : index
      %get3A_538 = tpu.vector_load %arg15[%get3A_536, %get3A_537] {strides = array<i32>} : memref<64x128xf32, #tpu.memory_space<vmem>>, vector<16xf32>,
      %mul3A_539 = arith.mulf %get3A_538, %gather3A : vector<16xf32>
      %swap3A_540 = arith.index_cast %scan3A_504 : i32 to index
      %swap3A_541 = arith.constant 64 : index
      %swap3A_542 = tpu.vector_load %arg15[%swap3A_540, %swap3A_541] {strides = array<i32>} : memref<64x128xf32, #tpu.memory_space<vmem>>, vector<16xf32>,
      tpu.vector_store %arg15[%swap3A_540, %swap3A_541], %mul3A_539 {strides = array<i32>} : memref<64x128xf32, #tpu.memory_space<vmem>>, vector<16xf32>,
      %get3A_543 = arith.index_cast %scan3A_504 : i32 to index
      %get3A_544 = arith.constant 80 : index
      %get3A_545 = tpu.vector_load %arg15[%get3A_543, %get3A_544] {strides = array<i32>} : memref<64x128xf32, #tpu.memory_space<vmem>>, vector<16xf32>,
      %mul3A_546 = arith.mulf %get3A_545, %gather3A : vector<16xf32>
      %swap3A_547 = arith.index_cast %scan3A_504 : i32 to index
      %swap3A_548 = arith.constant 80 : index
      %swap3A_549 = tpu.vector_load %arg15[%swap3A_547, %swap3A_548] {strides = array<i32>} : memref<64x128xf32, #tpu.memory_space<vmem>>, vector<16xf32>,
      tpu.vector_store %arg15[%swap3A_547, %swap3A_548], %mul3A_546 {strides = array<i32>} : memref<64x128xf32, #tpu.memory_space<vmem>>, vector<16xf32>,
      %get3A_550 = arith.index_cast %scan3A_504 : i32 to index
      %get3A_551 = arith.constant 96 : index
      %get3A_552 = tpu.vector_load %arg15[%get3A_550, %get3A_551] {strides = array<i32>} : memref<64x128xf32, #tpu.memory_space<vmem>>, vector<16xf32>,
      %mul3A_553 = arith.mulf %get3A_552, %gather3A : vector<16xf32>
      %swap3A_554 = arith.index_cast %scan3A_504 : i32 to index
      %swap3A_555 = arith.constant 96 : index
      %swap3A_556 = tpu.vector_load %arg15[%swap3A_554, %swap3A_555] {strides = array<i32>} : memref<64x128xf32, #tpu.memory_space<vmem>>, vector<16xf32>,
      tpu.vector_store %arg15[%swap3A_554, %swap3A_555], %mul3A_553 {strides = array<i32>} : memref<64x128xf32, #tpu.memory_space<vmem>>, vector<16xf32>,
      %get3A_557 = arith.index_cast %scan3A_504 : i32 to index
      %get3A_558 = arith.constant 112 : index
      %get3A_559 = tpu.vector_load %arg15[%get3A_557, %get3A_558] {strides = array<i32>} : memref<64x128xf32, #tpu.memory_space<vmem>>, vector<16xf32>,
      %mul3A_560 = arith.mulf %get3A_559, %gather3A : vector<16xf32>
      %swap3A_561 = arith.index_cast %scan3A_504 : i32 to index
      %swap3A_562 = arith.constant 112 : index
      %swap3A_563 = tpu.vector_load %arg15[%swap3A_561, %swap3A_562] {strides = array<i32>} : memref<64x128xf32, #tpu.memory_space<vmem>>, vector<16xf32>,
      tpu.vector_store %arg15[%swap3A_561, %swap3A_562], %mul3A_560 {strides = array<i32>} : memref<64x128xf32, #tpu.memory_space<vmem>>, vector<16xf32>,
      %scan3A_564 = arith.constant 0 : i32
      scf.yield %scan3A_564 : i32
    }
    %scan3A_196 = arith.constant 64 : i32
    %add3A_197 = arith.addi %mul3A_0, %multiple_of3A_189 : i32
    "tpu.region"() ({
      %run_scoped3A = tpu.sem_alloc : memref<!tpu.dma_semaphore, #tpu.memory_space<semaphore_mem>>
      %dma_start3A_504 = arith.constant 0 : i32
      %dma_start3A_505 = tpu.memref_slice %arg5[%add3A_197, %dma_start3A_504] : memref<20480x128xf32, #tpu.memory_space<hbm>> -> memref<64x128xf32, #tpu.memory_space<hbm>>
      %dma_start3A_506 = arith.constant 0 : i32
      %dma_start3A_507 = tpu.memref_slice %arg5[%add3A_197, %dma_start3A_506] : memref<20480x128xf32, #tpu.memory_space<hbm>> -> memref<64x128xf32, #tpu.memory_space<hbm>>
      tpu.enqueue_dma source(%arg15 : memref<64x128xf32, #tpu.memory_space<vmem>>) target(%dma_start3A_507 : memref<64x128xf32, #tpu.memory_space<hbm>>) target_semaphore(%run_scoped3A : memref<!tpu.dma_semaphore, #tpu.memory_space<semaphore_mem>>)
      %dma_wait3A = arith.constant 0 : i32
      %dma_wait3A_508 = tpu.memref_slice %arg5[%add3A_197, %dma_wait3A] : memref<20480x128xf32, #tpu.memory_space<hbm>> -> memref<64x128xf32, #tpu.memory_space<hbm>>
      %dma_wait3A_509 = arith.constant 0 : i32
      %dma_wait3A_510 = tpu.memref_slice %arg5[%add3A_197, %dma_wait3A_509] : memref<20480x128xf32, #tpu.memory_space<hbm>> -> memref<64x128xf32, #tpu.memory_space<hbm>>
      tpu.wait_dma2 semaphore(%run_scoped3A : memref<!tpu.dma_semaphore, #tpu.memory_space<semaphore_mem>>) src(%arg15 : memref<64x128xf32, #tpu.memory_space<vmem>>) dst(%dma_wait3A_510 : memref<64x128xf32, #tpu.memory_space<hbm>>)
      tpu.yield
    }) : () -> ()
    %add3A_198 = arith.constant 448 : i32
    %add3A_199 = arith.addi %mul3A_4, %add3A_198 : i32
    "tpu.region"() ({
      %run_scoped3A = tpu.sem_alloc : memref<!tpu.dma_semaphore, #tpu.memory_space<semaphore_mem>>
      %dma_start3A_504 = arith.constant 0 : i32
      %dma_start3A_505 = tpu.memref_slice %arg17[%add3A_199, %dma_start3A_504] : memref<10240x128xf32, #tpu.memory_space<vmem_shared>> -> memref<64x128xf32, #tpu.memory_space<vmem_shared>>
      %dma_start3A_506 = arith.constant 0 : i32
      %dma_start3A_507 = tpu.memref_slice %arg17[%add3A_199, %dma_start3A_506] : memref<10240x128xf32, #tpu.memory_space<vmem_shared>> -> memref<64x128xf32, #tpu.memory_space<vmem_shared>>
      tpu.enqueue_dma source(%arg14 : memref<64x128xf32, #tpu.memory_space<vmem>>) target(%dma_start3A_507 : memref<64x128xf32, #tpu.memory_space<vmem_shared>>) target_semaphore(%run_scoped3A : memref<!tpu.dma_semaphore, #tpu.memory_space<semaphore_mem>>)
      %dma_wait3A = arith.constant 0 : i32
      %dma_wait3A_508 = tpu.memref_slice %arg17[%add3A_199, %dma_wait3A] : memref<10240x128xf32, #tpu.memory_space<vmem_shared>> -> memref<64x128xf32, #tpu.memory_space<vmem_shared>>
      %dma_wait3A_509 = arith.constant 0 : i32
      %dma_wait3A_510 = tpu.memref_slice %arg17[%add3A_199, %dma_wait3A_509] : memref<10240x128xf32, #tpu.memory_space<vmem_shared>> -> memref<64x128xf32, #tpu.memory_space<vmem_shared>>
      tpu.wait_dma2 semaphore(%run_scoped3A : memref<!tpu.dma_semaphore, #tpu.memory_space<semaphore_mem>>) src(%arg14 : memref<64x128xf32, #tpu.memory_space<vmem>>) dst(%dma_wait3A_510 : memref<64x128xf32, #tpu.memory_space<vmem_shared>>)
      tpu.yield
    }) : () -> ()
    %add3A_200 = arith.constant 512 : i32
    %add3A_201 = arith.addi %mul3A_4, %add3A_200 : i32
    %min3A_202 = arith.constant 9936 : i32
    %min3A_203 = arith.minsi %add3A_201, %min3A_202 : i32
    %multiple_of3A_204 = tpu.assume_multiple %min3A_203, 16 : i32
    "tpu.region"() ({
      %run_scoped3A = tpu.sem_alloc : memref<!tpu.dma_semaphore, #tpu.memory_space<semaphore_mem>>
      %dma_start3A_504 = tpu.memref_slice %arg2[%multiple_of3A_204, %mul3A_2] : memref<10000x256xf32, #tpu.memory_space<hbm>> -> memref<64x128xf32, #tpu.memory_space<hbm>>
      %dma_start3A_505 = tpu.memref_slice %arg2[%multiple_of3A_204, %mul3A_2] : memref<10000x256xf32, #tpu.memory_space<hbm>> -> memref<64x128xf32, #tpu.memory_space<hbm>>
      tpu.enqueue_dma source(%dma_start3A_505 : memref<64x128xf32, #tpu.memory_space<hbm>>) target(%arg15 : memref<64x128xf32, #tpu.memory_space<vmem>>) target_semaphore(%run_scoped3A : memref<!tpu.dma_semaphore, #tpu.memory_space<semaphore_mem>>)
      %dma_wait3A = tpu.memref_slice %arg2[%multiple_of3A_204, %mul3A_2] : memref<10000x256xf32, #tpu.memory_space<hbm>> -> memref<64x128xf32, #tpu.memory_space<hbm>>
      %dma_wait3A_506 = tpu.memref_slice %arg2[%multiple_of3A_204, %mul3A_2] : memref<10000x256xf32, #tpu.memory_space<hbm>> -> memref<64x128xf32, #tpu.memory_space<hbm>>
      tpu.wait_dma2 semaphore(%run_scoped3A : memref<!tpu.dma_semaphore, #tpu.memory_space<semaphore_mem>>) src(%dma_wait3A_506 : memref<64x128xf32, #tpu.memory_space<hbm>>) dst(%arg15 : memref<64x128xf32, #tpu.memory_space<vmem>>)
      tpu.yield
    }) : () -> ()
    %scan3A_205 = arith.constant 0 : i32
    %scan3A_206 = arith.constant 0 : i32
    %scan3A_207 = arith.constant 64 : i32
    %scan3A_208 = arith.addi %scan3A_206, %scan3A_207 : i32
    %scan3A_209 = arith.constant 1 : i32
    %scan3A_210 = scf.for %scan3A_504 = %scan3A_206 to %scan3A_208 step %scan3A_209 iter_args(%scan3A_505 = %scan3A_205) -> (i32)  : i32 {
      %sub3A = arith.subi %multiple_of3A_204, %mul3A_4 : i32
      %add3A_506 = arith.addi %sub3A, %scan3A_504 : i32
      %broadcast_in_dim3A_507 = vector.broadcast %add3A_506 : i32 to vector<16xi32>
      %gather3A = tpu.vector_load_idx %arg8[%broadcast_in_dim3A_507] : memref<640xf32, #tpu.memory_space<vmem>>[vector<16xi32>], vector<16xf32>,
      %get3A_508 = arith.index_cast %scan3A_504 : i32 to index
      %get3A_509 = arith.constant 0 : index
      %get3A_510 = tpu.vector_load %arg15[%get3A_508, %get3A_509] {strides = array<i32>} : memref<64x128xf32, #tpu.memory_space<vmem>>, vector<16xf32>,
      %mul3A_511 = arith.mulf %get3A_510, %gather3A : vector<16xf32>
      %swap3A_512 = arith.index_cast %scan3A_504 : i32 to index
      %swap3A_513 = arith.constant 0 : index
      %swap3A_514 = tpu.vector_load %arg15[%swap3A_512, %swap3A_513] {strides = array<i32>} : memref<64x128xf32, #tpu.memory_space<vmem>>, vector<16xf32>,
      tpu.vector_store %arg15[%swap3A_512, %swap3A_513], %mul3A_511 {strides = array<i32>} : memref<64x128xf32, #tpu.memory_space<vmem>>, vector<16xf32>,
      %get3A_515 = arith.index_cast %scan3A_504 : i32 to index
      %get3A_516 = arith.constant 16 : index
      %get3A_517 = tpu.vector_load %arg15[%get3A_515, %get3A_516] {strides = array<i32>} : memref<64x128xf32, #tpu.memory_space<vmem>>, vector<16xf32>,
      %mul3A_518 = arith.mulf %get3A_517, %gather3A : vector<16xf32>
      %swap3A_519 = arith.index_cast %scan3A_504 : i32 to index
      %swap3A_520 = arith.constant 16 : index
      %swap3A_521 = tpu.vector_load %arg15[%swap3A_519, %swap3A_520] {strides = array<i32>} : memref<64x128xf32, #tpu.memory_space<vmem>>, vector<16xf32>,
      tpu.vector_store %arg15[%swap3A_519, %swap3A_520], %mul3A_518 {strides = array<i32>} : memref<64x128xf32, #tpu.memory_space<vmem>>, vector<16xf32>,
      %get3A_522 = arith.index_cast %scan3A_504 : i32 to index
      %get3A_523 = arith.constant 32 : index
      %get3A_524 = tpu.vector_load %arg15[%get3A_522, %get3A_523] {strides = array<i32>} : memref<64x128xf32, #tpu.memory_space<vmem>>, vector<16xf32>,
      %mul3A_525 = arith.mulf %get3A_524, %gather3A : vector<16xf32>
      %swap3A_526 = arith.index_cast %scan3A_504 : i32 to index
      %swap3A_527 = arith.constant 32 : index
      %swap3A_528 = tpu.vector_load %arg15[%swap3A_526, %swap3A_527] {strides = array<i32>} : memref<64x128xf32, #tpu.memory_space<vmem>>, vector<16xf32>,
      tpu.vector_store %arg15[%swap3A_526, %swap3A_527], %mul3A_525 {strides = array<i32>} : memref<64x128xf32, #tpu.memory_space<vmem>>, vector<16xf32>,
      %get3A_529 = arith.index_cast %scan3A_504 : i32 to index
      %get3A_530 = arith.constant 48 : index
      %get3A_531 = tpu.vector_load %arg15[%get3A_529, %get3A_530] {strides = array<i32>} : memref<64x128xf32, #tpu.memory_space<vmem>>, vector<16xf32>,
      %mul3A_532 = arith.mulf %get3A_531, %gather3A : vector<16xf32>
      %swap3A_533 = arith.index_cast %scan3A_504 : i32 to index
      %swap3A_534 = arith.constant 48 : index
      %swap3A_535 = tpu.vector_load %arg15[%swap3A_533, %swap3A_534] {strides = array<i32>} : memref<64x128xf32, #tpu.memory_space<vmem>>, vector<16xf32>,
      tpu.vector_store %arg15[%swap3A_533, %swap3A_534], %mul3A_532 {strides = array<i32>} : memref<64x128xf32, #tpu.memory_space<vmem>>, vector<16xf32>,
      %get3A_536 = arith.index_cast %scan3A_504 : i32 to index
      %get3A_537 = arith.constant 64 : index
      %get3A_538 = tpu.vector_load %arg15[%get3A_536, %get3A_537] {strides = array<i32>} : memref<64x128xf32, #tpu.memory_space<vmem>>, vector<16xf32>,
      %mul3A_539 = arith.mulf %get3A_538, %gather3A : vector<16xf32>
      %swap3A_540 = arith.index_cast %scan3A_504 : i32 to index
      %swap3A_541 = arith.constant 64 : index
      %swap3A_542 = tpu.vector_load %arg15[%swap3A_540, %swap3A_541] {strides = array<i32>} : memref<64x128xf32, #tpu.memory_space<vmem>>, vector<16xf32>,
      tpu.vector_store %arg15[%swap3A_540, %swap3A_541], %mul3A_539 {strides = array<i32>} : memref<64x128xf32, #tpu.memory_space<vmem>>, vector<16xf32>,
      %get3A_543 = arith.index_cast %scan3A_504 : i32 to index
      %get3A_544 = arith.constant 80 : index
      %get3A_545 = tpu.vector_load %arg15[%get3A_543, %get3A_544] {strides = array<i32>} : memref<64x128xf32, #tpu.memory_space<vmem>>, vector<16xf32>,
      %mul3A_546 = arith.mulf %get3A_545, %gather3A : vector<16xf32>
      %swap3A_547 = arith.index_cast %scan3A_504 : i32 to index
      %swap3A_548 = arith.constant 80 : index
      %swap3A_549 = tpu.vector_load %arg15[%swap3A_547, %swap3A_548] {strides = array<i32>} : memref<64x128xf32, #tpu.memory_space<vmem>>, vector<16xf32>,
      tpu.vector_store %arg15[%swap3A_547, %swap3A_548], %mul3A_546 {strides = array<i32>} : memref<64x128xf32, #tpu.memory_space<vmem>>, vector<16xf32>,
      %get3A_550 = arith.index_cast %scan3A_504 : i32 to index
      %get3A_551 = arith.constant 96 : index
      %get3A_552 = tpu.vector_load %arg15[%get3A_550, %get3A_551] {strides = array<i32>} : memref<64x128xf32, #tpu.memory_space<vmem>>, vector<16xf32>,
      %mul3A_553 = arith.mulf %get3A_552, %gather3A : vector<16xf32>
      %swap3A_554 = arith.index_cast %scan3A_504 : i32 to index
      %swap3A_555 = arith.constant 96 : index
      %swap3A_556 = tpu.vector_load %arg15[%swap3A_554, %swap3A_555] {strides = array<i32>} : memref<64x128xf32, #tpu.memory_space<vmem>>, vector<16xf32>,
      tpu.vector_store %arg15[%swap3A_554, %swap3A_555], %mul3A_553 {strides = array<i32>} : memref<64x128xf32, #tpu.memory_space<vmem>>, vector<16xf32>,
      %get3A_557 = arith.index_cast %scan3A_504 : i32 to index
      %get3A_558 = arith.constant 112 : index
      %get3A_559 = tpu.vector_load %arg15[%get3A_557, %get3A_558] {strides = array<i32>} : memref<64x128xf32, #tpu.memory_space<vmem>>, vector<16xf32>,
      %mul3A_560 = arith.mulf %get3A_559, %gather3A : vector<16xf32>
      %swap3A_561 = arith.index_cast %scan3A_504 : i32 to index
      %swap3A_562 = arith.constant 112 : index
      %swap3A_563 = tpu.vector_load %arg15[%swap3A_561, %swap3A_562] {strides = array<i32>} : memref<64x128xf32, #tpu.memory_space<vmem>>, vector<16xf32>,
      tpu.vector_store %arg15[%swap3A_561, %swap3A_562], %mul3A_560 {strides = array<i32>} : memref<64x128xf32, #tpu.memory_space<vmem>>, vector<16xf32>,
      %scan3A_564 = arith.constant 0 : i32
      scf.yield %scan3A_564 : i32
    }
    %scan3A_211 = arith.constant 64 : i32
    %add3A_212 = arith.addi %mul3A_0, %multiple_of3A_204 : i32
    "tpu.region"() ({
      %run_scoped3A = tpu.sem_alloc : memref<!tpu.dma_semaphore, #tpu.memory_space<semaphore_mem>>
      %dma_start3A_504 = arith.constant 0 : i32
      %dma_start3A_505 = tpu.memref_slice %arg5[%add3A_212, %dma_start3A_504] : memref<20480x128xf32, #tpu.memory_space<hbm>> -> memref<64x128xf32, #tpu.memory_space<hbm>>
      %dma_start3A_506 = arith.constant 0 : i32
      %dma_start3A_507 = tpu.memref_slice %arg5[%add3A_212, %dma_start3A_506] : memref<20480x128xf32, #tpu.memory_space<hbm>> -> memref<64x128xf32, #tpu.memory_space<hbm>>
      tpu.enqueue_dma source(%arg15 : memref<64x128xf32, #tpu.memory_space<vmem>>) target(%dma_start3A_507 : memref<64x128xf32, #tpu.memory_space<hbm>>) target_semaphore(%run_scoped3A : memref<!tpu.dma_semaphore, #tpu.memory_space<semaphore_mem>>)
      %dma_wait3A = arith.constant 0 : i32
      %dma_wait3A_508 = tpu.memref_slice %arg5[%add3A_212, %dma_wait3A] : memref<20480x128xf32, #tpu.memory_space<hbm>> -> memref<64x128xf32, #tpu.memory_space<hbm>>
      %dma_wait3A_509 = arith.constant 0 : i32
      %dma_wait3A_510 = tpu.memref_slice %arg5[%add3A_212, %dma_wait3A_509] : memref<20480x128xf32, #tpu.memory_space<hbm>> -> memref<64x128xf32, #tpu.memory_space<hbm>>
      tpu.wait_dma2 semaphore(%run_scoped3A : memref<!tpu.dma_semaphore, #tpu.memory_space<semaphore_mem>>) src(%arg15 : memref<64x128xf32, #tpu.memory_space<vmem>>) dst(%dma_wait3A_510 : memref<64x128xf32, #tpu.memory_space<hbm>>)
      tpu.yield
    }) : () -> ()
    %add3A_213 = arith.constant 512 : i32
    %add3A_214 = arith.addi %mul3A_4, %add3A_213 : i32
    "tpu.region"() ({
      %run_scoped3A = tpu.sem_alloc : memref<!tpu.dma_semaphore, #tpu.memory_space<semaphore_mem>>
      %dma_start3A_504 = arith.constant 0 : i32
      %dma_start3A_505 = tpu.memref_slice %arg17[%add3A_214, %dma_start3A_504] : memref<10240x128xf32, #tpu.memory_space<vmem_shared>> -> memref<64x128xf32, #tpu.memory_space<vmem_shared>>
      %dma_start3A_506 = arith.constant 0 : i32
      %dma_start3A_507 = tpu.memref_slice %arg17[%add3A_214, %dma_start3A_506] : memref<10240x128xf32, #tpu.memory_space<vmem_shared>> -> memref<64x128xf32, #tpu.memory_space<vmem_shared>>
      tpu.enqueue_dma source(%arg14 : memref<64x128xf32, #tpu.memory_space<vmem>>) target(%dma_start3A_507 : memref<64x128xf32, #tpu.memory_space<vmem_shared>>) target_semaphore(%run_scoped3A : memref<!tpu.dma_semaphore, #tpu.memory_space<semaphore_mem>>)
      %dma_wait3A = arith.constant 0 : i32
      %dma_wait3A_508 = tpu.memref_slice %arg17[%add3A_214, %dma_wait3A] : memref<10240x128xf32, #tpu.memory_space<vmem_shared>> -> memref<64x128xf32, #tpu.memory_space<vmem_shared>>
      %dma_wait3A_509 = arith.constant 0 : i32
      %dma_wait3A_510 = tpu.memref_slice %arg17[%add3A_214, %dma_wait3A_509] : memref<10240x128xf32, #tpu.memory_space<vmem_shared>> -> memref<64x128xf32, #tpu.memory_space<vmem_shared>>
      tpu.wait_dma2 semaphore(%run_scoped3A : memref<!tpu.dma_semaphore, #tpu.memory_space<semaphore_mem>>) src(%arg14 : memref<64x128xf32, #tpu.memory_space<vmem>>) dst(%dma_wait3A_510 : memref<64x128xf32, #tpu.memory_space<vmem_shared>>)
      tpu.yield
    }) : () -> ()
    %add3A_215 = arith.constant 576 : i32
    %add3A_216 = arith.addi %mul3A_4, %add3A_215 : i32
    %min3A_217 = arith.constant 9936 : i32
    %min3A_218 = arith.minsi %add3A_216, %min3A_217 : i32
    %multiple_of3A_219 = tpu.assume_multiple %min3A_218, 16 : i32
    "tpu.region"() ({
      %run_scoped3A = tpu.sem_alloc : memref<!tpu.dma_semaphore, #tpu.memory_space<semaphore_mem>>
      %dma_start3A_504 = tpu.memref_slice %arg2[%multiple_of3A_219, %mul3A_2] : memref<10000x256xf32, #tpu.memory_space<hbm>> -> memref<64x128xf32, #tpu.memory_space<hbm>>
      %dma_start3A_505 = tpu.memref_slice %arg2[%multiple_of3A_219, %mul3A_2] : memref<10000x256xf32, #tpu.memory_space<hbm>> -> memref<64x128xf32, #tpu.memory_space<hbm>>
      tpu.enqueue_dma source(%dma_start3A_505 : memref<64x128xf32, #tpu.memory_space<hbm>>) target(%arg15 : memref<64x128xf32, #tpu.memory_space<vmem>>) target_semaphore(%run_scoped3A : memref<!tpu.dma_semaphore, #tpu.memory_space<semaphore_mem>>)
      %dma_wait3A = tpu.memref_slice %arg2[%multiple_of3A_219, %mul3A_2] : memref<10000x256xf32, #tpu.memory_space<hbm>> -> memref<64x128xf32, #tpu.memory_space<hbm>>
      %dma_wait3A_506 = tpu.memref_slice %arg2[%multiple_of3A_219, %mul3A_2] : memref<10000x256xf32, #tpu.memory_space<hbm>> -> memref<64x128xf32, #tpu.memory_space<hbm>>
      tpu.wait_dma2 semaphore(%run_scoped3A : memref<!tpu.dma_semaphore, #tpu.memory_space<semaphore_mem>>) src(%dma_wait3A_506 : memref<64x128xf32, #tpu.memory_space<hbm>>) dst(%arg15 : memref<64x128xf32, #tpu.memory_space<vmem>>)
      tpu.yield
    }) : () -> ()
    %scan3A_220 = arith.constant 0 : i32
    %scan3A_221 = arith.constant 0 : i32
    %scan3A_222 = arith.constant 64 : i32
    %scan3A_223 = arith.addi %scan3A_221, %scan3A_222 : i32
    %scan3A_224 = arith.constant 1 : i32
    %scan3A_225 = scf.for %scan3A_504 = %scan3A_221 to %scan3A_223 step %scan3A_224 iter_args(%scan3A_505 = %scan3A_220) -> (i32)  : i32 {
      %sub3A = arith.subi %multiple_of3A_219, %mul3A_4 : i32
      %add3A_506 = arith.addi %sub3A, %scan3A_504 : i32
      %broadcast_in_dim3A_507 = vector.broadcast %add3A_506 : i32 to vector<16xi32>
      %gather3A = tpu.vector_load_idx %arg8[%broadcast_in_dim3A_507] : memref<640xf32, #tpu.memory_space<vmem>>[vector<16xi32>], vector<16xf32>,
      %get3A_508 = arith.index_cast %scan3A_504 : i32 to index
      %get3A_509 = arith.constant 0 : index
      %get3A_510 = tpu.vector_load %arg15[%get3A_508, %get3A_509] {strides = array<i32>} : memref<64x128xf32, #tpu.memory_space<vmem>>, vector<16xf32>,
      %mul3A_511 = arith.mulf %get3A_510, %gather3A : vector<16xf32>
      %swap3A_512 = arith.index_cast %scan3A_504 : i32 to index
      %swap3A_513 = arith.constant 0 : index
      %swap3A_514 = tpu.vector_load %arg15[%swap3A_512, %swap3A_513] {strides = array<i32>} : memref<64x128xf32, #tpu.memory_space<vmem>>, vector<16xf32>,
      tpu.vector_store %arg15[%swap3A_512, %swap3A_513], %mul3A_511 {strides = array<i32>} : memref<64x128xf32, #tpu.memory_space<vmem>>, vector<16xf32>,
      %get3A_515 = arith.index_cast %scan3A_504 : i32 to index
      %get3A_516 = arith.constant 16 : index
      %get3A_517 = tpu.vector_load %arg15[%get3A_515, %get3A_516] {strides = array<i32>} : memref<64x128xf32, #tpu.memory_space<vmem>>, vector<16xf32>,
      %mul3A_518 = arith.mulf %get3A_517, %gather3A : vector<16xf32>
      %swap3A_519 = arith.index_cast %scan3A_504 : i32 to index
      %swap3A_520 = arith.constant 16 : index
      %swap3A_521 = tpu.vector_load %arg15[%swap3A_519, %swap3A_520] {strides = array<i32>} : memref<64x128xf32, #tpu.memory_space<vmem>>, vector<16xf32>,
      tpu.vector_store %arg15[%swap3A_519, %swap3A_520], %mul3A_518 {strides = array<i32>} : memref<64x128xf32, #tpu.memory_space<vmem>>, vector<16xf32>,
      %get3A_522 = arith.index_cast %scan3A_504 : i32 to index
      %get3A_523 = arith.constant 32 : index
      %get3A_524 = tpu.vector_load %arg15[%get3A_522, %get3A_523] {strides = array<i32>} : memref<64x128xf32, #tpu.memory_space<vmem>>, vector<16xf32>,
      %mul3A_525 = arith.mulf %get3A_524, %gather3A : vector<16xf32>
      %swap3A_526 = arith.index_cast %scan3A_504 : i32 to index
      %swap3A_527 = arith.constant 32 : index
      %swap3A_528 = tpu.vector_load %arg15[%swap3A_526, %swap3A_527] {strides = array<i32>} : memref<64x128xf32, #tpu.memory_space<vmem>>, vector<16xf32>,
      tpu.vector_store %arg15[%swap3A_526, %swap3A_527], %mul3A_525 {strides = array<i32>} : memref<64x128xf32, #tpu.memory_space<vmem>>, vector<16xf32>,
      %get3A_529 = arith.index_cast %scan3A_504 : i32 to index
      %get3A_530 = arith.constant 48 : index
      %get3A_531 = tpu.vector_load %arg15[%get3A_529, %get3A_530] {strides = array<i32>} : memref<64x128xf32, #tpu.memory_space<vmem>>, vector<16xf32>,
      %mul3A_532 = arith.mulf %get3A_531, %gather3A : vector<16xf32>
      %swap3A_533 = arith.index_cast %scan3A_504 : i32 to index
      %swap3A_534 = arith.constant 48 : index
      %swap3A_535 = tpu.vector_load %arg15[%swap3A_533, %swap3A_534] {strides = array<i32>} : memref<64x128xf32, #tpu.memory_space<vmem>>, vector<16xf32>,
      tpu.vector_store %arg15[%swap3A_533, %swap3A_534], %mul3A_532 {strides = array<i32>} : memref<64x128xf32, #tpu.memory_space<vmem>>, vector<16xf32>,
      %get3A_536 = arith.index_cast %scan3A_504 : i32 to index
      %get3A_537 = arith.constant 64 : index
      %get3A_538 = tpu.vector_load %arg15[%get3A_536, %get3A_537] {strides = array<i32>} : memref<64x128xf32, #tpu.memory_space<vmem>>, vector<16xf32>,
      %mul3A_539 = arith.mulf %get3A_538, %gather3A : vector<16xf32>
      %swap3A_540 = arith.index_cast %scan3A_504 : i32 to index
      %swap3A_541 = arith.constant 64 : index
      %swap3A_542 = tpu.vector_load %arg15[%swap3A_540, %swap3A_541] {strides = array<i32>} : memref<64x128xf32, #tpu.memory_space<vmem>>, vector<16xf32>,
      tpu.vector_store %arg15[%swap3A_540, %swap3A_541], %mul3A_539 {strides = array<i32>} : memref<64x128xf32, #tpu.memory_space<vmem>>, vector<16xf32>,
      %get3A_543 = arith.index_cast %scan3A_504 : i32 to index
      %get3A_544 = arith.constant 80 : index
      %get3A_545 = tpu.vector_load %arg15[%get3A_543, %get3A_544] {strides = array<i32>} : memref<64x128xf32, #tpu.memory_space<vmem>>, vector<16xf32>,
      %mul3A_546 = arith.mulf %get3A_545, %gather3A : vector<16xf32>
      %swap3A_547 = arith.index_cast %scan3A_504 : i32 to index
      %swap3A_548 = arith.constant 80 : index
      %swap3A_549 = tpu.vector_load %arg15[%swap3A_547, %swap3A_548] {strides = array<i32>} : memref<64x128xf32, #tpu.memory_space<vmem>>, vector<16xf32>,
      tpu.vector_store %arg15[%swap3A_547, %swap3A_548], %mul3A_546 {strides = array<i32>} : memref<64x128xf32, #tpu.memory_space<vmem>>, vector<16xf32>,
      %get3A_550 = arith.index_cast %scan3A_504 : i32 to index
      %get3A_551 = arith.constant 96 : index
      %get3A_552 = tpu.vector_load %arg15[%get3A_550, %get3A_551] {strides = array<i32>} : memref<64x128xf32, #tpu.memory_space<vmem>>, vector<16xf32>,
      %mul3A_553 = arith.mulf %get3A_552, %gather3A : vector<16xf32>
      %swap3A_554 = arith.index_cast %scan3A_504 : i32 to index
      %swap3A_555 = arith.constant 96 : index
      %swap3A_556 = tpu.vector_load %arg15[%swap3A_554, %swap3A_555] {strides = array<i32>} : memref<64x128xf32, #tpu.memory_space<vmem>>, vector<16xf32>,
      tpu.vector_store %arg15[%swap3A_554, %swap3A_555], %mul3A_553 {strides = array<i32>} : memref<64x128xf32, #tpu.memory_space<vmem>>, vector<16xf32>,
      %get3A_557 = arith.index_cast %scan3A_504 : i32 to index
      %get3A_558 = arith.constant 112 : index
      %get3A_559 = tpu.vector_load %arg15[%get3A_557, %get3A_558] {strides = array<i32>} : memref<64x128xf32, #tpu.memory_space<vmem>>, vector<16xf32>,
      %mul3A_560 = arith.mulf %get3A_559, %gather3A : vector<16xf32>
      %swap3A_561 = arith.index_cast %scan3A_504 : i32 to index
      %swap3A_562 = arith.constant 112 : index
      %swap3A_563 = tpu.vector_load %arg15[%swap3A_561, %swap3A_562] {strides = array<i32>} : memref<64x128xf32, #tpu.memory_space<vmem>>, vector<16xf32>,
      tpu.vector_store %arg15[%swap3A_561, %swap3A_562], %mul3A_560 {strides = array<i32>} : memref<64x128xf32, #tpu.memory_space<vmem>>, vector<16xf32>,
      %scan3A_564 = arith.constant 0 : i32
      scf.yield %scan3A_564 : i32
    }
    %scan3A_226 = arith.constant 64 : i32
    %add3A_227 = arith.addi %mul3A_0, %multiple_of3A_219 : i32
    "tpu.region"() ({
      %run_scoped3A = tpu.sem_alloc : memref<!tpu.dma_semaphore, #tpu.memory_space<semaphore_mem>>
      %dma_start3A_504 = arith.constant 0 : i32
      %dma_start3A_505 = tpu.memref_slice %arg5[%add3A_227, %dma_start3A_504] : memref<20480x128xf32, #tpu.memory_space<hbm>> -> memref<64x128xf32, #tpu.memory_space<hbm>>
      %dma_start3A_506 = arith.constant 0 : i32
      %dma_start3A_507 = tpu.memref_slice %arg5[%add3A_227, %dma_start3A_506] : memref<20480x128xf32, #tpu.memory_space<hbm>> -> memref<64x128xf32, #tpu.memory_space<hbm>>
      tpu.enqueue_dma source(%arg15 : memref<64x128xf32, #tpu.memory_space<vmem>>) target(%dma_start3A_507 : memref<64x128xf32, #tpu.memory_space<hbm>>) target_semaphore(%run_scoped3A : memref<!tpu.dma_semaphore, #tpu.memory_space<semaphore_mem>>)
      %dma_wait3A = arith.constant 0 : i32
      %dma_wait3A_508 = tpu.memref_slice %arg5[%add3A_227, %dma_wait3A] : memref<20480x128xf32, #tpu.memory_space<hbm>> -> memref<64x128xf32, #tpu.memory_space<hbm>>
      %dma_wait3A_509 = arith.constant 0 : i32
      %dma_wait3A_510 = tpu.memref_slice %arg5[%add3A_227, %dma_wait3A_509] : memref<20480x128xf32, #tpu.memory_space<hbm>> -> memref<64x128xf32, #tpu.memory_space<hbm>>
      tpu.wait_dma2 semaphore(%run_scoped3A : memref<!tpu.dma_semaphore, #tpu.memory_space<semaphore_mem>>) src(%arg15 : memref<64x128xf32, #tpu.memory_space<vmem>>) dst(%dma_wait3A_510 : memref<64x128xf32, #tpu.memory_space<hbm>>)
      tpu.yield
    }) : () -> ()
    %add3A_228 = arith.constant 576 : i32
    %add3A_229 = arith.addi %mul3A_4, %add3A_228 : i32
    "tpu.region"() ({
      %run_scoped3A = tpu.sem_alloc : memref<!tpu.dma_semaphore, #tpu.memory_space<semaphore_mem>>
      %dma_start3A_504 = arith.constant 0 : i32
      %dma_start3A_505 = tpu.memref_slice %arg17[%add3A_229, %dma_start3A_504] : memref<10240x128xf32, #tpu.memory_space<vmem_shared>> -> memref<64x128xf32, #tpu.memory_space<vmem_shared>>
      %dma_start3A_506 = arith.constant 0 : i32
      %dma_start3A_507 = tpu.memref_slice %arg17[%add3A_229, %dma_start3A_506] : memref<10240x128xf32, #tpu.memory_space<vmem_shared>> -> memref<64x128xf32, #tpu.memory_space<vmem_shared>>
      tpu.enqueue_dma source(%arg14 : memref<64x128xf32, #tpu.memory_space<vmem>>) target(%dma_start3A_507 : memref<64x128xf32, #tpu.memory_space<vmem_shared>>) target_semaphore(%run_scoped3A : memref<!tpu.dma_semaphore, #tpu.memory_space<semaphore_mem>>)
      %dma_wait3A = arith.constant 0 : i32
      %dma_wait3A_508 = tpu.memref_slice %arg17[%add3A_229, %dma_wait3A] : memref<10240x128xf32, #tpu.memory_space<vmem_shared>> -> memref<64x128xf32, #tpu.memory_space<vmem_shared>>
      %dma_wait3A_509 = arith.constant 0 : i32
      %dma_wait3A_510 = tpu.memref_slice %arg17[%add3A_229, %dma_wait3A_509] : memref<10240x128xf32, #tpu.memory_space<vmem_shared>> -> memref<64x128xf32, #tpu.memory_space<vmem_shared>>
      tpu.wait_dma2 semaphore(%run_scoped3A : memref<!tpu.dma_semaphore, #tpu.memory_space<semaphore_mem>>) src(%arg14 : memref<64x128xf32, #tpu.memory_space<vmem>>) dst(%dma_wait3A_510 : memref<64x128xf32, #tpu.memory_space<vmem_shared>>)
      tpu.yield
    }) : () -> ()
    %barrier3A_230 = arith.constant 0 : index
    tpu.barrier barrier_id(%barrier3A_230)
    %mul3A_231 = arith.constant 2 : i32
    %mul3A_232 = arith.muli %arg1, %mul3A_231 : i32
    %add3A_233 = arith.constant 0 : i32
    %add3A_234 = arith.addi %mul3A_232, %add3A_233 : i32
    "tpu.region"() ({
      %run_scoped3A = tpu.sem_alloc : memref<!tpu.dma_semaphore, #tpu.memory_space<semaphore_mem>>
      %dma_start3A_504 = arith.constant 0 : i32
      %dma_start3A_505 = arith.constant 0 : i32
      %dma_start3A_506 = tpu.memref_slice %arg3[%add3A_234, %dma_start3A_504, %dma_start3A_505] : memref<32x84x64xi32, #tpu.memory_space<hbm>> -> memref<1x84x64xi32, #tpu.memory_space<hbm>>
      %dma_start3A_507 = tpu.memref_squeeze %dma_start3A_506 : memref<1x84x64xi32, #tpu.memory_space<hbm>> -> memref<84x64xi32, #tpu.memory_space<hbm>>
      %dma_start3A_508 = arith.constant 0 : i32
      %dma_start3A_509 = arith.constant 0 : i32
      %dma_start3A_510 = tpu.memref_slice %arg3[%add3A_234, %dma_start3A_508, %dma_start3A_509] : memref<32x84x64xi32, #tpu.memory_space<hbm>> -> memref<1x84x64xi32, #tpu.memory_space<hbm>>
      %dma_start3A_511 = tpu.memref_squeeze %dma_start3A_510 : memref<1x84x64xi32, #tpu.memory_space<hbm>> -> memref<84x64xi32, #tpu.memory_space<hbm>>
      tpu.enqueue_dma source(%dma_start3A_511 : memref<84x64xi32, #tpu.memory_space<hbm>>) target(%arg6 : memref<84x64xi32, #tpu.memory_space<vmem>>) target_semaphore(%run_scoped3A : memref<!tpu.dma_semaphore, #tpu.memory_space<semaphore_mem>>)
      %dma_wait3A = arith.constant 0 : i32
      %dma_wait3A_512 = arith.constant 0 : i32
      %dma_wait3A_513 = tpu.memref_slice %arg3[%add3A_234, %dma_wait3A, %dma_wait3A_512] : memref<32x84x64xi32, #tpu.memory_space<hbm>> -> memref<1x84x64xi32, #tpu.memory_space<hbm>>
      %dma_wait3A_514 = tpu.memref_squeeze %dma_wait3A_513 : memref<1x84x64xi32, #tpu.memory_space<hbm>> -> memref<84x64xi32, #tpu.memory_space<hbm>>
      %dma_wait3A_515 = arith.constant 0 : i32
      %dma_wait3A_516 = arith.constant 0 : i32
      %dma_wait3A_517 = tpu.memref_slice %arg3[%add3A_234, %dma_wait3A_515, %dma_wait3A_516] : memref<32x84x64xi32, #tpu.memory_space<hbm>> -> memref<1x84x64xi32, #tpu.memory_space<hbm>>
      %dma_wait3A_518 = tpu.memref_squeeze %dma_wait3A_517 : memref<1x84x64xi32, #tpu.memory_space<hbm>> -> memref<84x64xi32, #tpu.memory_space<hbm>>
      tpu.wait_dma2 semaphore(%run_scoped3A : memref<!tpu.dma_semaphore, #tpu.memory_space<semaphore_mem>>) src(%dma_wait3A_518 : memref<84x64xi32, #tpu.memory_space<hbm>>) dst(%arg6 : memref<84x64xi32, #tpu.memory_space<vmem>>)
      tpu.yield
    }) : () -> ()
    %get3A = arith.constant 0 : i32
    %get3A_235 = arith.index_cast %get3A : i32 to index
    %get3A_236 = arith.constant 0 : index
    %get3A_237 = tpu.vector_load %arg6[%get3A_235, %get3A_236] {strides = array<i32>} : memref<84x64xi32, #tpu.memory_space<vmem>>, vector<16xi32>,
    %shift_right_logical3A = arith.constant 14 : i32
    %shift_right_logical3A_238 = vector.broadcast %shift_right_logical3A : i32 to vector<16xi32>
    %shift_right_logical3A_239 = arith.shrui %get3A_237, %shift_right_logical3A_238 : vector<16xi32>
    %add3A_240 = vector.broadcast %mul3A_0 : i32 to vector<16xi32>
    %add3A_241 = arith.addi %shift_right_logical3A_239, %add3A_240 : vector<16xi32>
    %swap3A_242 = arith.constant 0 : index
    %swap3A_243 = tpu.vector_load %arg10[%swap3A_242] {strides = array<i32>} : memref<64xi32, #tpu.memory_space<vmem>>, vector<16xi32>,
    tpu.vector_store %arg10[%swap3A_242], %add3A_241 {strides = array<i32>} : memref<64xi32, #tpu.memory_space<vmem>>, vector<16xi32>,
    %and3A = arith.constant 16383 : i32
    %and3A_244 = vector.broadcast %and3A : i32 to vector<16xi32>
    %and3A_245 = arith.andi %get3A_237, %and3A_244 : vector<16xi32>
    %swap3A_246 = arith.constant 0 : index
    %swap3A_247 = tpu.vector_load %arg11[%swap3A_246] {strides = array<i32>} : memref<64xi32, #tpu.memory_space<vmem>>, vector<16xi32>,
    tpu.vector_store %arg11[%swap3A_246], %and3A_245 {strides = array<i32>} : memref<64xi32, #tpu.memory_space<vmem>>, vector<16xi32>,
    %get3A_248 = arith.constant 0 : i32
    %get3A_249 = arith.index_cast %get3A_248 : i32 to index
    %get3A_250 = arith.constant 16 : index
    %get3A_251 = tpu.vector_load %arg6[%get3A_249, %get3A_250] {strides = array<i32>} : memref<84x64xi32, #tpu.memory_space<vmem>>, vector<16xi32>,
    %shift_right_logical3A_252 = arith.constant 14 : i32
    %shift_right_logical3A_253 = vector.broadcast %shift_right_logical3A_252 : i32 to vector<16xi32>
    %shift_right_logical3A_254 = arith.shrui %get3A_251, %shift_right_logical3A_253 : vector<16xi32>
    %add3A_255 = vector.broadcast %mul3A_0 : i32 to vector<16xi32>
    %add3A_256 = arith.addi %shift_right_logical3A_254, %add3A_255 : vector<16xi32>
    %swap3A_257 = arith.constant 16 : index
    %swap3A_258 = tpu.vector_load %arg10[%swap3A_257] {strides = array<i32>} : memref<64xi32, #tpu.memory_space<vmem>>, vector<16xi32>,
    tpu.vector_store %arg10[%swap3A_257], %add3A_256 {strides = array<i32>} : memref<64xi32, #tpu.memory_space<vmem>>, vector<16xi32>,
    %and3A_259 = arith.constant 16383 : i32
    %and3A_260 = vector.broadcast %and3A_259 : i32 to vector<16xi32>
    %and3A_261 = arith.andi %get3A_251, %and3A_260 : vector<16xi32>
    %swap3A_262 = arith.constant 16 : index
    %swap3A_263 = tpu.vector_load %arg11[%swap3A_262] {strides = array<i32>} : memref<64xi32, #tpu.memory_space<vmem>>, vector<16xi32>,
    tpu.vector_store %arg11[%swap3A_262], %and3A_261 {strides = array<i32>} : memref<64xi32, #tpu.memory_space<vmem>>, vector<16xi32>,
    %get3A_264 = arith.constant 0 : i32
    %get3A_265 = arith.index_cast %get3A_264 : i32 to index
    %get3A_266 = arith.constant 32 : index
    %get3A_267 = tpu.vector_load %arg6[%get3A_265, %get3A_266] {strides = array<i32>} : memref<84x64xi32, #tpu.memory_space<vmem>>, vector<16xi32>,
    %shift_right_logical3A_268 = arith.constant 14 : i32
    %shift_right_logical3A_269 = vector.broadcast %shift_right_logical3A_268 : i32 to vector<16xi32>
    %shift_right_logical3A_270 = arith.shrui %get3A_267, %shift_right_logical3A_269 : vector<16xi32>
    %add3A_271 = vector.broadcast %mul3A_0 : i32 to vector<16xi32>
    %add3A_272 = arith.addi %shift_right_logical3A_270, %add3A_271 : vector<16xi32>
    %swap3A_273 = arith.constant 32 : index
    %swap3A_274 = tpu.vector_load %arg10[%swap3A_273] {strides = array<i32>} : memref<64xi32, #tpu.memory_space<vmem>>, vector<16xi32>,
    tpu.vector_store %arg10[%swap3A_273], %add3A_272 {strides = array<i32>} : memref<64xi32, #tpu.memory_space<vmem>>, vector<16xi32>,
    %and3A_275 = arith.constant 16383 : i32
    %and3A_276 = vector.broadcast %and3A_275 : i32 to vector<16xi32>
    %and3A_277 = arith.andi %get3A_267, %and3A_276 : vector<16xi32>
    %swap3A_278 = arith.constant 32 : index
    %swap3A_279 = tpu.vector_load %arg11[%swap3A_278] {strides = array<i32>} : memref<64xi32, #tpu.memory_space<vmem>>, vector<16xi32>,
    tpu.vector_store %arg11[%swap3A_278], %and3A_277 {strides = array<i32>} : memref<64xi32, #tpu.memory_space<vmem>>, vector<16xi32>,
    %get3A_280 = arith.constant 0 : i32
    %get3A_281 = arith.index_cast %get3A_280 : i32 to index
    %get3A_282 = arith.constant 48 : index
    %get3A_283 = tpu.vector_load %arg6[%get3A_281, %get3A_282] {strides = array<i32>} : memref<84x64xi32, #tpu.memory_space<vmem>>, vector<16xi32>,
    %shift_right_logical3A_284 = arith.constant 14 : i32
    %shift_right_logical3A_285 = vector.broadcast %shift_right_logical3A_284 : i32 to vector<16xi32>
    %shift_right_logical3A_286 = arith.shrui %get3A_283, %shift_right_logical3A_285 : vector<16xi32>
    %add3A_287 = vector.broadcast %mul3A_0 : i32 to vector<16xi32>
    %add3A_288 = arith.addi %shift_right_logical3A_286, %add3A_287 : vector<16xi32>
    %swap3A_289 = arith.constant 48 : index
    %swap3A_290 = tpu.vector_load %arg10[%swap3A_289] {strides = array<i32>} : memref<64xi32, #tpu.memory_space<vmem>>, vector<16xi32>,
    tpu.vector_store %arg10[%swap3A_289], %add3A_288 {strides = array<i32>} : memref<64xi32, #tpu.memory_space<vmem>>, vector<16xi32>,
    %and3A_291 = arith.constant 16383 : i32
    %and3A_292 = vector.broadcast %and3A_291 : i32 to vector<16xi32>
    %and3A_293 = arith.andi %get3A_283, %and3A_292 : vector<16xi32>
    %swap3A_294 = arith.constant 48 : index
    %swap3A_295 = tpu.vector_load %arg11[%swap3A_294] {strides = array<i32>} : memref<64xi32, #tpu.memory_space<vmem>>, vector<16xi32>,
    tpu.vector_store %arg11[%swap3A_294], %and3A_293 {strides = array<i32>} : memref<64xi32, #tpu.memory_space<vmem>>, vector<16xi32>,
    %dma_start3A = arith.constant 0 : i32
    %dma_start3A_296 = arith.constant 0 : i32
    %dma_start3A_297 = tpu.memref_slice %arg5[%dma_start3A, %dma_start3A_296] : memref<20480x128xf32, #tpu.memory_space<hbm>> -> memref<20480x128xf32, #tpu.memory_space<hbm>>
    tpu.enqueue_indirect_dma source(%dma_start3A_297 : memref<20480x128xf32, #tpu.memory_space<hbm>>) target(%arg14 : memref<64x128xf32, #tpu.memory_space<vmem>>) offsets(%arg10 : memref<64xi32, #tpu.memory_space<vmem>>) semaphore(%arg18 : memref<!tpu.dma_semaphore, #tpu.memory_space<semaphore_mem>>)
    %scan3A_298 = arith.constant 0 : i32
    %scan3A_299 = arith.constant 0 : i32
    %scan3A_300 = arith.constant 42 : i32
    %scan3A_301 = arith.addi %scan3A_299, %scan3A_300 : i32
    %scan3A_302 = arith.constant 1 : i32
    %scan3A_303 = scf.for %scan3A_504 = %scan3A_299 to %scan3A_301 step %scan3A_302 iter_args(%scan3A_505 = %scan3A_298) -> (i32)  : i32 {
      %mul3A_506 = arith.constant 2 : i32
      %mul3A_507 = arith.muli %mul3A_506, %scan3A_504 : i32
      %add3A_508 = arith.constant 1 : i32
      %add3A_509 = arith.addi %mul3A_507, %add3A_508 : i32
      %get3A_510 = arith.index_cast %add3A_509 : i32 to index
      %get3A_511 = arith.constant 0 : index
      %get3A_512 = tpu.vector_load %arg6[%get3A_510, %get3A_511] {strides = array<i32>} : memref<84x64xi32, #tpu.memory_space<vmem>>, vector<16xi32>,
      %shift_right_logical3A_513 = arith.constant 14 : i32
      %shift_right_logical3A_514 = vector.broadcast %shift_right_logical3A_513 : i32 to vector<16xi32>
      %shift_right_logical3A_515 = arith.shrui %get3A_512, %shift_right_logical3A_514 : vector<16xi32>
      %add3A_516 = vector.broadcast %mul3A_0 : i32 to vector<16xi32>
      %add3A_517 = arith.addi %shift_right_logical3A_515, %add3A_516 : vector<16xi32>
      %swap3A_518 = arith.constant 0 : index
      %swap3A_519 = tpu.vector_load %arg12[%swap3A_518] {strides = array<i32>} : memref<64xi32, #tpu.memory_space<vmem>>, vector<16xi32>,
      tpu.vector_store %arg12[%swap3A_518], %add3A_517 {strides = array<i32>} : memref<64xi32, #tpu.memory_space<vmem>>, vector<16xi32>,
      %and3A_520 = arith.constant 16383 : i32
      %and3A_521 = vector.broadcast %and3A_520 : i32 to vector<16xi32>
      %and3A_522 = arith.andi %get3A_512, %and3A_521 : vector<16xi32>
      %swap3A_523 = arith.constant 0 : index
      %swap3A_524 = tpu.vector_load %arg13[%swap3A_523] {strides = array<i32>} : memref<64xi32, #tpu.memory_space<vmem>>, vector<16xi32>,
      tpu.vector_store %arg13[%swap3A_523], %and3A_522 {strides = array<i32>} : memref<64xi32, #tpu.memory_space<vmem>>, vector<16xi32>,
      %get3A_525 = arith.index_cast %add3A_509 : i32 to index
      %get3A_526 = arith.constant 16 : index
      %get3A_527 = tpu.vector_load %arg6[%get3A_525, %get3A_526] {strides = array<i32>} : memref<84x64xi32, #tpu.memory_space<vmem>>, vector<16xi32>,
      %shift_right_logical3A_528 = arith.constant 14 : i32
      %shift_right_logical3A_529 = vector.broadcast %shift_right_logical3A_528 : i32 to vector<16xi32>
      %shift_right_logical3A_530 = arith.shrui %get3A_527, %shift_right_logical3A_529 : vector<16xi32>
      %add3A_531 = vector.broadcast %mul3A_0 : i32 to vector<16xi32>
      %add3A_532 = arith.addi %shift_right_logical3A_530, %add3A_531 : vector<16xi32>
      %swap3A_533 = arith.constant 16 : index
      %swap3A_534 = tpu.vector_load %arg12[%swap3A_533] {strides = array<i32>} : memref<64xi32, #tpu.memory_space<vmem>>, vector<16xi32>,
      tpu.vector_store %arg12[%swap3A_533], %add3A_532 {strides = array<i32>} : memref<64xi32, #tpu.memory_space<vmem>>, vector<16xi32>,
      %and3A_535 = arith.constant 16383 : i32
      %and3A_536 = vector.broadcast %and3A_535 : i32 to vector<16xi32>
      %and3A_537 = arith.andi %get3A_527, %and3A_536 : vector<16xi32>
      %swap3A_538 = arith.constant 16 : index
      %swap3A_539 = tpu.vector_load %arg13[%swap3A_538] {strides = array<i32>} : memref<64xi32, #tpu.memory_space<vmem>>, vector<16xi32>,
      tpu.vector_store %arg13[%swap3A_538], %and3A_537 {strides = array<i32>} : memref<64xi32, #tpu.memory_space<vmem>>, vector<16xi32>,
      %get3A_540 = arith.index_cast %add3A_509 : i32 to index
      %get3A_541 = arith.constant 32 : index
      %get3A_542 = tpu.vector_load %arg6[%get3A_540, %get3A_541] {strides = array<i32>} : memref<84x64xi32, #tpu.memory_space<vmem>>, vector<16xi32>,
      %shift_right_logical3A_543 = arith.constant 14 : i32
      %shift_right_logical3A_544 = vector.broadcast %shift_right_logical3A_543 : i32 to vector<16xi32>
      %shift_right_logical3A_545 = arith.shrui %get3A_542, %shift_right_logical3A_544 : vector<16xi32>
      %add3A_546 = vector.broadcast %mul3A_0 : i32 to vector<16xi32>
      %add3A_547 = arith.addi %shift_right_logical3A_545, %add3A_546 : vector<16xi32>
      %swap3A_548 = arith.constant 32 : index
      %swap3A_549 = tpu.vector_load %arg12[%swap3A_548] {strides = array<i32>} : memref<64xi32, #tpu.memory_space<vmem>>, vector<16xi32>,
      tpu.vector_store %arg12[%swap3A_548], %add3A_547 {strides = array<i32>} : memref<64xi32, #tpu.memory_space<vmem>>, vector<16xi32>,
      %and3A_550 = arith.constant 16383 : i32
      %and3A_551 = vector.broadcast %and3A_550 : i32 to vector<16xi32>
      %and3A_552 = arith.andi %get3A_542, %and3A_551 : vector<16xi32>
      %swap3A_553 = arith.constant 32 : index
      %swap3A_554 = tpu.vector_load %arg13[%swap3A_553] {strides = array<i32>} : memref<64xi32, #tpu.memory_space<vmem>>, vector<16xi32>,
      tpu.vector_store %arg13[%swap3A_553], %and3A_552 {strides = array<i32>} : memref<64xi32, #tpu.memory_space<vmem>>, vector<16xi32>,
      %get3A_555 = arith.index_cast %add3A_509 : i32 to index
      %get3A_556 = arith.constant 48 : index
      %get3A_557 = tpu.vector_load %arg6[%get3A_555, %get3A_556] {strides = array<i32>} : memref<84x64xi32, #tpu.memory_space<vmem>>, vector<16xi32>,
      %shift_right_logical3A_558 = arith.constant 14 : i32
      %shift_right_logical3A_559 = vector.broadcast %shift_right_logical3A_558 : i32 to vector<16xi32>
      %shift_right_logical3A_560 = arith.shrui %get3A_557, %shift_right_logical3A_559 : vector<16xi32>
      %add3A_561 = vector.broadcast %mul3A_0 : i32 to vector<16xi32>
      %add3A_562 = arith.addi %shift_right_logical3A_560, %add3A_561 : vector<16xi32>
      %swap3A_563 = arith.constant 48 : index
      %swap3A_564 = tpu.vector_load %arg12[%swap3A_563] {strides = array<i32>} : memref<64xi32, #tpu.memory_space<vmem>>, vector<16xi32>,
      tpu.vector_store %arg12[%swap3A_563], %add3A_562 {strides = array<i32>} : memref<64xi32, #tpu.memory_space<vmem>>, vector<16xi32>,
      %and3A_565 = arith.constant 16383 : i32
      %and3A_566 = vector.broadcast %and3A_565 : i32 to vector<16xi32>
      %and3A_567 = arith.andi %get3A_557, %and3A_566 : vector<16xi32>
      %swap3A_568 = arith.constant 48 : index
      %swap3A_569 = tpu.vector_load %arg13[%swap3A_568] {strides = array<i32>} : memref<64xi32, #tpu.memory_space<vmem>>, vector<16xi32>,
      tpu.vector_store %arg13[%swap3A_568], %and3A_567 {strides = array<i32>} : memref<64xi32, #tpu.memory_space<vmem>>, vector<16xi32>,
      %dma_wait3A = arith.constant 0 : i32
      %dma_wait3A_570 = arith.constant 0 : i32
      %dma_wait3A_571 = tpu.memref_slice %arg5[%dma_wait3A, %dma_wait3A_570] : memref<20480x128xf32, #tpu.memory_space<hbm>> -> memref<20480x128xf32, #tpu.memory_space<hbm>>
      tpu.wait_indirect_dma semaphore(%arg18 : memref<!tpu.dma_semaphore, #tpu.memory_space<semaphore_mem>>) src(%dma_wait3A_571 : memref<20480x128xf32, #tpu.memory_space<hbm>>) dst(%arg14 : memref<64x128xf32, #tpu.memory_space<vmem>>)
      %dma_start3A_572 = arith.constant 0 : i32
      %dma_start3A_573 = arith.constant 0 : i32
      %dma_start3A_574 = tpu.memref_slice %arg5[%dma_start3A_572, %dma_start3A_573] : memref<20480x128xf32, #tpu.memory_space<hbm>> -> memref<20480x128xf32, #tpu.memory_space<hbm>>
      tpu.enqueue_indirect_dma source(%dma_start3A_574 : memref<20480x128xf32, #tpu.memory_space<hbm>>) target(%arg15 : memref<64x128xf32, #tpu.memory_space<vmem>>) offsets(%arg12 : memref<64xi32, #tpu.memory_space<vmem>>) semaphore(%arg19 : memref<!tpu.dma_semaphore, #tpu.memory_space<semaphore_mem>>)
      %dma_start3A_575 = arith.constant 0 : i32
      %dma_start3A_576 = arith.constant 0 : i32
      %dma_start3A_577 = tpu.memref_slice %arg17[%dma_start3A_575, %dma_start3A_576] : memref<10240x128xf32, #tpu.memory_space<vmem_shared>> -> memref<10240x128xf32, #tpu.memory_space<vmem_shared>>
      tpu.enqueue_indirect_dma source(%arg14 : memref<64x128xf32, #tpu.memory_space<vmem>>) target(%dma_start3A_577 : memref<10240x128xf32, #tpu.memory_space<vmem_shared>>) offsets(%arg11 : memref<64xi32, #tpu.memory_space<vmem>>) semaphore(%arg20 : memref<!tpu.dma_semaphore, #tpu.memory_space<semaphore_mem>>) {add = true}
      %dma_wait3A_578 = arith.constant 0 : i32
      %dma_wait3A_579 = arith.constant 0 : i32
      %dma_wait3A_580 = tpu.memref_slice %arg5[%dma_wait3A_578, %dma_wait3A_579] : memref<20480x128xf32, #tpu.memory_space<hbm>> -> memref<20480x128xf32, #tpu.memory_space<hbm>>
      tpu.wait_indirect_dma semaphore(%arg19 : memref<!tpu.dma_semaphore, #tpu.memory_space<semaphore_mem>>) src(%dma_wait3A_580 : memref<20480x128xf32, #tpu.memory_space<hbm>>) dst(%arg15 : memref<64x128xf32, #tpu.memory_space<vmem>>)
      %dma_start3A_581 = arith.constant 0 : i32
      %dma_start3A_582 = arith.constant 0 : i32
      %dma_start3A_583 = tpu.memref_slice %arg17[%dma_start3A_581, %dma_start3A_582] : memref<10240x128xf32, #tpu.memory_space<vmem_shared>> -> memref<10240x128xf32, #tpu.memory_space<vmem_shared>>
      tpu.enqueue_indirect_dma source(%arg15 : memref<64x128xf32, #tpu.memory_space<vmem>>) target(%dma_start3A_583 : memref<10240x128xf32, #tpu.memory_space<vmem_shared>>) offsets(%arg13 : memref<64xi32, #tpu.memory_space<vmem>>) semaphore(%arg21 : memref<!tpu.dma_semaphore, #tpu.memory_space<semaphore_mem>>) {add = true}
      %dma_wait3A_584 = arith.constant 0 : i32
      %dma_wait3A_585 = arith.constant 0 : i32
      %dma_wait3A_586 = tpu.memref_slice %arg17[%dma_wait3A_584, %dma_wait3A_585] : memref<10240x128xf32, #tpu.memory_space<vmem_shared>> -> memref<10240x128xf32, #tpu.memory_space<vmem_shared>>
      tpu.wait_indirect_dma semaphore(%arg20 : memref<!tpu.dma_semaphore, #tpu.memory_space<semaphore_mem>>) src(%arg14 : memref<64x128xf32, #tpu.memory_space<vmem>>) dst(%dma_wait3A_586 : memref<10240x128xf32, #tpu.memory_space<vmem_shared>>)
      %lt3A = arith.constant 41 : i32
      %lt3A_587 = arith.cmpi slt, %scan3A_504, %lt3A : i32
      %convert_element_type3A = arith.extui %lt3A_587 : i1 to i32
      %cond3A = arith.constant 0 : i32
      %cond3A_588 = arith.cmpi ne, %convert_element_type3A, %cond3A : i32
      scf.if %cond3A_588 {
        %mul3A_593 = arith.constant 2 : i32
        %mul3A_594 = arith.muli %mul3A_593, %scan3A_504 : i32
        %add3A_595 = arith.constant 2 : i32
        %add3A_596 = arith.addi %mul3A_594, %add3A_595 : i32
        %get3A_597 = arith.index_cast %add3A_596 : i32 to index
        %get3A_598 = arith.constant 0 : index
        %get3A_599 = tpu.vector_load %arg6[%get3A_597, %get3A_598] {strides = array<i32>} : memref<84x64xi32, #tpu.memory_space<vmem>>, vector<16xi32>,
        %shift_right_logical3A_600 = arith.constant 14 : i32
        %shift_right_logical3A_601 = vector.broadcast %shift_right_logical3A_600 : i32 to vector<16xi32>
        %shift_right_logical3A_602 = arith.shrui %get3A_599, %shift_right_logical3A_601 : vector<16xi32>
        %add3A_603 = vector.broadcast %mul3A_0 : i32 to vector<16xi32>
        %add3A_604 = arith.addi %shift_right_logical3A_602, %add3A_603 : vector<16xi32>
        %swap3A_605 = arith.constant 0 : index
        %swap3A_606 = tpu.vector_load %arg10[%swap3A_605] {strides = array<i32>} : memref<64xi32, #tpu.memory_space<vmem>>, vector<16xi32>,
        tpu.vector_store %arg10[%swap3A_605], %add3A_604 {strides = array<i32>} : memref<64xi32, #tpu.memory_space<vmem>>, vector<16xi32>,
        %and3A_607 = arith.constant 16383 : i32
        %and3A_608 = vector.broadcast %and3A_607 : i32 to vector<16xi32>
        %and3A_609 = arith.andi %get3A_599, %and3A_608 : vector<16xi32>
        %swap3A_610 = arith.constant 0 : index
        %swap3A_611 = tpu.vector_load %arg11[%swap3A_610] {strides = array<i32>} : memref<64xi32, #tpu.memory_space<vmem>>, vector<16xi32>,
        tpu.vector_store %arg11[%swap3A_610], %and3A_609 {strides = array<i32>} : memref<64xi32, #tpu.memory_space<vmem>>, vector<16xi32>,
        %get3A_612 = arith.index_cast %add3A_596 : i32 to index
        %get3A_613 = arith.constant 16 : index
        %get3A_614 = tpu.vector_load %arg6[%get3A_612, %get3A_613] {strides = array<i32>} : memref<84x64xi32, #tpu.memory_space<vmem>>, vector<16xi32>,
        %shift_right_logical3A_615 = arith.constant 14 : i32
        %shift_right_logical3A_616 = vector.broadcast %shift_right_logical3A_615 : i32 to vector<16xi32>
        %shift_right_logical3A_617 = arith.shrui %get3A_614, %shift_right_logical3A_616 : vector<16xi32>
        %add3A_618 = vector.broadcast %mul3A_0 : i32 to vector<16xi32>
        %add3A_619 = arith.addi %shift_right_logical3A_617, %add3A_618 : vector<16xi32>
        %swap3A_620 = arith.constant 16 : index
        %swap3A_621 = tpu.vector_load %arg10[%swap3A_620] {strides = array<i32>} : memref<64xi32, #tpu.memory_space<vmem>>, vector<16xi32>,
        tpu.vector_store %arg10[%swap3A_620], %add3A_619 {strides = array<i32>} : memref<64xi32, #tpu.memory_space<vmem>>, vector<16xi32>,
        %and3A_622 = arith.constant 16383 : i32
        %and3A_623 = vector.broadcast %and3A_622 : i32 to vector<16xi32>
        %and3A_624 = arith.andi %get3A_614, %and3A_623 : vector<16xi32>
        %swap3A_625 = arith.constant 16 : index
        %swap3A_626 = tpu.vector_load %arg11[%swap3A_625] {strides = array<i32>} : memref<64xi32, #tpu.memory_space<vmem>>, vector<16xi32>,
        tpu.vector_store %arg11[%swap3A_625], %and3A_624 {strides = array<i32>} : memref<64xi32, #tpu.memory_space<vmem>>, vector<16xi32>,
        %get3A_627 = arith.index_cast %add3A_596 : i32 to index
        %get3A_628 = arith.constant 32 : index
        %get3A_629 = tpu.vector_load %arg6[%get3A_627, %get3A_628] {strides = array<i32>} : memref<84x64xi32, #tpu.memory_space<vmem>>, vector<16xi32>,
        %shift_right_logical3A_630 = arith.constant 14 : i32
        %shift_right_logical3A_631 = vector.broadcast %shift_right_logical3A_630 : i32 to vector<16xi32>
        %shift_right_logical3A_632 = arith.shrui %get3A_629, %shift_right_logical3A_631 : vector<16xi32>
        %add3A_633 = vector.broadcast %mul3A_0 : i32 to vector<16xi32>
        %add3A_634 = arith.addi %shift_right_logical3A_632, %add3A_633 : vector<16xi32>
        %swap3A_635 = arith.constant 32 : index
        %swap3A_636 = tpu.vector_load %arg10[%swap3A_635] {strides = array<i32>} : memref<64xi32, #tpu.memory_space<vmem>>, vector<16xi32>,
        tpu.vector_store %arg10[%swap3A_635], %add3A_634 {strides = array<i32>} : memref<64xi32, #tpu.memory_space<vmem>>, vector<16xi32>,
        %and3A_637 = arith.constant 16383 : i32
        %and3A_638 = vector.broadcast %and3A_637 : i32 to vector<16xi32>
        %and3A_639 = arith.andi %get3A_629, %and3A_638 : vector<16xi32>
        %swap3A_640 = arith.constant 32 : index
        %swap3A_641 = tpu.vector_load %arg11[%swap3A_640] {strides = array<i32>} : memref<64xi32, #tpu.memory_space<vmem>>, vector<16xi32>,
        tpu.vector_store %arg11[%swap3A_640], %and3A_639 {strides = array<i32>} : memref<64xi32, #tpu.memory_space<vmem>>, vector<16xi32>,
        %get3A_642 = arith.index_cast %add3A_596 : i32 to index
        %get3A_643 = arith.constant 48 : index
        %get3A_644 = tpu.vector_load %arg6[%get3A_642, %get3A_643] {strides = array<i32>} : memref<84x64xi32, #tpu.memory_space<vmem>>, vector<16xi32>,
        %shift_right_logical3A_645 = arith.constant 14 : i32
        %shift_right_logical3A_646 = vector.broadcast %shift_right_logical3A_645 : i32 to vector<16xi32>
        %shift_right_logical3A_647 = arith.shrui %get3A_644, %shift_right_logical3A_646 : vector<16xi32>
        %add3A_648 = vector.broadcast %mul3A_0 : i32 to vector<16xi32>
        %add3A_649 = arith.addi %shift_right_logical3A_647, %add3A_648 : vector<16xi32>
        %swap3A_650 = arith.constant 48 : index
        %swap3A_651 = tpu.vector_load %arg10[%swap3A_650] {strides = array<i32>} : memref<64xi32, #tpu.memory_space<vmem>>, vector<16xi32>,
        tpu.vector_store %arg10[%swap3A_650], %add3A_649 {strides = array<i32>} : memref<64xi32, #tpu.memory_space<vmem>>, vector<16xi32>,
        %and3A_652 = arith.constant 16383 : i32
        %and3A_653 = vector.broadcast %and3A_652 : i32 to vector<16xi32>
        %and3A_654 = arith.andi %get3A_644, %and3A_653 : vector<16xi32>
        %swap3A_655 = arith.constant 48 : index
        %swap3A_656 = tpu.vector_load %arg11[%swap3A_655] {strides = array<i32>} : memref<64xi32, #tpu.memory_space<vmem>>, vector<16xi32>,
        tpu.vector_store %arg11[%swap3A_655], %and3A_654 {strides = array<i32>} : memref<64xi32, #tpu.memory_space<vmem>>, vector<16xi32>,
        %dma_start3A_657 = arith.constant 0 : i32
        %dma_start3A_658 = arith.constant 0 : i32
        %dma_start3A_659 = tpu.memref_slice %arg5[%dma_start3A_657, %dma_start3A_658] : memref<20480x128xf32, #tpu.memory_space<hbm>> -> memref<20480x128xf32, #tpu.memory_space<hbm>>
        tpu.enqueue_indirect_dma source(%dma_start3A_659 : memref<20480x128xf32, #tpu.memory_space<hbm>>) target(%arg14 : memref<64x128xf32, #tpu.memory_space<vmem>>) offsets(%arg10 : memref<64xi32, #tpu.memory_space<vmem>>) semaphore(%arg18 : memref<!tpu.dma_semaphore, #tpu.memory_space<semaphore_mem>>)
      } else {
      }
      %dma_wait3A_589 = arith.constant 0 : i32
      %dma_wait3A_590 = arith.constant 0 : i32
      %dma_wait3A_591 = tpu.memref_slice %arg17[%dma_wait3A_589, %dma_wait3A_590] : memref<10240x128xf32, #tpu.memory_space<vmem_shared>> -> memref<10240x128xf32, #tpu.memory_space<vmem_shared>>
      tpu.wait_indirect_dma semaphore(%arg21 : memref<!tpu.dma_semaphore, #tpu.memory_space<semaphore_mem>>) src(%arg15 : memref<64x128xf32, #tpu.memory_space<vmem>>) dst(%dma_wait3A_591 : memref<10240x128xf32, #tpu.memory_space<vmem_shared>>)
      %scan3A_592 = arith.constant 0 : i32
      scf.yield %scan3A_592 : i32
    }
    %scan3A_304 = arith.constant 42 : i32
    %mul3A_305 = arith.constant 2 : i32
    %mul3A_306 = arith.muli %arg1, %mul3A_305 : i32
    %add3A_307 = arith.constant 1 : i32
    %add3A_308 = arith.addi %mul3A_306, %add3A_307 : i32
    "tpu.region"() ({
      %run_scoped3A = tpu.sem_alloc : memref<!tpu.dma_semaphore, #tpu.memory_space<semaphore_mem>>
      %dma_start3A_504 = arith.constant 0 : i32
      %dma_start3A_505 = arith.constant 0 : i32
      %dma_start3A_506 = tpu.memref_slice %arg3[%add3A_308, %dma_start3A_504, %dma_start3A_505] : memref<32x84x64xi32, #tpu.memory_space<hbm>> -> memref<1x84x64xi32, #tpu.memory_space<hbm>>
      %dma_start3A_507 = tpu.memref_squeeze %dma_start3A_506 : memref<1x84x64xi32, #tpu.memory_space<hbm>> -> memref<84x64xi32, #tpu.memory_space<hbm>>
      %dma_start3A_508 = arith.constant 0 : i32
      %dma_start3A_509 = arith.constant 0 : i32
      %dma_start3A_510 = tpu.memref_slice %arg3[%add3A_308, %dma_start3A_508, %dma_start3A_509] : memref<32x84x64xi32, #tpu.memory_space<hbm>> -> memref<1x84x64xi32, #tpu.memory_space<hbm>>
      %dma_start3A_511 = tpu.memref_squeeze %dma_start3A_510 : memref<1x84x64xi32, #tpu.memory_space<hbm>> -> memref<84x64xi32, #tpu.memory_space<hbm>>
      tpu.enqueue_dma source(%dma_start3A_511 : memref<84x64xi32, #tpu.memory_space<hbm>>) target(%arg6 : memref<84x64xi32, #tpu.memory_space<vmem>>) target_semaphore(%run_scoped3A : memref<!tpu.dma_semaphore, #tpu.memory_space<semaphore_mem>>)
      %dma_wait3A = arith.constant 0 : i32
      %dma_wait3A_512 = arith.constant 0 : i32
      %dma_wait3A_513 = tpu.memref_slice %arg3[%add3A_308, %dma_wait3A, %dma_wait3A_512] : memref<32x84x64xi32, #tpu.memory_space<hbm>> -> memref<1x84x64xi32, #tpu.memory_space<hbm>>
      %dma_wait3A_514 = tpu.memref_squeeze %dma_wait3A_513 : memref<1x84x64xi32, #tpu.memory_space<hbm>> -> memref<84x64xi32, #tpu.memory_space<hbm>>
      %dma_wait3A_515 = arith.constant 0 : i32
      %dma_wait3A_516 = arith.constant 0 : i32
      %dma_wait3A_517 = tpu.memref_slice %arg3[%add3A_308, %dma_wait3A_515, %dma_wait3A_516] : memref<32x84x64xi32, #tpu.memory_space<hbm>> -> memref<1x84x64xi32, #tpu.memory_space<hbm>>
      %dma_wait3A_518 = tpu.memref_squeeze %dma_wait3A_517 : memref<1x84x64xi32, #tpu.memory_space<hbm>> -> memref<84x64xi32, #tpu.memory_space<hbm>>
      tpu.wait_dma2 semaphore(%run_scoped3A : memref<!tpu.dma_semaphore, #tpu.memory_space<semaphore_mem>>) src(%dma_wait3A_518 : memref<84x64xi32, #tpu.memory_space<hbm>>) dst(%arg6 : memref<84x64xi32, #tpu.memory_space<vmem>>)
      tpu.yield
    }) : () -> ()
    %get3A_309 = arith.constant 0 : i32
    %get3A_310 = arith.index_cast %get3A_309 : i32 to index
    %get3A_311 = arith.constant 0 : index
    %get3A_312 = tpu.vector_load %arg6[%get3A_310, %get3A_311] {strides = array<i32>} : memref<84x64xi32, #tpu.memory_space<vmem>>, vector<16xi32>,
    %shift_right_logical3A_313 = arith.constant 14 : i32
    %shift_right_logical3A_314 = vector.broadcast %shift_right_logical3A_313 : i32 to vector<16xi32>
    %shift_right_logical3A_315 = arith.shrui %get3A_312, %shift_right_logical3A_314 : vector<16xi32>
    %add3A_316 = vector.broadcast %mul3A_0 : i32 to vector<16xi32>
    %add3A_317 = arith.addi %shift_right_logical3A_315, %add3A_316 : vector<16xi32>
    %swap3A_318 = arith.constant 0 : index
    %swap3A_319 = tpu.vector_load %arg10[%swap3A_318] {strides = array<i32>} : memref<64xi32, #tpu.memory_space<vmem>>, vector<16xi32>,
    tpu.vector_store %arg10[%swap3A_318], %add3A_317 {strides = array<i32>} : memref<64xi32, #tpu.memory_space<vmem>>, vector<16xi32>,
    %and3A_320 = arith.constant 16383 : i32
    %and3A_321 = vector.broadcast %and3A_320 : i32 to vector<16xi32>
    %and3A_322 = arith.andi %get3A_312, %and3A_321 : vector<16xi32>
    %swap3A_323 = arith.constant 0 : index
    %swap3A_324 = tpu.vector_load %arg11[%swap3A_323] {strides = array<i32>} : memref<64xi32, #tpu.memory_space<vmem>>, vector<16xi32>,
    tpu.vector_store %arg11[%swap3A_323], %and3A_322 {strides = array<i32>} : memref<64xi32, #tpu.memory_space<vmem>>, vector<16xi32>,
    %get3A_325 = arith.constant 0 : i32
    %get3A_326 = arith.index_cast %get3A_325 : i32 to index
    %get3A_327 = arith.constant 16 : index
    %get3A_328 = tpu.vector_load %arg6[%get3A_326, %get3A_327] {strides = array<i32>} : memref<84x64xi32, #tpu.memory_space<vmem>>, vector<16xi32>,
    %shift_right_logical3A_329 = arith.constant 14 : i32
    %shift_right_logical3A_330 = vector.broadcast %shift_right_logical3A_329 : i32 to vector<16xi32>
    %shift_right_logical3A_331 = arith.shrui %get3A_328, %shift_right_logical3A_330 : vector<16xi32>
    %add3A_332 = vector.broadcast %mul3A_0 : i32 to vector<16xi32>
    %add3A_333 = arith.addi %shift_right_logical3A_331, %add3A_332 : vector<16xi32>
    %swap3A_334 = arith.constant 16 : index
    %swap3A_335 = tpu.vector_load %arg10[%swap3A_334] {strides = array<i32>} : memref<64xi32, #tpu.memory_space<vmem>>, vector<16xi32>,
    tpu.vector_store %arg10[%swap3A_334], %add3A_333 {strides = array<i32>} : memref<64xi32, #tpu.memory_space<vmem>>, vector<16xi32>,
    %and3A_336 = arith.constant 16383 : i32
    %and3A_337 = vector.broadcast %and3A_336 : i32 to vector<16xi32>
    %and3A_338 = arith.andi %get3A_328, %and3A_337 : vector<16xi32>
    %swap3A_339 = arith.constant 16 : index
    %swap3A_340 = tpu.vector_load %arg11[%swap3A_339] {strides = array<i32>} : memref<64xi32, #tpu.memory_space<vmem>>, vector<16xi32>,
    tpu.vector_store %arg11[%swap3A_339], %and3A_338 {strides = array<i32>} : memref<64xi32, #tpu.memory_space<vmem>>, vector<16xi32>,
    %get3A_341 = arith.constant 0 : i32
    %get3A_342 = arith.index_cast %get3A_341 : i32 to index
    %get3A_343 = arith.constant 32 : index
    %get3A_344 = tpu.vector_load %arg6[%get3A_342, %get3A_343] {strides = array<i32>} : memref<84x64xi32, #tpu.memory_space<vmem>>, vector<16xi32>,
    %shift_right_logical3A_345 = arith.constant 14 : i32
    %shift_right_logical3A_346 = vector.broadcast %shift_right_logical3A_345 : i32 to vector<16xi32>
    %shift_right_logical3A_347 = arith.shrui %get3A_344, %shift_right_logical3A_346 : vector<16xi32>
    %add3A_348 = vector.broadcast %mul3A_0 : i32 to vector<16xi32>
    %add3A_349 = arith.addi %shift_right_logical3A_347, %add3A_348 : vector<16xi32>
    %swap3A_350 = arith.constant 32 : index
    %swap3A_351 = tpu.vector_load %arg10[%swap3A_350] {strides = array<i32>} : memref<64xi32, #tpu.memory_space<vmem>>, vector<16xi32>,
    tpu.vector_store %arg10[%swap3A_350], %add3A_349 {strides = array<i32>} : memref<64xi32, #tpu.memory_space<vmem>>, vector<16xi32>,
    %and3A_352 = arith.constant 16383 : i32
    %and3A_353 = vector.broadcast %and3A_352 : i32 to vector<16xi32>
    %and3A_354 = arith.andi %get3A_344, %and3A_353 : vector<16xi32>
    %swap3A_355 = arith.constant 32 : index
    %swap3A_356 = tpu.vector_load %arg11[%swap3A_355] {strides = array<i32>} : memref<64xi32, #tpu.memory_space<vmem>>, vector<16xi32>,
    tpu.vector_store %arg11[%swap3A_355], %and3A_354 {strides = array<i32>} : memref<64xi32, #tpu.memory_space<vmem>>, vector<16xi32>,
    %get3A_357 = arith.constant 0 : i32
    %get3A_358 = arith.index_cast %get3A_357 : i32 to index
    %get3A_359 = arith.constant 48 : index
    %get3A_360 = tpu.vector_load %arg6[%get3A_358, %get3A_359] {strides = array<i32>} : memref<84x64xi32, #tpu.memory_space<vmem>>, vector<16xi32>,
    %shift_right_logical3A_361 = arith.constant 14 : i32
    %shift_right_logical3A_362 = vector.broadcast %shift_right_logical3A_361 : i32 to vector<16xi32>
    %shift_right_logical3A_363 = arith.shrui %get3A_360, %shift_right_logical3A_362 : vector<16xi32>
    %add3A_364 = vector.broadcast %mul3A_0 : i32 to vector<16xi32>
    %add3A_365 = arith.addi %shift_right_logical3A_363, %add3A_364 : vector<16xi32>
    %swap3A_366 = arith.constant 48 : index
    %swap3A_367 = tpu.vector_load %arg10[%swap3A_366] {strides = array<i32>} : memref<64xi32, #tpu.memory_space<vmem>>, vector<16xi32>,
    tpu.vector_store %arg10[%swap3A_366], %add3A_365 {strides = array<i32>} : memref<64xi32, #tpu.memory_space<vmem>>, vector<16xi32>,
    %and3A_368 = arith.constant 16383 : i32
    %and3A_369 = vector.broadcast %and3A_368 : i32 to vector<16xi32>
    %and3A_370 = arith.andi %get3A_360, %and3A_369 : vector<16xi32>
    %swap3A_371 = arith.constant 48 : index
    %swap3A_372 = tpu.vector_load %arg11[%swap3A_371] {strides = array<i32>} : memref<64xi32, #tpu.memory_space<vmem>>, vector<16xi32>,
    tpu.vector_store %arg11[%swap3A_371], %and3A_370 {strides = array<i32>} : memref<64xi32, #tpu.memory_space<vmem>>, vector<16xi32>,
    %dma_start3A_373 = arith.constant 0 : i32
    %dma_start3A_374 = arith.constant 0 : i32
    %dma_start3A_375 = tpu.memref_slice %arg5[%dma_start3A_373, %dma_start3A_374] : memref<20480x128xf32, #tpu.memory_space<hbm>> -> memref<20480x128xf32, #tpu.memory_space<hbm>>
    tpu.enqueue_indirect_dma source(%dma_start3A_375 : memref<20480x128xf32, #tpu.memory_space<hbm>>) target(%arg14 : memref<64x128xf32, #tpu.memory_space<vmem>>) offsets(%arg10 : memref<64xi32, #tpu.memory_space<vmem>>) semaphore(%arg18 : memref<!tpu.dma_semaphore, #tpu.memory_space<semaphore_mem>>)
    %scan3A_376 = arith.constant 0 : i32
    %scan3A_377 = arith.constant 0 : i32
    %scan3A_378 = arith.constant 42 : i32
    %scan3A_379 = arith.addi %scan3A_377, %scan3A_378 : i32
    %scan3A_380 = arith.constant 1 : i32
    %scan3A_381 = scf.for %scan3A_504 = %scan3A_377 to %scan3A_379 step %scan3A_380 iter_args(%scan3A_505 = %scan3A_376) -> (i32)  : i32 {
      %mul3A_506 = arith.constant 2 : i32
      %mul3A_507 = arith.muli %mul3A_506, %scan3A_504 : i32
      %add3A_508 = arith.constant 1 : i32
      %add3A_509 = arith.addi %mul3A_507, %add3A_508 : i32
      %get3A_510 = arith.index_cast %add3A_509 : i32 to index
      %get3A_511 = arith.constant 0 : index
      %get3A_512 = tpu.vector_load %arg6[%get3A_510, %get3A_511] {strides = array<i32>} : memref<84x64xi32, #tpu.memory_space<vmem>>, vector<16xi32>,
      %shift_right_logical3A_513 = arith.constant 14 : i32
      %shift_right_logical3A_514 = vector.broadcast %shift_right_logical3A_513 : i32 to vector<16xi32>
      %shift_right_logical3A_515 = arith.shrui %get3A_512, %shift_right_logical3A_514 : vector<16xi32>
      %add3A_516 = vector.broadcast %mul3A_0 : i32 to vector<16xi32>
      %add3A_517 = arith.addi %shift_right_logical3A_515, %add3A_516 : vector<16xi32>
      %swap3A_518 = arith.constant 0 : index
      %swap3A_519 = tpu.vector_load %arg12[%swap3A_518] {strides = array<i32>} : memref<64xi32, #tpu.memory_space<vmem>>, vector<16xi32>,
      tpu.vector_store %arg12[%swap3A_518], %add3A_517 {strides = array<i32>} : memref<64xi32, #tpu.memory_space<vmem>>, vector<16xi32>,
      %and3A_520 = arith.constant 16383 : i32
      %and3A_521 = vector.broadcast %and3A_520 : i32 to vector<16xi32>
      %and3A_522 = arith.andi %get3A_512, %and3A_521 : vector<16xi32>
      %swap3A_523 = arith.constant 0 : index
      %swap3A_524 = tpu.vector_load %arg13[%swap3A_523] {strides = array<i32>} : memref<64xi32, #tpu.memory_space<vmem>>, vector<16xi32>,
      tpu.vector_store %arg13[%swap3A_523], %and3A_522 {strides = array<i32>} : memref<64xi32, #tpu.memory_space<vmem>>, vector<16xi32>,
      %get3A_525 = arith.index_cast %add3A_509 : i32 to index
      %get3A_526 = arith.constant 16 : index
      %get3A_527 = tpu.vector_load %arg6[%get3A_525, %get3A_526] {strides = array<i32>} : memref<84x64xi32, #tpu.memory_space<vmem>>, vector<16xi32>,
      %shift_right_logical3A_528 = arith.constant 14 : i32
      %shift_right_logical3A_529 = vector.broadcast %shift_right_logical3A_528 : i32 to vector<16xi32>
      %shift_right_logical3A_530 = arith.shrui %get3A_527, %shift_right_logical3A_529 : vector<16xi32>
      %add3A_531 = vector.broadcast %mul3A_0 : i32 to vector<16xi32>
      %add3A_532 = arith.addi %shift_right_logical3A_530, %add3A_531 : vector<16xi32>
      %swap3A_533 = arith.constant 16 : index
      %swap3A_534 = tpu.vector_load %arg12[%swap3A_533] {strides = array<i32>} : memref<64xi32, #tpu.memory_space<vmem>>, vector<16xi32>,
      tpu.vector_store %arg12[%swap3A_533], %add3A_532 {strides = array<i32>} : memref<64xi32, #tpu.memory_space<vmem>>, vector<16xi32>,
      %and3A_535 = arith.constant 16383 : i32
      %and3A_536 = vector.broadcast %and3A_535 : i32 to vector<16xi32>
      %and3A_537 = arith.andi %get3A_527, %and3A_536 : vector<16xi32>
      %swap3A_538 = arith.constant 16 : index
      %swap3A_539 = tpu.vector_load %arg13[%swap3A_538] {strides = array<i32>} : memref<64xi32, #tpu.memory_space<vmem>>, vector<16xi32>,
      tpu.vector_store %arg13[%swap3A_538], %and3A_537 {strides = array<i32>} : memref<64xi32, #tpu.memory_space<vmem>>, vector<16xi32>,
      %get3A_540 = arith.index_cast %add3A_509 : i32 to index
      %get3A_541 = arith.constant 32 : index
      %get3A_542 = tpu.vector_load %arg6[%get3A_540, %get3A_541] {strides = array<i32>} : memref<84x64xi32, #tpu.memory_space<vmem>>, vector<16xi32>,
      %shift_right_logical3A_543 = arith.constant 14 : i32
      %shift_right_logical3A_544 = vector.broadcast %shift_right_logical3A_543 : i32 to vector<16xi32>
      %shift_right_logical3A_545 = arith.shrui %get3A_542, %shift_right_logical3A_544 : vector<16xi32>
      %add3A_546 = vector.broadcast %mul3A_0 : i32 to vector<16xi32>
      %add3A_547 = arith.addi %shift_right_logical3A_545, %add3A_546 : vector<16xi32>
      %swap3A_548 = arith.constant 32 : index
      %swap3A_549 = tpu.vector_load %arg12[%swap3A_548] {strides = array<i32>} : memref<64xi32, #tpu.memory_space<vmem>>, vector<16xi32>,
      tpu.vector_store %arg12[%swap3A_548], %add3A_547 {strides = array<i32>} : memref<64xi32, #tpu.memory_space<vmem>>, vector<16xi32>,
      %and3A_550 = arith.constant 16383 : i32
      %and3A_551 = vector.broadcast %and3A_550 : i32 to vector<16xi32>
      %and3A_552 = arith.andi %get3A_542, %and3A_551 : vector<16xi32>
      %swap3A_553 = arith.constant 32 : index
      %swap3A_554 = tpu.vector_load %arg13[%swap3A_553] {strides = array<i32>} : memref<64xi32, #tpu.memory_space<vmem>>, vector<16xi32>,
      tpu.vector_store %arg13[%swap3A_553], %and3A_552 {strides = array<i32>} : memref<64xi32, #tpu.memory_space<vmem>>, vector<16xi32>,
      %get3A_555 = arith.index_cast %add3A_509 : i32 to index
      %get3A_556 = arith.constant 48 : index
      %get3A_557 = tpu.vector_load %arg6[%get3A_555, %get3A_556] {strides = array<i32>} : memref<84x64xi32, #tpu.memory_space<vmem>>, vector<16xi32>,
      %shift_right_logical3A_558 = arith.constant 14 : i32
      %shift_right_logical3A_559 = vector.broadcast %shift_right_logical3A_558 : i32 to vector<16xi32>
      %shift_right_logical3A_560 = arith.shrui %get3A_557, %shift_right_logical3A_559 : vector<16xi32>
      %add3A_561 = vector.broadcast %mul3A_0 : i32 to vector<16xi32>
      %add3A_562 = arith.addi %shift_right_logical3A_560, %add3A_561 : vector<16xi32>
      %swap3A_563 = arith.constant 48 : index
      %swap3A_564 = tpu.vector_load %arg12[%swap3A_563] {strides = array<i32>} : memref<64xi32, #tpu.memory_space<vmem>>, vector<16xi32>,
      tpu.vector_store %arg12[%swap3A_563], %add3A_562 {strides = array<i32>} : memref<64xi32, #tpu.memory_space<vmem>>, vector<16xi32>,
      %and3A_565 = arith.constant 16383 : i32
      %and3A_566 = vector.broadcast %and3A_565 : i32 to vector<16xi32>
      %and3A_567 = arith.andi %get3A_557, %and3A_566 : vector<16xi32>
      %swap3A_568 = arith.constant 48 : index
      %swap3A_569 = tpu.vector_load %arg13[%swap3A_568] {strides = array<i32>} : memref<64xi32, #tpu.memory_space<vmem>>, vector<16xi32>,
      tpu.vector_store %arg13[%swap3A_568], %and3A_567 {strides = array<i32>} : memref<64xi32, #tpu.memory_space<vmem>>, vector<16xi32>,
      %dma_wait3A = arith.constant 0 : i32
      %dma_wait3A_570 = arith.constant 0 : i32
      %dma_wait3A_571 = tpu.memref_slice %arg5[%dma_wait3A, %dma_wait3A_570] : memref<20480x128xf32, #tpu.memory_space<hbm>> -> memref<20480x128xf32, #tpu.memory_space<hbm>>
      tpu.wait_indirect_dma semaphore(%arg18 : memref<!tpu.dma_semaphore, #tpu.memory_space<semaphore_mem>>) src(%dma_wait3A_571 : memref<20480x128xf32, #tpu.memory_space<hbm>>) dst(%arg14 : memref<64x128xf32, #tpu.memory_space<vmem>>)
      %dma_start3A_572 = arith.constant 0 : i32
      %dma_start3A_573 = arith.constant 0 : i32
      %dma_start3A_574 = tpu.memref_slice %arg5[%dma_start3A_572, %dma_start3A_573] : memref<20480x128xf32, #tpu.memory_space<hbm>> -> memref<20480x128xf32, #tpu.memory_space<hbm>>
      tpu.enqueue_indirect_dma source(%dma_start3A_574 : memref<20480x128xf32, #tpu.memory_space<hbm>>) target(%arg15 : memref<64x128xf32, #tpu.memory_space<vmem>>) offsets(%arg12 : memref<64xi32, #tpu.memory_space<vmem>>) semaphore(%arg19 : memref<!tpu.dma_semaphore, #tpu.memory_space<semaphore_mem>>)
      %dma_start3A_575 = arith.constant 0 : i32
      %dma_start3A_576 = arith.constant 0 : i32
      %dma_start3A_577 = tpu.memref_slice %arg17[%dma_start3A_575, %dma_start3A_576] : memref<10240x128xf32, #tpu.memory_space<vmem_shared>> -> memref<10240x128xf32, #tpu.memory_space<vmem_shared>>
      tpu.enqueue_indirect_dma source(%arg14 : memref<64x128xf32, #tpu.memory_space<vmem>>) target(%dma_start3A_577 : memref<10240x128xf32, #tpu.memory_space<vmem_shared>>) offsets(%arg11 : memref<64xi32, #tpu.memory_space<vmem>>) semaphore(%arg20 : memref<!tpu.dma_semaphore, #tpu.memory_space<semaphore_mem>>) {add = true}
      %dma_wait3A_578 = arith.constant 0 : i32
      %dma_wait3A_579 = arith.constant 0 : i32
      %dma_wait3A_580 = tpu.memref_slice %arg5[%dma_wait3A_578, %dma_wait3A_579] : memref<20480x128xf32, #tpu.memory_space<hbm>> -> memref<20480x128xf32, #tpu.memory_space<hbm>>
      tpu.wait_indirect_dma semaphore(%arg19 : memref<!tpu.dma_semaphore, #tpu.memory_space<semaphore_mem>>) src(%dma_wait3A_580 : memref<20480x128xf32, #tpu.memory_space<hbm>>) dst(%arg15 : memref<64x128xf32, #tpu.memory_space<vmem>>)
      %dma_start3A_581 = arith.constant 0 : i32
      %dma_start3A_582 = arith.constant 0 : i32
      %dma_start3A_583 = tpu.memref_slice %arg17[%dma_start3A_581, %dma_start3A_582] : memref<10240x128xf32, #tpu.memory_space<vmem_shared>> -> memref<10240x128xf32, #tpu.memory_space<vmem_shared>>
      tpu.enqueue_indirect_dma source(%arg15 : memref<64x128xf32, #tpu.memory_space<vmem>>) target(%dma_start3A_583 : memref<10240x128xf32, #tpu.memory_space<vmem_shared>>) offsets(%arg13 : memref<64xi32, #tpu.memory_space<vmem>>) semaphore(%arg21 : memref<!tpu.dma_semaphore, #tpu.memory_space<semaphore_mem>>) {add = true}
      %dma_wait3A_584 = arith.constant 0 : i32
      %dma_wait3A_585 = arith.constant 0 : i32
      %dma_wait3A_586 = tpu.memref_slice %arg17[%dma_wait3A_584, %dma_wait3A_585] : memref<10240x128xf32, #tpu.memory_space<vmem_shared>> -> memref<10240x128xf32, #tpu.memory_space<vmem_shared>>
      tpu.wait_indirect_dma semaphore(%arg20 : memref<!tpu.dma_semaphore, #tpu.memory_space<semaphore_mem>>) src(%arg14 : memref<64x128xf32, #tpu.memory_space<vmem>>) dst(%dma_wait3A_586 : memref<10240x128xf32, #tpu.memory_space<vmem_shared>>)
      %lt3A = arith.constant 41 : i32
      %lt3A_587 = arith.cmpi slt, %scan3A_504, %lt3A : i32
      %convert_element_type3A = arith.extui %lt3A_587 : i1 to i32
      %cond3A = arith.constant 0 : i32
      %cond3A_588 = arith.cmpi ne, %convert_element_type3A, %cond3A : i32
      scf.if %cond3A_588 {
        %mul3A_593 = arith.constant 2 : i32
        %mul3A_594 = arith.muli %mul3A_593, %scan3A_504 : i32
        %add3A_595 = arith.constant 2 : i32
        %add3A_596 = arith.addi %mul3A_594, %add3A_595 : i32
        %get3A_597 = arith.index_cast %add3A_596 : i32 to index
        %get3A_598 = arith.constant 0 : index
        %get3A_599 = tpu.vector_load %arg6[%get3A_597, %get3A_598] {strides = array<i32>} : memref<84x64xi32, #tpu.memory_space<vmem>>, vector<16xi32>,
        %shift_right_logical3A_600 = arith.constant 14 : i32
        %shift_right_logical3A_601 = vector.broadcast %shift_right_logical3A_600 : i32 to vector<16xi32>
        %shift_right_logical3A_602 = arith.shrui %get3A_599, %shift_right_logical3A_601 : vector<16xi32>
        %add3A_603 = vector.broadcast %mul3A_0 : i32 to vector<16xi32>
        %add3A_604 = arith.addi %shift_right_logical3A_602, %add3A_603 : vector<16xi32>
        %swap3A_605 = arith.constant 0 : index
        %swap3A_606 = tpu.vector_load %arg10[%swap3A_605] {strides = array<i32>} : memref<64xi32, #tpu.memory_space<vmem>>, vector<16xi32>,
        tpu.vector_store %arg10[%swap3A_605], %add3A_604 {strides = array<i32>} : memref<64xi32, #tpu.memory_space<vmem>>, vector<16xi32>,
        %and3A_607 = arith.constant 16383 : i32
        %and3A_608 = vector.broadcast %and3A_607 : i32 to vector<16xi32>
        %and3A_609 = arith.andi %get3A_599, %and3A_608 : vector<16xi32>
        %swap3A_610 = arith.constant 0 : index
        %swap3A_611 = tpu.vector_load %arg11[%swap3A_610] {strides = array<i32>} : memref<64xi32, #tpu.memory_space<vmem>>, vector<16xi32>,
        tpu.vector_store %arg11[%swap3A_610], %and3A_609 {strides = array<i32>} : memref<64xi32, #tpu.memory_space<vmem>>, vector<16xi32>,
        %get3A_612 = arith.index_cast %add3A_596 : i32 to index
        %get3A_613 = arith.constant 16 : index
        %get3A_614 = tpu.vector_load %arg6[%get3A_612, %get3A_613] {strides = array<i32>} : memref<84x64xi32, #tpu.memory_space<vmem>>, vector<16xi32>,
        %shift_right_logical3A_615 = arith.constant 14 : i32
        %shift_right_logical3A_616 = vector.broadcast %shift_right_logical3A_615 : i32 to vector<16xi32>
        %shift_right_logical3A_617 = arith.shrui %get3A_614, %shift_right_logical3A_616 : vector<16xi32>
        %add3A_618 = vector.broadcast %mul3A_0 : i32 to vector<16xi32>
        %add3A_619 = arith.addi %shift_right_logical3A_617, %add3A_618 : vector<16xi32>
        %swap3A_620 = arith.constant 16 : index
        %swap3A_621 = tpu.vector_load %arg10[%swap3A_620] {strides = array<i32>} : memref<64xi32, #tpu.memory_space<vmem>>, vector<16xi32>,
        tpu.vector_store %arg10[%swap3A_620], %add3A_619 {strides = array<i32>} : memref<64xi32, #tpu.memory_space<vmem>>, vector<16xi32>,
        %and3A_622 = arith.constant 16383 : i32
        %and3A_623 = vector.broadcast %and3A_622 : i32 to vector<16xi32>
        %and3A_624 = arith.andi %get3A_614, %and3A_623 : vector<16xi32>
        %swap3A_625 = arith.constant 16 : index
        %swap3A_626 = tpu.vector_load %arg11[%swap3A_625] {strides = array<i32>} : memref<64xi32, #tpu.memory_space<vmem>>, vector<16xi32>,
        tpu.vector_store %arg11[%swap3A_625], %and3A_624 {strides = array<i32>} : memref<64xi32, #tpu.memory_space<vmem>>, vector<16xi32>,
        %get3A_627 = arith.index_cast %add3A_596 : i32 to index
        %get3A_628 = arith.constant 32 : index
        %get3A_629 = tpu.vector_load %arg6[%get3A_627, %get3A_628] {strides = array<i32>} : memref<84x64xi32, #tpu.memory_space<vmem>>, vector<16xi32>,
        %shift_right_logical3A_630 = arith.constant 14 : i32
        %shift_right_logical3A_631 = vector.broadcast %shift_right_logical3A_630 : i32 to vector<16xi32>
        %shift_right_logical3A_632 = arith.shrui %get3A_629, %shift_right_logical3A_631 : vector<16xi32>
        %add3A_633 = vector.broadcast %mul3A_0 : i32 to vector<16xi32>
        %add3A_634 = arith.addi %shift_right_logical3A_632, %add3A_633 : vector<16xi32>
        %swap3A_635 = arith.constant 32 : index
        %swap3A_636 = tpu.vector_load %arg10[%swap3A_635] {strides = array<i32>} : memref<64xi32, #tpu.memory_space<vmem>>, vector<16xi32>,
        tpu.vector_store %arg10[%swap3A_635], %add3A_634 {strides = array<i32>} : memref<64xi32, #tpu.memory_space<vmem>>, vector<16xi32>,
        %and3A_637 = arith.constant 16383 : i32
        %and3A_638 = vector.broadcast %and3A_637 : i32 to vector<16xi32>
        %and3A_639 = arith.andi %get3A_629, %and3A_638 : vector<16xi32>
        %swap3A_640 = arith.constant 32 : index
        %swap3A_641 = tpu.vector_load %arg11[%swap3A_640] {strides = array<i32>} : memref<64xi32, #tpu.memory_space<vmem>>, vector<16xi32>,
        tpu.vector_store %arg11[%swap3A_640], %and3A_639 {strides = array<i32>} : memref<64xi32, #tpu.memory_space<vmem>>, vector<16xi32>,
        %get3A_642 = arith.index_cast %add3A_596 : i32 to index
        %get3A_643 = arith.constant 48 : index
        %get3A_644 = tpu.vector_load %arg6[%get3A_642, %get3A_643] {strides = array<i32>} : memref<84x64xi32, #tpu.memory_space<vmem>>, vector<16xi32>,
        %shift_right_logical3A_645 = arith.constant 14 : i32
        %shift_right_logical3A_646 = vector.broadcast %shift_right_logical3A_645 : i32 to vector<16xi32>
        %shift_right_logical3A_647 = arith.shrui %get3A_644, %shift_right_logical3A_646 : vector<16xi32>
        %add3A_648 = vector.broadcast %mul3A_0 : i32 to vector<16xi32>
        %add3A_649 = arith.addi %shift_right_logical3A_647, %add3A_648 : vector<16xi32>
        %swap3A_650 = arith.constant 48 : index
        %swap3A_651 = tpu.vector_load %arg10[%swap3A_650] {strides = array<i32>} : memref<64xi32, #tpu.memory_space<vmem>>, vector<16xi32>,
        tpu.vector_store %arg10[%swap3A_650], %add3A_649 {strides = array<i32>} : memref<64xi32, #tpu.memory_space<vmem>>, vector<16xi32>,
        %and3A_652 = arith.constant 16383 : i32
        %and3A_653 = vector.broadcast %and3A_652 : i32 to vector<16xi32>
        %and3A_654 = arith.andi %get3A_644, %and3A_653 : vector<16xi32>
        %swap3A_655 = arith.constant 48 : index
        %swap3A_656 = tpu.vector_load %arg11[%swap3A_655] {strides = array<i32>} : memref<64xi32, #tpu.memory_space<vmem>>, vector<16xi32>,
        tpu.vector_store %arg11[%swap3A_655], %and3A_654 {strides = array<i32>} : memref<64xi32, #tpu.memory_space<vmem>>, vector<16xi32>,
        %dma_start3A_657 = arith.constant 0 : i32
        %dma_start3A_658 = arith.constant 0 : i32
        %dma_start3A_659 = tpu.memref_slice %arg5[%dma_start3A_657, %dma_start3A_658] : memref<20480x128xf32, #tpu.memory_space<hbm>> -> memref<20480x128xf32, #tpu.memory_space<hbm>>
        tpu.enqueue_indirect_dma source(%dma_start3A_659 : memref<20480x128xf32, #tpu.memory_space<hbm>>) target(%arg14 : memref<64x128xf32, #tpu.memory_space<vmem>>) offsets(%arg10 : memref<64xi32, #tpu.memory_space<vmem>>) semaphore(%arg18 : memref<!tpu.dma_semaphore, #tpu.memory_space<semaphore_mem>>)
      } else {
      }
      %dma_wait3A_589 = arith.constant 0 : i32
      %dma_wait3A_590 = arith.constant 0 : i32
      %dma_wait3A_591 = tpu.memref_slice %arg17[%dma_wait3A_589, %dma_wait3A_590] : memref<10240x128xf32, #tpu.memory_space<vmem_shared>> -> memref<10240x128xf32, #tpu.memory_space<vmem_shared>>
      tpu.wait_indirect_dma semaphore(%arg21 : memref<!tpu.dma_semaphore, #tpu.memory_space<semaphore_mem>>) src(%arg15 : memref<64x128xf32, #tpu.memory_space<vmem>>) dst(%dma_wait3A_591 : memref<10240x128xf32, #tpu.memory_space<vmem_shared>>)
      %scan3A_592 = arith.constant 0 : i32
      scf.yield %scan3A_592 : i32
    }
    %scan3A_382 = arith.constant 42 : i32
    %barrier3A_383 = arith.constant 0 : index
    tpu.barrier barrier_id(%barrier3A_383)
    %add3A_384 = arith.constant 0 : i32
    %add3A_385 = arith.addi %mul3A_4, %add3A_384 : i32
    %min3A_386 = arith.constant 9936 : i32
    %min3A_387 = arith.minsi %add3A_385, %min3A_386 : i32
    %multiple_of3A_388 = tpu.assume_multiple %min3A_387, 16 : i32
    "tpu.region"() ({
      %run_scoped3A = tpu.sem_alloc : memref<!tpu.dma_semaphore, #tpu.memory_space<semaphore_mem>>
      %dma_start3A_504 = arith.constant 0 : i32
      %dma_start3A_505 = tpu.memref_slice %arg17[%multiple_of3A_388, %dma_start3A_504] : memref<10240x128xf32, #tpu.memory_space<vmem_shared>> -> memref<64x128xf32, #tpu.memory_space<vmem_shared>>
      %dma_start3A_506 = arith.constant 0 : i32
      %dma_start3A_507 = tpu.memref_slice %arg17[%multiple_of3A_388, %dma_start3A_506] : memref<10240x128xf32, #tpu.memory_space<vmem_shared>> -> memref<64x128xf32, #tpu.memory_space<vmem_shared>>
      tpu.enqueue_dma source(%dma_start3A_507 : memref<64x128xf32, #tpu.memory_space<vmem_shared>>) target(%arg14 : memref<64x128xf32, #tpu.memory_space<vmem>>) target_semaphore(%run_scoped3A : memref<!tpu.dma_semaphore, #tpu.memory_space<semaphore_mem>>)
      %dma_wait3A = arith.constant 0 : i32
      %dma_wait3A_508 = tpu.memref_slice %arg17[%multiple_of3A_388, %dma_wait3A] : memref<10240x128xf32, #tpu.memory_space<vmem_shared>> -> memref<64x128xf32, #tpu.memory_space<vmem_shared>>
      %dma_wait3A_509 = arith.constant 0 : i32
      %dma_wait3A_510 = tpu.memref_slice %arg17[%multiple_of3A_388, %dma_wait3A_509] : memref<10240x128xf32, #tpu.memory_space<vmem_shared>> -> memref<64x128xf32, #tpu.memory_space<vmem_shared>>
      tpu.wait_dma2 semaphore(%run_scoped3A : memref<!tpu.dma_semaphore, #tpu.memory_space<semaphore_mem>>) src(%dma_wait3A_510 : memref<64x128xf32, #tpu.memory_space<vmem_shared>>) dst(%arg14 : memref<64x128xf32, #tpu.memory_space<vmem>>)
      tpu.yield
    }) : () -> ()
    %scan3A_389 = arith.constant 0 : i32
    %scan3A_390 = arith.constant 0 : i32
    %scan3A_391 = arith.constant 64 : i32
    %scan3A_392 = arith.addi %scan3A_390, %scan3A_391 : i32
    %scan3A_393 = arith.constant 1 : i32
    %scan3A_394 = scf.for %scan3A_504 = %scan3A_390 to %scan3A_392 step %scan3A_393 iter_args(%scan3A_505 = %scan3A_389) -> (i32)  : i32 {
      %sub3A = arith.subi %multiple_of3A_388, %mul3A_4 : i32
      %add3A_506 = arith.addi %sub3A, %scan3A_504 : i32
      %broadcast_in_dim3A_507 = vector.broadcast %add3A_506 : i32 to vector<16xi32>
      %gather3A = tpu.vector_load_idx %arg8[%broadcast_in_dim3A_507] : memref<640xf32, #tpu.memory_space<vmem>>[vector<16xi32>], vector<16xf32>,
      %get3A_508 = arith.index_cast %scan3A_504 : i32 to index
      %get3A_509 = arith.constant 0 : index
      %get3A_510 = tpu.vector_load %arg14[%get3A_508, %get3A_509] {strides = array<i32>} : memref<64x128xf32, #tpu.memory_space<vmem>>, vector<16xf32>,
      %mul3A_511 = arith.mulf %get3A_510, %gather3A : vector<16xf32>
      %swap3A_512 = arith.index_cast %scan3A_504 : i32 to index
      %swap3A_513 = arith.constant 0 : index
      %swap3A_514 = tpu.vector_load %arg14[%swap3A_512, %swap3A_513] {strides = array<i32>} : memref<64x128xf32, #tpu.memory_space<vmem>>, vector<16xf32>,
      tpu.vector_store %arg14[%swap3A_512, %swap3A_513], %mul3A_511 {strides = array<i32>} : memref<64x128xf32, #tpu.memory_space<vmem>>, vector<16xf32>,
      %get3A_515 = arith.index_cast %scan3A_504 : i32 to index
      %get3A_516 = arith.constant 16 : index
      %get3A_517 = tpu.vector_load %arg14[%get3A_515, %get3A_516] {strides = array<i32>} : memref<64x128xf32, #tpu.memory_space<vmem>>, vector<16xf32>,
      %mul3A_518 = arith.mulf %get3A_517, %gather3A : vector<16xf32>
      %swap3A_519 = arith.index_cast %scan3A_504 : i32 to index
      %swap3A_520 = arith.constant 16 : index
      %swap3A_521 = tpu.vector_load %arg14[%swap3A_519, %swap3A_520] {strides = array<i32>} : memref<64x128xf32, #tpu.memory_space<vmem>>, vector<16xf32>,
      tpu.vector_store %arg14[%swap3A_519, %swap3A_520], %mul3A_518 {strides = array<i32>} : memref<64x128xf32, #tpu.memory_space<vmem>>, vector<16xf32>,
      %get3A_522 = arith.index_cast %scan3A_504 : i32 to index
      %get3A_523 = arith.constant 32 : index
      %get3A_524 = tpu.vector_load %arg14[%get3A_522, %get3A_523] {strides = array<i32>} : memref<64x128xf32, #tpu.memory_space<vmem>>, vector<16xf32>,
      %mul3A_525 = arith.mulf %get3A_524, %gather3A : vector<16xf32>
      %swap3A_526 = arith.index_cast %scan3A_504 : i32 to index
      %swap3A_527 = arith.constant 32 : index
      %swap3A_528 = tpu.vector_load %arg14[%swap3A_526, %swap3A_527] {strides = array<i32>} : memref<64x128xf32, #tpu.memory_space<vmem>>, vector<16xf32>,
      tpu.vector_store %arg14[%swap3A_526, %swap3A_527], %mul3A_525 {strides = array<i32>} : memref<64x128xf32, #tpu.memory_space<vmem>>, vector<16xf32>,
      %get3A_529 = arith.index_cast %scan3A_504 : i32 to index
      %get3A_530 = arith.constant 48 : index
      %get3A_531 = tpu.vector_load %arg14[%get3A_529, %get3A_530] {strides = array<i32>} : memref<64x128xf32, #tpu.memory_space<vmem>>, vector<16xf32>,
      %mul3A_532 = arith.mulf %get3A_531, %gather3A : vector<16xf32>
      %swap3A_533 = arith.index_cast %scan3A_504 : i32 to index
      %swap3A_534 = arith.constant 48 : index
      %swap3A_535 = tpu.vector_load %arg14[%swap3A_533, %swap3A_534] {strides = array<i32>} : memref<64x128xf32, #tpu.memory_space<vmem>>, vector<16xf32>,
      tpu.vector_store %arg14[%swap3A_533, %swap3A_534], %mul3A_532 {strides = array<i32>} : memref<64x128xf32, #tpu.memory_space<vmem>>, vector<16xf32>,
      %get3A_536 = arith.index_cast %scan3A_504 : i32 to index
      %get3A_537 = arith.constant 64 : index
      %get3A_538 = tpu.vector_load %arg14[%get3A_536, %get3A_537] {strides = array<i32>} : memref<64x128xf32, #tpu.memory_space<vmem>>, vector<16xf32>,
      %mul3A_539 = arith.mulf %get3A_538, %gather3A : vector<16xf32>
      %swap3A_540 = arith.index_cast %scan3A_504 : i32 to index
      %swap3A_541 = arith.constant 64 : index
      %swap3A_542 = tpu.vector_load %arg14[%swap3A_540, %swap3A_541] {strides = array<i32>} : memref<64x128xf32, #tpu.memory_space<vmem>>, vector<16xf32>,
      tpu.vector_store %arg14[%swap3A_540, %swap3A_541], %mul3A_539 {strides = array<i32>} : memref<64x128xf32, #tpu.memory_space<vmem>>, vector<16xf32>,
      %get3A_543 = arith.index_cast %scan3A_504 : i32 to index
      %get3A_544 = arith.constant 80 : index
      %get3A_545 = tpu.vector_load %arg14[%get3A_543, %get3A_544] {strides = array<i32>} : memref<64x128xf32, #tpu.memory_space<vmem>>, vector<16xf32>,
      %mul3A_546 = arith.mulf %get3A_545, %gather3A : vector<16xf32>
      %swap3A_547 = arith.index_cast %scan3A_504 : i32 to index
      %swap3A_548 = arith.constant 80 : index
      %swap3A_549 = tpu.vector_load %arg14[%swap3A_547, %swap3A_548] {strides = array<i32>} : memref<64x128xf32, #tpu.memory_space<vmem>>, vector<16xf32>,
      tpu.vector_store %arg14[%swap3A_547, %swap3A_548], %mul3A_546 {strides = array<i32>} : memref<64x128xf32, #tpu.memory_space<vmem>>, vector<16xf32>,
      %get3A_550 = arith.index_cast %scan3A_504 : i32 to index
      %get3A_551 = arith.constant 96 : index
      %get3A_552 = tpu.vector_load %arg14[%get3A_550, %get3A_551] {strides = array<i32>} : memref<64x128xf32, #tpu.memory_space<vmem>>, vector<16xf32>,
      %mul3A_553 = arith.mulf %get3A_552, %gather3A : vector<16xf32>
      %swap3A_554 = arith.index_cast %scan3A_504 : i32 to index
      %swap3A_555 = arith.constant 96 : index
      %swap3A_556 = tpu.vector_load %arg14[%swap3A_554, %swap3A_555] {strides = array<i32>} : memref<64x128xf32, #tpu.memory_space<vmem>>, vector<16xf32>,
      tpu.vector_store %arg14[%swap3A_554, %swap3A_555], %mul3A_553 {strides = array<i32>} : memref<64x128xf32, #tpu.memory_space<vmem>>, vector<16xf32>,
      %get3A_557 = arith.index_cast %scan3A_504 : i32 to index
      %get3A_558 = arith.constant 112 : index
      %get3A_559 = tpu.vector_load %arg14[%get3A_557, %get3A_558] {strides = array<i32>} : memref<64x128xf32, #tpu.memory_space<vmem>>, vector<16xf32>,
      %mul3A_560 = arith.mulf %get3A_559, %gather3A : vector<16xf32>
      %swap3A_561 = arith.index_cast %scan3A_504 : i32 to index
      %swap3A_562 = arith.constant 112 : index
      %swap3A_563 = tpu.vector_load %arg14[%swap3A_561, %swap3A_562] {strides = array<i32>} : memref<64x128xf32, #tpu.memory_space<vmem>>, vector<16xf32>,
      tpu.vector_store %arg14[%swap3A_561, %swap3A_562], %mul3A_560 {strides = array<i32>} : memref<64x128xf32, #tpu.memory_space<vmem>>, vector<16xf32>,
      %scan3A_564 = arith.constant 0 : i32
      scf.yield %scan3A_564 : i32
    }
    %scan3A_395 = arith.constant 64 : i32
    "tpu.region"() ({
      %run_scoped3A = tpu.sem_alloc : memref<!tpu.dma_semaphore, #tpu.memory_space<semaphore_mem>>
      %dma_start3A_504 = tpu.memref_slice %arg4[%multiple_of3A_388, %mul3A_2] : memref<10000x256xf32, #tpu.memory_space<hbm>> -> memref<64x128xf32, #tpu.memory_space<hbm>>
      %dma_start3A_505 = tpu.memref_slice %arg4[%multiple_of3A_388, %mul3A_2] : memref<10000x256xf32, #tpu.memory_space<hbm>> -> memref<64x128xf32, #tpu.memory_space<hbm>>
      tpu.enqueue_dma source(%arg14 : memref<64x128xf32, #tpu.memory_space<vmem>>) target(%dma_start3A_505 : memref<64x128xf32, #tpu.memory_space<hbm>>) target_semaphore(%run_scoped3A : memref<!tpu.dma_semaphore, #tpu.memory_space<semaphore_mem>>)
      %dma_wait3A = tpu.memref_slice %arg4[%multiple_of3A_388, %mul3A_2] : memref<10000x256xf32, #tpu.memory_space<hbm>> -> memref<64x128xf32, #tpu.memory_space<hbm>>
      %dma_wait3A_506 = tpu.memref_slice %arg4[%multiple_of3A_388, %mul3A_2] : memref<10000x256xf32, #tpu.memory_space<hbm>> -> memref<64x128xf32, #tpu.memory_space<hbm>>
      tpu.wait_dma2 semaphore(%run_scoped3A : memref<!tpu.dma_semaphore, #tpu.memory_space<semaphore_mem>>) src(%arg14 : memref<64x128xf32, #tpu.memory_space<vmem>>) dst(%dma_wait3A_506 : memref<64x128xf32, #tpu.memory_space<hbm>>)
      tpu.yield
    }) : () -> ()
    %add3A_396 = arith.constant 64 : i32
    %add3A_397 = arith.addi %mul3A_4, %add3A_396 : i32
    %min3A_398 = arith.constant 9936 : i32
    %min3A_399 = arith.minsi %add3A_397, %min3A_398 : i32
    %multiple_of3A_400 = tpu.assume_multiple %min3A_399, 16 : i32
    "tpu.region"() ({
      %run_scoped3A = tpu.sem_alloc : memref<!tpu.dma_semaphore, #tpu.memory_space<semaphore_mem>>
      %dma_start3A_504 = arith.constant 0 : i32
      %dma_start3A_505 = tpu.memref_slice %arg17[%multiple_of3A_400, %dma_start3A_504] : memref<10240x128xf32, #tpu.memory_space<vmem_shared>> -> memref<64x128xf32, #tpu.memory_space<vmem_shared>>
      %dma_start3A_506 = arith.constant 0 : i32
      %dma_start3A_507 = tpu.memref_slice %arg17[%multiple_of3A_400, %dma_start3A_506] : memref<10240x128xf32, #tpu.memory_space<vmem_shared>> -> memref<64x128xf32, #tpu.memory_space<vmem_shared>>
      tpu.enqueue_dma source(%dma_start3A_507 : memref<64x128xf32, #tpu.memory_space<vmem_shared>>) target(%arg14 : memref<64x128xf32, #tpu.memory_space<vmem>>) target_semaphore(%run_scoped3A : memref<!tpu.dma_semaphore, #tpu.memory_space<semaphore_mem>>)
      %dma_wait3A = arith.constant 0 : i32
      %dma_wait3A_508 = tpu.memref_slice %arg17[%multiple_of3A_400, %dma_wait3A] : memref<10240x128xf32, #tpu.memory_space<vmem_shared>> -> memref<64x128xf32, #tpu.memory_space<vmem_shared>>
      %dma_wait3A_509 = arith.constant 0 : i32
      %dma_wait3A_510 = tpu.memref_slice %arg17[%multiple_of3A_400, %dma_wait3A_509] : memref<10240x128xf32, #tpu.memory_space<vmem_shared>> -> memref<64x128xf32, #tpu.memory_space<vmem_shared>>
      tpu.wait_dma2 semaphore(%run_scoped3A : memref<!tpu.dma_semaphore, #tpu.memory_space<semaphore_mem>>) src(%dma_wait3A_510 : memref<64x128xf32, #tpu.memory_space<vmem_shared>>) dst(%arg14 : memref<64x128xf32, #tpu.memory_space<vmem>>)
      tpu.yield
    }) : () -> ()
    %scan3A_401 = arith.constant 0 : i32
    %scan3A_402 = arith.constant 0 : i32
    %scan3A_403 = arith.constant 64 : i32
    %scan3A_404 = arith.addi %scan3A_402, %scan3A_403 : i32
    %scan3A_405 = arith.constant 1 : i32
    %scan3A_406 = scf.for %scan3A_504 = %scan3A_402 to %scan3A_404 step %scan3A_405 iter_args(%scan3A_505 = %scan3A_401) -> (i32)  : i32 {
      %sub3A = arith.subi %multiple_of3A_400, %mul3A_4 : i32
      %add3A_506 = arith.addi %sub3A, %scan3A_504 : i32
      %broadcast_in_dim3A_507 = vector.broadcast %add3A_506 : i32 to vector<16xi32>
      %gather3A = tpu.vector_load_idx %arg8[%broadcast_in_dim3A_507] : memref<640xf32, #tpu.memory_space<vmem>>[vector<16xi32>], vector<16xf32>,
      %get3A_508 = arith.index_cast %scan3A_504 : i32 to index
      %get3A_509 = arith.constant 0 : index
      %get3A_510 = tpu.vector_load %arg14[%get3A_508, %get3A_509] {strides = array<i32>} : memref<64x128xf32, #tpu.memory_space<vmem>>, vector<16xf32>,
      %mul3A_511 = arith.mulf %get3A_510, %gather3A : vector<16xf32>
      %swap3A_512 = arith.index_cast %scan3A_504 : i32 to index
      %swap3A_513 = arith.constant 0 : index
      %swap3A_514 = tpu.vector_load %arg14[%swap3A_512, %swap3A_513] {strides = array<i32>} : memref<64x128xf32, #tpu.memory_space<vmem>>, vector<16xf32>,
      tpu.vector_store %arg14[%swap3A_512, %swap3A_513], %mul3A_511 {strides = array<i32>} : memref<64x128xf32, #tpu.memory_space<vmem>>, vector<16xf32>,
      %get3A_515 = arith.index_cast %scan3A_504 : i32 to index
      %get3A_516 = arith.constant 16 : index
      %get3A_517 = tpu.vector_load %arg14[%get3A_515, %get3A_516] {strides = array<i32>} : memref<64x128xf32, #tpu.memory_space<vmem>>, vector<16xf32>,
      %mul3A_518 = arith.mulf %get3A_517, %gather3A : vector<16xf32>
      %swap3A_519 = arith.index_cast %scan3A_504 : i32 to index
      %swap3A_520 = arith.constant 16 : index
      %swap3A_521 = tpu.vector_load %arg14[%swap3A_519, %swap3A_520] {strides = array<i32>} : memref<64x128xf32, #tpu.memory_space<vmem>>, vector<16xf32>,
      tpu.vector_store %arg14[%swap3A_519, %swap3A_520], %mul3A_518 {strides = array<i32>} : memref<64x128xf32, #tpu.memory_space<vmem>>, vector<16xf32>,
      %get3A_522 = arith.index_cast %scan3A_504 : i32 to index
      %get3A_523 = arith.constant 32 : index
      %get3A_524 = tpu.vector_load %arg14[%get3A_522, %get3A_523] {strides = array<i32>} : memref<64x128xf32, #tpu.memory_space<vmem>>, vector<16xf32>,
      %mul3A_525 = arith.mulf %get3A_524, %gather3A : vector<16xf32>
      %swap3A_526 = arith.index_cast %scan3A_504 : i32 to index
      %swap3A_527 = arith.constant 32 : index
      %swap3A_528 = tpu.vector_load %arg14[%swap3A_526, %swap3A_527] {strides = array<i32>} : memref<64x128xf32, #tpu.memory_space<vmem>>, vector<16xf32>,
      tpu.vector_store %arg14[%swap3A_526, %swap3A_527], %mul3A_525 {strides = array<i32>} : memref<64x128xf32, #tpu.memory_space<vmem>>, vector<16xf32>,
      %get3A_529 = arith.index_cast %scan3A_504 : i32 to index
      %get3A_530 = arith.constant 48 : index
      %get3A_531 = tpu.vector_load %arg14[%get3A_529, %get3A_530] {strides = array<i32>} : memref<64x128xf32, #tpu.memory_space<vmem>>, vector<16xf32>,
      %mul3A_532 = arith.mulf %get3A_531, %gather3A : vector<16xf32>
      %swap3A_533 = arith.index_cast %scan3A_504 : i32 to index
      %swap3A_534 = arith.constant 48 : index
      %swap3A_535 = tpu.vector_load %arg14[%swap3A_533, %swap3A_534] {strides = array<i32>} : memref<64x128xf32, #tpu.memory_space<vmem>>, vector<16xf32>,
      tpu.vector_store %arg14[%swap3A_533, %swap3A_534], %mul3A_532 {strides = array<i32>} : memref<64x128xf32, #tpu.memory_space<vmem>>, vector<16xf32>,
      %get3A_536 = arith.index_cast %scan3A_504 : i32 to index
      %get3A_537 = arith.constant 64 : index
      %get3A_538 = tpu.vector_load %arg14[%get3A_536, %get3A_537] {strides = array<i32>} : memref<64x128xf32, #tpu.memory_space<vmem>>, vector<16xf32>,
      %mul3A_539 = arith.mulf %get3A_538, %gather3A : vector<16xf32>
      %swap3A_540 = arith.index_cast %scan3A_504 : i32 to index
      %swap3A_541 = arith.constant 64 : index
      %swap3A_542 = tpu.vector_load %arg14[%swap3A_540, %swap3A_541] {strides = array<i32>} : memref<64x128xf32, #tpu.memory_space<vmem>>, vector<16xf32>,
      tpu.vector_store %arg14[%swap3A_540, %swap3A_541], %mul3A_539 {strides = array<i32>} : memref<64x128xf32, #tpu.memory_space<vmem>>, vector<16xf32>,
      %get3A_543 = arith.index_cast %scan3A_504 : i32 to index
      %get3A_544 = arith.constant 80 : index
      %get3A_545 = tpu.vector_load %arg14[%get3A_543, %get3A_544] {strides = array<i32>} : memref<64x128xf32, #tpu.memory_space<vmem>>, vector<16xf32>,
      %mul3A_546 = arith.mulf %get3A_545, %gather3A : vector<16xf32>
      %swap3A_547 = arith.index_cast %scan3A_504 : i32 to index
      %swap3A_548 = arith.constant 80 : index
      %swap3A_549 = tpu.vector_load %arg14[%swap3A_547, %swap3A_548] {strides = array<i32>} : memref<64x128xf32, #tpu.memory_space<vmem>>, vector<16xf32>,
      tpu.vector_store %arg14[%swap3A_547, %swap3A_548], %mul3A_546 {strides = array<i32>} : memref<64x128xf32, #tpu.memory_space<vmem>>, vector<16xf32>,
      %get3A_550 = arith.index_cast %scan3A_504 : i32 to index
      %get3A_551 = arith.constant 96 : index
      %get3A_552 = tpu.vector_load %arg14[%get3A_550, %get3A_551] {strides = array<i32>} : memref<64x128xf32, #tpu.memory_space<vmem>>, vector<16xf32>,
      %mul3A_553 = arith.mulf %get3A_552, %gather3A : vector<16xf32>
      %swap3A_554 = arith.index_cast %scan3A_504 : i32 to index
      %swap3A_555 = arith.constant 96 : index
      %swap3A_556 = tpu.vector_load %arg14[%swap3A_554, %swap3A_555] {strides = array<i32>} : memref<64x128xf32, #tpu.memory_space<vmem>>, vector<16xf32>,
      tpu.vector_store %arg14[%swap3A_554, %swap3A_555], %mul3A_553 {strides = array<i32>} : memref<64x128xf32, #tpu.memory_space<vmem>>, vector<16xf32>,
      %get3A_557 = arith.index_cast %scan3A_504 : i32 to index
      %get3A_558 = arith.constant 112 : index
      %get3A_559 = tpu.vector_load %arg14[%get3A_557, %get3A_558] {strides = array<i32>} : memref<64x128xf32, #tpu.memory_space<vmem>>, vector<16xf32>,
      %mul3A_560 = arith.mulf %get3A_559, %gather3A : vector<16xf32>
      %swap3A_561 = arith.index_cast %scan3A_504 : i32 to index
      %swap3A_562 = arith.constant 112 : index
      %swap3A_563 = tpu.vector_load %arg14[%swap3A_561, %swap3A_562] {strides = array<i32>} : memref<64x128xf32, #tpu.memory_space<vmem>>, vector<16xf32>,
      tpu.vector_store %arg14[%swap3A_561, %swap3A_562], %mul3A_560 {strides = array<i32>} : memref<64x128xf32, #tpu.memory_space<vmem>>, vector<16xf32>,
      %scan3A_564 = arith.constant 0 : i32
      scf.yield %scan3A_564 : i32
    }
    %scan3A_407 = arith.constant 64 : i32
    "tpu.region"() ({
      %run_scoped3A = tpu.sem_alloc : memref<!tpu.dma_semaphore, #tpu.memory_space<semaphore_mem>>
      %dma_start3A_504 = tpu.memref_slice %arg4[%multiple_of3A_400, %mul3A_2] : memref<10000x256xf32, #tpu.memory_space<hbm>> -> memref<64x128xf32, #tpu.memory_space<hbm>>
      %dma_start3A_505 = tpu.memref_slice %arg4[%multiple_of3A_400, %mul3A_2] : memref<10000x256xf32, #tpu.memory_space<hbm>> -> memref<64x128xf32, #tpu.memory_space<hbm>>
      tpu.enqueue_dma source(%arg14 : memref<64x128xf32, #tpu.memory_space<vmem>>) target(%dma_start3A_505 : memref<64x128xf32, #tpu.memory_space<hbm>>) target_semaphore(%run_scoped3A : memref<!tpu.dma_semaphore, #tpu.memory_space<semaphore_mem>>)
      %dma_wait3A = tpu.memref_slice %arg4[%multiple_of3A_400, %mul3A_2] : memref<10000x256xf32, #tpu.memory_space<hbm>> -> memref<64x128xf32, #tpu.memory_space<hbm>>
      %dma_wait3A_506 = tpu.memref_slice %arg4[%multiple_of3A_400, %mul3A_2] : memref<10000x256xf32, #tpu.memory_space<hbm>> -> memref<64x128xf32, #tpu.memory_space<hbm>>
      tpu.wait_dma2 semaphore(%run_scoped3A : memref<!tpu.dma_semaphore, #tpu.memory_space<semaphore_mem>>) src(%arg14 : memref<64x128xf32, #tpu.memory_space<vmem>>) dst(%dma_wait3A_506 : memref<64x128xf32, #tpu.memory_space<hbm>>)
      tpu.yield
    }) : () -> ()
    %add3A_408 = arith.constant 128 : i32
    %add3A_409 = arith.addi %mul3A_4, %add3A_408 : i32
    %min3A_410 = arith.constant 9936 : i32
    %min3A_411 = arith.minsi %add3A_409, %min3A_410 : i32
    %multiple_of3A_412 = tpu.assume_multiple %min3A_411, 16 : i32
    "tpu.region"() ({
      %run_scoped3A = tpu.sem_alloc : memref<!tpu.dma_semaphore, #tpu.memory_space<semaphore_mem>>
      %dma_start3A_504 = arith.constant 0 : i32
      %dma_start3A_505 = tpu.memref_slice %arg17[%multiple_of3A_412, %dma_start3A_504] : memref<10240x128xf32, #tpu.memory_space<vmem_shared>> -> memref<64x128xf32, #tpu.memory_space<vmem_shared>>
      %dma_start3A_506 = arith.constant 0 : i32
      %dma_start3A_507 = tpu.memref_slice %arg17[%multiple_of3A_412, %dma_start3A_506] : memref<10240x128xf32, #tpu.memory_space<vmem_shared>> -> memref<64x128xf32, #tpu.memory_space<vmem_shared>>
      tpu.enqueue_dma source(%dma_start3A_507 : memref<64x128xf32, #tpu.memory_space<vmem_shared>>) target(%arg14 : memref<64x128xf32, #tpu.memory_space<vmem>>) target_semaphore(%run_scoped3A : memref<!tpu.dma_semaphore, #tpu.memory_space<semaphore_mem>>)
      %dma_wait3A = arith.constant 0 : i32
      %dma_wait3A_508 = tpu.memref_slice %arg17[%multiple_of3A_412, %dma_wait3A] : memref<10240x128xf32, #tpu.memory_space<vmem_shared>> -> memref<64x128xf32, #tpu.memory_space<vmem_shared>>
      %dma_wait3A_509 = arith.constant 0 : i32
      %dma_wait3A_510 = tpu.memref_slice %arg17[%multiple_of3A_412, %dma_wait3A_509] : memref<10240x128xf32, #tpu.memory_space<vmem_shared>> -> memref<64x128xf32, #tpu.memory_space<vmem_shared>>
      tpu.wait_dma2 semaphore(%run_scoped3A : memref<!tpu.dma_semaphore, #tpu.memory_space<semaphore_mem>>) src(%dma_wait3A_510 : memref<64x128xf32, #tpu.memory_space<vmem_shared>>) dst(%arg14 : memref<64x128xf32, #tpu.memory_space<vmem>>)
      tpu.yield
    }) : () -> ()
    %scan3A_413 = arith.constant 0 : i32
    %scan3A_414 = arith.constant 0 : i32
    %scan3A_415 = arith.constant 64 : i32
    %scan3A_416 = arith.addi %scan3A_414, %scan3A_415 : i32
    %scan3A_417 = arith.constant 1 : i32
    %scan3A_418 = scf.for %scan3A_504 = %scan3A_414 to %scan3A_416 step %scan3A_417 iter_args(%scan3A_505 = %scan3A_413) -> (i32)  : i32 {
      %sub3A = arith.subi %multiple_of3A_412, %mul3A_4 : i32
      %add3A_506 = arith.addi %sub3A, %scan3A_504 : i32
      %broadcast_in_dim3A_507 = vector.broadcast %add3A_506 : i32 to vector<16xi32>
      %gather3A = tpu.vector_load_idx %arg8[%broadcast_in_dim3A_507] : memref<640xf32, #tpu.memory_space<vmem>>[vector<16xi32>], vector<16xf32>,
      %get3A_508 = arith.index_cast %scan3A_504 : i32 to index
      %get3A_509 = arith.constant 0 : index
      %get3A_510 = tpu.vector_load %arg14[%get3A_508, %get3A_509] {strides = array<i32>} : memref<64x128xf32, #tpu.memory_space<vmem>>, vector<16xf32>,
      %mul3A_511 = arith.mulf %get3A_510, %gather3A : vector<16xf32>
      %swap3A_512 = arith.index_cast %scan3A_504 : i32 to index
      %swap3A_513 = arith.constant 0 : index
      %swap3A_514 = tpu.vector_load %arg14[%swap3A_512, %swap3A_513] {strides = array<i32>} : memref<64x128xf32, #tpu.memory_space<vmem>>, vector<16xf32>,
      tpu.vector_store %arg14[%swap3A_512, %swap3A_513], %mul3A_511 {strides = array<i32>} : memref<64x128xf32, #tpu.memory_space<vmem>>, vector<16xf32>,
      %get3A_515 = arith.index_cast %scan3A_504 : i32 to index
      %get3A_516 = arith.constant 16 : index
      %get3A_517 = tpu.vector_load %arg14[%get3A_515, %get3A_516] {strides = array<i32>} : memref<64x128xf32, #tpu.memory_space<vmem>>, vector<16xf32>,
      %mul3A_518 = arith.mulf %get3A_517, %gather3A : vector<16xf32>
      %swap3A_519 = arith.index_cast %scan3A_504 : i32 to index
      %swap3A_520 = arith.constant 16 : index
      %swap3A_521 = tpu.vector_load %arg14[%swap3A_519, %swap3A_520] {strides = array<i32>} : memref<64x128xf32, #tpu.memory_space<vmem>>, vector<16xf32>,
      tpu.vector_store %arg14[%swap3A_519, %swap3A_520], %mul3A_518 {strides = array<i32>} : memref<64x128xf32, #tpu.memory_space<vmem>>, vector<16xf32>,
      %get3A_522 = arith.index_cast %scan3A_504 : i32 to index
      %get3A_523 = arith.constant 32 : index
      %get3A_524 = tpu.vector_load %arg14[%get3A_522, %get3A_523] {strides = array<i32>} : memref<64x128xf32, #tpu.memory_space<vmem>>, vector<16xf32>,
      %mul3A_525 = arith.mulf %get3A_524, %gather3A : vector<16xf32>
      %swap3A_526 = arith.index_cast %scan3A_504 : i32 to index
      %swap3A_527 = arith.constant 32 : index
      %swap3A_528 = tpu.vector_load %arg14[%swap3A_526, %swap3A_527] {strides = array<i32>} : memref<64x128xf32, #tpu.memory_space<vmem>>, vector<16xf32>,
      tpu.vector_store %arg14[%swap3A_526, %swap3A_527], %mul3A_525 {strides = array<i32>} : memref<64x128xf32, #tpu.memory_space<vmem>>, vector<16xf32>,
      %get3A_529 = arith.index_cast %scan3A_504 : i32 to index
      %get3A_530 = arith.constant 48 : index
      %get3A_531 = tpu.vector_load %arg14[%get3A_529, %get3A_530] {strides = array<i32>} : memref<64x128xf32, #tpu.memory_space<vmem>>, vector<16xf32>,
      %mul3A_532 = arith.mulf %get3A_531, %gather3A : vector<16xf32>
      %swap3A_533 = arith.index_cast %scan3A_504 : i32 to index
      %swap3A_534 = arith.constant 48 : index
      %swap3A_535 = tpu.vector_load %arg14[%swap3A_533, %swap3A_534] {strides = array<i32>} : memref<64x128xf32, #tpu.memory_space<vmem>>, vector<16xf32>,
      tpu.vector_store %arg14[%swap3A_533, %swap3A_534], %mul3A_532 {strides = array<i32>} : memref<64x128xf32, #tpu.memory_space<vmem>>, vector<16xf32>,
      %get3A_536 = arith.index_cast %scan3A_504 : i32 to index
      %get3A_537 = arith.constant 64 : index
      %get3A_538 = tpu.vector_load %arg14[%get3A_536, %get3A_537] {strides = array<i32>} : memref<64x128xf32, #tpu.memory_space<vmem>>, vector<16xf32>,
      %mul3A_539 = arith.mulf %get3A_538, %gather3A : vector<16xf32>
      %swap3A_540 = arith.index_cast %scan3A_504 : i32 to index
      %swap3A_541 = arith.constant 64 : index
      %swap3A_542 = tpu.vector_load %arg14[%swap3A_540, %swap3A_541] {strides = array<i32>} : memref<64x128xf32, #tpu.memory_space<vmem>>, vector<16xf32>,
      tpu.vector_store %arg14[%swap3A_540, %swap3A_541], %mul3A_539 {strides = array<i32>} : memref<64x128xf32, #tpu.memory_space<vmem>>, vector<16xf32>,
      %get3A_543 = arith.index_cast %scan3A_504 : i32 to index
      %get3A_544 = arith.constant 80 : index
      %get3A_545 = tpu.vector_load %arg14[%get3A_543, %get3A_544] {strides = array<i32>} : memref<64x128xf32, #tpu.memory_space<vmem>>, vector<16xf32>,
      %mul3A_546 = arith.mulf %get3A_545, %gather3A : vector<16xf32>
      %swap3A_547 = arith.index_cast %scan3A_504 : i32 to index
      %swap3A_548 = arith.constant 80 : index
      %swap3A_549 = tpu.vector_load %arg14[%swap3A_547, %swap3A_548] {strides = array<i32>} : memref<64x128xf32, #tpu.memory_space<vmem>>, vector<16xf32>,
      tpu.vector_store %arg14[%swap3A_547, %swap3A_548], %mul3A_546 {strides = array<i32>} : memref<64x128xf32, #tpu.memory_space<vmem>>, vector<16xf32>,
      %get3A_550 = arith.index_cast %scan3A_504 : i32 to index
      %get3A_551 = arith.constant 96 : index
      %get3A_552 = tpu.vector_load %arg14[%get3A_550, %get3A_551] {strides = array<i32>} : memref<64x128xf32, #tpu.memory_space<vmem>>, vector<16xf32>,
      %mul3A_553 = arith.mulf %get3A_552, %gather3A : vector<16xf32>
      %swap3A_554 = arith.index_cast %scan3A_504 : i32 to index
      %swap3A_555 = arith.constant 96 : index
      %swap3A_556 = tpu.vector_load %arg14[%swap3A_554, %swap3A_555] {strides = array<i32>} : memref<64x128xf32, #tpu.memory_space<vmem>>, vector<16xf32>,
      tpu.vector_store %arg14[%swap3A_554, %swap3A_555], %mul3A_553 {strides = array<i32>} : memref<64x128xf32, #tpu.memory_space<vmem>>, vector<16xf32>,
      %get3A_557 = arith.index_cast %scan3A_504 : i32 to index
      %get3A_558 = arith.constant 112 : index
      %get3A_559 = tpu.vector_load %arg14[%get3A_557, %get3A_558] {strides = array<i32>} : memref<64x128xf32, #tpu.memory_space<vmem>>, vector<16xf32>,
      %mul3A_560 = arith.mulf %get3A_559, %gather3A : vector<16xf32>
      %swap3A_561 = arith.index_cast %scan3A_504 : i32 to index
      %swap3A_562 = arith.constant 112 : index
      %swap3A_563 = tpu.vector_load %arg14[%swap3A_561, %swap3A_562] {strides = array<i32>} : memref<64x128xf32, #tpu.memory_space<vmem>>, vector<16xf32>,
      tpu.vector_store %arg14[%swap3A_561, %swap3A_562], %mul3A_560 {strides = array<i32>} : memref<64x128xf32, #tpu.memory_space<vmem>>, vector<16xf32>,
      %scan3A_564 = arith.constant 0 : i32
      scf.yield %scan3A_564 : i32
    }
    %scan3A_419 = arith.constant 64 : i32
    "tpu.region"() ({
      %run_scoped3A = tpu.sem_alloc : memref<!tpu.dma_semaphore, #tpu.memory_space<semaphore_mem>>
      %dma_start3A_504 = tpu.memref_slice %arg4[%multiple_of3A_412, %mul3A_2] : memref<10000x256xf32, #tpu.memory_space<hbm>> -> memref<64x128xf32, #tpu.memory_space<hbm>>
      %dma_start3A_505 = tpu.memref_slice %arg4[%multiple_of3A_412, %mul3A_2] : memref<10000x256xf32, #tpu.memory_space<hbm>> -> memref<64x128xf32, #tpu.memory_space<hbm>>
      tpu.enqueue_dma source(%arg14 : memref<64x128xf32, #tpu.memory_space<vmem>>) target(%dma_start3A_505 : memref<64x128xf32, #tpu.memory_space<hbm>>) target_semaphore(%run_scoped3A : memref<!tpu.dma_semaphore, #tpu.memory_space<semaphore_mem>>)
      %dma_wait3A = tpu.memref_slice %arg4[%multiple_of3A_412, %mul3A_2] : memref<10000x256xf32, #tpu.memory_space<hbm>> -> memref<64x128xf32, #tpu.memory_space<hbm>>
      %dma_wait3A_506 = tpu.memref_slice %arg4[%multiple_of3A_412, %mul3A_2] : memref<10000x256xf32, #tpu.memory_space<hbm>> -> memref<64x128xf32, #tpu.memory_space<hbm>>
      tpu.wait_dma2 semaphore(%run_scoped3A : memref<!tpu.dma_semaphore, #tpu.memory_space<semaphore_mem>>) src(%arg14 : memref<64x128xf32, #tpu.memory_space<vmem>>) dst(%dma_wait3A_506 : memref<64x128xf32, #tpu.memory_space<hbm>>)
      tpu.yield
    }) : () -> ()
    %add3A_420 = arith.constant 192 : i32
    %add3A_421 = arith.addi %mul3A_4, %add3A_420 : i32
    %min3A_422 = arith.constant 9936 : i32
    %min3A_423 = arith.minsi %add3A_421, %min3A_422 : i32
    %multiple_of3A_424 = tpu.assume_multiple %min3A_423, 16 : i32
    "tpu.region"() ({
      %run_scoped3A = tpu.sem_alloc : memref<!tpu.dma_semaphore, #tpu.memory_space<semaphore_mem>>
      %dma_start3A_504 = arith.constant 0 : i32
      %dma_start3A_505 = tpu.memref_slice %arg17[%multiple_of3A_424, %dma_start3A_504] : memref<10240x128xf32, #tpu.memory_space<vmem_shared>> -> memref<64x128xf32, #tpu.memory_space<vmem_shared>>
      %dma_start3A_506 = arith.constant 0 : i32
      %dma_start3A_507 = tpu.memref_slice %arg17[%multiple_of3A_424, %dma_start3A_506] : memref<10240x128xf32, #tpu.memory_space<vmem_shared>> -> memref<64x128xf32, #tpu.memory_space<vmem_shared>>
      tpu.enqueue_dma source(%dma_start3A_507 : memref<64x128xf32, #tpu.memory_space<vmem_shared>>) target(%arg14 : memref<64x128xf32, #tpu.memory_space<vmem>>) target_semaphore(%run_scoped3A : memref<!tpu.dma_semaphore, #tpu.memory_space<semaphore_mem>>)
      %dma_wait3A = arith.constant 0 : i32
      %dma_wait3A_508 = tpu.memref_slice %arg17[%multiple_of3A_424, %dma_wait3A] : memref<10240x128xf32, #tpu.memory_space<vmem_shared>> -> memref<64x128xf32, #tpu.memory_space<vmem_shared>>
      %dma_wait3A_509 = arith.constant 0 : i32
      %dma_wait3A_510 = tpu.memref_slice %arg17[%multiple_of3A_424, %dma_wait3A_509] : memref<10240x128xf32, #tpu.memory_space<vmem_shared>> -> memref<64x128xf32, #tpu.memory_space<vmem_shared>>
      tpu.wait_dma2 semaphore(%run_scoped3A : memref<!tpu.dma_semaphore, #tpu.memory_space<semaphore_mem>>) src(%dma_wait3A_510 : memref<64x128xf32, #tpu.memory_space<vmem_shared>>) dst(%arg14 : memref<64x128xf32, #tpu.memory_space<vmem>>)
      tpu.yield
    }) : () -> ()
    %scan3A_425 = arith.constant 0 : i32
    %scan3A_426 = arith.constant 0 : i32
    %scan3A_427 = arith.constant 64 : i32
    %scan3A_428 = arith.addi %scan3A_426, %scan3A_427 : i32
    %scan3A_429 = arith.constant 1 : i32
    %scan3A_430 = scf.for %scan3A_504 = %scan3A_426 to %scan3A_428 step %scan3A_429 iter_args(%scan3A_505 = %scan3A_425) -> (i32)  : i32 {
      %sub3A = arith.subi %multiple_of3A_424, %mul3A_4 : i32
      %add3A_506 = arith.addi %sub3A, %scan3A_504 : i32
      %broadcast_in_dim3A_507 = vector.broadcast %add3A_506 : i32 to vector<16xi32>
      %gather3A = tpu.vector_load_idx %arg8[%broadcast_in_dim3A_507] : memref<640xf32, #tpu.memory_space<vmem>>[vector<16xi32>], vector<16xf32>,
      %get3A_508 = arith.index_cast %scan3A_504 : i32 to index
      %get3A_509 = arith.constant 0 : index
      %get3A_510 = tpu.vector_load %arg14[%get3A_508, %get3A_509] {strides = array<i32>} : memref<64x128xf32, #tpu.memory_space<vmem>>, vector<16xf32>,
      %mul3A_511 = arith.mulf %get3A_510, %gather3A : vector<16xf32>
      %swap3A_512 = arith.index_cast %scan3A_504 : i32 to index
      %swap3A_513 = arith.constant 0 : index
      %swap3A_514 = tpu.vector_load %arg14[%swap3A_512, %swap3A_513] {strides = array<i32>} : memref<64x128xf32, #tpu.memory_space<vmem>>, vector<16xf32>,
      tpu.vector_store %arg14[%swap3A_512, %swap3A_513], %mul3A_511 {strides = array<i32>} : memref<64x128xf32, #tpu.memory_space<vmem>>, vector<16xf32>,
      %get3A_515 = arith.index_cast %scan3A_504 : i32 to index
      %get3A_516 = arith.constant 16 : index
      %get3A_517 = tpu.vector_load %arg14[%get3A_515, %get3A_516] {strides = array<i32>} : memref<64x128xf32, #tpu.memory_space<vmem>>, vector<16xf32>,
      %mul3A_518 = arith.mulf %get3A_517, %gather3A : vector<16xf32>
      %swap3A_519 = arith.index_cast %scan3A_504 : i32 to index
      %swap3A_520 = arith.constant 16 : index
      %swap3A_521 = tpu.vector_load %arg14[%swap3A_519, %swap3A_520] {strides = array<i32>} : memref<64x128xf32, #tpu.memory_space<vmem>>, vector<16xf32>,
      tpu.vector_store %arg14[%swap3A_519, %swap3A_520], %mul3A_518 {strides = array<i32>} : memref<64x128xf32, #tpu.memory_space<vmem>>, vector<16xf32>,
      %get3A_522 = arith.index_cast %scan3A_504 : i32 to index
      %get3A_523 = arith.constant 32 : index
      %get3A_524 = tpu.vector_load %arg14[%get3A_522, %get3A_523] {strides = array<i32>} : memref<64x128xf32, #tpu.memory_space<vmem>>, vector<16xf32>,
      %mul3A_525 = arith.mulf %get3A_524, %gather3A : vector<16xf32>
      %swap3A_526 = arith.index_cast %scan3A_504 : i32 to index
      %swap3A_527 = arith.constant 32 : index
      %swap3A_528 = tpu.vector_load %arg14[%swap3A_526, %swap3A_527] {strides = array<i32>} : memref<64x128xf32, #tpu.memory_space<vmem>>, vector<16xf32>,
      tpu.vector_store %arg14[%swap3A_526, %swap3A_527], %mul3A_525 {strides = array<i32>} : memref<64x128xf32, #tpu.memory_space<vmem>>, vector<16xf32>,
      %get3A_529 = arith.index_cast %scan3A_504 : i32 to index
      %get3A_530 = arith.constant 48 : index
      %get3A_531 = tpu.vector_load %arg14[%get3A_529, %get3A_530] {strides = array<i32>} : memref<64x128xf32, #tpu.memory_space<vmem>>, vector<16xf32>,
      %mul3A_532 = arith.mulf %get3A_531, %gather3A : vector<16xf32>
      %swap3A_533 = arith.index_cast %scan3A_504 : i32 to index
      %swap3A_534 = arith.constant 48 : index
      %swap3A_535 = tpu.vector_load %arg14[%swap3A_533, %swap3A_534] {strides = array<i32>} : memref<64x128xf32, #tpu.memory_space<vmem>>, vector<16xf32>,
      tpu.vector_store %arg14[%swap3A_533, %swap3A_534], %mul3A_532 {strides = array<i32>} : memref<64x128xf32, #tpu.memory_space<vmem>>, vector<16xf32>,
      %get3A_536 = arith.index_cast %scan3A_504 : i32 to index
      %get3A_537 = arith.constant 64 : index
      %get3A_538 = tpu.vector_load %arg14[%get3A_536, %get3A_537] {strides = array<i32>} : memref<64x128xf32, #tpu.memory_space<vmem>>, vector<16xf32>,
      %mul3A_539 = arith.mulf %get3A_538, %gather3A : vector<16xf32>
      %swap3A_540 = arith.index_cast %scan3A_504 : i32 to index
      %swap3A_541 = arith.constant 64 : index
      %swap3A_542 = tpu.vector_load %arg14[%swap3A_540, %swap3A_541] {strides = array<i32>} : memref<64x128xf32, #tpu.memory_space<vmem>>, vector<16xf32>,
      tpu.vector_store %arg14[%swap3A_540, %swap3A_541], %mul3A_539 {strides = array<i32>} : memref<64x128xf32, #tpu.memory_space<vmem>>, vector<16xf32>,
      %get3A_543 = arith.index_cast %scan3A_504 : i32 to index
      %get3A_544 = arith.constant 80 : index
      %get3A_545 = tpu.vector_load %arg14[%get3A_543, %get3A_544] {strides = array<i32>} : memref<64x128xf32, #tpu.memory_space<vmem>>, vector<16xf32>,
      %mul3A_546 = arith.mulf %get3A_545, %gather3A : vector<16xf32>
      %swap3A_547 = arith.index_cast %scan3A_504 : i32 to index
      %swap3A_548 = arith.constant 80 : index
      %swap3A_549 = tpu.vector_load %arg14[%swap3A_547, %swap3A_548] {strides = array<i32>} : memref<64x128xf32, #tpu.memory_space<vmem>>, vector<16xf32>,
      tpu.vector_store %arg14[%swap3A_547, %swap3A_548], %mul3A_546 {strides = array<i32>} : memref<64x128xf32, #tpu.memory_space<vmem>>, vector<16xf32>,
      %get3A_550 = arith.index_cast %scan3A_504 : i32 to index
      %get3A_551 = arith.constant 96 : index
      %get3A_552 = tpu.vector_load %arg14[%get3A_550, %get3A_551] {strides = array<i32>} : memref<64x128xf32, #tpu.memory_space<vmem>>, vector<16xf32>,
      %mul3A_553 = arith.mulf %get3A_552, %gather3A : vector<16xf32>
      %swap3A_554 = arith.index_cast %scan3A_504 : i32 to index
      %swap3A_555 = arith.constant 96 : index
      %swap3A_556 = tpu.vector_load %arg14[%swap3A_554, %swap3A_555] {strides = array<i32>} : memref<64x128xf32, #tpu.memory_space<vmem>>, vector<16xf32>,
      tpu.vector_store %arg14[%swap3A_554, %swap3A_555], %mul3A_553 {strides = array<i32>} : memref<64x128xf32, #tpu.memory_space<vmem>>, vector<16xf32>,
      %get3A_557 = arith.index_cast %scan3A_504 : i32 to index
      %get3A_558 = arith.constant 112 : index
      %get3A_559 = tpu.vector_load %arg14[%get3A_557, %get3A_558] {strides = array<i32>} : memref<64x128xf32, #tpu.memory_space<vmem>>, vector<16xf32>,
      %mul3A_560 = arith.mulf %get3A_559, %gather3A : vector<16xf32>
      %swap3A_561 = arith.index_cast %scan3A_504 : i32 to index
      %swap3A_562 = arith.constant 112 : index
      %swap3A_563 = tpu.vector_load %arg14[%swap3A_561, %swap3A_562] {strides = array<i32>} : memref<64x128xf32, #tpu.memory_space<vmem>>, vector<16xf32>,
      tpu.vector_store %arg14[%swap3A_561, %swap3A_562], %mul3A_560 {strides = array<i32>} : memref<64x128xf32, #tpu.memory_space<vmem>>, vector<16xf32>,
      %scan3A_564 = arith.constant 0 : i32
      scf.yield %scan3A_564 : i32
    }
    %scan3A_431 = arith.constant 64 : i32
    "tpu.region"() ({
      %run_scoped3A = tpu.sem_alloc : memref<!tpu.dma_semaphore, #tpu.memory_space<semaphore_mem>>
      %dma_start3A_504 = tpu.memref_slice %arg4[%multiple_of3A_424, %mul3A_2] : memref<10000x256xf32, #tpu.memory_space<hbm>> -> memref<64x128xf32, #tpu.memory_space<hbm>>
      %dma_start3A_505 = tpu.memref_slice %arg4[%multiple_of3A_424, %mul3A_2] : memref<10000x256xf32, #tpu.memory_space<hbm>> -> memref<64x128xf32, #tpu.memory_space<hbm>>
      tpu.enqueue_dma source(%arg14 : memref<64x128xf32, #tpu.memory_space<vmem>>) target(%dma_start3A_505 : memref<64x128xf32, #tpu.memory_space<hbm>>) target_semaphore(%run_scoped3A : memref<!tpu.dma_semaphore, #tpu.memory_space<semaphore_mem>>)
      %dma_wait3A = tpu.memref_slice %arg4[%multiple_of3A_424, %mul3A_2] : memref<10000x256xf32, #tpu.memory_space<hbm>> -> memref<64x128xf32, #tpu.memory_space<hbm>>
      %dma_wait3A_506 = tpu.memref_slice %arg4[%multiple_of3A_424, %mul3A_2] : memref<10000x256xf32, #tpu.memory_space<hbm>> -> memref<64x128xf32, #tpu.memory_space<hbm>>
      tpu.wait_dma2 semaphore(%run_scoped3A : memref<!tpu.dma_semaphore, #tpu.memory_space<semaphore_mem>>) src(%arg14 : memref<64x128xf32, #tpu.memory_space<vmem>>) dst(%dma_wait3A_506 : memref<64x128xf32, #tpu.memory_space<hbm>>)
      tpu.yield
    }) : () -> ()
    %add3A_432 = arith.constant 256 : i32
    %add3A_433 = arith.addi %mul3A_4, %add3A_432 : i32
    %min3A_434 = arith.constant 9936 : i32
    %min3A_435 = arith.minsi %add3A_433, %min3A_434 : i32
    %multiple_of3A_436 = tpu.assume_multiple %min3A_435, 16 : i32
    "tpu.region"() ({
      %run_scoped3A = tpu.sem_alloc : memref<!tpu.dma_semaphore, #tpu.memory_space<semaphore_mem>>
      %dma_start3A_504 = arith.constant 0 : i32
      %dma_start3A_505 = tpu.memref_slice %arg17[%multiple_of3A_436, %dma_start3A_504] : memref<10240x128xf32, #tpu.memory_space<vmem_shared>> -> memref<64x128xf32, #tpu.memory_space<vmem_shared>>
      %dma_start3A_506 = arith.constant 0 : i32
      %dma_start3A_507 = tpu.memref_slice %arg17[%multiple_of3A_436, %dma_start3A_506] : memref<10240x128xf32, #tpu.memory_space<vmem_shared>> -> memref<64x128xf32, #tpu.memory_space<vmem_shared>>
      tpu.enqueue_dma source(%dma_start3A_507 : memref<64x128xf32, #tpu.memory_space<vmem_shared>>) target(%arg14 : memref<64x128xf32, #tpu.memory_space<vmem>>) target_semaphore(%run_scoped3A : memref<!tpu.dma_semaphore, #tpu.memory_space<semaphore_mem>>)
      %dma_wait3A = arith.constant 0 : i32
      %dma_wait3A_508 = tpu.memref_slice %arg17[%multiple_of3A_436, %dma_wait3A] : memref<10240x128xf32, #tpu.memory_space<vmem_shared>> -> memref<64x128xf32, #tpu.memory_space<vmem_shared>>
      %dma_wait3A_509 = arith.constant 0 : i32
      %dma_wait3A_510 = tpu.memref_slice %arg17[%multiple_of3A_436, %dma_wait3A_509] : memref<10240x128xf32, #tpu.memory_space<vmem_shared>> -> memref<64x128xf32, #tpu.memory_space<vmem_shared>>
      tpu.wait_dma2 semaphore(%run_scoped3A : memref<!tpu.dma_semaphore, #tpu.memory_space<semaphore_mem>>) src(%dma_wait3A_510 : memref<64x128xf32, #tpu.memory_space<vmem_shared>>) dst(%arg14 : memref<64x128xf32, #tpu.memory_space<vmem>>)
      tpu.yield
    }) : () -> ()
    %scan3A_437 = arith.constant 0 : i32
    %scan3A_438 = arith.constant 0 : i32
    %scan3A_439 = arith.constant 64 : i32
    %scan3A_440 = arith.addi %scan3A_438, %scan3A_439 : i32
    %scan3A_441 = arith.constant 1 : i32
    %scan3A_442 = scf.for %scan3A_504 = %scan3A_438 to %scan3A_440 step %scan3A_441 iter_args(%scan3A_505 = %scan3A_437) -> (i32)  : i32 {
      %sub3A = arith.subi %multiple_of3A_436, %mul3A_4 : i32
      %add3A_506 = arith.addi %sub3A, %scan3A_504 : i32
      %broadcast_in_dim3A_507 = vector.broadcast %add3A_506 : i32 to vector<16xi32>
      %gather3A = tpu.vector_load_idx %arg8[%broadcast_in_dim3A_507] : memref<640xf32, #tpu.memory_space<vmem>>[vector<16xi32>], vector<16xf32>,
      %get3A_508 = arith.index_cast %scan3A_504 : i32 to index
      %get3A_509 = arith.constant 0 : index
      %get3A_510 = tpu.vector_load %arg14[%get3A_508, %get3A_509] {strides = array<i32>} : memref<64x128xf32, #tpu.memory_space<vmem>>, vector<16xf32>,
      %mul3A_511 = arith.mulf %get3A_510, %gather3A : vector<16xf32>
      %swap3A_512 = arith.index_cast %scan3A_504 : i32 to index
      %swap3A_513 = arith.constant 0 : index
      %swap3A_514 = tpu.vector_load %arg14[%swap3A_512, %swap3A_513] {strides = array<i32>} : memref<64x128xf32, #tpu.memory_space<vmem>>, vector<16xf32>,
      tpu.vector_store %arg14[%swap3A_512, %swap3A_513], %mul3A_511 {strides = array<i32>} : memref<64x128xf32, #tpu.memory_space<vmem>>, vector<16xf32>,
      %get3A_515 = arith.index_cast %scan3A_504 : i32 to index
      %get3A_516 = arith.constant 16 : index
      %get3A_517 = tpu.vector_load %arg14[%get3A_515, %get3A_516] {strides = array<i32>} : memref<64x128xf32, #tpu.memory_space<vmem>>, vector<16xf32>,
      %mul3A_518 = arith.mulf %get3A_517, %gather3A : vector<16xf32>
      %swap3A_519 = arith.index_cast %scan3A_504 : i32 to index
      %swap3A_520 = arith.constant 16 : index
      %swap3A_521 = tpu.vector_load %arg14[%swap3A_519, %swap3A_520] {strides = array<i32>} : memref<64x128xf32, #tpu.memory_space<vmem>>, vector<16xf32>,
      tpu.vector_store %arg14[%swap3A_519, %swap3A_520], %mul3A_518 {strides = array<i32>} : memref<64x128xf32, #tpu.memory_space<vmem>>, vector<16xf32>,
      %get3A_522 = arith.index_cast %scan3A_504 : i32 to index
      %get3A_523 = arith.constant 32 : index
      %get3A_524 = tpu.vector_load %arg14[%get3A_522, %get3A_523] {strides = array<i32>} : memref<64x128xf32, #tpu.memory_space<vmem>>, vector<16xf32>,
      %mul3A_525 = arith.mulf %get3A_524, %gather3A : vector<16xf32>
      %swap3A_526 = arith.index_cast %scan3A_504 : i32 to index
      %swap3A_527 = arith.constant 32 : index
      %swap3A_528 = tpu.vector_load %arg14[%swap3A_526, %swap3A_527] {strides = array<i32>} : memref<64x128xf32, #tpu.memory_space<vmem>>, vector<16xf32>,
      tpu.vector_store %arg14[%swap3A_526, %swap3A_527], %mul3A_525 {strides = array<i32>} : memref<64x128xf32, #tpu.memory_space<vmem>>, vector<16xf32>,
      %get3A_529 = arith.index_cast %scan3A_504 : i32 to index
      %get3A_530 = arith.constant 48 : index
      %get3A_531 = tpu.vector_load %arg14[%get3A_529, %get3A_530] {strides = array<i32>} : memref<64x128xf32, #tpu.memory_space<vmem>>, vector<16xf32>,
      %mul3A_532 = arith.mulf %get3A_531, %gather3A : vector<16xf32>
      %swap3A_533 = arith.index_cast %scan3A_504 : i32 to index
      %swap3A_534 = arith.constant 48 : index
      %swap3A_535 = tpu.vector_load %arg14[%swap3A_533, %swap3A_534] {strides = array<i32>} : memref<64x128xf32, #tpu.memory_space<vmem>>, vector<16xf32>,
      tpu.vector_store %arg14[%swap3A_533, %swap3A_534], %mul3A_532 {strides = array<i32>} : memref<64x128xf32, #tpu.memory_space<vmem>>, vector<16xf32>,
      %get3A_536 = arith.index_cast %scan3A_504 : i32 to index
      %get3A_537 = arith.constant 64 : index
      %get3A_538 = tpu.vector_load %arg14[%get3A_536, %get3A_537] {strides = array<i32>} : memref<64x128xf32, #tpu.memory_space<vmem>>, vector<16xf32>,
      %mul3A_539 = arith.mulf %get3A_538, %gather3A : vector<16xf32>
      %swap3A_540 = arith.index_cast %scan3A_504 : i32 to index
      %swap3A_541 = arith.constant 64 : index
      %swap3A_542 = tpu.vector_load %arg14[%swap3A_540, %swap3A_541] {strides = array<i32>} : memref<64x128xf32, #tpu.memory_space<vmem>>, vector<16xf32>,
      tpu.vector_store %arg14[%swap3A_540, %swap3A_541], %mul3A_539 {strides = array<i32>} : memref<64x128xf32, #tpu.memory_space<vmem>>, vector<16xf32>,
      %get3A_543 = arith.index_cast %scan3A_504 : i32 to index
      %get3A_544 = arith.constant 80 : index
      %get3A_545 = tpu.vector_load %arg14[%get3A_543, %get3A_544] {strides = array<i32>} : memref<64x128xf32, #tpu.memory_space<vmem>>, vector<16xf32>,
      %mul3A_546 = arith.mulf %get3A_545, %gather3A : vector<16xf32>
      %swap3A_547 = arith.index_cast %scan3A_504 : i32 to index
      %swap3A_548 = arith.constant 80 : index
      %swap3A_549 = tpu.vector_load %arg14[%swap3A_547, %swap3A_548] {strides = array<i32>} : memref<64x128xf32, #tpu.memory_space<vmem>>, vector<16xf32>,
      tpu.vector_store %arg14[%swap3A_547, %swap3A_548], %mul3A_546 {strides = array<i32>} : memref<64x128xf32, #tpu.memory_space<vmem>>, vector<16xf32>,
      %get3A_550 = arith.index_cast %scan3A_504 : i32 to index
      %get3A_551 = arith.constant 96 : index
      %get3A_552 = tpu.vector_load %arg14[%get3A_550, %get3A_551] {strides = array<i32>} : memref<64x128xf32, #tpu.memory_space<vmem>>, vector<16xf32>,
      %mul3A_553 = arith.mulf %get3A_552, %gather3A : vector<16xf32>
      %swap3A_554 = arith.index_cast %scan3A_504 : i32 to index
      %swap3A_555 = arith.constant 96 : index
      %swap3A_556 = tpu.vector_load %arg14[%swap3A_554, %swap3A_555] {strides = array<i32>} : memref<64x128xf32, #tpu.memory_space<vmem>>, vector<16xf32>,
      tpu.vector_store %arg14[%swap3A_554, %swap3A_555], %mul3A_553 {strides = array<i32>} : memref<64x128xf32, #tpu.memory_space<vmem>>, vector<16xf32>,
      %get3A_557 = arith.index_cast %scan3A_504 : i32 to index
      %get3A_558 = arith.constant 112 : index
      %get3A_559 = tpu.vector_load %arg14[%get3A_557, %get3A_558] {strides = array<i32>} : memref<64x128xf32, #tpu.memory_space<vmem>>, vector<16xf32>,
      %mul3A_560 = arith.mulf %get3A_559, %gather3A : vector<16xf32>
      %swap3A_561 = arith.index_cast %scan3A_504 : i32 to index
      %swap3A_562 = arith.constant 112 : index
      %swap3A_563 = tpu.vector_load %arg14[%swap3A_561, %swap3A_562] {strides = array<i32>} : memref<64x128xf32, #tpu.memory_space<vmem>>, vector<16xf32>,
      tpu.vector_store %arg14[%swap3A_561, %swap3A_562], %mul3A_560 {strides = array<i32>} : memref<64x128xf32, #tpu.memory_space<vmem>>, vector<16xf32>,
      %scan3A_564 = arith.constant 0 : i32
      scf.yield %scan3A_564 : i32
    }
    %scan3A_443 = arith.constant 64 : i32
    "tpu.region"() ({
      %run_scoped3A = tpu.sem_alloc : memref<!tpu.dma_semaphore, #tpu.memory_space<semaphore_mem>>
      %dma_start3A_504 = tpu.memref_slice %arg4[%multiple_of3A_436, %mul3A_2] : memref<10000x256xf32, #tpu.memory_space<hbm>> -> memref<64x128xf32, #tpu.memory_space<hbm>>
      %dma_start3A_505 = tpu.memref_slice %arg4[%multiple_of3A_436, %mul3A_2] : memref<10000x256xf32, #tpu.memory_space<hbm>> -> memref<64x128xf32, #tpu.memory_space<hbm>>
      tpu.enqueue_dma source(%arg14 : memref<64x128xf32, #tpu.memory_space<vmem>>) target(%dma_start3A_505 : memref<64x128xf32, #tpu.memory_space<hbm>>) target_semaphore(%run_scoped3A : memref<!tpu.dma_semaphore, #tpu.memory_space<semaphore_mem>>)
      %dma_wait3A = tpu.memref_slice %arg4[%multiple_of3A_436, %mul3A_2] : memref<10000x256xf32, #tpu.memory_space<hbm>> -> memref<64x128xf32, #tpu.memory_space<hbm>>
      %dma_wait3A_506 = tpu.memref_slice %arg4[%multiple_of3A_436, %mul3A_2] : memref<10000x256xf32, #tpu.memory_space<hbm>> -> memref<64x128xf32, #tpu.memory_space<hbm>>
      tpu.wait_dma2 semaphore(%run_scoped3A : memref<!tpu.dma_semaphore, #tpu.memory_space<semaphore_mem>>) src(%arg14 : memref<64x128xf32, #tpu.memory_space<vmem>>) dst(%dma_wait3A_506 : memref<64x128xf32, #tpu.memory_space<hbm>>)
      tpu.yield
    }) : () -> ()
    %add3A_444 = arith.constant 320 : i32
    %add3A_445 = arith.addi %mul3A_4, %add3A_444 : i32
    %min3A_446 = arith.constant 9936 : i32
    %min3A_447 = arith.minsi %add3A_445, %min3A_446 : i32
    %multiple_of3A_448 = tpu.assume_multiple %min3A_447, 16 : i32
    "tpu.region"() ({
      %run_scoped3A = tpu.sem_alloc : memref<!tpu.dma_semaphore, #tpu.memory_space<semaphore_mem>>
      %dma_start3A_504 = arith.constant 0 : i32
      %dma_start3A_505 = tpu.memref_slice %arg17[%multiple_of3A_448, %dma_start3A_504] : memref<10240x128xf32, #tpu.memory_space<vmem_shared>> -> memref<64x128xf32, #tpu.memory_space<vmem_shared>>
      %dma_start3A_506 = arith.constant 0 : i32
      %dma_start3A_507 = tpu.memref_slice %arg17[%multiple_of3A_448, %dma_start3A_506] : memref<10240x128xf32, #tpu.memory_space<vmem_shared>> -> memref<64x128xf32, #tpu.memory_space<vmem_shared>>
      tpu.enqueue_dma source(%dma_start3A_507 : memref<64x128xf32, #tpu.memory_space<vmem_shared>>) target(%arg14 : memref<64x128xf32, #tpu.memory_space<vmem>>) target_semaphore(%run_scoped3A : memref<!tpu.dma_semaphore, #tpu.memory_space<semaphore_mem>>)
      %dma_wait3A = arith.constant 0 : i32
      %dma_wait3A_508 = tpu.memref_slice %arg17[%multiple_of3A_448, %dma_wait3A] : memref<10240x128xf32, #tpu.memory_space<vmem_shared>> -> memref<64x128xf32, #tpu.memory_space<vmem_shared>>
      %dma_wait3A_509 = arith.constant 0 : i32
      %dma_wait3A_510 = tpu.memref_slice %arg17[%multiple_of3A_448, %dma_wait3A_509] : memref<10240x128xf32, #tpu.memory_space<vmem_shared>> -> memref<64x128xf32, #tpu.memory_space<vmem_shared>>
      tpu.wait_dma2 semaphore(%run_scoped3A : memref<!tpu.dma_semaphore, #tpu.memory_space<semaphore_mem>>) src(%dma_wait3A_510 : memref<64x128xf32, #tpu.memory_space<vmem_shared>>) dst(%arg14 : memref<64x128xf32, #tpu.memory_space<vmem>>)
      tpu.yield
    }) : () -> ()
    %scan3A_449 = arith.constant 0 : i32
    %scan3A_450 = arith.constant 0 : i32
    %scan3A_451 = arith.constant 64 : i32
    %scan3A_452 = arith.addi %scan3A_450, %scan3A_451 : i32
    %scan3A_453 = arith.constant 1 : i32
    %scan3A_454 = scf.for %scan3A_504 = %scan3A_450 to %scan3A_452 step %scan3A_453 iter_args(%scan3A_505 = %scan3A_449) -> (i32)  : i32 {
      %sub3A = arith.subi %multiple_of3A_448, %mul3A_4 : i32
      %add3A_506 = arith.addi %sub3A, %scan3A_504 : i32
      %broadcast_in_dim3A_507 = vector.broadcast %add3A_506 : i32 to vector<16xi32>
      %gather3A = tpu.vector_load_idx %arg8[%broadcast_in_dim3A_507] : memref<640xf32, #tpu.memory_space<vmem>>[vector<16xi32>], vector<16xf32>,
      %get3A_508 = arith.index_cast %scan3A_504 : i32 to index
      %get3A_509 = arith.constant 0 : index
      %get3A_510 = tpu.vector_load %arg14[%get3A_508, %get3A_509] {strides = array<i32>} : memref<64x128xf32, #tpu.memory_space<vmem>>, vector<16xf32>,
      %mul3A_511 = arith.mulf %get3A_510, %gather3A : vector<16xf32>
      %swap3A_512 = arith.index_cast %scan3A_504 : i32 to index
      %swap3A_513 = arith.constant 0 : index
      %swap3A_514 = tpu.vector_load %arg14[%swap3A_512, %swap3A_513] {strides = array<i32>} : memref<64x128xf32, #tpu.memory_space<vmem>>, vector<16xf32>,
      tpu.vector_store %arg14[%swap3A_512, %swap3A_513], %mul3A_511 {strides = array<i32>} : memref<64x128xf32, #tpu.memory_space<vmem>>, vector<16xf32>,
      %get3A_515 = arith.index_cast %scan3A_504 : i32 to index
      %get3A_516 = arith.constant 16 : index
      %get3A_517 = tpu.vector_load %arg14[%get3A_515, %get3A_516] {strides = array<i32>} : memref<64x128xf32, #tpu.memory_space<vmem>>, vector<16xf32>,
      %mul3A_518 = arith.mulf %get3A_517, %gather3A : vector<16xf32>
      %swap3A_519 = arith.index_cast %scan3A_504 : i32 to index
      %swap3A_520 = arith.constant 16 : index
      %swap3A_521 = tpu.vector_load %arg14[%swap3A_519, %swap3A_520] {strides = array<i32>} : memref<64x128xf32, #tpu.memory_space<vmem>>, vector<16xf32>,
      tpu.vector_store %arg14[%swap3A_519, %swap3A_520], %mul3A_518 {strides = array<i32>} : memref<64x128xf32, #tpu.memory_space<vmem>>, vector<16xf32>,
      %get3A_522 = arith.index_cast %scan3A_504 : i32 to index
      %get3A_523 = arith.constant 32 : index
      %get3A_524 = tpu.vector_load %arg14[%get3A_522, %get3A_523] {strides = array<i32>} : memref<64x128xf32, #tpu.memory_space<vmem>>, vector<16xf32>,
      %mul3A_525 = arith.mulf %get3A_524, %gather3A : vector<16xf32>
      %swap3A_526 = arith.index_cast %scan3A_504 : i32 to index
      %swap3A_527 = arith.constant 32 : index
      %swap3A_528 = tpu.vector_load %arg14[%swap3A_526, %swap3A_527] {strides = array<i32>} : memref<64x128xf32, #tpu.memory_space<vmem>>, vector<16xf32>,
      tpu.vector_store %arg14[%swap3A_526, %swap3A_527], %mul3A_525 {strides = array<i32>} : memref<64x128xf32, #tpu.memory_space<vmem>>, vector<16xf32>,
      %get3A_529 = arith.index_cast %scan3A_504 : i32 to index
      %get3A_530 = arith.constant 48 : index
      %get3A_531 = tpu.vector_load %arg14[%get3A_529, %get3A_530] {strides = array<i32>} : memref<64x128xf32, #tpu.memory_space<vmem>>, vector<16xf32>,
      %mul3A_532 = arith.mulf %get3A_531, %gather3A : vector<16xf32>
      %swap3A_533 = arith.index_cast %scan3A_504 : i32 to index
      %swap3A_534 = arith.constant 48 : index
      %swap3A_535 = tpu.vector_load %arg14[%swap3A_533, %swap3A_534] {strides = array<i32>} : memref<64x128xf32, #tpu.memory_space<vmem>>, vector<16xf32>,
      tpu.vector_store %arg14[%swap3A_533, %swap3A_534], %mul3A_532 {strides = array<i32>} : memref<64x128xf32, #tpu.memory_space<vmem>>, vector<16xf32>,
      %get3A_536 = arith.index_cast %scan3A_504 : i32 to index
      %get3A_537 = arith.constant 64 : index
      %get3A_538 = tpu.vector_load %arg14[%get3A_536, %get3A_537] {strides = array<i32>} : memref<64x128xf32, #tpu.memory_space<vmem>>, vector<16xf32>,
      %mul3A_539 = arith.mulf %get3A_538, %gather3A : vector<16xf32>
      %swap3A_540 = arith.index_cast %scan3A_504 : i32 to index
      %swap3A_541 = arith.constant 64 : index
      %swap3A_542 = tpu.vector_load %arg14[%swap3A_540, %swap3A_541] {strides = array<i32>} : memref<64x128xf32, #tpu.memory_space<vmem>>, vector<16xf32>,
      tpu.vector_store %arg14[%swap3A_540, %swap3A_541], %mul3A_539 {strides = array<i32>} : memref<64x128xf32, #tpu.memory_space<vmem>>, vector<16xf32>,
      %get3A_543 = arith.index_cast %scan3A_504 : i32 to index
      %get3A_544 = arith.constant 80 : index
      %get3A_545 = tpu.vector_load %arg14[%get3A_543, %get3A_544] {strides = array<i32>} : memref<64x128xf32, #tpu.memory_space<vmem>>, vector<16xf32>,
      %mul3A_546 = arith.mulf %get3A_545, %gather3A : vector<16xf32>
      %swap3A_547 = arith.index_cast %scan3A_504 : i32 to index
      %swap3A_548 = arith.constant 80 : index
      %swap3A_549 = tpu.vector_load %arg14[%swap3A_547, %swap3A_548] {strides = array<i32>} : memref<64x128xf32, #tpu.memory_space<vmem>>, vector<16xf32>,
      tpu.vector_store %arg14[%swap3A_547, %swap3A_548], %mul3A_546 {strides = array<i32>} : memref<64x128xf32, #tpu.memory_space<vmem>>, vector<16xf32>,
      %get3A_550 = arith.index_cast %scan3A_504 : i32 to index
      %get3A_551 = arith.constant 96 : index
      %get3A_552 = tpu.vector_load %arg14[%get3A_550, %get3A_551] {strides = array<i32>} : memref<64x128xf32, #tpu.memory_space<vmem>>, vector<16xf32>,
      %mul3A_553 = arith.mulf %get3A_552, %gather3A : vector<16xf32>
      %swap3A_554 = arith.index_cast %scan3A_504 : i32 to index
      %swap3A_555 = arith.constant 96 : index
      %swap3A_556 = tpu.vector_load %arg14[%swap3A_554, %swap3A_555] {strides = array<i32>} : memref<64x128xf32, #tpu.memory_space<vmem>>, vector<16xf32>,
      tpu.vector_store %arg14[%swap3A_554, %swap3A_555], %mul3A_553 {strides = array<i32>} : memref<64x128xf32, #tpu.memory_space<vmem>>, vector<16xf32>,
      %get3A_557 = arith.index_cast %scan3A_504 : i32 to index
      %get3A_558 = arith.constant 112 : index
      %get3A_559 = tpu.vector_load %arg14[%get3A_557, %get3A_558] {strides = array<i32>} : memref<64x128xf32, #tpu.memory_space<vmem>>, vector<16xf32>,
      %mul3A_560 = arith.mulf %get3A_559, %gather3A : vector<16xf32>
      %swap3A_561 = arith.index_cast %scan3A_504 : i32 to index
      %swap3A_562 = arith.constant 112 : index
      %swap3A_563 = tpu.vector_load %arg14[%swap3A_561, %swap3A_562] {strides = array<i32>} : memref<64x128xf32, #tpu.memory_space<vmem>>, vector<16xf32>,
      tpu.vector_store %arg14[%swap3A_561, %swap3A_562], %mul3A_560 {strides = array<i32>} : memref<64x128xf32, #tpu.memory_space<vmem>>, vector<16xf32>,
      %scan3A_564 = arith.constant 0 : i32
      scf.yield %scan3A_564 : i32
    }
    %scan3A_455 = arith.constant 64 : i32
    "tpu.region"() ({
      %run_scoped3A = tpu.sem_alloc : memref<!tpu.dma_semaphore, #tpu.memory_space<semaphore_mem>>
      %dma_start3A_504 = tpu.memref_slice %arg4[%multiple_of3A_448, %mul3A_2] : memref<10000x256xf32, #tpu.memory_space<hbm>> -> memref<64x128xf32, #tpu.memory_space<hbm>>
      %dma_start3A_505 = tpu.memref_slice %arg4[%multiple_of3A_448, %mul3A_2] : memref<10000x256xf32, #tpu.memory_space<hbm>> -> memref<64x128xf32, #tpu.memory_space<hbm>>
      tpu.enqueue_dma source(%arg14 : memref<64x128xf32, #tpu.memory_space<vmem>>) target(%dma_start3A_505 : memref<64x128xf32, #tpu.memory_space<hbm>>) target_semaphore(%run_scoped3A : memref<!tpu.dma_semaphore, #tpu.memory_space<semaphore_mem>>)
      %dma_wait3A = tpu.memref_slice %arg4[%multiple_of3A_448, %mul3A_2] : memref<10000x256xf32, #tpu.memory_space<hbm>> -> memref<64x128xf32, #tpu.memory_space<hbm>>
      %dma_wait3A_506 = tpu.memref_slice %arg4[%multiple_of3A_448, %mul3A_2] : memref<10000x256xf32, #tpu.memory_space<hbm>> -> memref<64x128xf32, #tpu.memory_space<hbm>>
      tpu.wait_dma2 semaphore(%run_scoped3A : memref<!tpu.dma_semaphore, #tpu.memory_space<semaphore_mem>>) src(%arg14 : memref<64x128xf32, #tpu.memory_space<vmem>>) dst(%dma_wait3A_506 : memref<64x128xf32, #tpu.memory_space<hbm>>)
      tpu.yield
    }) : () -> ()
    %add3A_456 = arith.constant 384 : i32
    %add3A_457 = arith.addi %mul3A_4, %add3A_456 : i32
    %min3A_458 = arith.constant 9936 : i32
    %min3A_459 = arith.minsi %add3A_457, %min3A_458 : i32
    %multiple_of3A_460 = tpu.assume_multiple %min3A_459, 16 : i32
    "tpu.region"() ({
      %run_scoped3A = tpu.sem_alloc : memref<!tpu.dma_semaphore, #tpu.memory_space<semaphore_mem>>
      %dma_start3A_504 = arith.constant 0 : i32
      %dma_start3A_505 = tpu.memref_slice %arg17[%multiple_of3A_460, %dma_start3A_504] : memref<10240x128xf32, #tpu.memory_space<vmem_shared>> -> memref<64x128xf32, #tpu.memory_space<vmem_shared>>
      %dma_start3A_506 = arith.constant 0 : i32
      %dma_start3A_507 = tpu.memref_slice %arg17[%multiple_of3A_460, %dma_start3A_506] : memref<10240x128xf32, #tpu.memory_space<vmem_shared>> -> memref<64x128xf32, #tpu.memory_space<vmem_shared>>
      tpu.enqueue_dma source(%dma_start3A_507 : memref<64x128xf32, #tpu.memory_space<vmem_shared>>) target(%arg14 : memref<64x128xf32, #tpu.memory_space<vmem>>) target_semaphore(%run_scoped3A : memref<!tpu.dma_semaphore, #tpu.memory_space<semaphore_mem>>)
      %dma_wait3A = arith.constant 0 : i32
      %dma_wait3A_508 = tpu.memref_slice %arg17[%multiple_of3A_460, %dma_wait3A] : memref<10240x128xf32, #tpu.memory_space<vmem_shared>> -> memref<64x128xf32, #tpu.memory_space<vmem_shared>>
      %dma_wait3A_509 = arith.constant 0 : i32
      %dma_wait3A_510 = tpu.memref_slice %arg17[%multiple_of3A_460, %dma_wait3A_509] : memref<10240x128xf32, #tpu.memory_space<vmem_shared>> -> memref<64x128xf32, #tpu.memory_space<vmem_shared>>
      tpu.wait_dma2 semaphore(%run_scoped3A : memref<!tpu.dma_semaphore, #tpu.memory_space<semaphore_mem>>) src(%dma_wait3A_510 : memref<64x128xf32, #tpu.memory_space<vmem_shared>>) dst(%arg14 : memref<64x128xf32, #tpu.memory_space<vmem>>)
      tpu.yield
    }) : () -> ()
    %scan3A_461 = arith.constant 0 : i32
    %scan3A_462 = arith.constant 0 : i32
    %scan3A_463 = arith.constant 64 : i32
    %scan3A_464 = arith.addi %scan3A_462, %scan3A_463 : i32
    %scan3A_465 = arith.constant 1 : i32
    %scan3A_466 = scf.for %scan3A_504 = %scan3A_462 to %scan3A_464 step %scan3A_465 iter_args(%scan3A_505 = %scan3A_461) -> (i32)  : i32 {
      %sub3A = arith.subi %multiple_of3A_460, %mul3A_4 : i32
      %add3A_506 = arith.addi %sub3A, %scan3A_504 : i32
      %broadcast_in_dim3A_507 = vector.broadcast %add3A_506 : i32 to vector<16xi32>
      %gather3A = tpu.vector_load_idx %arg8[%broadcast_in_dim3A_507] : memref<640xf32, #tpu.memory_space<vmem>>[vector<16xi32>], vector<16xf32>,
      %get3A_508 = arith.index_cast %scan3A_504 : i32 to index
      %get3A_509 = arith.constant 0 : index
      %get3A_510 = tpu.vector_load %arg14[%get3A_508, %get3A_509] {strides = array<i32>} : memref<64x128xf32, #tpu.memory_space<vmem>>, vector<16xf32>,
      %mul3A_511 = arith.mulf %get3A_510, %gather3A : vector<16xf32>
      %swap3A_512 = arith.index_cast %scan3A_504 : i32 to index
      %swap3A_513 = arith.constant 0 : index
      %swap3A_514 = tpu.vector_load %arg14[%swap3A_512, %swap3A_513] {strides = array<i32>} : memref<64x128xf32, #tpu.memory_space<vmem>>, vector<16xf32>,
      tpu.vector_store %arg14[%swap3A_512, %swap3A_513], %mul3A_511 {strides = array<i32>} : memref<64x128xf32, #tpu.memory_space<vmem>>, vector<16xf32>,
      %get3A_515 = arith.index_cast %scan3A_504 : i32 to index
      %get3A_516 = arith.constant 16 : index
      %get3A_517 = tpu.vector_load %arg14[%get3A_515, %get3A_516] {strides = array<i32>} : memref<64x128xf32, #tpu.memory_space<vmem>>, vector<16xf32>,
      %mul3A_518 = arith.mulf %get3A_517, %gather3A : vector<16xf32>
      %swap3A_519 = arith.index_cast %scan3A_504 : i32 to index
      %swap3A_520 = arith.constant 16 : index
      %swap3A_521 = tpu.vector_load %arg14[%swap3A_519, %swap3A_520] {strides = array<i32>} : memref<64x128xf32, #tpu.memory_space<vmem>>, vector<16xf32>,
      tpu.vector_store %arg14[%swap3A_519, %swap3A_520], %mul3A_518 {strides = array<i32>} : memref<64x128xf32, #tpu.memory_space<vmem>>, vector<16xf32>,
      %get3A_522 = arith.index_cast %scan3A_504 : i32 to index
      %get3A_523 = arith.constant 32 : index
      %get3A_524 = tpu.vector_load %arg14[%get3A_522, %get3A_523] {strides = array<i32>} : memref<64x128xf32, #tpu.memory_space<vmem>>, vector<16xf32>,
      %mul3A_525 = arith.mulf %get3A_524, %gather3A : vector<16xf32>
      %swap3A_526 = arith.index_cast %scan3A_504 : i32 to index
      %swap3A_527 = arith.constant 32 : index
      %swap3A_528 = tpu.vector_load %arg14[%swap3A_526, %swap3A_527] {strides = array<i32>} : memref<64x128xf32, #tpu.memory_space<vmem>>, vector<16xf32>,
      tpu.vector_store %arg14[%swap3A_526, %swap3A_527], %mul3A_525 {strides = array<i32>} : memref<64x128xf32, #tpu.memory_space<vmem>>, vector<16xf32>,
      %get3A_529 = arith.index_cast %scan3A_504 : i32 to index
      %get3A_530 = arith.constant 48 : index
      %get3A_531 = tpu.vector_load %arg14[%get3A_529, %get3A_530] {strides = array<i32>} : memref<64x128xf32, #tpu.memory_space<vmem>>, vector<16xf32>,
      %mul3A_532 = arith.mulf %get3A_531, %gather3A : vector<16xf32>
      %swap3A_533 = arith.index_cast %scan3A_504 : i32 to index
      %swap3A_534 = arith.constant 48 : index
      %swap3A_535 = tpu.vector_load %arg14[%swap3A_533, %swap3A_534] {strides = array<i32>} : memref<64x128xf32, #tpu.memory_space<vmem>>, vector<16xf32>,
      tpu.vector_store %arg14[%swap3A_533, %swap3A_534], %mul3A_532 {strides = array<i32>} : memref<64x128xf32, #tpu.memory_space<vmem>>, vector<16xf32>,
      %get3A_536 = arith.index_cast %scan3A_504 : i32 to index
      %get3A_537 = arith.constant 64 : index
      %get3A_538 = tpu.vector_load %arg14[%get3A_536, %get3A_537] {strides = array<i32>} : memref<64x128xf32, #tpu.memory_space<vmem>>, vector<16xf32>,
      %mul3A_539 = arith.mulf %get3A_538, %gather3A : vector<16xf32>
      %swap3A_540 = arith.index_cast %scan3A_504 : i32 to index
      %swap3A_541 = arith.constant 64 : index
      %swap3A_542 = tpu.vector_load %arg14[%swap3A_540, %swap3A_541] {strides = array<i32>} : memref<64x128xf32, #tpu.memory_space<vmem>>, vector<16xf32>,
      tpu.vector_store %arg14[%swap3A_540, %swap3A_541], %mul3A_539 {strides = array<i32>} : memref<64x128xf32, #tpu.memory_space<vmem>>, vector<16xf32>,
      %get3A_543 = arith.index_cast %scan3A_504 : i32 to index
      %get3A_544 = arith.constant 80 : index
      %get3A_545 = tpu.vector_load %arg14[%get3A_543, %get3A_544] {strides = array<i32>} : memref<64x128xf32, #tpu.memory_space<vmem>>, vector<16xf32>,
      %mul3A_546 = arith.mulf %get3A_545, %gather3A : vector<16xf32>
      %swap3A_547 = arith.index_cast %scan3A_504 : i32 to index
      %swap3A_548 = arith.constant 80 : index
      %swap3A_549 = tpu.vector_load %arg14[%swap3A_547, %swap3A_548] {strides = array<i32>} : memref<64x128xf32, #tpu.memory_space<vmem>>, vector<16xf32>,
      tpu.vector_store %arg14[%swap3A_547, %swap3A_548], %mul3A_546 {strides = array<i32>} : memref<64x128xf32, #tpu.memory_space<vmem>>, vector<16xf32>,
      %get3A_550 = arith.index_cast %scan3A_504 : i32 to index
      %get3A_551 = arith.constant 96 : index
      %get3A_552 = tpu.vector_load %arg14[%get3A_550, %get3A_551] {strides = array<i32>} : memref<64x128xf32, #tpu.memory_space<vmem>>, vector<16xf32>,
      %mul3A_553 = arith.mulf %get3A_552, %gather3A : vector<16xf32>
      %swap3A_554 = arith.index_cast %scan3A_504 : i32 to index
      %swap3A_555 = arith.constant 96 : index
      %swap3A_556 = tpu.vector_load %arg14[%swap3A_554, %swap3A_555] {strides = array<i32>} : memref<64x128xf32, #tpu.memory_space<vmem>>, vector<16xf32>,
      tpu.vector_store %arg14[%swap3A_554, %swap3A_555], %mul3A_553 {strides = array<i32>} : memref<64x128xf32, #tpu.memory_space<vmem>>, vector<16xf32>,
      %get3A_557 = arith.index_cast %scan3A_504 : i32 to index
      %get3A_558 = arith.constant 112 : index
      %get3A_559 = tpu.vector_load %arg14[%get3A_557, %get3A_558] {strides = array<i32>} : memref<64x128xf32, #tpu.memory_space<vmem>>, vector<16xf32>,
      %mul3A_560 = arith.mulf %get3A_559, %gather3A : vector<16xf32>
      %swap3A_561 = arith.index_cast %scan3A_504 : i32 to index
      %swap3A_562 = arith.constant 112 : index
      %swap3A_563 = tpu.vector_load %arg14[%swap3A_561, %swap3A_562] {strides = array<i32>} : memref<64x128xf32, #tpu.memory_space<vmem>>, vector<16xf32>,
      tpu.vector_store %arg14[%swap3A_561, %swap3A_562], %mul3A_560 {strides = array<i32>} : memref<64x128xf32, #tpu.memory_space<vmem>>, vector<16xf32>,
      %scan3A_564 = arith.constant 0 : i32
      scf.yield %scan3A_564 : i32
    }
    %scan3A_467 = arith.constant 64 : i32
    "tpu.region"() ({
      %run_scoped3A = tpu.sem_alloc : memref<!tpu.dma_semaphore, #tpu.memory_space<semaphore_mem>>
      %dma_start3A_504 = tpu.memref_slice %arg4[%multiple_of3A_460, %mul3A_2] : memref<10000x256xf32, #tpu.memory_space<hbm>> -> memref<64x128xf32, #tpu.memory_space<hbm>>
      %dma_start3A_505 = tpu.memref_slice %arg4[%multiple_of3A_460, %mul3A_2] : memref<10000x256xf32, #tpu.memory_space<hbm>> -> memref<64x128xf32, #tpu.memory_space<hbm>>
      tpu.enqueue_dma source(%arg14 : memref<64x128xf32, #tpu.memory_space<vmem>>) target(%dma_start3A_505 : memref<64x128xf32, #tpu.memory_space<hbm>>) target_semaphore(%run_scoped3A : memref<!tpu.dma_semaphore, #tpu.memory_space<semaphore_mem>>)
      %dma_wait3A = tpu.memref_slice %arg4[%multiple_of3A_460, %mul3A_2] : memref<10000x256xf32, #tpu.memory_space<hbm>> -> memref<64x128xf32, #tpu.memory_space<hbm>>
      %dma_wait3A_506 = tpu.memref_slice %arg4[%multiple_of3A_460, %mul3A_2] : memref<10000x256xf32, #tpu.memory_space<hbm>> -> memref<64x128xf32, #tpu.memory_space<hbm>>
      tpu.wait_dma2 semaphore(%run_scoped3A : memref<!tpu.dma_semaphore, #tpu.memory_space<semaphore_mem>>) src(%arg14 : memref<64x128xf32, #tpu.memory_space<vmem>>) dst(%dma_wait3A_506 : memref<64x128xf32, #tpu.memory_space<hbm>>)
      tpu.yield
    }) : () -> ()
    %add3A_468 = arith.constant 448 : i32
    %add3A_469 = arith.addi %mul3A_4, %add3A_468 : i32
    %min3A_470 = arith.constant 9936 : i32
    %min3A_471 = arith.minsi %add3A_469, %min3A_470 : i32
    %multiple_of3A_472 = tpu.assume_multiple %min3A_471, 16 : i32
    "tpu.region"() ({
      %run_scoped3A = tpu.sem_alloc : memref<!tpu.dma_semaphore, #tpu.memory_space<semaphore_mem>>
      %dma_start3A_504 = arith.constant 0 : i32
      %dma_start3A_505 = tpu.memref_slice %arg17[%multiple_of3A_472, %dma_start3A_504] : memref<10240x128xf32, #tpu.memory_space<vmem_shared>> -> memref<64x128xf32, #tpu.memory_space<vmem_shared>>
      %dma_start3A_506 = arith.constant 0 : i32
      %dma_start3A_507 = tpu.memref_slice %arg17[%multiple_of3A_472, %dma_start3A_506] : memref<10240x128xf32, #tpu.memory_space<vmem_shared>> -> memref<64x128xf32, #tpu.memory_space<vmem_shared>>
      tpu.enqueue_dma source(%dma_start3A_507 : memref<64x128xf32, #tpu.memory_space<vmem_shared>>) target(%arg14 : memref<64x128xf32, #tpu.memory_space<vmem>>) target_semaphore(%run_scoped3A : memref<!tpu.dma_semaphore, #tpu.memory_space<semaphore_mem>>)
      %dma_wait3A = arith.constant 0 : i32
      %dma_wait3A_508 = tpu.memref_slice %arg17[%multiple_of3A_472, %dma_wait3A] : memref<10240x128xf32, #tpu.memory_space<vmem_shared>> -> memref<64x128xf32, #tpu.memory_space<vmem_shared>>
      %dma_wait3A_509 = arith.constant 0 : i32
      %dma_wait3A_510 = tpu.memref_slice %arg17[%multiple_of3A_472, %dma_wait3A_509] : memref<10240x128xf32, #tpu.memory_space<vmem_shared>> -> memref<64x128xf32, #tpu.memory_space<vmem_shared>>
      tpu.wait_dma2 semaphore(%run_scoped3A : memref<!tpu.dma_semaphore, #tpu.memory_space<semaphore_mem>>) src(%dma_wait3A_510 : memref<64x128xf32, #tpu.memory_space<vmem_shared>>) dst(%arg14 : memref<64x128xf32, #tpu.memory_space<vmem>>)
      tpu.yield
    }) : () -> ()
    %scan3A_473 = arith.constant 0 : i32
    %scan3A_474 = arith.constant 0 : i32
    %scan3A_475 = arith.constant 64 : i32
    %scan3A_476 = arith.addi %scan3A_474, %scan3A_475 : i32
    %scan3A_477 = arith.constant 1 : i32
    %scan3A_478 = scf.for %scan3A_504 = %scan3A_474 to %scan3A_476 step %scan3A_477 iter_args(%scan3A_505 = %scan3A_473) -> (i32)  : i32 {
      %sub3A = arith.subi %multiple_of3A_472, %mul3A_4 : i32
      %add3A_506 = arith.addi %sub3A, %scan3A_504 : i32
      %broadcast_in_dim3A_507 = vector.broadcast %add3A_506 : i32 to vector<16xi32>
      %gather3A = tpu.vector_load_idx %arg8[%broadcast_in_dim3A_507] : memref<640xf32, #tpu.memory_space<vmem>>[vector<16xi32>], vector<16xf32>,
      %get3A_508 = arith.index_cast %scan3A_504 : i32 to index
      %get3A_509 = arith.constant 0 : index
      %get3A_510 = tpu.vector_load %arg14[%get3A_508, %get3A_509] {strides = array<i32>} : memref<64x128xf32, #tpu.memory_space<vmem>>, vector<16xf32>,
      %mul3A_511 = arith.mulf %get3A_510, %gather3A : vector<16xf32>
      %swap3A_512 = arith.index_cast %scan3A_504 : i32 to index
      %swap3A_513 = arith.constant 0 : index
      %swap3A_514 = tpu.vector_load %arg14[%swap3A_512, %swap3A_513] {strides = array<i32>} : memref<64x128xf32, #tpu.memory_space<vmem>>, vector<16xf32>,
      tpu.vector_store %arg14[%swap3A_512, %swap3A_513], %mul3A_511 {strides = array<i32>} : memref<64x128xf32, #tpu.memory_space<vmem>>, vector<16xf32>,
      %get3A_515 = arith.index_cast %scan3A_504 : i32 to index
      %get3A_516 = arith.constant 16 : index
      %get3A_517 = tpu.vector_load %arg14[%get3A_515, %get3A_516] {strides = array<i32>} : memref<64x128xf32, #tpu.memory_space<vmem>>, vector<16xf32>,
      %mul3A_518 = arith.mulf %get3A_517, %gather3A : vector<16xf32>
      %swap3A_519 = arith.index_cast %scan3A_504 : i32 to index
      %swap3A_520 = arith.constant 16 : index
      %swap3A_521 = tpu.vector_load %arg14[%swap3A_519, %swap3A_520] {strides = array<i32>} : memref<64x128xf32, #tpu.memory_space<vmem>>, vector<16xf32>,
      tpu.vector_store %arg14[%swap3A_519, %swap3A_520], %mul3A_518 {strides = array<i32>} : memref<64x128xf32, #tpu.memory_space<vmem>>, vector<16xf32>,
      %get3A_522 = arith.index_cast %scan3A_504 : i32 to index
      %get3A_523 = arith.constant 32 : index
      %get3A_524 = tpu.vector_load %arg14[%get3A_522, %get3A_523] {strides = array<i32>} : memref<64x128xf32, #tpu.memory_space<vmem>>, vector<16xf32>,
      %mul3A_525 = arith.mulf %get3A_524, %gather3A : vector<16xf32>
      %swap3A_526 = arith.index_cast %scan3A_504 : i32 to index
      %swap3A_527 = arith.constant 32 : index
      %swap3A_528 = tpu.vector_load %arg14[%swap3A_526, %swap3A_527] {strides = array<i32>} : memref<64x128xf32, #tpu.memory_space<vmem>>, vector<16xf32>,
      tpu.vector_store %arg14[%swap3A_526, %swap3A_527], %mul3A_525 {strides = array<i32>} : memref<64x128xf32, #tpu.memory_space<vmem>>, vector<16xf32>,
      %get3A_529 = arith.index_cast %scan3A_504 : i32 to index
      %get3A_530 = arith.constant 48 : index
      %get3A_531 = tpu.vector_load %arg14[%get3A_529, %get3A_530] {strides = array<i32>} : memref<64x128xf32, #tpu.memory_space<vmem>>, vector<16xf32>,
      %mul3A_532 = arith.mulf %get3A_531, %gather3A : vector<16xf32>
      %swap3A_533 = arith.index_cast %scan3A_504 : i32 to index
      %swap3A_534 = arith.constant 48 : index
      %swap3A_535 = tpu.vector_load %arg14[%swap3A_533, %swap3A_534] {strides = array<i32>} : memref<64x128xf32, #tpu.memory_space<vmem>>, vector<16xf32>,
      tpu.vector_store %arg14[%swap3A_533, %swap3A_534], %mul3A_532 {strides = array<i32>} : memref<64x128xf32, #tpu.memory_space<vmem>>, vector<16xf32>,
      %get3A_536 = arith.index_cast %scan3A_504 : i32 to index
      %get3A_537 = arith.constant 64 : index
      %get3A_538 = tpu.vector_load %arg14[%get3A_536, %get3A_537] {strides = array<i32>} : memref<64x128xf32, #tpu.memory_space<vmem>>, vector<16xf32>,
      %mul3A_539 = arith.mulf %get3A_538, %gather3A : vector<16xf32>
      %swap3A_540 = arith.index_cast %scan3A_504 : i32 to index
      %swap3A_541 = arith.constant 64 : index
      %swap3A_542 = tpu.vector_load %arg14[%swap3A_540, %swap3A_541] {strides = array<i32>} : memref<64x128xf32, #tpu.memory_space<vmem>>, vector<16xf32>,
      tpu.vector_store %arg14[%swap3A_540, %swap3A_541], %mul3A_539 {strides = array<i32>} : memref<64x128xf32, #tpu.memory_space<vmem>>, vector<16xf32>,
      %get3A_543 = arith.index_cast %scan3A_504 : i32 to index
      %get3A_544 = arith.constant 80 : index
      %get3A_545 = tpu.vector_load %arg14[%get3A_543, %get3A_544] {strides = array<i32>} : memref<64x128xf32, #tpu.memory_space<vmem>>, vector<16xf32>,
      %mul3A_546 = arith.mulf %get3A_545, %gather3A : vector<16xf32>
      %swap3A_547 = arith.index_cast %scan3A_504 : i32 to index
      %swap3A_548 = arith.constant 80 : index
      %swap3A_549 = tpu.vector_load %arg14[%swap3A_547, %swap3A_548] {strides = array<i32>} : memref<64x128xf32, #tpu.memory_space<vmem>>, vector<16xf32>,
      tpu.vector_store %arg14[%swap3A_547, %swap3A_548], %mul3A_546 {strides = array<i32>} : memref<64x128xf32, #tpu.memory_space<vmem>>, vector<16xf32>,
      %get3A_550 = arith.index_cast %scan3A_504 : i32 to index
      %get3A_551 = arith.constant 96 : index
      %get3A_552 = tpu.vector_load %arg14[%get3A_550, %get3A_551] {strides = array<i32>} : memref<64x128xf32, #tpu.memory_space<vmem>>, vector<16xf32>,
      %mul3A_553 = arith.mulf %get3A_552, %gather3A : vector<16xf32>
      %swap3A_554 = arith.index_cast %scan3A_504 : i32 to index
      %swap3A_555 = arith.constant 96 : index
      %swap3A_556 = tpu.vector_load %arg14[%swap3A_554, %swap3A_555] {strides = array<i32>} : memref<64x128xf32, #tpu.memory_space<vmem>>, vector<16xf32>,
      tpu.vector_store %arg14[%swap3A_554, %swap3A_555], %mul3A_553 {strides = array<i32>} : memref<64x128xf32, #tpu.memory_space<vmem>>, vector<16xf32>,
      %get3A_557 = arith.index_cast %scan3A_504 : i32 to index
      %get3A_558 = arith.constant 112 : index
      %get3A_559 = tpu.vector_load %arg14[%get3A_557, %get3A_558] {strides = array<i32>} : memref<64x128xf32, #tpu.memory_space<vmem>>, vector<16xf32>,
      %mul3A_560 = arith.mulf %get3A_559, %gather3A : vector<16xf32>
      %swap3A_561 = arith.index_cast %scan3A_504 : i32 to index
      %swap3A_562 = arith.constant 112 : index
      %swap3A_563 = tpu.vector_load %arg14[%swap3A_561, %swap3A_562] {strides = array<i32>} : memref<64x128xf32, #tpu.memory_space<vmem>>, vector<16xf32>,
      tpu.vector_store %arg14[%swap3A_561, %swap3A_562], %mul3A_560 {strides = array<i32>} : memref<64x128xf32, #tpu.memory_space<vmem>>, vector<16xf32>,
      %scan3A_564 = arith.constant 0 : i32
      scf.yield %scan3A_564 : i32
    }
    %scan3A_479 = arith.constant 64 : i32
    "tpu.region"() ({
      %run_scoped3A = tpu.sem_alloc : memref<!tpu.dma_semaphore, #tpu.memory_space<semaphore_mem>>
      %dma_start3A_504 = tpu.memref_slice %arg4[%multiple_of3A_472, %mul3A_2] : memref<10000x256xf32, #tpu.memory_space<hbm>> -> memref<64x128xf32, #tpu.memory_space<hbm>>
      %dma_start3A_505 = tpu.memref_slice %arg4[%multiple_of3A_472, %mul3A_2] : memref<10000x256xf32, #tpu.memory_space<hbm>> -> memref<64x128xf32, #tpu.memory_space<hbm>>
      tpu.enqueue_dma source(%arg14 : memref<64x128xf32, #tpu.memory_space<vmem>>) target(%dma_start3A_505 : memref<64x128xf32, #tpu.memory_space<hbm>>) target_semaphore(%run_scoped3A : memref<!tpu.dma_semaphore, #tpu.memory_space<semaphore_mem>>)
      %dma_wait3A = tpu.memref_slice %arg4[%multiple_of3A_472, %mul3A_2] : memref<10000x256xf32, #tpu.memory_space<hbm>> -> memref<64x128xf32, #tpu.memory_space<hbm>>
      %dma_wait3A_506 = tpu.memref_slice %arg4[%multiple_of3A_472, %mul3A_2] : memref<10000x256xf32, #tpu.memory_space<hbm>> -> memref<64x128xf32, #tpu.memory_space<hbm>>
      tpu.wait_dma2 semaphore(%run_scoped3A : memref<!tpu.dma_semaphore, #tpu.memory_space<semaphore_mem>>) src(%arg14 : memref<64x128xf32, #tpu.memory_space<vmem>>) dst(%dma_wait3A_506 : memref<64x128xf32, #tpu.memory_space<hbm>>)
      tpu.yield
    }) : () -> ()
    %add3A_480 = arith.constant 512 : i32
    %add3A_481 = arith.addi %mul3A_4, %add3A_480 : i32
    %min3A_482 = arith.constant 9936 : i32
    %min3A_483 = arith.minsi %add3A_481, %min3A_482 : i32
    %multiple_of3A_484 = tpu.assume_multiple %min3A_483, 16 : i32
    "tpu.region"() ({
      %run_scoped3A = tpu.sem_alloc : memref<!tpu.dma_semaphore, #tpu.memory_space<semaphore_mem>>
      %dma_start3A_504 = arith.constant 0 : i32
      %dma_start3A_505 = tpu.memref_slice %arg17[%multiple_of3A_484, %dma_start3A_504] : memref<10240x128xf32, #tpu.memory_space<vmem_shared>> -> memref<64x128xf32, #tpu.memory_space<vmem_shared>>
      %dma_start3A_506 = arith.constant 0 : i32
      %dma_start3A_507 = tpu.memref_slice %arg17[%multiple_of3A_484, %dma_start3A_506] : memref<10240x128xf32, #tpu.memory_space<vmem_shared>> -> memref<64x128xf32, #tpu.memory_space<vmem_shared>>
      tpu.enqueue_dma source(%dma_start3A_507 : memref<64x128xf32, #tpu.memory_space<vmem_shared>>) target(%arg14 : memref<64x128xf32, #tpu.memory_space<vmem>>) target_semaphore(%run_scoped3A : memref<!tpu.dma_semaphore, #tpu.memory_space<semaphore_mem>>)
      %dma_wait3A = arith.constant 0 : i32
      %dma_wait3A_508 = tpu.memref_slice %arg17[%multiple_of3A_484, %dma_wait3A] : memref<10240x128xf32, #tpu.memory_space<vmem_shared>> -> memref<64x128xf32, #tpu.memory_space<vmem_shared>>
      %dma_wait3A_509 = arith.constant 0 : i32
      %dma_wait3A_510 = tpu.memref_slice %arg17[%multiple_of3A_484, %dma_wait3A_509] : memref<10240x128xf32, #tpu.memory_space<vmem_shared>> -> memref<64x128xf32, #tpu.memory_space<vmem_shared>>
      tpu.wait_dma2 semaphore(%run_scoped3A : memref<!tpu.dma_semaphore, #tpu.memory_space<semaphore_mem>>) src(%dma_wait3A_510 : memref<64x128xf32, #tpu.memory_space<vmem_shared>>) dst(%arg14 : memref<64x128xf32, #tpu.memory_space<vmem>>)
      tpu.yield
    }) : () -> ()
    %scan3A_485 = arith.constant 0 : i32
    %scan3A_486 = arith.constant 0 : i32
    %scan3A_487 = arith.constant 64 : i32
    %scan3A_488 = arith.addi %scan3A_486, %scan3A_487 : i32
    %scan3A_489 = arith.constant 1 : i32
    %scan3A_490 = scf.for %scan3A_504 = %scan3A_486 to %scan3A_488 step %scan3A_489 iter_args(%scan3A_505 = %scan3A_485) -> (i32)  : i32 {
      %sub3A = arith.subi %multiple_of3A_484, %mul3A_4 : i32
      %add3A_506 = arith.addi %sub3A, %scan3A_504 : i32
      %broadcast_in_dim3A_507 = vector.broadcast %add3A_506 : i32 to vector<16xi32>
      %gather3A = tpu.vector_load_idx %arg8[%broadcast_in_dim3A_507] : memref<640xf32, #tpu.memory_space<vmem>>[vector<16xi32>], vector<16xf32>,
      %get3A_508 = arith.index_cast %scan3A_504 : i32 to index
      %get3A_509 = arith.constant 0 : index
      %get3A_510 = tpu.vector_load %arg14[%get3A_508, %get3A_509] {strides = array<i32>} : memref<64x128xf32, #tpu.memory_space<vmem>>, vector<16xf32>,
      %mul3A_511 = arith.mulf %get3A_510, %gather3A : vector<16xf32>
      %swap3A_512 = arith.index_cast %scan3A_504 : i32 to index
      %swap3A_513 = arith.constant 0 : index
      %swap3A_514 = tpu.vector_load %arg14[%swap3A_512, %swap3A_513] {strides = array<i32>} : memref<64x128xf32, #tpu.memory_space<vmem>>, vector<16xf32>,
      tpu.vector_store %arg14[%swap3A_512, %swap3A_513], %mul3A_511 {strides = array<i32>} : memref<64x128xf32, #tpu.memory_space<vmem>>, vector<16xf32>,
      %get3A_515 = arith.index_cast %scan3A_504 : i32 to index
      %get3A_516 = arith.constant 16 : index
      %get3A_517 = tpu.vector_load %arg14[%get3A_515, %get3A_516] {strides = array<i32>} : memref<64x128xf32, #tpu.memory_space<vmem>>, vector<16xf32>,
      %mul3A_518 = arith.mulf %get3A_517, %gather3A : vector<16xf32>
      %swap3A_519 = arith.index_cast %scan3A_504 : i32 to index
      %swap3A_520 = arith.constant 16 : index
      %swap3A_521 = tpu.vector_load %arg14[%swap3A_519, %swap3A_520] {strides = array<i32>} : memref<64x128xf32, #tpu.memory_space<vmem>>, vector<16xf32>,
      tpu.vector_store %arg14[%swap3A_519, %swap3A_520], %mul3A_518 {strides = array<i32>} : memref<64x128xf32, #tpu.memory_space<vmem>>, vector<16xf32>,
      %get3A_522 = arith.index_cast %scan3A_504 : i32 to index
      %get3A_523 = arith.constant 32 : index
      %get3A_524 = tpu.vector_load %arg14[%get3A_522, %get3A_523] {strides = array<i32>} : memref<64x128xf32, #tpu.memory_space<vmem>>, vector<16xf32>,
      %mul3A_525 = arith.mulf %get3A_524, %gather3A : vector<16xf32>
      %swap3A_526 = arith.index_cast %scan3A_504 : i32 to index
      %swap3A_527 = arith.constant 32 : index
      %swap3A_528 = tpu.vector_load %arg14[%swap3A_526, %swap3A_527] {strides = array<i32>} : memref<64x128xf32, #tpu.memory_space<vmem>>, vector<16xf32>,
      tpu.vector_store %arg14[%swap3A_526, %swap3A_527], %mul3A_525 {strides = array<i32>} : memref<64x128xf32, #tpu.memory_space<vmem>>, vector<16xf32>,
      %get3A_529 = arith.index_cast %scan3A_504 : i32 to index
      %get3A_530 = arith.constant 48 : index
      %get3A_531 = tpu.vector_load %arg14[%get3A_529, %get3A_530] {strides = array<i32>} : memref<64x128xf32, #tpu.memory_space<vmem>>, vector<16xf32>,
      %mul3A_532 = arith.mulf %get3A_531, %gather3A : vector<16xf32>
      %swap3A_533 = arith.index_cast %scan3A_504 : i32 to index
      %swap3A_534 = arith.constant 48 : index
      %swap3A_535 = tpu.vector_load %arg14[%swap3A_533, %swap3A_534] {strides = array<i32>} : memref<64x128xf32, #tpu.memory_space<vmem>>, vector<16xf32>,
      tpu.vector_store %arg14[%swap3A_533, %swap3A_534], %mul3A_532 {strides = array<i32>} : memref<64x128xf32, #tpu.memory_space<vmem>>, vector<16xf32>,
      %get3A_536 = arith.index_cast %scan3A_504 : i32 to index
      %get3A_537 = arith.constant 64 : index
      %get3A_538 = tpu.vector_load %arg14[%get3A_536, %get3A_537] {strides = array<i32>} : memref<64x128xf32, #tpu.memory_space<vmem>>, vector<16xf32>,
      %mul3A_539 = arith.mulf %get3A_538, %gather3A : vector<16xf32>
      %swap3A_540 = arith.index_cast %scan3A_504 : i32 to index
      %swap3A_541 = arith.constant 64 : index
      %swap3A_542 = tpu.vector_load %arg14[%swap3A_540, %swap3A_541] {strides = array<i32>} : memref<64x128xf32, #tpu.memory_space<vmem>>, vector<16xf32>,
      tpu.vector_store %arg14[%swap3A_540, %swap3A_541], %mul3A_539 {strides = array<i32>} : memref<64x128xf32, #tpu.memory_space<vmem>>, vector<16xf32>,
      %get3A_543 = arith.index_cast %scan3A_504 : i32 to index
      %get3A_544 = arith.constant 80 : index
      %get3A_545 = tpu.vector_load %arg14[%get3A_543, %get3A_544] {strides = array<i32>} : memref<64x128xf32, #tpu.memory_space<vmem>>, vector<16xf32>,
      %mul3A_546 = arith.mulf %get3A_545, %gather3A : vector<16xf32>
      %swap3A_547 = arith.index_cast %scan3A_504 : i32 to index
      %swap3A_548 = arith.constant 80 : index
      %swap3A_549 = tpu.vector_load %arg14[%swap3A_547, %swap3A_548] {strides = array<i32>} : memref<64x128xf32, #tpu.memory_space<vmem>>, vector<16xf32>,
      tpu.vector_store %arg14[%swap3A_547, %swap3A_548], %mul3A_546 {strides = array<i32>} : memref<64x128xf32, #tpu.memory_space<vmem>>, vector<16xf32>,
      %get3A_550 = arith.index_cast %scan3A_504 : i32 to index
      %get3A_551 = arith.constant 96 : index
      %get3A_552 = tpu.vector_load %arg14[%get3A_550, %get3A_551] {strides = array<i32>} : memref<64x128xf32, #tpu.memory_space<vmem>>, vector<16xf32>,
      %mul3A_553 = arith.mulf %get3A_552, %gather3A : vector<16xf32>
      %swap3A_554 = arith.index_cast %scan3A_504 : i32 to index
      %swap3A_555 = arith.constant 96 : index
      %swap3A_556 = tpu.vector_load %arg14[%swap3A_554, %swap3A_555] {strides = array<i32>} : memref<64x128xf32, #tpu.memory_space<vmem>>, vector<16xf32>,
      tpu.vector_store %arg14[%swap3A_554, %swap3A_555], %mul3A_553 {strides = array<i32>} : memref<64x128xf32, #tpu.memory_space<vmem>>, vector<16xf32>,
      %get3A_557 = arith.index_cast %scan3A_504 : i32 to index
      %get3A_558 = arith.constant 112 : index
      %get3A_559 = tpu.vector_load %arg14[%get3A_557, %get3A_558] {strides = array<i32>} : memref<64x128xf32, #tpu.memory_space<vmem>>, vector<16xf32>,
      %mul3A_560 = arith.mulf %get3A_559, %gather3A : vector<16xf32>
      %swap3A_561 = arith.index_cast %scan3A_504 : i32 to index
      %swap3A_562 = arith.constant 112 : index
      %swap3A_563 = tpu.vector_load %arg14[%swap3A_561, %swap3A_562] {strides = array<i32>} : memref<64x128xf32, #tpu.memory_space<vmem>>, vector<16xf32>,
      tpu.vector_store %arg14[%swap3A_561, %swap3A_562], %mul3A_560 {strides = array<i32>} : memref<64x128xf32, #tpu.memory_space<vmem>>, vector<16xf32>,
      %scan3A_564 = arith.constant 0 : i32
      scf.yield %scan3A_564 : i32
    }
    %scan3A_491 = arith.constant 64 : i32
    "tpu.region"() ({
      %run_scoped3A = tpu.sem_alloc : memref<!tpu.dma_semaphore, #tpu.memory_space<semaphore_mem>>
      %dma_start3A_504 = tpu.memref_slice %arg4[%multiple_of3A_484, %mul3A_2] : memref<10000x256xf32, #tpu.memory_space<hbm>> -> memref<64x128xf32, #tpu.memory_space<hbm>>
      %dma_start3A_505 = tpu.memref_slice %arg4[%multiple_of3A_484, %mul3A_2] : memref<10000x256xf32, #tpu.memory_space<hbm>> -> memref<64x128xf32, #tpu.memory_space<hbm>>
      tpu.enqueue_dma source(%arg14 : memref<64x128xf32, #tpu.memory_space<vmem>>) target(%dma_start3A_505 : memref<64x128xf32, #tpu.memory_space<hbm>>) target_semaphore(%run_scoped3A : memref<!tpu.dma_semaphore, #tpu.memory_space<semaphore_mem>>)
      %dma_wait3A = tpu.memref_slice %arg4[%multiple_of3A_484, %mul3A_2] : memref<10000x256xf32, #tpu.memory_space<hbm>> -> memref<64x128xf32, #tpu.memory_space<hbm>>
      %dma_wait3A_506 = tpu.memref_slice %arg4[%multiple_of3A_484, %mul3A_2] : memref<10000x256xf32, #tpu.memory_space<hbm>> -> memref<64x128xf32, #tpu.memory_space<hbm>>
      tpu.wait_dma2 semaphore(%run_scoped3A : memref<!tpu.dma_semaphore, #tpu.memory_space<semaphore_mem>>) src(%arg14 : memref<64x128xf32, #tpu.memory_space<vmem>>) dst(%dma_wait3A_506 : memref<64x128xf32, #tpu.memory_space<hbm>>)
      tpu.yield
    }) : () -> ()
    %add3A_492 = arith.constant 576 : i32
    %add3A_493 = arith.addi %mul3A_4, %add3A_492 : i32
    %min3A_494 = arith.constant 9936 : i32
    %min3A_495 = arith.minsi %add3A_493, %min3A_494 : i32
    %multiple_of3A_496 = tpu.assume_multiple %min3A_495, 16 : i32
    "tpu.region"() ({
      %run_scoped3A = tpu.sem_alloc : memref<!tpu.dma_semaphore, #tpu.memory_space<semaphore_mem>>
      %dma_start3A_504 = arith.constant 0 : i32
      %dma_start3A_505 = tpu.memref_slice %arg17[%multiple_of3A_496, %dma_start3A_504] : memref<10240x128xf32, #tpu.memory_space<vmem_shared>> -> memref<64x128xf32, #tpu.memory_space<vmem_shared>>
      %dma_start3A_506 = arith.constant 0 : i32
      %dma_start3A_507 = tpu.memref_slice %arg17[%multiple_of3A_496, %dma_start3A_506] : memref<10240x128xf32, #tpu.memory_space<vmem_shared>> -> memref<64x128xf32, #tpu.memory_space<vmem_shared>>
      tpu.enqueue_dma source(%dma_start3A_507 : memref<64x128xf32, #tpu.memory_space<vmem_shared>>) target(%arg14 : memref<64x128xf32, #tpu.memory_space<vmem>>) target_semaphore(%run_scoped3A : memref<!tpu.dma_semaphore, #tpu.memory_space<semaphore_mem>>)
      %dma_wait3A = arith.constant 0 : i32
      %dma_wait3A_508 = tpu.memref_slice %arg17[%multiple_of3A_496, %dma_wait3A] : memref<10240x128xf32, #tpu.memory_space<vmem_shared>> -> memref<64x128xf32, #tpu.memory_space<vmem_shared>>
      %dma_wait3A_509 = arith.constant 0 : i32
      %dma_wait3A_510 = tpu.memref_slice %arg17[%multiple_of3A_496, %dma_wait3A_509] : memref<10240x128xf32, #tpu.memory_space<vmem_shared>> -> memref<64x128xf32, #tpu.memory_space<vmem_shared>>
      tpu.wait_dma2 semaphore(%run_scoped3A : memref<!tpu.dma_semaphore, #tpu.memory_space<semaphore_mem>>) src(%dma_wait3A_510 : memref<64x128xf32, #tpu.memory_space<vmem_shared>>) dst(%arg14 : memref<64x128xf32, #tpu.memory_space<vmem>>)
      tpu.yield
    }) : () -> ()
    %scan3A_497 = arith.constant 0 : i32
    %scan3A_498 = arith.constant 0 : i32
    %scan3A_499 = arith.constant 64 : i32
    %scan3A_500 = arith.addi %scan3A_498, %scan3A_499 : i32
    %scan3A_501 = arith.constant 1 : i32
    %scan3A_502 = scf.for %scan3A_504 = %scan3A_498 to %scan3A_500 step %scan3A_501 iter_args(%scan3A_505 = %scan3A_497) -> (i32)  : i32 {
      %sub3A = arith.subi %multiple_of3A_496, %mul3A_4 : i32
      %add3A_506 = arith.addi %sub3A, %scan3A_504 : i32
      %broadcast_in_dim3A_507 = vector.broadcast %add3A_506 : i32 to vector<16xi32>
      %gather3A = tpu.vector_load_idx %arg8[%broadcast_in_dim3A_507] : memref<640xf32, #tpu.memory_space<vmem>>[vector<16xi32>], vector<16xf32>,
      %get3A_508 = arith.index_cast %scan3A_504 : i32 to index
      %get3A_509 = arith.constant 0 : index
      %get3A_510 = tpu.vector_load %arg14[%get3A_508, %get3A_509] {strides = array<i32>} : memref<64x128xf32, #tpu.memory_space<vmem>>, vector<16xf32>,
      %mul3A_511 = arith.mulf %get3A_510, %gather3A : vector<16xf32>
      %swap3A_512 = arith.index_cast %scan3A_504 : i32 to index
      %swap3A_513 = arith.constant 0 : index
      %swap3A_514 = tpu.vector_load %arg14[%swap3A_512, %swap3A_513] {strides = array<i32>} : memref<64x128xf32, #tpu.memory_space<vmem>>, vector<16xf32>,
      tpu.vector_store %arg14[%swap3A_512, %swap3A_513], %mul3A_511 {strides = array<i32>} : memref<64x128xf32, #tpu.memory_space<vmem>>, vector<16xf32>,
      %get3A_515 = arith.index_cast %scan3A_504 : i32 to index
      %get3A_516 = arith.constant 16 : index
      %get3A_517 = tpu.vector_load %arg14[%get3A_515, %get3A_516] {strides = array<i32>} : memref<64x128xf32, #tpu.memory_space<vmem>>, vector<16xf32>,
      %mul3A_518 = arith.mulf %get3A_517, %gather3A : vector<16xf32>
      %swap3A_519 = arith.index_cast %scan3A_504 : i32 to index
      %swap3A_520 = arith.constant 16 : index
      %swap3A_521 = tpu.vector_load %arg14[%swap3A_519, %swap3A_520] {strides = array<i32>} : memref<64x128xf32, #tpu.memory_space<vmem>>, vector<16xf32>,
      tpu.vector_store %arg14[%swap3A_519, %swap3A_520], %mul3A_518 {strides = array<i32>} : memref<64x128xf32, #tpu.memory_space<vmem>>, vector<16xf32>,
      %get3A_522 = arith.index_cast %scan3A_504 : i32 to index
      %get3A_523 = arith.constant 32 : index
      %get3A_524 = tpu.vector_load %arg14[%get3A_522, %get3A_523] {strides = array<i32>} : memref<64x128xf32, #tpu.memory_space<vmem>>, vector<16xf32>,
      %mul3A_525 = arith.mulf %get3A_524, %gather3A : vector<16xf32>
      %swap3A_526 = arith.index_cast %scan3A_504 : i32 to index
      %swap3A_527 = arith.constant 32 : index
      %swap3A_528 = tpu.vector_load %arg14[%swap3A_526, %swap3A_527] {strides = array<i32>} : memref<64x128xf32, #tpu.memory_space<vmem>>, vector<16xf32>,
      tpu.vector_store %arg14[%swap3A_526, %swap3A_527], %mul3A_525 {strides = array<i32>} : memref<64x128xf32, #tpu.memory_space<vmem>>, vector<16xf32>,
      %get3A_529 = arith.index_cast %scan3A_504 : i32 to index
      %get3A_530 = arith.constant 48 : index
      %get3A_531 = tpu.vector_load %arg14[%get3A_529, %get3A_530] {strides = array<i32>} : memref<64x128xf32, #tpu.memory_space<vmem>>, vector<16xf32>,
      %mul3A_532 = arith.mulf %get3A_531, %gather3A : vector<16xf32>
      %swap3A_533 = arith.index_cast %scan3A_504 : i32 to index
      %swap3A_534 = arith.constant 48 : index
      %swap3A_535 = tpu.vector_load %arg14[%swap3A_533, %swap3A_534] {strides = array<i32>} : memref<64x128xf32, #tpu.memory_space<vmem>>, vector<16xf32>,
      tpu.vector_store %arg14[%swap3A_533, %swap3A_534], %mul3A_532 {strides = array<i32>} : memref<64x128xf32, #tpu.memory_space<vmem>>, vector<16xf32>,
      %get3A_536 = arith.index_cast %scan3A_504 : i32 to index
      %get3A_537 = arith.constant 64 : index
      %get3A_538 = tpu.vector_load %arg14[%get3A_536, %get3A_537] {strides = array<i32>} : memref<64x128xf32, #tpu.memory_space<vmem>>, vector<16xf32>,
      %mul3A_539 = arith.mulf %get3A_538, %gather3A : vector<16xf32>
      %swap3A_540 = arith.index_cast %scan3A_504 : i32 to index
      %swap3A_541 = arith.constant 64 : index
      %swap3A_542 = tpu.vector_load %arg14[%swap3A_540, %swap3A_541] {strides = array<i32>} : memref<64x128xf32, #tpu.memory_space<vmem>>, vector<16xf32>,
      tpu.vector_store %arg14[%swap3A_540, %swap3A_541], %mul3A_539 {strides = array<i32>} : memref<64x128xf32, #tpu.memory_space<vmem>>, vector<16xf32>,
      %get3A_543 = arith.index_cast %scan3A_504 : i32 to index
      %get3A_544 = arith.constant 80 : index
      %get3A_545 = tpu.vector_load %arg14[%get3A_543, %get3A_544] {strides = array<i32>} : memref<64x128xf32, #tpu.memory_space<vmem>>, vector<16xf32>,
      %mul3A_546 = arith.mulf %get3A_545, %gather3A : vector<16xf32>
      %swap3A_547 = arith.index_cast %scan3A_504 : i32 to index
      %swap3A_548 = arith.constant 80 : index
      %swap3A_549 = tpu.vector_load %arg14[%swap3A_547, %swap3A_548] {strides = array<i32>} : memref<64x128xf32, #tpu.memory_space<vmem>>, vector<16xf32>,
      tpu.vector_store %arg14[%swap3A_547, %swap3A_548], %mul3A_546 {strides = array<i32>} : memref<64x128xf32, #tpu.memory_space<vmem>>, vector<16xf32>,
      %get3A_550 = arith.index_cast %scan3A_504 : i32 to index
      %get3A_551 = arith.constant 96 : index
      %get3A_552 = tpu.vector_load %arg14[%get3A_550, %get3A_551] {strides = array<i32>} : memref<64x128xf32, #tpu.memory_space<vmem>>, vector<16xf32>,
      %mul3A_553 = arith.mulf %get3A_552, %gather3A : vector<16xf32>
      %swap3A_554 = arith.index_cast %scan3A_504 : i32 to index
      %swap3A_555 = arith.constant 96 : index
      %swap3A_556 = tpu.vector_load %arg14[%swap3A_554, %swap3A_555] {strides = array<i32>} : memref<64x128xf32, #tpu.memory_space<vmem>>, vector<16xf32>,
      tpu.vector_store %arg14[%swap3A_554, %swap3A_555], %mul3A_553 {strides = array<i32>} : memref<64x128xf32, #tpu.memory_space<vmem>>, vector<16xf32>,
      %get3A_557 = arith.index_cast %scan3A_504 : i32 to index
      %get3A_558 = arith.constant 112 : index
      %get3A_559 = tpu.vector_load %arg14[%get3A_557, %get3A_558] {strides = array<i32>} : memref<64x128xf32, #tpu.memory_space<vmem>>, vector<16xf32>,
      %mul3A_560 = arith.mulf %get3A_559, %gather3A : vector<16xf32>
      %swap3A_561 = arith.index_cast %scan3A_504 : i32 to index
      %swap3A_562 = arith.constant 112 : index
      %swap3A_563 = tpu.vector_load %arg14[%swap3A_561, %swap3A_562] {strides = array<i32>} : memref<64x128xf32, #tpu.memory_space<vmem>>, vector<16xf32>,
      tpu.vector_store %arg14[%swap3A_561, %swap3A_562], %mul3A_560 {strides = array<i32>} : memref<64x128xf32, #tpu.memory_space<vmem>>, vector<16xf32>,
      %scan3A_564 = arith.constant 0 : i32
      scf.yield %scan3A_564 : i32
    }
    %scan3A_503 = arith.constant 64 : i32
    "tpu.region"() ({
      %run_scoped3A = tpu.sem_alloc : memref<!tpu.dma_semaphore, #tpu.memory_space<semaphore_mem>>
      %dma_start3A_504 = tpu.memref_slice %arg4[%multiple_of3A_496, %mul3A_2] : memref<10000x256xf32, #tpu.memory_space<hbm>> -> memref<64x128xf32, #tpu.memory_space<hbm>>
      %dma_start3A_505 = tpu.memref_slice %arg4[%multiple_of3A_496, %mul3A_2] : memref<10000x256xf32, #tpu.memory_space<hbm>> -> memref<64x128xf32, #tpu.memory_space<hbm>>
      tpu.enqueue_dma source(%arg14 : memref<64x128xf32, #tpu.memory_space<vmem>>) target(%dma_start3A_505 : memref<64x128xf32, #tpu.memory_space<hbm>>) target_semaphore(%run_scoped3A : memref<!tpu.dma_semaphore, #tpu.memory_space<semaphore_mem>>)
      %dma_wait3A = tpu.memref_slice %arg4[%multiple_of3A_496, %mul3A_2] : memref<10000x256xf32, #tpu.memory_space<hbm>> -> memref<64x128xf32, #tpu.memory_space<hbm>>
      %dma_wait3A_506 = tpu.memref_slice %arg4[%multiple_of3A_496, %mul3A_2] : memref<10000x256xf32, #tpu.memory_space<hbm>> -> memref<64x128xf32, #tpu.memory_space<hbm>>
      tpu.wait_dma2 semaphore(%run_scoped3A : memref<!tpu.dma_semaphore, #tpu.memory_space<semaphore_mem>>) src(%arg14 : memref<64x128xf32, #tpu.memory_space<vmem>>) dst(%dma_wait3A_506 : memref<64x128xf32, #tpu.memory_space<hbm>>)
      tpu.yield
    }) : () -> ()
    return
  }
}

module attributes {stable_mosaic.version = 14 : i64} {
  func.func @_mlp_body(%arg0: i32, %arg1: memref<1000x256xf32, #tpu.memory_space<vmem>>, %arg2: memref<256x512xf32, #tpu.memory_space<vmem>>, %arg3: memref<1x512xf32, #tpu.memory_space<vmem>>, %arg4: memref<512x256xf32, #tpu.memory_space<vmem>>, %arg5: memref<1x256xf32, #tpu.memory_space<vmem>>, %arg6: memref<1000x256xf32, #tpu.memory_space<vmem>>) attributes {dimension_semantics = [#tpu.dimension_semantics<arbitrary>], iteration_bounds = array<i64: 10>, scalar_prefetch = 0 : i64, scratch_operands = 0 : i64, tpu.core_type = #tpu.core_type<tc>, window_params = [{transform_indices = @transform_0, window_bounds = array<i64: 1000, 256>}, {pipeline_mode = #tpu.pipeline_mode<synchronous>, transform_indices = @transform_1, window_bounds = array<i64: 256, 512>}, {pipeline_mode = #tpu.pipeline_mode<synchronous>, transform_indices = @transform_2, window_bounds = array<i64: 1, 512>}, {pipeline_mode = #tpu.pipeline_mode<synchronous>, transform_indices = @transform_3, window_bounds = array<i64: 512, 256>}, {pipeline_mode = #tpu.pipeline_mode<synchronous>, transform_indices = @transform_4, window_bounds = array<i64: 1, 256>}, {transform_indices = @transform_5, window_bounds = array<i64: 1000, 256>}]} {
    %get3A = arith.constant 0 : index
    %get3A_0 = arith.constant 0 : index
    %get3A_1 = vector.load %arg1[%get3A, %get3A_0] : memref<1000x256xf32, #tpu.memory_space<vmem>>, vector<1000x256xf32>
    %get3A_2 = arith.constant 0 : index
    %get3A_3 = arith.constant 0 : index
    %get3A_4 = vector.load %arg2[%get3A_2, %get3A_3] : memref<256x512xf32, #tpu.memory_space<vmem>>, vector<256x512xf32>
    %dot_general3A = arith.constant dense<0.000000e+00> : vector<1000x512xf32>
    %dot_general3A_5 = tpu.matmul %get3A_1, %get3A_4, %dot_general3A {dimension_numbers = #tpu.dot_dimension_numbers<[1], [0], [0], [1], [0, 0, 1, 1], [], []>, transpose_lhs_hint = false} : vector<1000x256xf32>, vector<256x512xf32>, vector<1000x512xf32> -> vector<1000x512xf32>
    %get3A_6 = arith.constant 0 : index
    %get3A_7 = arith.constant 0 : index
    %get3A_8 = vector.load %arg3[%get3A_6, %get3A_7] : memref<1x512xf32, #tpu.memory_space<vmem>>, vector<1x512xf32>
    %add3A = vector.broadcast %get3A_8 : vector<1x512xf32> to vector<1000x512xf32>
    %add3A_9 = arith.addf %dot_general3A_5, %add3A : vector<1000x512xf32>
    %max3A = arith.constant 0.000000e+00 : f32
    %max3A_10 = vector.broadcast %max3A : f32 to vector<1000x512xf32>
    %max3A_11 = arith.maximumf %add3A_9, %max3A_10 : vector<1000x512xf32>
    %get3A_12 = arith.constant 0 : index
    %get3A_13 = arith.constant 0 : index
    %get3A_14 = vector.load %arg4[%get3A_12, %get3A_13] : memref<512x256xf32, #tpu.memory_space<vmem>>, vector<512x256xf32>
    %dot_general3A_15 = arith.constant dense<0.000000e+00> : vector<1000x256xf32>
    %dot_general3A_16 = tpu.matmul %max3A_11, %get3A_14, %dot_general3A_15 {dimension_numbers = #tpu.dot_dimension_numbers<[1], [0], [0], [1], [0, 0, 1, 1], [], []>, transpose_lhs_hint = false} : vector<1000x512xf32>, vector<512x256xf32>, vector<1000x256xf32> -> vector<1000x256xf32>
    %get3A_17 = arith.constant 0 : index
    %get3A_18 = arith.constant 0 : index
    %get3A_19 = vector.load %arg5[%get3A_17, %get3A_18] : memref<1x256xf32, #tpu.memory_space<vmem>>, vector<1x256xf32>
    %add3A_20 = vector.broadcast %get3A_19 : vector<1x256xf32> to vector<1000x256xf32>
    %add3A_21 = arith.addf %dot_general3A_16, %add3A_20 : vector<1000x256xf32>
    %max3A_22 = arith.constant 0.000000e+00 : f32
    %max3A_23 = vector.broadcast %max3A_22 : f32 to vector<1000x256xf32>
    %max3A_24 = arith.maximumf %add3A_21, %max3A_23 : vector<1000x256xf32>
    %swap3A = arith.constant 0 : index
    %swap3A_25 = arith.constant 0 : index
    %swap3A_26 = vector.load %arg6[%swap3A, %swap3A_25] : memref<1000x256xf32, #tpu.memory_space<vmem>>, vector<1000x256xf32>
    tpu.vector_store %arg6[%swap3A, %swap3A_25], %max3A_24 {strides = array<i32>} : memref<1000x256xf32, #tpu.memory_space<vmem>>, vector<1000x256xf32>,
    return
  }
  func.func @transform_0(%arg0: i32) -> (i32, i32) {
    %c0_i32 = arith.constant 0 : i32
    %c0_i32_0 = arith.constant 0 : i32
    return %arg0, %c0_i32 : i32, i32
  }
  func.func @transform_1(%arg0: i32) -> (i32, i32) {
    %c0_i32 = arith.constant 0 : i32
    %c0_i32_0 = arith.constant 0 : i32
    %c0_i32_1 = arith.constant 0 : i32
    return %c0_i32, %c0_i32_0 : i32, i32
  }
  func.func @transform_2(%arg0: i32) -> (i32, i32) {
    %c0_i32 = arith.constant 0 : i32
    %c0_i32_0 = arith.constant 0 : i32
    %c0_i32_1 = arith.constant 0 : i32
    return %c0_i32, %c0_i32_0 : i32, i32
  }
  func.func @transform_3(%arg0: i32) -> (i32, i32) {
    %c0_i32 = arith.constant 0 : i32
    %c0_i32_0 = arith.constant 0 : i32
    %c0_i32_1 = arith.constant 0 : i32
    return %c0_i32, %c0_i32_0 : i32, i32
  }
  func.func @transform_4(%arg0: i32) -> (i32, i32) {
    %c0_i32 = arith.constant 0 : i32
    %c0_i32_0 = arith.constant 0 : i32
    %c0_i32_1 = arith.constant 0 : i32
    return %c0_i32, %c0_i32_0 : i32, i32
  }
  func.func @transform_5(%arg0: i32) -> (i32, i32) {
    %c0_i32 = arith.constant 0 : i32
    %c0_i32_0 = arith.constant 0 : i32
    return %arg0, %c0_i32 : i32, i32
  }
}

</mosaic_0001>

<sc_bundles>
// kernel: kernel.4.cloned.1.call-start
scs
__scs_entry_jumppad:
0x0: {  	(pc) =	sbr.rel $0x88, $3  }
0x1: {  	(tag) =	ssettag $0x0;
	lr =	simm.s32 $0x1  }
0x2: {  	[smem:$0x3F9B] =	sst lr;
	_ =	strace $0xD0000000  }
0x3: {  	_ = 	snop  }
0x4: {  	_ = 	snop  }
0x5: {  	_ = 	snop  }
0x6: {  	_ = 	snop  }
0x7: {  	_ = 	snop  }
__scs_overlays_trampoline_lowered:
0x8: {  	[smem:$0x3FAA] =	sst s0  }
0x9: {  	[smem:$0x3FAB] =	sst s1  }
0xa: {  	[smem:$0x3FAC] =	sst s2  }
0xb: {  	[smem:$0x3FAD] =	sst s3  }
0xc: {  	[smem:$0x3FAE] =	sst s4  }
0xd: {  	[smem:$0x3FAF] =	sst s5  }
0xe: {  	[smem:$0x3FB0] =	sst s6  }
0xf: {  	[smem:$0x3FB1] =	sst s7  }
0x10: {  	[smem:$0x3FB2] =	sst s8  }
0x11: {  	[smem:$0x3FB3] =	sst s9;
	s0 =	simm.s32 @!p0 $0x0  }
0x12: {  	s1 =	sld [smem:$0x3F99];
	s0 =	simm.s32 @p0 $0x1  }
0x13: {  	[smem:$0x3FB4] =	sst s0;
	s0 =	simm.s32 @!p1 $0x0  }
0x14: {  	s2 =	sld [smem:$0x3F98];
	s0 =	simm.s32 @p1 $0x1  }
0x15: {  	[smem:$0x3FB5] =	sst s0;
	s0 =	simm.s32 @!p2 $0x0  }
0x16: {  	s3 =	sld [smem:$0x3FDB];
	s0 =	simm.s32 @p2 $0x1  }
0x17: {  	s4 =	simm.s32 $0x1BF5;
	[smem:$0x3FB7] =	sst s0  }
0x18: {  	s0 =	sld [smem:$0x3F9A];
	_ =	swait.ge [sflag:s4], $0x0  }
0x19: {  	s7 =	sld [smem:$0x3F9B]  }
0x1a: {  	s8 =	sadd.s32 $0xFFFFE003, lr  }
0x1b: {  	s9 =	sadd.s32 $0xFFFFFEF7, lr;
	s5 =	simm.s32 $0xFFFFFFFF;
	p2 =	slt.u32 s8, $0xFFFFF086  }
0x1c: {  	p1 =	slt.u32 s9, $0xF7A;
	s5 =	simm.s32 @!p2 $0x0  }
0x1d: {  	s5 =	simm.s32 @p1 $0x1;
	p0 =	seq.s32 s7, s2  }
0x1e: {  	s7 =	smul.u32 @!p0 $0xF7A, s2;
	p2 =	seq.s32 @!p0 s5, $0x0  }
0x1f: {  	s9 =	smul.u32 $0xF7A, s1;
	s8 =	simm.s32 @!p0 $0x1BF5;
	p2 =	por !p2, p0  }
0x20: {  	[sflag:s8] =	ssyncset.s32 @!p0 $0xFFFFF086;
	s6 =	sadd.s32 @!p0 s3, s7;
	s7 =	simm.s32 @!p0 $0x108  }
0x21: {  	s3 =	sadd.s32 s3, s9;
	s6 =	sadd.s32 @!p0 $0x88, s6;
	s7 =	simm.s32 @p2 $0x1082  }
0x22: {  	[simem:s7], [sflag:s8] =	dma.local @!p0 [hbm:s6], $0xF7A  }
0x23: {  	s9 =	sor.u32 $0xD0000000, s2;
	s6 =	simm.s32 $0x108;
	_ =	swait.ge @!p0 [sflag:s8], $0x0  }
0x24: {  	s3 =	sadd.s32 $0x88, s3;
	s6 =	simm.s32 @!p1 $0x1082;
	[sflag:s4] =	ssyncset.s32 $0xFFFFF086  }
0x25: {  	[simem:s6], [sflag:s4] =	dma.local [hbm:s3], $0xF7A  }
0x26: {  	[smem:$0x3F9B] =	sst s1;
	(tag) =	ssettag s2;
	_ =	strace s9  }
0x27: {  	s1 =	sld [smem:$0x3FAB]  }
0x28: {  	s2 =	sld [smem:$0x3FAC]  }
0x29: {  	s4 =	sld [smem:$0x3FAE]  }
0x2a: {  	p0 =	seq.s32 s5, $0x0;
	s5 =	sld [smem:$0x3FAF]  }
0x2b: {  	s6 =	sld [smem:$0x3FB0]  }
0x2c: {  	s7 =	sld [smem:$0x3FB1]  }
0x2d: {  	s3 =	simm.s32 $0x108;
	s8 =	sld [smem:$0x3FB2]  }
0x2e: {  	s3 =	simm.s32 @!p0 $0x1082;
	s9 =	sld [smem:$0x3FB3]  }
0x2f: {  	lr =	sadd.s32 s0, s3;
	s0 =	sld [smem:$0x3FAA]  }
0x30: {  	s3 =	sld [smem:$0x3FAD]  }
0x31: {  	[smem:$0x3FB6] =	sst s10  }
0x32: {  	s10 =	sld [smem:$0x3FB4];
	_ =	sdelay $0x3  }
0x33: {  	p0 =	seq.s32 s10, $0x1;
	s10 =	sld [smem:$0x3FB6];
	_ =	sdelay $0x3  }
0x34: {  	[smem:$0x3FB6] =	sst s10  }
0x35: {  	s10 =	sld [smem:$0x3FB5];
	_ =	sdelay $0x3  }
0x36: {  	p1 =	seq.s32 s10, $0x1;
	s10 =	sld [smem:$0x3FB6];
	_ =	sdelay $0x3  }
0x37: {  	[smem:$0x3FB6] =	sst s10  }
0x38: {  	s10 =	sld [smem:$0x3FB7]  }
0x39: {  	_ = 	snop;
	(pc) =	sbr.ind lr, $3  }
0x3a: {  	_ = 	snop  }
0x3b: {  	_ = 	snop  }
0x3c: {  	p2 =	seq.s32 s10, $0x1;
	s10 =	sld [smem:$0x3FB6]  }
0x3d: {  	_ =	shalt  }
0x3e: {  	_ =	shalt  }
0x3f: {  	_ =	shalt  }
0x40: {  	_ =	shalt  }
0x41: {  	_ =	shalt  }
0x42: {  	_ =	shalt  }
0x43: {  	_ =	shalt  }
0x44: {  	_ =	shalt  }
0x45: {  	_ =	shalt  }
0x46: {  	_ =	shalt  }
0x47: {  	_ =	shalt  }
0x48: {  	_ =	shalt  }
0x49: {  	_ =	shalt  }
0x4a: {  	_ =	shalt  }
0x4b: {  	_ =	shalt  }
0x4c: {  	_ =	shalt  }
0x4d: {  	_ =	shalt  }
0x4e: {  	_ =	shalt  }
0x4f: {  	_ =	shalt  }
0x50: {  	_ =	shalt  }
0x51: {  	_ =	shalt  }
0x52: {  	_ =	shalt  }
0x53: {  	_ =	shalt  }
0x54: {  	_ =	shalt  }
0x55: {  	_ =	shalt  }
0x56: {  	_ =	shalt  }
0x57: {  	_ =	shalt  }
0x58: {  	_ =	shalt  }
0x59: {  	_ =	shalt  }
0x5a: {  	_ =	shalt  }
0x5b: {  	_ =	shalt  }
0x5c: {  	_ =	shalt  }
0x5d: {  	_ =	shalt  }
0x5e: {  	_ =	shalt  }
0x5f: {  	_ =	shalt  }
0x60: {  	_ =	shalt  }
0x61: {  	_ =	shalt  }
0x62: {  	_ =	shalt  }
0x63: {  	_ =	shalt  }
0x64: {  	_ =	shalt  }
0x65: {  	_ =	shalt  }
0x66: {  	_ =	shalt  }
0x67: {  	_ =	shalt  }
0x68: {  	_ =	shalt  }
0x69: {  	_ =	shalt  }
0x6a: {  	_ =	shalt  }
0x6b: {  	_ =	shalt  }
0x6c: {  	_ =	shalt  }
0x6d: {  	_ =	shalt  }
0x6e: {  	_ =	shalt  }
0x6f: {  	_ =	shalt  }
0x70: {  	_ =	shalt  }
0x71: {  	_ =	shalt  }
0x72: {  	_ =	shalt  }
0x73: {  	_ =	shalt  }
0x74: {  	_ =	shalt  }
0x75: {  	_ =	shalt  }
0x76: {  	_ =	shalt  }
0x77: {  	_ =	shalt  }
0x78: {  	_ =	shalt  }
0x79: {  	_ =	shalt  }
0x7a: {  	_ =	shalt  }
0x7b: {  	_ =	shalt  }
0x7c: {  	_ =	shalt  }
0x7d: {  	_ =	shalt  }
0x7e: {  	_ =	shalt  }
0x7f: {  	_ =	shalt  }
0x80: {  	_ =	shalt  }
0x81: {  	_ =	shalt  }
0x82: {  	_ =	shalt  }
0x83: {  	_ =	shalt  }
0x84: {  	_ =	shalt  }
0x85: {  	_ =	shalt  }
0x86: {  	_ =	shalt  }
0x87: {  	_ =	shalt  }
.Lfunc_end0:
.L_simem_size_0:
called_computation_lowered:
.L_overlay_start_0:
0x88: {  	s2 =	sld [smem:$0x3FD9]  }
0x89: {  	s3 =	sld [smem:$0x3FFE];
	_ =	sdelay $0x1  }
0x8a: {  	s1 =	srdreg.scid  }
0x8b: {  	s0 =	sand.u32 $0x1, s1  }
0x8c: {  	s17 =	sshll.u32 s0, $0xA;
	s2 =	sadd.s32 s3, s2  }
0x8d: {  	s2 =	sadd.s32 s2, s17  }
0x8e: {  	[smem:$0x3FC2] =	sst s2  }
0x8f: {  	_ = 	snop  }
0x90: {  	s2 =	sld [smem:$0x3FC9]  }
0x91: {  	s18 =	sld [smem:$0x3FD0];
	(tm) =	ssettm $0x1  }
0x92: {  	s4 =	sld [smem:$0x3FFB];
	_ =	sdelay $0x3  }
0x93: {  	_ =	strace s4  }
0x94: {  	s4 =	sld [smem:$0x3FFC];
	_ =	sdelay $0x3  }
0x95: {  	_ =	strace s4  }
0x96: {  	s4 =	sld [smem:$0x3FFD];
	_ =	sdelay $0x3  }
0x97: {  	_ =	strace s4  }
0x98: {  	_ =	strace $0x8FFFFFFF  }
0x99: {  	s19 =	sld [smem:$0x3FDB];
	_ =	sdelay $0x1  }
0x9a: {  	s5 =	simm.s32 $_scs_section_size  }
0x9b: {  	s6 =	simm.s32 $_size__tile_overlayer_lowered;
	s7 =	simm.s32 $_tile_overlayer_lowered  }
0x9c: {  	s22 =	simm.s32 $0x1BFF;
	s21 =	sshll.u32 s7, $0x1;
	s4 =	sadd.s32 s5, s19  }
0x9d: {  	s8 =	simm.s32 $0x0;
	s20 =	sshll.u32 s6, $0x1;
	s6 =	sadd.s32 s21, s4  }
0x9e: {  	[timem:s8], [sflag:s22] =	dma.local [hbm:s6], s20  }
0x9f: {  	_ =	swait.ge [sflag:s22], s20  }
0xa0: {  	s5 =	ssub.s32 $0x0, s20;
	[sflag:s22] =	ssyncset.done $0x0  }
0xa1: {  	[sflag:s22] =	ssyncadd.s32 s5;
	_ =	sdelay $0x1  }
0xa2: {  	s23 =	simm.s32 $0x1B8B  }
0xa3: {  	_ =	swait.ge [sflag:s23], $0x1  }
0xa4: {  	[sflag:s23] =	ssyncset.done $0x0  }
0xa5: {  	s25 =	simm.s32 $0x1B8E;
	s24 =	sld [smem:$0x3FFE];
	[sflag:s23] =	ssyncadd.s32 $0xFFFFFFFF  }
0xa6: {  	s26 =	simm.s32 $execute0_lowered;
	[smem:$0x3FD2] =	sst s25  }
0xa7: {  	s6 =	sshll.u32 s26, $0x1;
	_ =	strace $0x80000046;
	[dreg:$0x1] =	wrdreg $0xFFFFFFFF  }
0xa8: {  	s28 =	simm.s32 $_size_execute0_lowered;
	s4 =	sadd.s32 s4, s6;
	[dreg:$0x0] =	wrdreg $0x0  }
0xa9: {  	s6 =	sshll.u32 s28, $0x1;
	[dreg:$0x2] =	wrdreg s4  }
0xaa: {  	[dreg:$0x3] =	wrdreg s6  }
0xab: {  	[dreg:$0x4] =	wrdreg $0xC0  }
0xac: {  	_ =	task [dreg:s8], $0x5FFFF  }
0xad: {  	[dreg:$0x1] =	wrdreg $0xFFFFFFFF  }
0xae: {  	[dreg:$0x0] =	wrdreg $0x60  }
0xaf: {  	[dreg:$0x2] =	wrdreg s2  }
0xb0: {  	[dreg:$0x3] =	wrdreg s24  }
0xb1: {  	[dreg:$0x4] =	wrdreg s18  }
0xb2: {  	[dreg:$0x5] =	wrdreg $0x99000  }
0xb3: {  	[dreg:$0x6] =	wrdreg $0x9B800  }
0xb4: {  	[dreg:$0x7] =	wrdreg $0x9  }
0xb5: {  	_ =	task.clear_ibuf [dreg:s8], $0x8FFFF;
	_ =	strace $0x90000046  }
0xb6: {  	s29 =	simm.s32 $0x9;
	_ =	strace $0x80000048  }
0xb7: {  	_ =	swait.ge [sflag:s29], $0x1  }
0xb8: {  	[sflag:s29] =	ssyncadd.s32 $0xFFFFFFFF  }
0xb9: {  	_ =	strace $0x90000048  }
0xba: {  	_ =	sfence  }
0xbb: {  	s30 =	sld [smem:$0x0];
	_ =	sdelay $0x2  }
0xbc: {  	s31 =	sshll.u32 s1, $0xD;
	s1 =	sshrl.u32 s1, $0x2  }
0xbd: {  	s3 =	sand.u32 $0x4000, s31;
	s1 =	sadd.s32 s1, s30  }
0xbe: {  	s0 =	sor.u32 s3, s0;
	s1 =	sshll.u32 s1, $0x11  }
0xbf: {  	s0 =	sor.u32 s1, s0  }
0xc0: {  	s0 =	sadd.s32 $0x8F2B, s0  }
0xc1: {  	[sflag:s0] =	ssyncadd.remote.s32 $0x1  }
0xc2: {  	_ =	sfence.sel $0xFFFF  }
0xc3: {  	[dreg:$0x0] =	wrdreg $0xFFFFFFFF;
	(pc) =	sbr.abs _section_cstart, $3  }
0xc4: {  	[dreg:$0x1] =	wrdreg $0xFFFFFFFF  }
0xc5: {  	_ =	task.clear_ibuf [dreg:s8], $0x2FFFF;
	_ =	strace $0x9FFFFFFF  }
0xc6: {  	(tm) =	ssettm $0x7FFFFFFF  }
0xc7: {  	_ =	shalt  }
tec
execute0_lowered:
.L_overlay_start_1:
0x0: {  	(tag) =	ssettag $0x1  }
0x1: {  	s11 =	stileid.u32  }
0x2: {  	s0 =	srdreg.scid;
	s1 =	smul.u32 $0x280, s11  }
0x3: {  	s3 =	rddreg [dreg:$0x1];
	s15 =	sand.u32 $0x1, s0;
	s2 =	smul.u32 $0x5800, s11  }
0x4: {  	s3 =	sadd.s32 $0xE00, s3;
	s5 =	smul.u32 $0xB00, s11;
	s0 =	ssub.s32 $0x2, s15  }
0x5: {  	s20 =	smul.u32 $0x28000, s11;
	s4 =	sshrl.u32 s0, $0x1;
	s19 =	sshrl.u32 s2, $0x3  }
0x6: {  	s21 =	sadd.s32 s3, s5;
	s17 =	sor.u32 $0x40, s1;
	s5 =	sadd.s32 $0xC0, s1  }
0x7: {  	s7 =	sadd.s32 $0x100, s1;
	s13 =	sadd.s32 $0x180, s1;
	s9 =	sadd.s32 $0x140, s1  }
0x8: {  	s14 =	sadd.s32 $0x1C0, s1;
	s12 =	sadd.s32 $0x200, s1;
	s0 =	ssub.s32 s0, s4  }
0x9: {  	[dreg:$0x6] =	wrdreg s21;
	s18 =	sadd.s32 s3, s19;
	s19 =	sshll.u32 s15, $0xA  }
0xa: {  	s3 =	sadd.s32 $0x80, s1;
	s22 =	sshll.u32 s17, $0x8;
	s24 =	sshll.u32 s5, $0x8  }
0xb: {  	s25 =	sshll.u32 s7, $0x8;
	s26 =	sshll.u32 s9, $0x8;
	s4 =	sadd.s32 $0x240, s1  }
0xc: {  	s10 =	smin.u32 s12, $0x26D0;
	[smem:$0x7FB] =	sst s0;
	s23 =	sshll.u32 s3, $0x8  }
0xd: {  	s21 =	sor.u32 s19, s22;
	s0 =	smin.u32 s13, $0x26D0;
	s22 =	sor.u32 s19, s23  }
0xe: {  	s23 =	sor.u32 s19, s24;
	s24 =	sor.u32 s19, s25;
	s6 =	sshll.u32 s0, $0x8  }
0xf: {  	s25 =	sor.u32 s19, s26;
	s26 =	sor.u32 s19, s6;
	s6 =	smin.u32 s14, $0x26D0  }
0x10: {  	s20 =	sor.u32 s19, s20;
	s8 =	smin.u32 s4, $0x26D0;
	s29 =	sshll.u32 s6, $0x8  }
0x11: {  	s16 =	sshll.u32 s10, $0x8;
	s28 =	sor.u32 s19, s29;
	s29 =	sshll.u32 s8, $0x8  }
0x12: {  	s30 =	sor.u32 s19, s16;
	s19 =	sor.u32 s19, s29;
	s29 =	simm.s32 $0x0  }
0x13: {  	[smem:$0x7FF] =	sst s29  }
0x14: {  	s20 =	sshrl.u32 s20, $0x3;
	s29 =	sshrl.u32 s30, $0x3;
	s30 =	rddreg [dreg:$0x0]  }
0x15: {  	s31 =	rddreg [dreg:$0x2];
	s21 =	sshrl.u32 s21, $0x3;
	s16 =	sadd.s32 s30, s20  }
0x16: {  	s2 =	sadd.s32 s30, s21;
	[dreg:$0x7] =	wrdreg s16  }
0x17: {  	s20 =	sadd.s32 s31, s20;
	[dreg:$0x8] =	wrdreg s2  }
0x18: {  	s21 =	sadd.s32 s31, s21;
	[dreg:$0x11] =	wrdreg s20  }
0x19: {  	s22 =	sshrl.u32 s22, $0x3;
	[dreg:$0x12] =	wrdreg s21  }
0x1a: {  	s2 =	sadd.s32 s30, s22;
	s21 =	rddreg [dreg:$0x3]  }
0x1b: {  	s28 =	sshrl.u32 s28, $0x3;
	s22 =	sadd.s32 s31, s22;
	[dreg:$0x9] =	wrdreg s2  }
0x1c: {  	s23 =	sshrl.u32 s23, $0x3;
	s20 =	sadd.s32 s31, s28;
	[dreg:$0x13] =	wrdreg s22  }
0x1d: {  	s2 =	sadd.s32 s30, s23;
	[dreg:$0x18] =	wrdreg s20  }
0x1e: {  	s23 =	sadd.s32 s31, s23;
	[dreg:$0xa] =	wrdreg s2  }
0x1f: {  	[dreg:$0x14] =	wrdreg s23  }
0x20: {  	s24 =	sshrl.u32 s24, $0x3;
	s22 =	sadd.s32 s31, s29;
	s23 =	rddreg [dreg:$0x4]  }
0x21: {  	s2 =	sadd.s32 s30, s24;
	[dreg:$0x19] =	wrdreg s22  }
0x22: {  	s25 =	sshrl.u32 s25, $0x3;
	s24 =	sadd.s32 s31, s24;
	[dreg:$0xb] =	wrdreg s2  }
0x23: {  	s13 =	sshll.u32 s13, $0x7;
	s2 =	sadd.s32 s30, s25;
	[dreg:$0x15] =	wrdreg s24  }
0x24: {  	s26 =	sshrl.u32 s26, $0x3;
	s25 =	sadd.s32 s31, s25;
	[dreg:$0xc] =	wrdreg s2  }
0x25: {  	s19 =	sshrl.u32 s19, $0x3;
	s2 =	sadd.s32 s30, s26;
	[dreg:$0x16] =	wrdreg s25  }
0x26: {  	s24 =	smul.u32 $0xA00, s11;
	s25 =	sadd.s32 s31, s19;
	[dreg:$0xd] =	wrdreg s2  }
0x27: {  	s2 =	sadd.s32 s30, s28;
	[dreg:$0x1a] =	wrdreg s25;
	s28 =	simm.s32 $0x0  }
0x28: {  	[dreg:$0xe] =	wrdreg s2;
	s2 =	sadd.s32 s30, s29;
	s29 =	sshrl.u32 s24, $0x2  }
0x29: {  	[dreg:$0xf] =	wrdreg s2;
	s2 =	sadd.s32 s30, s19;
	s19 =	smul.u32 $0x2800, s15  }
0x2a: {  	s15 =	sadd.s32 $0x580, s18;
	s30 =	ssub.s32 s10, s1;
	[dreg:$0x10] =	wrdreg s2  }
0x2b: {  	s2 =	sadd.s32 s31, s26;
	s31 =	sadd.s32 s29, s21;
	s29 =	sshll.u32 s17, $0x7  }
0x2c: {  	[dreg:$0x17] =	wrdreg s2;
	s2 =	smul.u32 $0x50000, s11;
	s20 =	sadd.s32 s19, s17  }
0x2d: {  	s17 =	sadd.s32 s29, s23;
	_ =	strace $0x80000047;
	[dreg:$0x1b] =	wrdreg s15  }
0x2e: {  	s18 =	sadd.s32 s19, s1;
	s29 =	sshll.u32 s7, $0x7;
	[dreg:$0x1f] =	wrdreg s17  }
0x2f: {  	s11 =	sadd.s32 s19, s0;
	s15 =	sshll.u32 s18, $0x4;
	[smem:$0x7FD] =	sst s31  }
0x30: {  	s24 =	sshll.u32 s20, $0x4;
	s26 =	rddreg [dreg:$0x1];
	s16 =	sshrl.u32 s2, $0x2  }
0x31: {  	s2 =	sadd.s32 s19, s3;
	s3 =	sshll.u32 s3, $0x7;
	s26 =	sadd.s32 $0xBE00, s26  }
0x32: {  	s22 =	sadd.s32 s16, s23;
	s18 =	sshll.u32 s2, $0x4;
	s3 =	sadd.s32 s3, s23  }
0x33: {  	s2 =	sadd.s32 s19, s9;
	s9 =	sshll.u32 s9, $0x7;
	s16 =	sadd.s32 s13, s23  }
0x34: {  	s13 =	sshll.u32 s4, $0x7;
	s4 =	simm.s32 $0x3;
	[dreg:$0x1d] =	wrdreg s22  }
0x35: {  	s21 =	sadd.s32 s26, s15;
	s25 =	sadd.s32 s26, s24;
	[smem:$0x7EA] =	sst s3  }
0x36: {  	s20 =	sadd.s32 s26, s18;
	s22 =	sadd.s32 s19, s7;
	[smem:$0x7F0] =	sst s16  }
0x37: {  	s7 =	sadd.s32 s29, s23;
	s9 =	sadd.s32 s9, s23;
	[dreg:$0x1c] =	wrdreg s21  }
0x38: {  	s15 =	sadd.s32 s19, s6;
	s16 =	sshll.u32 s6, $0x7;
	[dreg:$0x1e] =	wrdreg s25  }
0x39: {  	[smem:$0x7E9] =	sst s20;
	s21 =	sadd.s32 s19, s5;
	s5 =	sshll.u32 s5, $0x7  }
0x3a: {  	s25 =	sshll.u32 s22, $0x4;
	s17 =	sshll.u32 s15, $0x4;
	s20 =	sshll.u32 s14, $0x7  }
0x3b: {  	s14 =	sadd.s32 s13, s23;
	s15 =	sshll.u32 s0, $0x7;
	s13 =	simm.s32 $0x7900  }
0x3c: {  	s3 =	sshll.u32 s21, $0x4;
	s24 =	sadd.s32 s5, s23;
	s5 =	sshll.u32 s2, $0x4  }
0x3d: {  	s18 =	sadd.s32 s26, s17;
	s21 =	sadd.s32 s19, s10;
	[smem:$0x7F6] =	sst s14  }
0x3e: {  	s22 =	sadd.s32 s20, s23;
	s17 =	sadd.s32 s15, s23;
	[smem:$0x7EC] =	sst s24  }
0x3f: {  	s20 =	sshll.u32 s10, $0x7;
	s10 =	simm.s32 $0x2C00;
	[smem:$0x7F1] =	sst s18  }
0x40: {  	s14 =	simm.s32 $0x5400;
	s15 =	simm.s32 $0x40;
	[smem:$0x7F2] =	sst s22  }
0x41: {  	s3 =	sadd.s32 s26, s3;
	s24 =	sshll.u32 s21, $0x4;
	[smem:$0x7F7] =	sst s17  }
0x42: {  	s18 =	sadd.s32 s16, s23;
	s21 =	sadd.s32 s20, s23;
	s22 =	sshll.u32 s8, $0x7  }
0x43: {  	s16 =	simm.s32 $0x5700;
	s17 =	simm.s32 $0x1;
	[smem:$0x7EB] =	sst s3  }
0x44: {  	s20 =	simm.s32 $0x5880;
	s3 =	sadd.s32 s26, s25;
	[smem:$0x7F8] =	sst s18  }
0x45: {  	s25 =	sadd.s32 s19, s8;
	s29 =	sadd.s32 s26, s24;
	[smem:$0x7F9] =	sst s21  }
0x46: {  	s24 =	ssub.s32 s0, s1;
	s18 =	ssub.s32 s8, s1;
	s0 =	sadd.s32 s22, s23  }
0x47: {  	v0 =	vmov s19;
	s8 =	simm.s32 $0x5;
	s19 =	simm.s32 $0x5800;
	[smem:$0x7ED] =	sst s3  }
0x48: {  	s21 =	simm.s32 $0x5780;
	s22 =	simm.s32 $0x2;
	[smem:$0x7F3] =	sst s29  }
0x49: {  	s3 =	sadd.s32 s26, s5;
	s5 =	sshll.u32 s25, $0x4;
	s29 =	sld [smem:$0x7FB]  }
0x4a: {  	s25 =	ssub.s32 s6, s1;
	[smem:$0x7EE] =	sst s3;
	s3 =	sshll.u32 s11, $0x4  }
0x4b: {  	[smem:$0x7FA] =	sst s0;
	s6 =	simm.s32 $0x5900;
	s2 =	sadd.s32 s26, s3  }
0x4c: {  	[smem:$0x7EF] =	sst s2;
	s2 =	sshll.u32 s12, $0x7;
	s12 =	sadd.s32 s26, s5  }
0x4d: {  	v1 =	vlaneseq.u32;
	s1 =	simm.s32 $0x4;
	s0 =	smax.u32 s29, $0x1;
	[smem:$0x7F5] =	sst s12  }
0x4e: {  	v2 =	vimm.f32 $0.0e+00;
	v3 =	vimm.f32 $1.000000000e+00;
	v4 =	vor.u32 $0x10, v1;
	s5 =	simm.s32 $0x0;
	s11 =	sadd.s32 s2, s23;
	[smem:$0x7FC] =	sst s0  }
0x4f: {  	v5 =	vor.u32 $0x20, v1;
	v6 =	vor.u32 $0x30, v1;
	v7 =	vor.u32 $0x40, v1;
	s12 =	simm.s32 $0x800;
	[smem:$0x7F4] =	sst s11;
	s11 =	simm.s32 $0x400  }
.LBB2_1:
0x50: {  	s0 =	sand.u32 $0x7E00, s5  }
0x51: {  	s3 =	sand.u32 $0x70, s5;
	s2 =	sshrl.u32 s0, $0x2  }
0x52: {  	s29 =	simm.s32 $0x0;
	s0 =	simm.s32 $0x40;
	s3 =	sor.u32 s3, s2  }
.LBB2_2:
0x53: {  	p0 =	sne.s32 s0, $0x7FC0  }
0x54: {  	[tilespmem:s3+$0x5900] =	vst v2;
	s29 =	sadd.s32 $0x10, s29;
	s3 =	smov.u32 s0;
	s0 =	sadd.s32 $0x40, s0  }
.Ltmp0:
0x55: {  	(pc) =	sbr.rel @p0 .LBB2_2-.Ltmp0, $4  }
0x56: {  	_ = 	snop  }
0x57: {  	s3 =	sand.u32 $0x7E00, s3  }
0x58: {  	s5 =	sand.u32 $0x70, s29;
	s3 =	sshrl.u32 s3, $0x2  }
0x59: {  	s3 =	sor.u32 s5, s3  }
0x5a: {  	[tilespmem:s3+$0x5900] =	vst v2;
	s0 =	simm.s32 $0x0  }
0x5b: {  	[spmem:s31] =	stream.linear.scatter [tilespmem:s6], [sflag:$0x5], $0x280, $0x38;
	[tilespmem:$0x1DB80] =	vst v63  }
0x5c: {  	s2 =	sand.u32 $0xFE00, s0;
	_ =	swait.ge [sflag:s8], $0x280  }
0x5d: {  	s5 =	sand.u32 $0x70, s0;
	s3 =	sshrl.u32 s2, $0x2;
	[sflag:s8] =	ssyncset.done $0x0  }
0x5e: {  	s29 =	simm.s32 $0x40;
	s3 =	sor.u32 s5, s3;
	[sflag:s8] =	ssyncadd.s32 $0xFFFFFD80  }
.LBB2_4:
0x5f: {  	p0 =	sne.s32 s29, $0x9FC0  }
0x60: {  	[tilespmem:s3+$0x2C00] =	vst v2;
	s0 =	sadd.s32 $0x10, s0;
	s3 =	smov.u32 s29;
	s29 =	sadd.s32 $0x40, s29  }
.Ltmp1:
0x61: {  	(pc) =	sbr.rel @p0 .LBB2_4-.Ltmp1, $4  }
0x62: {  	_ = 	snop  }
0x63: {  	s3 =	sand.u32 $0xFE00, s3  }
0x64: {  	s5 =	sand.u32 $0x70, s0;
	s3 =	sshrl.u32 s3, $0x2  }
0x65: {  	s3 =	sor.u32 s5, s3  }
0x66: {  	[tilespmem:s3+$0x2C00] =	vst v2;
	s0 =	simm.s32 $0x0;
	s5 =	rddreg [dreg:$0x6]  }
0x67: {  	[tilespmem:s0], [sflag:$0x5] =	stream.linear.gather [hbm4b:s5+s0], $0x2A00, $0x38;
	[tilespmem:$0x1DB80] =	vst v63  }
0x68: {  	s2 =	sand.u32 $0xFE00, s0;
	_ =	swait.ge [sflag:s8], $0x2A00  }
0x69: {  	s0 =	sand.u32 $0x30, s0;
	s3 =	sshrl.u32 s2, $0x2;
	[sflag:s8] =	ssyncset.done $0x0  }
0x6a: {  	s0 =	sor.u32 s0, s3;
	[sflag:s8] =	ssyncadd.s32 $0xFFFFD600  }
0x6b: {  	v8 =	vld [tilespmem:s0+$0x0];
	_ =	sdelay $0x4  }
0x6c: {  	v8 =	vand.u32 $0x3FFF, v8;
	_ =	sdelay $0x1  }
0x6d: {  	s5 =	simm.s32 $0x80  }
0x6e: {  	s29 =	simm.s32 $0x100;
	s3 =	sand.u32 $0xFE00, s5;
	s0 =	simm.s32 $0x10  }
.LBB2_6:
0x6f: {  	p0 =	sne.s32 s29, $0xA780;
	s5 =	sand.u32 $0x30, s0;
	s3 =	sshrl.u32 s3, $0x2  }
0x70: {  	s3 =	sor.u32 s5, s3;
	[tilespmem:v8+s10+$0x0] =	vst.idx.add.f32.msk $0xffff, v3  }
0x71: {  	v8 =	vld [tilespmem:s3+$0x0];
	_ =	sdelay $0x3  }
.Ltmp2:
0x72: {  	(pc) =	sbr.rel @p0 .LBB2_6-.Ltmp2, $2  }
0x73: {  	v8 =	vand.u32 $0x3FFF, v8;
	_ =	sdelay $0x2  }
0x74: {  	s0 =	sadd.s32 $0x10, s0;
	s3 =	sand.u32 $0xFE00, s29;
	s29 =	sadd.s32 $0x80, s29  }
0x75: {  	_ =	sdelay $0x2  }
0x76: {  	s0 =	sand.u32 $0x30, s0;
	s3 =	sshrl.u32 s3, $0x2  }
0x77: {  	[tilespmem:v8+s10+$0x0] =	vst.idx.add.f32.msk $0xffff, v3;
	s0 =	sor.u32 s0, s3  }
0x78: {  	v8 =	vld [tilespmem:s0+$0x0];
	_ =	sdelay $0x4  }
0x79: {  	v8 =	vand.u32 $0x3FFF, v8;
	_ =	sdelay $0x4  }
0x7a: {  	s2 =	smov.u32 s9;
	s9 =	rddreg [dreg:$0x1b];
	s0 =	simm.s32 $0x0;
	[tilespmem:v8+s10+$0x0] =	vst.idx.add.f32.msk $0xffff, v3  }
0x7b: {  	[tilespmem:s0], [sflag:$0x5] =	stream.linear.gather [hbm4b:s9+s0], $0x2A00, $0x38;
	[tilespmem:$0x1DB80] =	vst v63  }
0x7c: {  	s5 =	sand.u32 $0xFE00, s0;
	_ =	swait.ge [sflag:s8], $0x2A00  }
0x7d: {  	s3 =	sshrl.u32 s5, $0x2;
	s0 =	sand.u32 $0x30, s0;
	[sflag:s8] =	ssyncset.done $0x0  }
0x7e: {  	s0 =	sor.u32 s0, s3;
	[sflag:s8] =	ssyncadd.s32 $0xFFFFD600  }
0x7f: {  	v8 =	vld [tilespmem:s0+$0x0];
	_ =	sdelay $0x4  }
0x80: {  	v8 =	vand.u32 $0x3FFF, v8;
	_ =	sdelay $0x1  }
0x81: {  	s9 =	simm.s32 $0x80  }
0x82: {  	s29 =	simm.s32 $0x100;
	s3 =	sand.u32 $0xFE00, s9;
	s0 =	simm.s32 $0x10  }
.LBB2_8:
0x83: {  	p0 =	sne.s32 s29, $0xA780;
	s5 =	sand.u32 $0x30, s0;
	s3 =	sshrl.u32 s3, $0x2  }
0x84: {  	s3 =	sor.u32 s5, s3;
	[tilespmem:v8+s10+$0x0] =	vst.idx.add.f32.msk $0xffff, v3  }
0x85: {  	v8 =	vld [tilespmem:s3+$0x0];
	_ =	sdelay $0x3  }
.Ltmp3:
0x86: {  	(pc) =	sbr.rel @p0 .LBB2_8-.Ltmp3, $2  }
0x87: {  	v8 =	vand.u32 $0x3FFF, v8;
	_ =	sdelay $0x2  }
0x88: {  	s0 =	sadd.s32 $0x10, s0;
	s3 =	sand.u32 $0xFE00, s29;
	s29 =	sadd.s32 $0x80, s29  }
0x89: {  	_ =	sdelay $0x2  }
0x8a: {  	s0 =	sand.u32 $0x30, s0;
	s3 =	sshrl.u32 s3, $0x2  }
0x8b: {  	[tilespmem:v8+s10+$0x0] =	vst.idx.add.f32.msk $0xffff, v3;
	s0 =	sor.u32 s0, s3  }
0x8c: {  	v8 =	vld [tilespmem:s0+$0x0];
	_ =	sdelay $0x4  }
0x8d: {  	v8 =	vand.u32 $0x3FFF, v8;
	_ =	sdelay $0x4  }
0x8e: {  	[tilespmem:v8+s10+$0x0] =	vst.idx.add.f32.msk $0xffff, v3  }
0x8f: {  	[tilespmem:$0x5680] =	vst v1  }
0x90: {  	[tilespmem:$0x5690] =	vst v4  }
0x91: {  	[tilespmem:$0x56A0] =	vst v5  }
0x92: {  	[tilespmem:$0x56B0] =	vst v6  }
0x93: {  	[tilespmem:$0x56C0] =	vst v7  }
0x94: {  	s9 =	smov.u32 s7;
	[bflag:$0x0] =	sbarrier.arrive $0xFFFF  }
0x95: {  	s7 =	simm.s32 $0x50;
	s5 =	simm.s32 $0x5680;
	s3 =	rddreg [dreg:$0x3]  }
0x96: {  	[spmem:s3] =	stream.indirect.scatter.add.f32 [tilespmem:s10], [sflag:$0x5], $0x80, s5, s7, $0xb8;
	[tilespmem:$0x1DB80] =	vst v63  }
0x97: {  	_ =	swait.ge [sflag:s8], $0x2800  }
0x98: {  	[sflag:s8] =	ssyncset.done $0x0  }
0x99: {  	[sflag:s8] =	ssyncadd.s32 $0xFFFFD800  }
0x9a: {  	s5 =	simm.s32 $0x0;
	[bflag:$0x0] =	sbarrier.arrive $0xFFFF  }
0x9b: {  	[tilespmem:s10], [sflag:$0x5] =	stream.linear.gather [spmem:s31], $0x280, $0x38;
	[tilespmem:$0x1DB80] =	vst v63  }
0x9c: {  	s7 =	sand.u32 $0xE00, s5;
	_ =	swait.ge [sflag:s8], $0x280  }
0x9d: {  	s0 =	sand.u32 $0x70, s5;
	s3 =	sshrl.u32 s7, $0x2;
	[sflag:s8] =	ssyncset.done $0x0  }
0x9e: {  	s0 =	sor.u32 s0, s3;
	[sflag:s8] =	ssyncadd.s32 $0xFFFFFD80  }
0x9f: {  	v8 =	vld [tilespmem:s0+$0x2C00];
	_ =	sdelay $0x4  }
0xa0: {  	v9 =	vshrl.u32 v8, $0x1;
	v8 =	vmul.f32 $5.000000000e-01, v8  }
0xa1: {  	v9 =	vsub.s32 $0x5F3759DF, v9  }
0xa2: {  	v10 =	vmul.f32 v9, v8;
	_ =	sdelay $0x1  }
0xa3: {  	v10 =	vmul.f32 v9, v10;
	_ =	sdelay $0x1  }
0xa4: {  	v10 =	vsub.f32 $1.500000000e+00, v10;
	_ =	sdelay $0x1  }
0xa5: {  	v9 =	vmul.f32 v9, v10;
	_ =	sdelay $0x1  }
0xa6: {  	v10 =	vmul.f32 v9, v8;
	_ =	sdelay $0x1  }
0xa7: {  	v10 =	vmul.f32 v10, v9;
	_ =	sdelay $0x1  }
0xa8: {  	v10 =	vsub.f32 $1.500000000e+00, v10;
	_ =	sdelay $0x1  }
0xa9: {  	v9 =	vmul.f32 v10, v9;
	_ =	sdelay $0x1  }
0xaa: {  	v8 =	vmul.f32 v9, v8;
	_ =	sdelay $0x1  }
0xab: {  	v8 =	vmul.f32 v8, v9;
	_ =	sdelay $0x1  }
0xac: {  	v8 =	vsub.f32 $1.500000000e+00, v8  }
0xad: {  	s29 =	simm.s32 $0x10;
	s0 =	simm.s32 $0x40  }
0xae: {  	s5 =	simm.s32 $0x0;
	s31 =	simm.s32 $0x80;
	s3 =	sand.u32 $0xE00, s0;
	v8 =	vmul.f32 v8, v9  }
.LBB2_10:
0xaf: {  	p0 =	sne.s32 s31, $0x9C0;
	s7 =	sand.u32 $0x70, s29;
	s3 =	sshrl.u32 s3, $0x2  }
0xb0: {  	s3 =	sor.u32 s7, s3;
	[tilespmem:s5+$0x5400] =	vst v8;
	s5 =	smov.u32 s0;
	s0 =	smov.u32 s31  }
0xb1: {  	v8 =	vld [tilespmem:s3+$0x2C00];
	_ =	sdelay $0x4  }
0xb2: {  	v9 =	vshrl.u32 v8, $0x1;
	v8 =	vmul.f32 $5.000000000e-01, v8  }
0xb3: {  	v9 =	vsub.s32 $0x5F3759DF, v9  }
0xb4: {  	v10 =	vmul.f32 v9, v8;
	_ =	sdelay $0x1  }
0xb5: {  	v10 =	vmul.f32 v9, v10;
	_ =	sdelay $0x1  }
0xb6: {  	v10 =	vsub.f32 $1.500000000e+00, v10;
	_ =	sdelay $0x1  }
0xb7: {  	v9 =	vmul.f32 v9, v10;
	_ =	sdelay $0x1  }
0xb8: {  	v10 =	vmul.f32 v9, v8;
	_ =	sdelay $0x1  }
0xb9: {  	v10 =	vmul.f32 v10, v9;
	_ =	sdelay $0x1  }
0xba: {  	v10 =	vsub.f32 $1.500000000e+00, v10;
	_ =	sdelay $0x1  }
0xbb: {  	v9 =	vmul.f32 v10, v9;
	_ =	sdelay $0x1  }
0xbc: {  	v8 =	vmul.f32 v9, v8;
	_ =	sdelay $0x1  }
.Ltmp4:
0xbd: {  	v8 =	vmul.f32 v8, v9;
	(pc) =	sbr.rel @p0 .LBB2_10-.Ltmp4, $4  }
0xbe: {  	_ = 	snop  }
0xbf: {  	v8 =	vsub.f32 $1.500000000e+00, v8  }
0xc0: {  	s29 =	sadd.s32 $0x10, s29  }
0xc1: {  	s31 =	sadd.s32 $0x40, s31;
	s3 =	sand.u32 $0xE00, s0;
	s5 =	sshra.s32 s5, $0x2;
	v8 =	vmul.f32 v8, v9  }
0xc2: {  	s7 =	sand.u32 $0x70, s29;
	s3 =	sshrl.u32 s3, $0x2  }
0xc3: {  	s3 =	sor.u32 s7, s3;
	[tilespmem:s5+$0x5400] =	vst v8  }
0xc4: {  	v8 =	vld [tilespmem:s3+$0x2C00];
	_ =	sdelay $0x4  }
0xc5: {  	v9 =	vshrl.u32 v8, $0x1;
	v8 =	vmul.f32 $5.000000000e-01, v8  }
0xc6: {  	v9 =	vsub.s32 $0x5F3759DF, v9  }
0xc7: {  	v10 =	vmul.f32 v9, v8;
	_ =	sdelay $0x1  }
0xc8: {  	v10 =	vmul.f32 v9, v10;
	_ =	sdelay $0x1  }
0xc9: {  	v10 =	vsub.f32 $1.500000000e+00, v10;
	_ =	sdelay $0x1  }
0xca: {  	v9 =	vmul.f32 v9, v10;
	_ =	sdelay $0x1  }
0xcb: {  	v10 =	vmul.f32 v9, v8;
	_ =	sdelay $0x1  }
0xcc: {  	v10 =	vmul.f32 v10, v9;
	_ =	sdelay $0x1  }
0xcd: {  	v10 =	vsub.f32 $1.500000000e+00, v10;
	_ =	sdelay $0x1  }
0xce: {  	v9 =	vmul.f32 v10, v9;
	_ =	sdelay $0x1  }
0xcf: {  	v8 =	vmul.f32 v9, v8;
	_ =	sdelay $0x1  }
0xd0: {  	v8 =	vmul.f32 v8, v9;
	_ =	sdelay $0x1  }
0xd1: {  	v8 =	vsub.f32 $1.500000000e+00, v8;
	_ =	sdelay $0x1  }
0xd2: {  	v8 =	vmul.f32 v8, v9  }
0xd3: {  	s0 =	sshra.s32 s0, $0x2  }
0xd4: {  	s5 =	rddreg [dreg:$0x7];
	[tilespmem:s0+$0x5400] =	vst v8  }
0xd5: {  	[tilespmem:s13], [sflag:$0x5] =	stream.strided.gather [hbm4b:s5+s11], $0x2000, s12, s11, $0x38;
	[tilespmem:$0x1DB80] =	vst v63  }
0xd6: {  	s7 =	simm.s32 $0x0;
	_ =	swait.ge [sflag:s8], $0x2000  }
0xd7: {  	v8 =	vmov s7;
	[sflag:s8] =	ssyncset.done $0x0  }
0xd8: {  	s0 =	simm.s32 $0x7940;
	[sflag:s8] =	ssyncadd.s32 $0xFFFFE000  }
0xd9: {  	v12 =	vld [tilespmem:s0+$0x30]  }
0xda: {  	v15 =	vld [tilespmem:s0+$0x10]  }
0xdb: {  	v13 =	vld [tilespmem:s0+$0xFFFFFFC0]  }
0xdc: {  	v9 =	vld.idx.msk [tilespmem:v8+s14+$0x0], $0xffff  }
0xdd: {  	v17 =	vld [tilespmem:s0+$0xFFFFFFE0]  }
0xde: {  	v8 =	vld [tilespmem:s0+$0xFFFFFFF0]  }
0xdf: {  	v10 =	vld [tilespmem:s0+$0x20]  }
0xe0: {  	v11 =	vld [tilespmem:s0+$0xFFFFFFD0]  }
0xe1: {  	v16 =	vmul.f32 v12, v9;
	v12 =	vld [tilespmem:s0+$0x0]  }
0xe2: {  	v14 =	vmul.f32 v13, v9  }
0xe3: {  	s29 =	simm.s32 $0x1;
	s31 =	simm.s32 $0x7940;
	v13 =	vmul.f32 v17, v9;
	v15 =	vmul.f32 v15, v9  }
.LBB2_12:
0xe4: {  	p0 =	sne.s32 s29, $0x3F  }
0xe5: {  	v11 =	vmul.f32 v11, v9;
	v10 =	vmul.f32 v10, v9;
	[tilespmem:s0+$0x30] =	vst v16;
	s31 =	sadd.s32 $0x80, s31;
	s3 =	smov.u32 s29;
	s29 =	sadd.s32 $0x1, s29  }
0xe6: {  	[tilespmem:s0+$0xFFFFFFC0] =	vst v14;
	v14 =	vmul.f32 v8, v9;
	v9 =	vmul.f32 v12, v9  }
0xe7: {  	[tilespmem:s0+$0x10] =	vst v15  }
0xe8: {  	v12 =	vmov s3;
	[tilespmem:s0+$0xFFFFFFE0] =	vst v13  }
0xe9: {  	v8 =	vld [tilespmem:s31+$0xFFFFFFF0];
	[tilespmem:s0+$0xFFFFFFF0] =	vst v14  }
0xea: {  	v13 =	vld [tilespmem:s31+$0x30];
	[tilespmem:s0+$0x0] =	vst v9  }
0xeb: {  	v15 =	vld [tilespmem:s31+$0x10];
	[tilespmem:s0+$0x20] =	vst v10  }
0xec: {  	v14 =	vld [tilespmem:s31+$0xFFFFFFC0];
	[tilespmem:s0+$0xFFFFFFD0] =	vst v11;
	s0 =	smov.u32 s31  }
0xed: {  	v9 =	vld.idx.msk [tilespmem:v12+s14+$0x0], $0xffff  }
0xee: {  	v17 =	vld [tilespmem:s31+$0xFFFFFFE0]  }
0xef: {  	v10 =	vld [tilespmem:s31+$0x20]  }
.Ltmp5:
0xf0: {  	v11 =	vld [tilespmem:s31+$0xFFFFFFD0];
	(pc) =	sbr.rel @p0 .LBB2_12-.Ltmp5, $3  }
0xf1: {  	v12 =	vld [tilespmem:s31+$0x0];
	_ =	sdelay $0x1  }
0xf2: {  	v14 =	vmul.f32 v14, v9;
	v16 =	vmul.f32 v13, v9  }
0xf3: {  	v15 =	vmul.f32 v15, v9;
	v13 =	vmul.f32 v17, v9  }
0xf4: {  	[tilespmem:s0+$0x30] =	vst v16  }
0xf5: {  	[tilespmem:s0+$0xFFFFFFC0] =	vst v14  }
0xf6: {  	v8 =	vmul.f32 v8, v9;
	[tilespmem:s0+$0x10] =	vst v15  }
0xf7: {  	v10 =	vmul.f32 v10, v9;
	[tilespmem:s0+$0xFFFFFFE0] =	vst v13  }
0xf8: {  	v12 =	vmul.f32 v12, v9;
	[tilespmem:s0+$0xFFFFFFF0] =	vst v8  }
0xf9: {  	v8 =	vmul.f32 v11, v9;
	[tilespmem:s0+$0x20] =	vst v10  }
0xfa: {  	[tilespmem:s0+$0x0] =	vst v12  }
0xfb: {  	s3 =	rddreg [dreg:$0x1c];
	s5 =	simm.s32 $0x0;
	[tilespmem:s0+$0xFFFFFFD0] =	vst v8  }
0xfc: {  	[hbm4b:s3+s5] =	stream.linear.scatter [tilespmem:s13], [sflag:$0x5], $0x2000, $0x38;
	[tilespmem:$0x1DB80] =	vst v63  }
0xfd: {  	_ =	swait.ge [sflag:s8], $0x2000  }
0xfe: {  	[sflag:s8] =	ssyncset.done $0x0  }
0xff: {  	s7 =	rddreg [dreg:$0x1d];
	[sflag:s8] =	ssyncadd.s32 $0xFFFFE000  }
0x100: {  	[spmem:s7] =	stream.linear.scatter [tilespmem:s6], [sflag:$0x5], $0x2000, $0x38;
	[tilespmem:$0x1DB80] =	vst v63  }
0x101: {  	_ =	swait.ge [sflag:s8], $0x2000  }
0x102: {  	[sflag:s8] =	ssyncset.done $0x0  }
0x103: {  	s3 =	rddreg [dreg:$0x8];
	[sflag:s8] =	ssyncadd.s32 $0xFFFFE000  }
0x104: {  	[tilespmem:s13], [sflag:$0x5] =	stream.strided.gather [hbm4b:s3+s11], $0x2000, s12, s11, $0x38;
	[tilespmem:$0x1DB80] =	vst v63  }
0x105: {  	s7 =	simm.s32 $0x40;
	_ =	swait.ge [sflag:s8], $0x2000  }
0x106: {  	v8 =	vmov s7;
	[sflag:s8] =	ssyncset.done $0x0  }
0x107: {  	s0 =	simm.s32 $0x7940;
	[sflag:s8] =	ssyncadd.s32 $0xFFFFE000  }
0x108: {  	v12 =	vld [tilespmem:s0+$0x30]  }
0x109: {  	v15 =	vld [tilespmem:s0+$0x10]  }
0x10a: {  	v13 =	vld [tilespmem:s0+$0xFFFFFFC0]  }
0x10b: {  	v9 =	vld.idx.msk [tilespmem:v8+s14+$0x0], $0xffff  }
0x10c: {  	v17 =	vld [tilespmem:s0+$0xFFFFFFE0]  }
0x10d: {  	v8 =	vld [tilespmem:s0+$0xFFFFFFF0]  }
0x10e: {  	v10 =	vld [tilespmem:s0+$0x20]  }
0x10f: {  	v11 =	vld [tilespmem:s0+$0xFFFFFFD0]  }
0x110: {  	v16 =	vmul.f32 v12, v9;
	v12 =	vld [tilespmem:s0+$0x0]  }
0x111: {  	v14 =	vmul.f32 v13, v9  }
0x112: {  	s29 =	simm.s32 $0x41;
	s31 =	simm.s32 $0x7940;
	s7 =	smov.u32 s9;
	v13 =	vmul.f32 v17, v9;
	v15 =	vmul.f32 v15, v9  }
.LBB2_14:
0x113: {  	p0 =	sne.s32 s29, $0x7F  }
0x114: {  	v11 =	vmul.f32 v11, v9;
	v10 =	vmul.f32 v10, v9;
	[tilespmem:s0+$0x30] =	vst v16;
	s31 =	sadd.s32 $0x80, s31;
	s3 =	smov.u32 s29;
	s29 =	sadd.s32 $0x1, s29  }
0x115: {  	[tilespmem:s0+$0xFFFFFFC0] =	vst v14;
	v14 =	vmul.f32 v8, v9;
	v9 =	vmul.f32 v12, v9  }
0x116: {  	[tilespmem:s0+$0x10] =	vst v15  }
0x117: {  	v12 =	vmov s3;
	[tilespmem:s0+$0xFFFFFFE0] =	vst v13  }
0x118: {  	v8 =	vld [tilespmem:s31+$0xFFFFFFF0];
	[tilespmem:s0+$0xFFFFFFF0] =	vst v14  }
0x119: {  	v13 =	vld [tilespmem:s31+$0x30];
	[tilespmem:s0+$0x0] =	vst v9  }
0x11a: {  	v15 =	vld [tilespmem:s31+$0x10];
	[tilespmem:s0+$0x20] =	vst v10  }
0x11b: {  	v14 =	vld [tilespmem:s31+$0xFFFFFFC0];
	[tilespmem:s0+$0xFFFFFFD0] =	vst v11;
	s0 =	smov.u32 s31  }
0x11c: {  	v9 =	vld.idx.msk [tilespmem:v12+s14+$0x0], $0xffff  }
0x11d: {  	v17 =	vld [tilespmem:s31+$0xFFFFFFE0]  }
0x11e: {  	v10 =	vld [tilespmem:s31+$0x20]  }
.Ltmp6:
0x11f: {  	v11 =	vld [tilespmem:s31+$0xFFFFFFD0];
	(pc) =	sbr.rel @p0 .LBB2_14-.Ltmp6, $3  }
0x120: {  	v12 =	vld [tilespmem:s31+$0x0];
	_ =	sdelay $0x1  }
0x121: {  	v14 =	vmul.f32 v14, v9;
	v16 =	vmul.f32 v13, v9  }
0x122: {  	v15 =	vmul.f32 v15, v9;
	v13 =	vmul.f32 v17, v9  }
0x123: {  	[tilespmem:s0+$0x30] =	vst v16  }
0x124: {  	[tilespmem:s0+$0xFFFFFFC0] =	vst v14  }
0x125: {  	v8 =	vmul.f32 v8, v9;
	[tilespmem:s0+$0x10] =	vst v15  }
0x126: {  	v10 =	vmul.f32 v10, v9;
	[tilespmem:s0+$0xFFFFFFE0] =	vst v13  }
0x127: {  	v12 =	vmul.f32 v12, v9;
	[tilespmem:s0+$0xFFFFFFF0] =	vst v8  }
0x128: {  	v8 =	vmul.f32 v11, v9;
	[tilespmem:s0+$0x20] =	vst v10  }
0x129: {  	[tilespmem:s0+$0x0] =	vst v12  }
0x12a: {  	s3 =	rddreg [dreg:$0x1e];
	[tilespmem:s0+$0xFFFFFFD0] =	vst v8  }
0x12b: {  	[hbm4b:s3+s5] =	stream.linear.scatter [tilespmem:s13], [sflag:$0x5], $0x2000, $0x38;
	[tilespmem:$0x1DB80] =	vst v63  }
0x12c: {  	_ =	swait.ge [sflag:s8], $0x2000  }
0x12d: {  	[sflag:s8] =	ssyncset.done $0x0  }
0x12e: {  	s9 =	rddreg [dreg:$0x1f];
	[sflag:s8] =	ssyncadd.s32 $0xFFFFE000  }
0x12f: {  	[spmem:s9] =	stream.linear.scatter [tilespmem:s6], [sflag:$0x5], $0x2000, $0x38;
	[tilespmem:$0x1DB80] =	vst v63  }
0x130: {  	_ =	swait.ge [sflag:s8], $0x2000  }
0x131: {  	[sflag:s8] =	ssyncset.done $0x0  }
0x132: {  	s3 =	rddreg [dreg:$0x9];
	[sflag:s8] =	ssyncadd.s32 $0xFFFFE000  }
0x133: {  	[tilespmem:s13], [sflag:$0x5] =	stream.strided.gather [hbm4b:s3+s11], $0x2000, s12, s11, $0x38;
	[tilespmem:$0x1DB80] =	vst v63  }
0x134: {  	s9 =	simm.s32 $0x80;
	_ =	swait.ge [sflag:s8], $0x2000  }
0x135: {  	v8 =	vmov s9;
	[sflag:s8] =	ssyncset.done $0x0  }
0x136: {  	s0 =	simm.s32 $0x7940;
	[sflag:s8] =	ssyncadd.s32 $0xFFFFE000  }
0x137: {  	v12 =	vld [tilespmem:s0+$0x30]  }
0x138: {  	v15 =	vld [tilespmem:s0+$0x10]  }
0x139: {  	v13 =	vld [tilespmem:s0+$0xFFFFFFC0]  }
0x13a: {  	v9 =	vld.idx.msk [tilespmem:v8+s14+$0x0], $0xffff  }
0x13b: {  	v17 =	vld [tilespmem:s0+$0xFFFFFFE0]  }
0x13c: {  	v8 =	vld [tilespmem:s0+$0xFFFFFFF0]  }
0x13d: {  	v10 =	vld [tilespmem:s0+$0x20]  }
0x13e: {  	v11 =	vld [tilespmem:s0+$0xFFFFFFD0]  }
0x13f: {  	v16 =	vmul.f32 v12, v9;
	v12 =	vld [tilespmem:s0+$0x0]  }
0x140: {  	v14 =	vmul.f32 v13, v9  }
0x141: {  	s29 =	simm.s32 $0x81;
	s31 =	simm.s32 $0x7940;
	s9 =	smov.u32 s2;
	v13 =	vmul.f32 v17, v9;
	v15 =	vmul.f32 v15, v9  }
.LBB2_16:
0x142: {  	p0 =	sne.s32 s29, $0xBF  }
0x143: {  	v11 =	vmul.f32 v11, v9;
	v10 =	vmul.f32 v10, v9;
	[tilespmem:s0+$0x30] =	vst v16;
	s31 =	sadd.s32 $0x80, s31;
	s3 =	smov.u32 s29;
	s29 =	sadd.s32 $0x1, s29  }
0x144: {  	[tilespmem:s0+$0xFFFFFFC0] =	vst v14;
	v14 =	vmul.f32 v8, v9;
	v9 =	vmul.f32 v12, v9  }
0x145: {  	[tilespmem:s0+$0x10] =	vst v15  }
0x146: {  	v12 =	vmov s3;
	[tilespmem:s0+$0xFFFFFFE0] =	vst v13  }
0x147: {  	v8 =	vld [tilespmem:s31+$0xFFFFFFF0];
	[tilespmem:s0+$0xFFFFFFF0] =	vst v14  }
0x148: {  	v13 =	vld [tilespmem:s31+$0x30];
	[tilespmem:s0+$0x0] =	vst v9  }
0x149: {  	v15 =	vld [tilespmem:s31+$0x10];
	[tilespmem:s0+$0x20] =	vst v10  }
0x14a: {  	v14 =	vld [tilespmem:s31+$0xFFFFFFC0];
	[tilespmem:s0+$0xFFFFFFD0] =	vst v11;
	s0 =	smov.u32 s31  }
0x14b: {  	v9 =	vld.idx.msk [tilespmem:v12+s14+$0x0], $0xffff  }
0x14c: {  	v17 =	vld [tilespmem:s31+$0xFFFFFFE0]  }
0x14d: {  	v10 =	vld [tilespmem:s31+$0x20]  }
.Ltmp7:
0x14e: {  	v11 =	vld [tilespmem:s31+$0xFFFFFFD0];
	(pc) =	sbr.rel @p0 .LBB2_16-.Ltmp7, $3  }
0x14f: {  	v12 =	vld [tilespmem:s31+$0x0];
	_ =	sdelay $0x1  }
0x150: {  	v14 =	vmul.f32 v14, v9;
	v16 =	vmul.f32 v13, v9  }
0x151: {  	v15 =	vmul.f32 v15, v9;
	v13 =	vmul.f32 v17, v9  }
0x152: {  	[tilespmem:s0+$0x30] =	vst v16  }
0x153: {  	[tilespmem:s0+$0xFFFFFFC0] =	vst v14  }
0x154: {  	v8 =	vmul.f32 v8, v9;
	[tilespmem:s0+$0x10] =	vst v15  }
0x155: {  	v10 =	vmul.f32 v10, v9;
	[tilespmem:s0+$0xFFFFFFE0] =	vst v13  }
0x156: {  	v12 =	vmul.f32 v12, v9;
	[tilespmem:s0+$0xFFFFFFF0] =	vst v8  }
0x157: {  	s2 =	sld [smem:$0x7E9];
	v8 =	vmul.f32 v11, v9;
	[tilespmem:s0+$0x20] =	vst v10  }
0x158: {  	[tilespmem:s0+$0x0] =	vst v12  }
0x159: {  	[tilespmem:s0+$0xFFFFFFD0] =	vst v8  }
0x15a: {  	[hbm4b:s2+s5] =	stream.linear.scatter [tilespmem:s13], [sflag:$0x5], $0x2000, $0x38;
	[tilespmem:$0x1DB80] =	vst v63  }
0x15b: {  	_ =	swait.ge [sflag:s8], $0x2000  }
0x15c: {  	s3 =	sld [smem:$0x7EA]  }
0x15d: {  	[sflag:s8] =	ssyncset.done $0x0  }
0x15e: {  	[sflag:s8] =	ssyncadd.s32 $0xFFFFE000  }
0x15f: {  	[spmem:s3] =	stream.linear.scatter [tilespmem:s6], [sflag:$0x5], $0x2000, $0x38;
	[tilespmem:$0x1DB80] =	vst v63  }
0x160: {  	_ =	swait.ge [sflag:s8], $0x2000  }
0x161: {  	[sflag:s8] =	ssyncset.done $0x0  }
0x162: {  	s2 =	rddreg [dreg:$0xa];
	[sflag:s8] =	ssyncadd.s32 $0xFFFFE000  }
0x163: {  	[tilespmem:s13], [sflag:$0x5] =	stream.strided.gather [hbm4b:s2+s11], $0x2000, s12, s11, $0x38;
	[tilespmem:$0x1DB80] =	vst v63  }
0x164: {  	s3 =	simm.s32 $0xC0;
	_ =	swait.ge [sflag:s8], $0x2000  }
0x165: {  	v8 =	vmov s3;
	[sflag:s8] =	ssyncset.done $0x0  }
0x166: {  	s0 =	simm.s32 $0x7940;
	[sflag:s8] =	ssyncadd.s32 $0xFFFFE000  }
0x167: {  	v12 =	vld [tilespmem:s0+$0x30]  }
0x168: {  	v15 =	vld [tilespmem:s0+$0x10]  }
0x169: {  	v13 =	vld [tilespmem:s0+$0xFFFFFFC0]  }
0x16a: {  	v9 =	vld.idx.msk [tilespmem:v8+s14+$0x0], $0xffff  }
0x16b: {  	v17 =	vld [tilespmem:s0+$0xFFFFFFE0]  }
0x16c: {  	v8 =	vld [tilespmem:s0+$0xFFFFFFF0]  }
0x16d: {  	v10 =	vld [tilespmem:s0+$0x20]  }
0x16e: {  	v11 =	vld [tilespmem:s0+$0xFFFFFFD0]  }
0x16f: {  	v16 =	vmul.f32 v12, v9;
	v12 =	vld [tilespmem:s0+$0x0]  }
0x170: {  	v14 =	vmul.f32 v13, v9  }
0x171: {  	s29 =	simm.s32 $0xC1;
	s31 =	simm.s32 $0x7940;
	v13 =	vmul.f32 v17, v9;
	v15 =	vmul.f32 v15, v9  }
.LBB2_18:
0x172: {  	p0 =	sne.s32 s29, $0xFF  }
0x173: {  	v11 =	vmul.f32 v11, v9;
	v10 =	vmul.f32 v10, v9;
	[tilespmem:s0+$0x30] =	vst v16;
	s31 =	sadd.s32 $0x80, s31;
	s3 =	smov.u32 s29;
	s29 =	sadd.s32 $0x1, s29  }
0x174: {  	[tilespmem:s0+$0xFFFFFFC0] =	vst v14;
	v14 =	vmul.f32 v8, v9;
	v9 =	vmul.f32 v12, v9  }
0x175: {  	[tilespmem:s0+$0x10] =	vst v15  }
0x176: {  	v12 =	vmov s3;
	[tilespmem:s0+$0xFFFFFFE0] =	vst v13  }
0x177: {  	v8 =	vld [tilespmem:s31+$0xFFFFFFF0];
	[tilespmem:s0+$0xFFFFFFF0] =	vst v14  }
0x178: {  	v13 =	vld [tilespmem:s31+$0x30];
	[tilespmem:s0+$0x0] =	vst v9  }
0x179: {  	v15 =	vld [tilespmem:s31+$0x10];
	[tilespmem:s0+$0x20] =	vst v10  }
0x17a: {  	v14 =	vld [tilespmem:s31+$0xFFFFFFC0];
	[tilespmem:s0+$0xFFFFFFD0] =	vst v11;
	s0 =	smov.u32 s31  }
0x17b: {  	v9 =	vld.idx.msk [tilespmem:v12+s14+$0x0], $0xffff  }
0x17c: {  	v17 =	vld [tilespmem:s31+$0xFFFFFFE0]  }
0x17d: {  	v10 =	vld [tilespmem:s31+$0x20]  }
.Ltmp8:
0x17e: {  	v11 =	vld [tilespmem:s31+$0xFFFFFFD0];
	(pc) =	sbr.rel @p0 .LBB2_18-.Ltmp8, $3  }
0x17f: {  	v12 =	vld [tilespmem:s31+$0x0];
	_ =	sdelay $0x1  }
0x180: {  	v14 =	vmul.f32 v14, v9;
	v16 =	vmul.f32 v13, v9  }
0x181: {  	v15 =	vmul.f32 v15, v9;
	v13 =	vmul.f32 v17, v9  }
0x182: {  	[tilespmem:s0+$0x30] =	vst v16  }
0x183: {  	[tilespmem:s0+$0xFFFFFFC0] =	vst v14  }
0x184: {  	v8 =	vmul.f32 v8, v9;
	[tilespmem:s0+$0x10] =	vst v15  }
0x185: {  	v10 =	vmul.f32 v10, v9;
	[tilespmem:s0+$0xFFFFFFE0] =	vst v13  }
0x186: {  	v12 =	vmul.f32 v12, v9;
	[tilespmem:s0+$0xFFFFFFF0] =	vst v8  }
0x187: {  	s2 =	sld [smem:$0x7EB];
	v8 =	vmul.f32 v11, v9;
	[tilespmem:s0+$0x20] =	vst v10  }
0x188: {  	[tilespmem:s0+$0x0] =	vst v12  }
0x189: {  	[tilespmem:s0+$0xFFFFFFD0] =	vst v8  }
0x18a: {  	[hbm4b:s2+s5] =	stream.linear.scatter [tilespmem:s13], [sflag:$0x5], $0x2000, $0x38;
	[tilespmem:$0x1DB80] =	vst v63  }
0x18b: {  	_ =	swait.ge [sflag:s8], $0x2000  }
0x18c: {  	s3 =	sld [smem:$0x7EC]  }
0x18d: {  	[sflag:s8] =	ssyncset.done $0x0  }
0x18e: {  	[sflag:s8] =	ssyncadd.s32 $0xFFFFE000  }
0x18f: {  	[spmem:s3] =	stream.linear.scatter [tilespmem:s6], [sflag:$0x5], $0x2000, $0x38;
	[tilespmem:$0x1DB80] =	vst v63  }
0x190: {  	_ =	swait.ge [sflag:s8], $0x2000  }
0x191: {  	[sflag:s8] =	ssyncset.done $0x0  }
0x192: {  	s2 =	rddreg [dreg:$0xb];
	[sflag:s8] =	ssyncadd.s32 $0xFFFFE000  }
0x193: {  	[tilespmem:s13], [sflag:$0x5] =	stream.strided.gather [hbm4b:s2+s11], $0x2000, s12, s11, $0x38;
	[tilespmem:$0x1DB80] =	vst v63  }
0x194: {  	s3 =	simm.s32 $0x100;
	_ =	swait.ge [sflag:s8], $0x2000  }
0x195: {  	v8 =	vmov s3;
	[sflag:s8] =	ssyncset.done $0x0  }
0x196: {  	s0 =	simm.s32 $0x7940;
	[sflag:s8] =	ssyncadd.s32 $0xFFFFE000  }
0x197: {  	v12 =	vld [tilespmem:s0+$0x30]  }
0x198: {  	v15 =	vld [tilespmem:s0+$0x10]  }
0x199: {  	v13 =	vld [tilespmem:s0+$0xFFFFFFC0]  }
0x19a: {  	v9 =	vld.idx.msk [tilespmem:v8+s14+$0x0], $0xffff  }
0x19b: {  	v17 =	vld [tilespmem:s0+$0xFFFFFFE0]  }
0x19c: {  	v8 =	vld [tilespmem:s0+$0xFFFFFFF0]  }
0x19d: {  	v10 =	vld [tilespmem:s0+$0x20]  }
0x19e: {  	v11 =	vld [tilespmem:s0+$0xFFFFFFD0]  }
0x19f: {  	v16 =	vmul.f32 v12, v9;
	v12 =	vld [tilespmem:s0+$0x0]  }
0x1a0: {  	v14 =	vmul.f32 v13, v9  }
0x1a1: {  	s29 =	simm.s32 $0x101;
	s31 =	simm.s32 $0x7940;
	v13 =	vmul.f32 v17, v9;
	v15 =	vmul.f32 v15, v9  }
.LBB2_20:
0x1a2: {  	p0 =	sne.s32 s29, $0x13F  }
0x1a3: {  	v11 =	vmul.f32 v11, v9;
	v10 =	vmul.f32 v10, v9;
	[tilespmem:s0+$0x30] =	vst v16;
	s31 =	sadd.s32 $0x80, s31;
	s3 =	smov.u32 s29;
	s29 =	sadd.s32 $0x1, s29  }
0x1a4: {  	[tilespmem:s0+$0xFFFFFFC0] =	vst v14;
	v14 =	vmul.f32 v8, v9;
	v9 =	vmul.f32 v12, v9  }
0x1a5: {  	[tilespmem:s0+$0x10] =	vst v15  }
0x1a6: {  	v12 =	vmov s3;
	[tilespmem:s0+$0xFFFFFFE0] =	vst v13  }
0x1a7: {  	v8 =	vld [tilespmem:s31+$0xFFFFFFF0];
	[tilespmem:s0+$0xFFFFFFF0] =	vst v14  }
0x1a8: {  	v13 =	vld [tilespmem:s31+$0x30];
	[tilespmem:s0+$0x0] =	vst v9  }
0x1a9: {  	v15 =	vld [tilespmem:s31+$0x10];
	[tilespmem:s0+$0x20] =	vst v10  }
0x1aa: {  	v14 =	vld [tilespmem:s31+$0xFFFFFFC0];
	[tilespmem:s0+$0xFFFFFFD0] =	vst v11;
	s0 =	smov.u32 s31  }
0x1ab: {  	v9 =	vld.idx.msk [tilespmem:v12+s14+$0x0], $0xffff  }
0x1ac: {  	v17 =	vld [tilespmem:s31+$0xFFFFFFE0]  }
0x1ad: {  	v10 =	vld [tilespmem:s31+$0x20]  }
.Ltmp9:
0x1ae: {  	v11 =	vld [tilespmem:s31+$0xFFFFFFD0];
	(pc) =	sbr.rel @p0 .LBB2_20-.Ltmp9, $3  }
0x1af: {  	v12 =	vld [tilespmem:s31+$0x0];
	_ =	sdelay $0x1  }
0x1b0: {  	v14 =	vmul.f32 v14, v9;
	v16 =	vmul.f32 v13, v9  }
0x1b1: {  	v15 =	vmul.f32 v15, v9;
	v13 =	vmul.f32 v17, v9  }
0x1b2: {  	[tilespmem:s0+$0x30] =	vst v16  }
0x1b3: {  	[tilespmem:s0+$0xFFFFFFC0] =	vst v14  }
0x1b4: {  	v8 =	vmul.f32 v8, v9;
	[tilespmem:s0+$0x10] =	vst v15  }
0x1b5: {  	v10 =	vmul.f32 v10, v9;
	[tilespmem:s0+$0xFFFFFFE0] =	vst v13  }
0x1b6: {  	v12 =	vmul.f32 v12, v9;
	[tilespmem:s0+$0xFFFFFFF0] =	vst v8  }
0x1b7: {  	s3 =	sld [smem:$0x7ED];
	v8 =	vmul.f32 v11, v9;
	[tilespmem:s0+$0x20] =	vst v10  }
0x1b8: {  	[tilespmem:s0+$0x0] =	vst v12  }
0x1b9: {  	[tilespmem:s0+$0xFFFFFFD0] =	vst v8  }
0x1ba: {  	[hbm4b:s3+s5] =	stream.linear.scatter [tilespmem:s13], [sflag:$0x5], $0x2000, $0x38;
	[tilespmem:$0x1DB80] =	vst v63  }
0x1bb: {  	_ =	swait.ge [sflag:s8], $0x2000  }
0x1bc: {  	[sflag:s8] =	ssyncset.done $0x0  }
0x1bd: {  	[sflag:s8] =	ssyncadd.s32 $0xFFFFE000  }
0x1be: {  	[spmem:s7] =	stream.linear.scatter [tilespmem:s6], [sflag:$0x5], $0x2000, $0x38;
	[tilespmem:$0x1DB80] =	vst v63  }
0x1bf: {  	_ =	swait.ge [sflag:s8], $0x2000  }
0x1c0: {  	[sflag:s8] =	ssyncset.done $0x0  }
0x1c1: {  	s2 =	rddreg [dreg:$0xc];
	[sflag:s8] =	ssyncadd.s32 $0xFFFFE000  }
0x1c2: {  	[tilespmem:s13], [sflag:$0x5] =	stream.strided.gather [hbm4b:s2+s11], $0x2000, s12, s11, $0x38;
	[tilespmem:$0x1DB80] =	vst v63  }
0x1c3: {  	s3 =	simm.s32 $0x140;
	_ =	swait.ge [sflag:s8], $0x2000  }
0x1c4: {  	v8 =	vmov s3;
	[sflag:s8] =	ssyncset.done $0x0  }
0x1c5: {  	s0 =	simm.s32 $0x7940;
	[sflag:s8] =	ssyncadd.s32 $0xFFFFE000  }
0x1c6: {  	v12 =	vld [tilespmem:s0+$0x30]  }
0x1c7: {  	v15 =	vld [tilespmem:s0+$0x10]  }
0x1c8: {  	v13 =	vld [tilespmem:s0+$0xFFFFFFC0]  }
0x1c9: {  	v9 =	vld.idx.msk [tilespmem:v8+s14+$0x0], $0xffff  }
0x1ca: {  	v17 =	vld [tilespmem:s0+$0xFFFFFFE0]  }
0x1cb: {  	v8 =	vld [tilespmem:s0+$0xFFFFFFF0]  }
0x1cc: {  	v10 =	vld [tilespmem:s0+$0x20]  }
0x1cd: {  	v11 =	vld [tilespmem:s0+$0xFFFFFFD0]  }
0x1ce: {  	v16 =	vmul.f32 v12, v9;
	v12 =	vld [tilespmem:s0+$0x0]  }
0x1cf: {  	v14 =	vmul.f32 v13, v9  }
0x1d0: {  	s29 =	simm.s32 $0x141;
	s31 =	simm.s32 $0x7940;
	v13 =	vmul.f32 v17, v9;
	v15 =	vmul.f32 v15, v9  }
.LBB2_22:
0x1d1: {  	p0 =	sne.s32 s29, $0x17F  }
0x1d2: {  	v11 =	vmul.f32 v11, v9;
	v10 =	vmul.f32 v10, v9;
	[tilespmem:s0+$0x30] =	vst v16;
	s31 =	sadd.s32 $0x80, s31;
	s3 =	smov.u32 s29;
	s29 =	sadd.s32 $0x1, s29  }
0x1d3: {  	[tilespmem:s0+$0xFFFFFFC0] =	vst v14;
	v14 =	vmul.f32 v8, v9;
	v9 =	vmul.f32 v12, v9  }
0x1d4: {  	[tilespmem:s0+$0x10] =	vst v15  }
0x1d5: {  	v12 =	vmov s3;
	[tilespmem:s0+$0xFFFFFFE0] =	vst v13  }
0x1d6: {  	v8 =	vld [tilespmem:s31+$0xFFFFFFF0];
	[tilespmem:s0+$0xFFFFFFF0] =	vst v14  }
0x1d7: {  	v13 =	vld [tilespmem:s31+$0x30];
	[tilespmem:s0+$0x0] =	vst v9  }
0x1d8: {  	v15 =	vld [tilespmem:s31+$0x10];
	[tilespmem:s0+$0x20] =	vst v10  }
0x1d9: {  	v14 =	vld [tilespmem:s31+$0xFFFFFFC0];
	[tilespmem:s0+$0xFFFFFFD0] =	vst v11;
	s0 =	smov.u32 s31  }
0x1da: {  	v9 =	vld.idx.msk [tilespmem:v12+s14+$0x0], $0xffff  }
0x1db: {  	v17 =	vld [tilespmem:s31+$0xFFFFFFE0]  }
0x1dc: {  	v10 =	vld [tilespmem:s31+$0x20]  }
.Ltmp10:
0x1dd: {  	v11 =	vld [tilespmem:s31+$0xFFFFFFD0];
	(pc) =	sbr.rel @p0 .LBB2_22-.Ltmp10, $3  }
0x1de: {  	v12 =	vld [tilespmem:s31+$0x0];
	_ =	sdelay $0x1  }
0x1df: {  	v14 =	vmul.f32 v14, v9;
	v16 =	vmul.f32 v13, v9  }
0x1e0: {  	v15 =	vmul.f32 v15, v9;
	v13 =	vmul.f32 v17, v9  }
0x1e1: {  	[tilespmem:s0+$0x30] =	vst v16  }
0x1e2: {  	[tilespmem:s0+$0xFFFFFFC0] =	vst v14  }
0x1e3: {  	v8 =	vmul.f32 v8, v9;
	[tilespmem:s0+$0x10] =	vst v15  }
0x1e4: {  	v10 =	vmul.f32 v10, v9;
	[tilespmem:s0+$0xFFFFFFE0] =	vst v13  }
0x1e5: {  	v12 =	vmul.f32 v12, v9;
	[tilespmem:s0+$0xFFFFFFF0] =	vst v8  }
0x1e6: {  	s3 =	sld [smem:$0x7EE];
	v8 =	vmul.f32 v11, v9;
	[tilespmem:s0+$0x20] =	vst v10  }
0x1e7: {  	[tilespmem:s0+$0x0] =	vst v12  }
0x1e8: {  	s2 =	simm.s32 $0x0;
	[tilespmem:s0+$0xFFFFFFD0] =	vst v8  }
0x1e9: {  	[hbm4b:s3+s2] =	stream.linear.scatter [tilespmem:s13], [sflag:$0x5], $0x2000, $0x38;
	[tilespmem:$0x1DB80] =	vst v63  }
0x1ea: {  	_ =	swait.ge [sflag:s8], $0x2000  }
0x1eb: {  	[sflag:s8] =	ssyncset.done $0x0  }
0x1ec: {  	[sflag:s8] =	ssyncadd.s32 $0xFFFFE000  }
0x1ed: {  	[spmem:s9] =	stream.linear.scatter [tilespmem:s6], [sflag:$0x5], $0x2000, $0x38;
	[tilespmem:$0x1DB80] =	vst v63  }
0x1ee: {  	_ =	swait.ge [sflag:s8], $0x2000  }
0x1ef: {  	[sflag:s8] =	ssyncset.done $0x0  }
0x1f0: {  	s2 =	rddreg [dreg:$0xd];
	[sflag:s8] =	ssyncadd.s32 $0xFFFFE000  }
0x1f1: {  	[tilespmem:s13], [sflag:$0x5] =	stream.strided.gather [hbm4b:s2+s11], $0x2000, s12, s11, $0x38;
	[tilespmem:$0x1DB80] =	vst v63  }
0x1f2: {  	s3 =	sadd.s32 $0x0, s24;
	_ =	swait.ge [sflag:s8], $0x2000  }
0x1f3: {  	v8 =	vmov s3;
	[sflag:s8] =	ssyncset.done $0x0  }
0x1f4: {  	s0 =	simm.s32 $0x7940;
	[sflag:s8] =	ssyncadd.s32 $0xFFFFE000  }
0x1f5: {  	v12 =	vld [tilespmem:s0+$0x30]  }
0x1f6: {  	v15 =	vld [tilespmem:s0+$0x10]  }
0x1f7: {  	v13 =	vld [tilespmem:s0+$0xFFFFFFC0]  }
0x1f8: {  	v9 =	vld.idx.msk [tilespmem:v8+s14+$0x0], $0xffff  }
0x1f9: {  	v17 =	vld [tilespmem:s0+$0xFFFFFFE0]  }
0x1fa: {  	v8 =	vld [tilespmem:s0+$0xFFFFFFF0]  }
0x1fb: {  	v10 =	vld [tilespmem:s0+$0x20]  }
0x1fc: {  	v11 =	vld [tilespmem:s0+$0xFFFFFFD0]  }
0x1fd: {  	v16 =	vmul.f32 v12, v9;
	v12 =	vld [tilespmem:s0+$0x0]  }
0x1fe: {  	v14 =	vmul.f32 v13, v9  }
0x1ff: {  	s29 =	simm.s32 $0x1;
	s31 =	simm.s32 $0x7940;
	v13 =	vmul.f32 v17, v9;
	v15 =	vmul.f32 v15, v9  }
.LBB2_24:
0x200: {  	p0 =	sne.s32 s29, $0x3F  }
0x201: {  	v11 =	vmul.f32 v11, v9;
	v10 =	vmul.f32 v10, v9;
	[tilespmem:s0+$0x30] =	vst v16;
	s31 =	sadd.s32 $0x80, s31;
	s3 =	smov.u32 s29;
	s29 =	sadd.s32 $0x1, s29  }
0x202: {  	[tilespmem:s0+$0xFFFFFFC0] =	vst v14;
	v14 =	vmul.f32 v8, v9;
	v9 =	vmul.f32 v12, v9  }
0x203: {  	s3 =	sadd.s32 s3, s24;
	[tilespmem:s0+$0x10] =	vst v15  }
0x204: {  	v12 =	vmov s3;
	[tilespmem:s0+$0xFFFFFFE0] =	vst v13  }
0x205: {  	v8 =	vld [tilespmem:s31+$0xFFFFFFF0];
	[tilespmem:s0+$0xFFFFFFF0] =	vst v14  }
0x206: {  	v13 =	vld [tilespmem:s31+$0x30];
	[tilespmem:s0+$0x0] =	vst v9  }
0x207: {  	v15 =	vld [tilespmem:s31+$0x10];
	[tilespmem:s0+$0x20] =	vst v10  }
0x208: {  	v14 =	vld [tilespmem:s31+$0xFFFFFFC0];
	[tilespmem:s0+$0xFFFFFFD0] =	vst v11;
	s0 =	smov.u32 s31  }
0x209: {  	v9 =	vld.idx.msk [tilespmem:v12+s14+$0x0], $0xffff  }
0x20a: {  	v17 =	vld [tilespmem:s31+$0xFFFFFFE0]  }
0x20b: {  	v10 =	vld [tilespmem:s31+$0x20]  }
.Ltmp11:
0x20c: {  	v11 =	vld [tilespmem:s31+$0xFFFFFFD0];
	(pc) =	sbr.rel @p0 .LBB2_24-.Ltmp11, $3  }
0x20d: {  	v12 =	vld [tilespmem:s31+$0x0];
	_ =	sdelay $0x1  }
0x20e: {  	v14 =	vmul.f32 v14, v9;
	v16 =	vmul.f32 v13, v9  }
0x20f: {  	v15 =	vmul.f32 v15, v9;
	v13 =	vmul.f32 v17, v9  }
0x210: {  	[tilespmem:s0+$0x30] =	vst v16  }
0x211: {  	[tilespmem:s0+$0xFFFFFFC0] =	vst v14  }
0x212: {  	v8 =	vmul.f32 v8, v9;
	[tilespmem:s0+$0x10] =	vst v15  }
0x213: {  	v10 =	vmul.f32 v10, v9;
	[tilespmem:s0+$0xFFFFFFE0] =	vst v13  }
0x214: {  	v12 =	vmul.f32 v12, v9;
	[tilespmem:s0+$0xFFFFFFF0] =	vst v8  }
0x215: {  	s2 =	sld [smem:$0x7EF];
	v8 =	vmul.f32 v11, v9;
	[tilespmem:s0+$0x20] =	vst v10  }
0x216: {  	[tilespmem:s0+$0x0] =	vst v12  }
0x217: {  	s3 =	simm.s32 $0x0;
	[tilespmem:s0+$0xFFFFFFD0] =	vst v8  }
0x218: {  	[hbm4b:s2+s3] =	stream.linear.scatter [tilespmem:s13], [sflag:$0x5], $0x2000, $0x38;
	[tilespmem:$0x1DB80] =	vst v63  }
0x219: {  	_ =	swait.ge [sflag:s8], $0x2000  }
0x21a: {  	s3 =	sld [smem:$0x7F0]  }
0x21b: {  	[sflag:s8] =	ssyncset.done $0x0  }
0x21c: {  	[sflag:s8] =	ssyncadd.s32 $0xFFFFE000  }
0x21d: {  	[spmem:s3] =	stream.linear.scatter [tilespmem:s6], [sflag:$0x5], $0x2000, $0x38;
	[tilespmem:$0x1DB80] =	vst v63  }
0x21e: {  	_ =	swait.ge [sflag:s8], $0x2000  }
0x21f: {  	[sflag:s8] =	ssyncset.done $0x0  }
0x220: {  	s2 =	rddreg [dreg:$0xe];
	[sflag:s8] =	ssyncadd.s32 $0xFFFFE000  }
0x221: {  	[tilespmem:s13], [sflag:$0x5] =	stream.strided.gather [hbm4b:s2+s11], $0x2000, s12, s11, $0x38;
	[tilespmem:$0x1DB80] =	vst v63  }
0x222: {  	s3 =	sadd.s32 $0x0, s25;
	_ =	swait.ge [sflag:s8], $0x2000  }
0x223: {  	v8 =	vmov s3;
	[sflag:s8] =	ssyncset.done $0x0  }
0x224: {  	s0 =	simm.s32 $0x7940;
	[sflag:s8] =	ssyncadd.s32 $0xFFFFE000  }
0x225: {  	v12 =	vld [tilespmem:s0+$0x30]  }
0x226: {  	v15 =	vld [tilespmem:s0+$0x10]  }
0x227: {  	v13 =	vld [tilespmem:s0+$0xFFFFFFC0]  }
0x228: {  	v9 =	vld.idx.msk [tilespmem:v8+s14+$0x0], $0xffff  }
0x229: {  	v17 =	vld [tilespmem:s0+$0xFFFFFFE0]  }
0x22a: {  	v8 =	vld [tilespmem:s0+$0xFFFFFFF0]  }
0x22b: {  	v10 =	vld [tilespmem:s0+$0x20]  }
0x22c: {  	v11 =	vld [tilespmem:s0+$0xFFFFFFD0]  }
0x22d: {  	v16 =	vmul.f32 v12, v9;
	v12 =	vld [tilespmem:s0+$0x0]  }
0x22e: {  	v14 =	vmul.f32 v13, v9  }
0x22f: {  	s29 =	simm.s32 $0x1;
	s31 =	simm.s32 $0x7940;
	v13 =	vmul.f32 v17, v9;
	v15 =	vmul.f32 v15, v9  }
.LBB2_26:
0x230: {  	p0 =	sne.s32 s29, $0x3F  }
0x231: {  	v11 =	vmul.f32 v11, v9;
	v10 =	vmul.f32 v10, v9;
	[tilespmem:s0+$0x30] =	vst v16;
	s31 =	sadd.s32 $0x80, s31;
	s3 =	smov.u32 s29;
	s29 =	sadd.s32 $0x1, s29  }
0x232: {  	[tilespmem:s0+$0xFFFFFFC0] =	vst v14;
	v14 =	vmul.f32 v8, v9;
	v9 =	vmul.f32 v12, v9  }
0x233: {  	s3 =	sadd.s32 s3, s25;
	[tilespmem:s0+$0x10] =	vst v15  }
0x234: {  	v12 =	vmov s3;
	[tilespmem:s0+$0xFFFFFFE0] =	vst v13  }
0x235: {  	v8 =	vld [tilespmem:s31+$0xFFFFFFF0];
	[tilespmem:s0+$0xFFFFFFF0] =	vst v14  }
0x236: {  	v13 =	vld [tilespmem:s31+$0x30];
	[tilespmem:s0+$0x0] =	vst v9  }
0x237: {  	v15 =	vld [tilespmem:s31+$0x10];
	[tilespmem:s0+$0x20] =	vst v10  }
0x238: {  	v14 =	vld [tilespmem:s31+$0xFFFFFFC0];
	[tilespmem:s0+$0xFFFFFFD0] =	vst v11;
	s0 =	smov.u32 s31  }
0x239: {  	v9 =	vld.idx.msk [tilespmem:v12+s14+$0x0], $0xffff  }
0x23a: {  	v17 =	vld [tilespmem:s31+$0xFFFFFFE0]  }
0x23b: {  	v10 =	vld [tilespmem:s31+$0x20]  }
.Ltmp12:
0x23c: {  	v11 =	vld [tilespmem:s31+$0xFFFFFFD0];
	(pc) =	sbr.rel @p0 .LBB2_26-.Ltmp12, $3  }
0x23d: {  	v12 =	vld [tilespmem:s31+$0x0];
	_ =	sdelay $0x1  }
0x23e: {  	v14 =	vmul.f32 v14, v9;
	v16 =	vmul.f32 v13, v9  }
0x23f: {  	v15 =	vmul.f32 v15, v9;
	v13 =	vmul.f32 v17, v9  }
0x240: {  	[tilespmem:s0+$0x30] =	vst v16  }
0x241: {  	[tilespmem:s0+$0xFFFFFFC0] =	vst v14  }
0x242: {  	v8 =	vmul.f32 v8, v9;
	[tilespmem:s0+$0x10] =	vst v15  }
0x243: {  	v10 =	vmul.f32 v10, v9;
	[tilespmem:s0+$0xFFFFFFE0] =	vst v13  }
0x244: {  	v12 =	vmul.f32 v12, v9;
	[tilespmem:s0+$0xFFFFFFF0] =	vst v8  }
0x245: {  	s2 =	sld [smem:$0x7F1];
	v8 =	vmul.f32 v11, v9;
	[tilespmem:s0+$0x20] =	vst v10  }
0x246: {  	[tilespmem:s0+$0x0] =	vst v12  }
0x247: {  	s3 =	simm.s32 $0x0;
	[tilespmem:s0+$0xFFFFFFD0] =	vst v8  }
0x248: {  	[hbm4b:s2+s3] =	stream.linear.scatter [tilespmem:s13], [sflag:$0x5], $0x2000, $0x38;
	[tilespmem:$0x1DB80] =	vst v63  }
0x249: {  	_ =	swait.ge [sflag:s8], $0x2000  }
0x24a: {  	s3 =	sld [smem:$0x7F2]  }
0x24b: {  	[sflag:s8] =	ssyncset.done $0x0  }
0x24c: {  	[sflag:s8] =	ssyncadd.s32 $0xFFFFE000  }
0x24d: {  	[spmem:s3] =	stream.linear.scatter [tilespmem:s6], [sflag:$0x5], $0x2000, $0x38;
	[tilespmem:$0x1DB80] =	vst v63  }
0x24e: {  	_ =	swait.ge [sflag:s8], $0x2000  }
0x24f: {  	[sflag:s8] =	ssyncset.done $0x0  }
0x250: {  	s2 =	rddreg [dreg:$0xf];
	[sflag:s8] =	ssyncadd.s32 $0xFFFFE000  }
0x251: {  	[tilespmem:s13], [sflag:$0x5] =	stream.strided.gather [hbm4b:s2+s11], $0x2000, s12, s11, $0x38;
	[tilespmem:$0x1DB80] =	vst v63  }
0x252: {  	s3 =	sadd.s32 $0x0, s30;
	_ =	swait.ge [sflag:s8], $0x2000  }
0x253: {  	v8 =	vmov s3;
	[sflag:s8] =	ssyncset.done $0x0  }
0x254: {  	s0 =	simm.s32 $0x7940;
	[sflag:s8] =	ssyncadd.s32 $0xFFFFE000  }
0x255: {  	v12 =	vld [tilespmem:s0+$0x30]  }
0x256: {  	v15 =	vld [tilespmem:s0+$0x10]  }
0x257: {  	v13 =	vld [tilespmem:s0+$0xFFFFFFC0]  }
0x258: {  	v9 =	vld.idx.msk [tilespmem:v8+s14+$0x0], $0xffff  }
0x259: {  	v17 =	vld [tilespmem:s0+$0xFFFFFFE0]  }
0x25a: {  	v8 =	vld [tilespmem:s0+$0xFFFFFFF0]  }
0x25b: {  	v10 =	vld [tilespmem:s0+$0x20]  }
0x25c: {  	v11 =	vld [tilespmem:s0+$0xFFFFFFD0]  }
0x25d: {  	v16 =	vmul.f32 v12, v9;
	v12 =	vld [tilespmem:s0+$0x0]  }
0x25e: {  	v14 =	vmul.f32 v13, v9  }
0x25f: {  	s29 =	simm.s32 $0x1;
	s31 =	simm.s32 $0x7940;
	v13 =	vmul.f32 v17, v9;
	v15 =	vmul.f32 v15, v9  }
.LBB2_28:
0x260: {  	p0 =	sne.s32 s29, $0x3F  }
0x261: {  	v11 =	vmul.f32 v11, v9;
	v10 =	vmul.f32 v10, v9;
	[tilespmem:s0+$0x30] =	vst v16;
	s31 =	sadd.s32 $0x80, s31;
	s3 =	smov.u32 s29;
	s29 =	sadd.s32 $0x1, s29  }
0x262: {  	[tilespmem:s0+$0xFFFFFFC0] =	vst v14;
	v14 =	vmul.f32 v8, v9;
	v9 =	vmul.f32 v12, v9  }
0x263: {  	s3 =	sadd.s32 s3, s30;
	[tilespmem:s0+$0x10] =	vst v15  }
0x264: {  	v12 =	vmov s3;
	[tilespmem:s0+$0xFFFFFFE0] =	vst v13  }
0x265: {  	v8 =	vld [tilespmem:s31+$0xFFFFFFF0];
	[tilespmem:s0+$0xFFFFFFF0] =	vst v14  }
0x266: {  	v13 =	vld [tilespmem:s31+$0x30];
	[tilespmem:s0+$0x0] =	vst v9  }
0x267: {  	v15 =	vld [tilespmem:s31+$0x10];
	[tilespmem:s0+$0x20] =	vst v10  }
0x268: {  	v14 =	vld [tilespmem:s31+$0xFFFFFFC0];
	[tilespmem:s0+$0xFFFFFFD0] =	vst v11;
	s0 =	smov.u32 s31  }
0x269: {  	v9 =	vld.idx.msk [tilespmem:v12+s14+$0x0], $0xffff  }
0x26a: {  	v17 =	vld [tilespmem:s31+$0xFFFFFFE0]  }
0x26b: {  	v10 =	vld [tilespmem:s31+$0x20]  }
.Ltmp13:
0x26c: {  	v11 =	vld [tilespmem:s31+$0xFFFFFFD0];
	(pc) =	sbr.rel @p0 .LBB2_28-.Ltmp13, $3  }
0x26d: {  	v12 =	vld [tilespmem:s31+$0x0];
	_ =	sdelay $0x1  }
0x26e: {  	v14 =	vmul.f32 v14, v9;
	v16 =	vmul.f32 v13, v9  }
0x26f: {  	v15 =	vmul.f32 v15, v9;
	v13 =	vmul.f32 v17, v9  }
0x270: {  	[tilespmem:s0+$0x30] =	vst v16  }
0x271: {  	[tilespmem:s0+$0xFFFFFFC0] =	vst v14  }
0x272: {  	v8 =	vmul.f32 v8, v9;
	[tilespmem:s0+$0x10] =	vst v15  }
0x273: {  	v10 =	vmul.f32 v10, v9;
	[tilespmem:s0+$0xFFFFFFE0] =	vst v13  }
0x274: {  	v12 =	vmul.f32 v12, v9;
	[tilespmem:s0+$0xFFFFFFF0] =	vst v8  }
0x275: {  	s2 =	sld [smem:$0x7F3];
	v8 =	vmul.f32 v11, v9;
	[tilespmem:s0+$0x20] =	vst v10  }
0x276: {  	[tilespmem:s0+$0x0] =	vst v12  }
0x277: {  	s3 =	simm.s32 $0x0;
	[tilespmem:s0+$0xFFFFFFD0] =	vst v8  }
0x278: {  	[hbm4b:s2+s3] =	stream.linear.scatter [tilespmem:s13], [sflag:$0x5], $0x2000, $0x38;
	[tilespmem:$0x1DB80] =	vst v63  }
0x279: {  	_ =	swait.ge [sflag:s8], $0x2000  }
0x27a: {  	s3 =	sld [smem:$0x7F4]  }
0x27b: {  	[sflag:s8] =	ssyncset.done $0x0  }
0x27c: {  	[sflag:s8] =	ssyncadd.s32 $0xFFFFE000  }
0x27d: {  	[spmem:s3] =	stream.linear.scatter [tilespmem:s6], [sflag:$0x5], $0x2000, $0x38;
	[tilespmem:$0x1DB80] =	vst v63  }
0x27e: {  	_ =	swait.ge [sflag:s8], $0x2000  }
0x27f: {  	[sflag:s8] =	ssyncset.done $0x0  }
0x280: {  	s2 =	rddreg [dreg:$0x10];
	[sflag:s8] =	ssyncadd.s32 $0xFFFFE000  }
0x281: {  	[tilespmem:s13], [sflag:$0x5] =	stream.strided.gather [hbm4b:s2+s11], $0x2000, s12, s11, $0x38;
	[tilespmem:$0x1DB80] =	vst v63  }
0x282: {  	s3 =	sadd.s32 $0x0, s18;
	_ =	swait.ge [sflag:s8], $0x2000  }
0x283: {  	v8 =	vmov s3;
	[sflag:s8] =	ssyncset.done $0x0  }
0x284: {  	s0 =	simm.s32 $0x7940;
	[sflag:s8] =	ssyncadd.s32 $0xFFFFE000  }
0x285: {  	v12 =	vld [tilespmem:s0+$0x30]  }
0x286: {  	v15 =	vld [tilespmem:s0+$0x10]  }
0x287: {  	v13 =	vld [tilespmem:s0+$0xFFFFFFC0]  }
0x288: {  	v9 =	vld.idx.msk [tilespmem:v8+s14+$0x0], $0xffff  }
0x289: {  	v17 =	vld [tilespmem:s0+$0xFFFFFFE0]  }
0x28a: {  	v8 =	vld [tilespmem:s0+$0xFFFFFFF0]  }
0x28b: {  	v10 =	vld [tilespmem:s0+$0x20]  }
0x28c: {  	v11 =	vld [tilespmem:s0+$0xFFFFFFD0]  }
0x28d: {  	v16 =	vmul.f32 v12, v9;
	v12 =	vld [tilespmem:s0+$0x0]  }
0x28e: {  	v14 =	vmul.f32 v13, v9  }
0x28f: {  	s29 =	simm.s32 $0x1;
	s31 =	simm.s32 $0x7940;
	v13 =	vmul.f32 v17, v9;
	v15 =	vmul.f32 v15, v9  }
.LBB2_30:
0x290: {  	p0 =	sne.s32 s29, $0x3F  }
0x291: {  	v11 =	vmul.f32 v11, v9;
	v10 =	vmul.f32 v10, v9;
	[tilespmem:s0+$0x30] =	vst v16;
	s31 =	sadd.s32 $0x80, s31;
	s3 =	smov.u32 s29;
	s29 =	sadd.s32 $0x1, s29  }
0x292: {  	[tilespmem:s0+$0xFFFFFFC0] =	vst v14;
	v14 =	vmul.f32 v8, v9;
	v9 =	vmul.f32 v12, v9  }
0x293: {  	s3 =	sadd.s32 s3, s18;
	[tilespmem:s0+$0x10] =	vst v15  }
0x294: {  	v12 =	vmov s3;
	[tilespmem:s0+$0xFFFFFFE0] =	vst v13  }
0x295: {  	v8 =	vld [tilespmem:s31+$0xFFFFFFF0];
	[tilespmem:s0+$0xFFFFFFF0] =	vst v14  }
0x296: {  	v13 =	vld [tilespmem:s31+$0x30];
	[tilespmem:s0+$0x0] =	vst v9  }
0x297: {  	v15 =	vld [tilespmem:s31+$0x10];
	[tilespmem:s0+$0x20] =	vst v10  }
0x298: {  	v14 =	vld [tilespmem:s31+$0xFFFFFFC0];
	[tilespmem:s0+$0xFFFFFFD0] =	vst v11;
	s0 =	smov.u32 s31  }
0x299: {  	v9 =	vld.idx.msk [tilespmem:v12+s14+$0x0], $0xffff  }
0x29a: {  	v17 =	vld [tilespmem:s31+$0xFFFFFFE0]  }
0x29b: {  	v10 =	vld [tilespmem:s31+$0x20]  }
.Ltmp14:
0x29c: {  	v11 =	vld [tilespmem:s31+$0xFFFFFFD0];
	(pc) =	sbr.rel @p0 .LBB2_30-.Ltmp14, $3  }
0x29d: {  	v12 =	vld [tilespmem:s31+$0x0];
	_ =	sdelay $0x1  }
0x29e: {  	v14 =	vmul.f32 v14, v9;
	v16 =	vmul.f32 v13, v9  }
0x29f: {  	v15 =	vmul.f32 v15, v9;
	v13 =	vmul.f32 v17, v9  }
0x2a0: {  	[tilespmem:s0+$0x30] =	vst v16  }
0x2a1: {  	[tilespmem:s0+$0xFFFFFFC0] =	vst v14  }
0x2a2: {  	v8 =	vmul.f32 v8, v9;
	[tilespmem:s0+$0x10] =	vst v15  }
0x2a3: {  	v10 =	vmul.f32 v10, v9;
	[tilespmem:s0+$0xFFFFFFE0] =	vst v13  }
0x2a4: {  	v12 =	vmul.f32 v12, v9;
	[tilespmem:s0+$0xFFFFFFF0] =	vst v8  }
0x2a5: {  	s2 =	sld [smem:$0x7F5];
	v8 =	vmul.f32 v11, v9;
	[tilespmem:s0+$0x20] =	vst v10  }
0x2a6: {  	[tilespmem:s0+$0x0] =	vst v12  }
0x2a7: {  	s31 =	simm.s32 $0x0;
	[tilespmem:s0+$0xFFFFFFD0] =	vst v8  }
0x2a8: {  	[hbm4b:s2+s31] =	stream.linear.scatter [tilespmem:s13], [sflag:$0x5], $0x2000, $0x38;
	[tilespmem:$0x1DB80] =	vst v63  }
0x2a9: {  	_ =	swait.ge [sflag:s8], $0x2000  }
0x2aa: {  	s3 =	sld [smem:$0x7F6]  }
0x2ab: {  	[sflag:s8] =	ssyncset.done $0x0  }
0x2ac: {  	[sflag:s8] =	ssyncadd.s32 $0xFFFFE000  }
0x2ad: {  	[spmem:s3] =	stream.linear.scatter [tilespmem:s6], [sflag:$0x5], $0x2000, $0x38;
	[tilespmem:$0x1DB80] =	vst v63  }
0x2ae: {  	_ =	swait.ge [sflag:s8], $0x2000  }
0x2af: {  	[sflag:s8] =	ssyncset.done $0x0  }
0x2b0: {  	[sflag:s8] =	ssyncadd.s32 $0xFFFFE000  }
0x2b1: {  	[bflag:$0x0] =	sbarrier.arrive $0xFFFF  }
0x2b2: {  	s3 =	rddreg [dreg:$0x6]  }
0x2b3: {  	[tilespmem:s31], [sflag:$0x5] =	stream.linear.gather [hbm4b:s3+s31], $0x2A00, $0x38;
	[tilespmem:$0x1DB80] =	vst v63  }
0x2b4: {  	_ =	swait.ge [sflag:s8], $0x2A00  }
0x2b5: {  	[sflag:s8] =	ssyncset.done $0x0  }
0x2b6: {  	[sflag:s8] =	ssyncadd.s32 $0xFFFFD600  }
0x2b7: {  	v8 =	vld [tilespmem:$0x0]  }
0x2b8: {  	v49 =	vld [tilespmem:$0x10];
	_ =	sdelay $0x1  }
0x2b9: {  	v50 =	vld [tilespmem:$0x20];
	_ =	sdelay $0x1  }
0x2ba: {  	v52 =	vld [tilespmem:$0x30];
	v51 =	vshrl.u32 v8, $0xE;
	v8 =	vand.u32 $0x3FFF, v8  }
0x2bb: {  	v53 =	vshrl.u32 v49, $0xE;
	v11 =	vadd.s32 v0, v51;
	[tilespmem:$0x5780] =	vst v8  }
0x2bc: {  	v8 =	vadd.s32 v0, v53;
	[tilespmem:$0x5700] =	vst v11  }
0x2bd: {  	v54 =	vshrl.u32 v50, $0xE;
	[tilespmem:$0x5710] =	vst v8;
	v8 =	vand.u32 $0x3FFF, v49  }
0x2be: {  	[tilespmem:$0x5790] =	vst v8;
	v8 =	vadd.s32 v0, v54  }
0x2bf: {  	v55 =	vshrl.u32 v52, $0xE;
	[tilespmem:$0x5720] =	vst v8;
	v8 =	vand.u32 $0x3FFF, v50  }
0x2c0: {  	[tilespmem:$0x57A0] =	vst v8;
	v8 =	vadd.s32 v0, v55  }
0x2c1: {  	[tilespmem:$0x5730] =	vst v8;
	v8 =	vand.u32 $0x3FFF, v52  }
0x2c2: {  	s31 =	simm.s32 $0x0;
	[tilespmem:$0x57B0] =	vst v8  }
0x2c3: {  	[tilespmem:s6], [sflag:$0x1] =	stream.indirect.gather [hbm4b:s26+s15], $0x80, s16, s15, $0xb8;
	[tilespmem:$0x1DB80] =	vst v63  }
0x2c4: {  	v8 =	vld [tilespmem:s31+$0x80];
	_ =	sdelay $0x4  }
0x2c5: {  	v56 =	vshrl.u32 v8, $0xE;
	v8 =	vand.u32 $0x3FFF, v8  }
0x2c6: {  	v9 =	vadd.s32 v0, v56;
	[tilespmem:$0x5880] =	vst v8  }
0x2c7: {  	[tilespmem:$0x5800] =	vst v9  }
0x2c8: {  	v8 =	vld [tilespmem:s31+$0x90];
	_ =	sdelay $0x4  }
0x2c9: {  	v57 =	vshrl.u32 v8, $0xE;
	v8 =	vand.u32 $0x3FFF, v8  }
0x2ca: {  	v9 =	vadd.s32 v0, v57;
	[tilespmem:$0x5890] =	vst v8  }
0x2cb: {  	[tilespmem:$0x5810] =	vst v9  }
0x2cc: {  	v8 =	vld [tilespmem:s31+$0xA0];
	_ =	sdelay $0x4  }
0x2cd: {  	v58 =	vshrl.u32 v8, $0xE;
	v8 =	vand.u32 $0x3FFF, v8  }
0x2ce: {  	v9 =	vadd.s32 v0, v58;
	[tilespmem:$0x58A0] =	vst v8  }
0x2cf: {  	[tilespmem:$0x5820] =	vst v9  }
0x2d0: {  	v8 =	vld [tilespmem:s31+$0xB0];
	_ =	sdelay $0x4  }
0x2d1: {  	v59 =	vshrl.u32 v8, $0xE;
	v8 =	vand.u32 $0x3FFF, v8  }
0x2d2: {  	v9 =	vadd.s32 v0, v59;
	[tilespmem:$0x58B0] =	vst v8  }
0x2d3: {  	[tilespmem:$0x5830] =	vst v9  }
0x2d4: {  	_ =	swait.ge [sflag:s17], $0x2000  }
0x2d5: {  	[sflag:s17] =	ssyncset.done $0x0  }
0x2d6: {  	[sflag:s17] =	ssyncadd.s32 $0xFFFFE000  }
0x2d7: {  	[tilespmem:s13], [sflag:$0x2] =	stream.indirect.gather [hbm4b:s26+s15], $0x80, s19, s15, $0xb8;
	[tilespmem:$0x1DB80] =	vst v63  }
0x2d8: {  	_ = 	snop  }
0x2d9: {  	[spmem:s23] =	stream.indirect.scatter.add.f32 [tilespmem:s6], [sflag:$0x3], $0x80, s21, s15, $0xb8;
	[tilespmem:$0x1DB80] =	vst v63  }
0x2da: {  	_ =	swait.ge [sflag:s22], $0x2000  }
0x2db: {  	[sflag:s22] =	ssyncset.done $0x0  }
0x2dc: {  	[sflag:s22] =	ssyncadd.s32 $0xFFFFE000  }
0x2dd: {  	[spmem:s23] =	stream.indirect.scatter.add.f32 [tilespmem:s13], [sflag:$0x4], $0x80, s20, s15, $0xb8;
	[tilespmem:$0x1DB80] =	vst v63  }
0x2de: {  	_ =	swait.ge [sflag:s4], $0x2000  }
0x2df: {  	[sflag:s4] =	ssyncset.done $0x0  }
0x2e0: {  	[sflag:s4] =	ssyncadd.s32 $0xFFFFE000  }
0x2e1: {  	v8 =	vld [tilespmem:s31+$0x100];
	_ =	sdelay $0x4  }
0x2e2: {  	v60 =	vshrl.u32 v8, $0xE;
	v8 =	vand.u32 $0x3FFF, v8  }
0x2e3: {  	v9 =	vadd.s32 v0, v60;
	[tilespmem:$0x5780] =	vst v8  }
0x2e4: {  	[tilespmem:$0x5700] =	vst v9  }
0x2e5: {  	v8 =	vld [tilespmem:s31+$0x110];
	_ =	sdelay $0x4  }
0x2e6: {  	v61 =	vshrl.u32 v8, $0xE;
	v8 =	vand.u32 $0x3FFF, v8  }
0x2e7: {  	v9 =	vadd.s32 v0, v61;
	[tilespmem:$0x5790] =	vst v8  }
0x2e8: {  	[tilespmem:$0x5710] =	vst v9  }
0x2e9: {  	v8 =	vld [tilespmem:s31+$0x120];
	_ =	sdelay $0x4  }
0x2ea: {  	v62 =	vshrl.u32 v8, $0xE;
	v8 =	vand.u32 $0x3FFF, v8  }
0x2eb: {  	v9 =	vadd.s32 v0, v62;
	[tilespmem:$0x57A0] =	vst v8  }
0x2ec: {  	[tilespmem:$0x5720] =	vst v9  }
0x2ed: {  	v8 =	vld [tilespmem:s31+$0x130];
	_ =	sdelay $0x4  }
0x2ee: {  	v63 =	vshrl.u32 v8, $0xE;
	v8 =	vand.u32 $0x3FFF, v8  }
0x2ef: {  	v9 =	vadd.s32 v0, v63;
	[tilespmem:$0x57B0] =	vst v8  }
0x2f0: {  	[tilespmem:$0x5730] =	vst v9  }
0x2f1: {  	[tilespmem:s6], [sflag:$0x1] =	stream.indirect.gather [hbm4b:s26+s15], $0x80, s16, s15, $0xb8;
	[tilespmem:$0x1DB80] =	vst v63  }
0x2f2: {  	_ =	swait.ge [sflag:s1], $0x2000  }
0x2f3: {  	s29 =	simm.s32 $0x400;
	s3 =	simm.s32 $0x800;
	[sflag:s1] =	ssyncset.done $0x0  }
.LBB2_32:
0x2f4: {  	s0 =	sshra.s32 s29, $0x2  }
0x2f5: {  	[sflag:s1] =	ssyncadd.s32 $0xFFFFE000;
	s29 =	smov.u32 s3;
	s31 =	sadd.s32 $0x400, s3  }
0x2f6: {  	p0 =	sne.s32 s3, $0xA000;
	v8 =	vld [tilespmem:s0+$0x80];
	_ =	sdelay $0x4  }
0x2f7: {  	v9 =	vshrl.u32 v8, $0xE;
	v8 =	vand.u32 $0x3FFF, v8  }
0x2f8: {  	v9 =	vadd.s32 v0, v9;
	[tilespmem:$0x5880] =	vst v8  }
0x2f9: {  	[tilespmem:$0x5800] =	vst v9  }
0x2fa: {  	v8 =	vld [tilespmem:s0+$0x90];
	_ =	sdelay $0x4  }
0x2fb: {  	v9 =	vshrl.u32 v8, $0xE;
	v8 =	vand.u32 $0x3FFF, v8  }
0x2fc: {  	v9 =	vadd.s32 v0, v9;
	[tilespmem:$0x5890] =	vst v8  }
0x2fd: {  	[tilespmem:$0x5810] =	vst v9  }
0x2fe: {  	v8 =	vld [tilespmem:s0+$0xA0];
	_ =	sdelay $0x4  }
0x2ff: {  	v9 =	vshrl.u32 v8, $0xE;
	v8 =	vand.u32 $0x3FFF, v8  }
0x300: {  	v9 =	vadd.s32 v0, v9;
	[tilespmem:$0x58A0] =	vst v8  }
0x301: {  	[tilespmem:$0x5820] =	vst v9  }
0x302: {  	v8 =	vld [tilespmem:s0+$0xB0];
	_ =	sdelay $0x4  }
0x303: {  	v9 =	vshrl.u32 v8, $0xE;
	v8 =	vand.u32 $0x3FFF, v8  }
0x304: {  	v9 =	vadd.s32 v0, v9;
	[tilespmem:$0x58B0] =	vst v8  }
0x305: {  	[tilespmem:$0x5830] =	vst v9  }
0x306: {  	_ =	swait.ge [sflag:s17], $0x2000  }
0x307: {  	[sflag:s17] =	ssyncset.done $0x0  }
0x308: {  	[sflag:s17] =	ssyncadd.s32 $0xFFFFE000  }
0x309: {  	[tilespmem:s13], [sflag:$0x2] =	stream.indirect.gather [hbm4b:s26+s15], $0x80, s19, s15, $0xb8;
	[tilespmem:$0x1DB80] =	vst v63  }
0x30a: {  	_ = 	snop  }
0x30b: {  	[spmem:s23] =	stream.indirect.scatter.add.f32 [tilespmem:s6], [sflag:$0x3], $0x80, s21, s15, $0xb8;
	[tilespmem:$0x1DB80] =	vst v63  }
0x30c: {  	_ =	swait.ge [sflag:s22], $0x2000  }
0x30d: {  	[sflag:s22] =	ssyncset.done $0x0  }
0x30e: {  	[sflag:s22] =	ssyncadd.s32 $0xFFFFE000  }
0x30f: {  	[spmem:s23] =	stream.indirect.scatter.add.f32 [tilespmem:s13], [sflag:$0x4], $0x80, s20, s15, $0xb8;
	[tilespmem:$0x1DB80] =	vst v63  }
0x310: {  	_ =	swait.ge [sflag:s4], $0x2000  }
0x311: {  	[sflag:s4] =	ssyncset.done $0x0  }
0x312: {  	[sflag:s4] =	ssyncadd.s32 $0xFFFFE000  }
0x313: {  	v8 =	vld [tilespmem:s0+$0x100];
	_ =	sdelay $0x4  }
0x314: {  	v9 =	vshrl.u32 v8, $0xE;
	v8 =	vand.u32 $0x3FFF, v8  }
0x315: {  	v9 =	vadd.s32 v0, v9;
	[tilespmem:$0x5780] =	vst v8  }
0x316: {  	[tilespmem:$0x5700] =	vst v9  }
0x317: {  	v8 =	vld [tilespmem:s0+$0x110];
	_ =	sdelay $0x4  }
0x318: {  	v9 =	vshrl.u32 v8, $0xE;
	v8 =	vand.u32 $0x3FFF, v8  }
0x319: {  	v9 =	vadd.s32 v0, v9;
	[tilespmem:$0x5790] =	vst v8  }
0x31a: {  	[tilespmem:$0x5710] =	vst v9  }
0x31b: {  	v8 =	vld [tilespmem:s0+$0x120];
	_ =	sdelay $0x4  }
0x31c: {  	v9 =	vshrl.u32 v8, $0xE;
	v8 =	vand.u32 $0x3FFF, v8  }
0x31d: {  	v9 =	vadd.s32 v0, v9;
	[tilespmem:$0x57A0] =	vst v8  }
0x31e: {  	[tilespmem:$0x5720] =	vst v9  }
0x31f: {  	v8 =	vld [tilespmem:s0+$0x130];
	_ =	sdelay $0x4  }
0x320: {  	v9 =	vshrl.u32 v8, $0xE;
	v8 =	vand.u32 $0x3FFF, v8  }
.Ltmp15:
0x321: {  	v9 =	vadd.s32 v0, v9;
	[tilespmem:$0x57B0] =	vst v8;
	(pc) =	sbr.rel @p0 .LBB2_32-.Ltmp15, $4  }
0x322: {  	[tilespmem:$0x5730] =	vst v9  }
0x323: {  	[tilespmem:s6], [sflag:$0x1] =	stream.indirect.gather [hbm4b:s26+s15], $0x80, s16, s15, $0xb8;
	[tilespmem:$0x1DB80] =	vst v63  }
0x324: {  	_ =	swait.ge [sflag:s1], $0x2000  }
0x325: {  	s3 =	smov.u32 s31;
	[sflag:s1] =	ssyncset.done $0x0  }
0x326: {  	s0 =	sshra.s32 s29, $0x2;
	[sflag:s1] =	ssyncadd.s32 $0xFFFFE000  }
0x327: {  	v8 =	vld [tilespmem:s0+$0x80];
	_ =	sdelay $0x4  }
0x328: {  	v9 =	vshrl.u32 v8, $0xE;
	v8 =	vand.u32 $0x3FFF, v8  }
0x329: {  	v9 =	vadd.s32 v0, v9;
	[tilespmem:$0x5880] =	vst v8  }
0x32a: {  	[tilespmem:$0x5800] =	vst v9  }
0x32b: {  	v8 =	vld [tilespmem:s0+$0x90];
	_ =	sdelay $0x4  }
0x32c: {  	v38 =	vshrl.u32 v8, $0xE;
	v8 =	vand.u32 $0x3FFF, v8  }
0x32d: {  	v9 =	vadd.s32 v0, v38;
	[tilespmem:$0x5890] =	vst v8  }
0x32e: {  	[tilespmem:$0x5810] =	vst v9  }
0x32f: {  	v8 =	vld [tilespmem:s0+$0xA0];
	_ =	sdelay $0x4  }
0x330: {  	v39 =	vshrl.u32 v8, $0xE;
	v8 =	vand.u32 $0x3FFF, v8  }
0x331: {  	v9 =	vadd.s32 v0, v39;
	[tilespmem:$0x58A0] =	vst v8  }
0x332: {  	[tilespmem:$0x5820] =	vst v9  }
0x333: {  	v8 =	vld [tilespmem:s0+$0xB0];
	_ =	sdelay $0x4  }
0x334: {  	v40 =	vshrl.u32 v8, $0xE;
	v8 =	vand.u32 $0x3FFF, v8  }
0x335: {  	v9 =	vadd.s32 v0, v40;
	[tilespmem:$0x58B0] =	vst v8  }
0x336: {  	[tilespmem:$0x5830] =	vst v9  }
0x337: {  	_ =	swait.ge [sflag:s17], $0x2000  }
0x338: {  	[sflag:s17] =	ssyncset.done $0x0  }
0x339: {  	[sflag:s17] =	ssyncadd.s32 $0xFFFFE000  }
0x33a: {  	[tilespmem:s13], [sflag:$0x2] =	stream.indirect.gather [hbm4b:s26+s15], $0x80, s19, s15, $0xb8;
	[tilespmem:$0x1DB80] =	vst v63  }
0x33b: {  	_ = 	snop  }
0x33c: {  	[spmem:s23] =	stream.indirect.scatter.add.f32 [tilespmem:s6], [sflag:$0x3], $0x80, s21, s15, $0xb8;
	[tilespmem:$0x1DB80] =	vst v63  }
0x33d: {  	_ =	swait.ge [sflag:s22], $0x2000  }
0x33e: {  	[sflag:s22] =	ssyncset.done $0x0  }
0x33f: {  	[sflag:s22] =	ssyncadd.s32 $0xFFFFE000  }
0x340: {  	[spmem:s23] =	stream.indirect.scatter.add.f32 [tilespmem:s13], [sflag:$0x4], $0x80, s20, s15, $0xb8;
	[tilespmem:$0x1DB80] =	vst v63  }
0x341: {  	_ =	swait.ge [sflag:s4], $0x2000  }
0x342: {  	[sflag:s4] =	ssyncset.done $0x0  }
0x343: {  	[sflag:s4] =	ssyncadd.s32 $0xFFFFE000  }
0x344: {  	v8 =	vld [tilespmem:s0+$0x100];
	_ =	sdelay $0x4  }
0x345: {  	v41 =	vshrl.u32 v8, $0xE;
	v8 =	vand.u32 $0x3FFF, v8  }
0x346: {  	v9 =	vadd.s32 v0, v41;
	[tilespmem:$0x5780] =	vst v8  }
0x347: {  	[tilespmem:$0x5700] =	vst v9  }
0x348: {  	v8 =	vld [tilespmem:s0+$0x110];
	_ =	sdelay $0x4  }
0x349: {  	v42 =	vshrl.u32 v8, $0xE;
	v8 =	vand.u32 $0x3FFF, v8  }
0x34a: {  	v9 =	vadd.s32 v0, v42;
	[tilespmem:$0x5790] =	vst v8  }
0x34b: {  	[tilespmem:$0x5710] =	vst v9  }
0x34c: {  	v8 =	vld [tilespmem:s0+$0x120];
	_ =	sdelay $0x4  }
0x34d: {  	v43 =	vshrl.u32 v8, $0xE;
	v8 =	vand.u32 $0x3FFF, v8  }
0x34e: {  	v9 =	vadd.s32 v0, v43;
	[tilespmem:$0x57A0] =	vst v8  }
0x34f: {  	[tilespmem:$0x5720] =	vst v9  }
0x350: {  	v8 =	vld [tilespmem:s0+$0x130];
	_ =	sdelay $0x4  }
0x351: {  	v44 =	vshrl.u32 v8, $0xE;
	v8 =	vand.u32 $0x3FFF, v8  }
0x352: {  	v9 =	vadd.s32 v0, v44;
	[tilespmem:$0x57B0] =	vst v8  }
0x353: {  	[tilespmem:$0x5730] =	vst v9  }
0x354: {  	[tilespmem:s6], [sflag:$0x1] =	stream.indirect.gather [hbm4b:s26+s15], $0x80, s16, s15, $0xb8;
	[tilespmem:$0x1DB80] =	vst v63  }
0x355: {  	_ =	swait.ge [sflag:s1], $0x2000  }
0x356: {  	[sflag:s1] =	ssyncset.done $0x0  }
0x357: {  	[sflag:s1] =	ssyncadd.s32 $0xFFFFE000  }
0x358: {  	v8 =	vld [tilespmem:$0x2980]  }
0x359: {  	v45 =	vld [tilespmem:$0x2990];
	_ =	sdelay $0x1  }
0x35a: {  	v10 =	vld [tilespmem:$0x29A0];
	_ =	sdelay $0x1  }
0x35b: {  	v12 =	vld [tilespmem:$0x29B0];
	v11 =	vshrl.u32 v8, $0xE;
	v8 =	vand.u32 $0x3FFF, v8  }
0x35c: {  	v46 =	vshrl.u32 v45, $0xE;
	v11 =	vadd.s32 v0, v11;
	[tilespmem:$0x5880] =	vst v8  }
0x35d: {  	v8 =	vadd.s32 v0, v46;
	[tilespmem:$0x5800] =	vst v11  }
0x35e: {  	v47 =	vshrl.u32 v10, $0xE;
	[tilespmem:$0x5810] =	vst v8;
	v8 =	vand.u32 $0x3FFF, v45  }
0x35f: {  	[tilespmem:$0x5890] =	vst v8;
	v8 =	vadd.s32 v0, v47  }
0x360: {  	v48 =	vshrl.u32 v12, $0xE;
	[tilespmem:$0x5820] =	vst v8;
	v8 =	vand.u32 $0x3FFF, v10  }
0x361: {  	[tilespmem:$0x58A0] =	vst v8;
	v8 =	vadd.s32 v0, v48  }
0x362: {  	[tilespmem:$0x5830] =	vst v8;
	v8 =	vand.u32 $0x3FFF, v12  }
0x363: {  	[tilespmem:$0x58B0] =	vst v8  }
0x364: {  	_ =	swait.ge [sflag:s17], $0x2000  }
0x365: {  	[sflag:s17] =	ssyncset.done $0x0  }
0x366: {  	[sflag:s17] =	ssyncadd.s32 $0xFFFFE000  }
0x367: {  	[tilespmem:s13], [sflag:$0x2] =	stream.indirect.gather [hbm4b:s26+s15], $0x80, s19, s15, $0xb8;
	[tilespmem:$0x1DB80] =	vst v63  }
0x368: {  	_ = 	snop  }
0x369: {  	[spmem:s23] =	stream.indirect.scatter.add.f32 [tilespmem:s6], [sflag:$0x3], $0x80, s21, s15, $0xb8;
	[tilespmem:$0x1DB80] =	vst v63  }
0x36a: {  	_ =	swait.ge [sflag:s22], $0x2000  }
0x36b: {  	[sflag:s22] =	ssyncset.done $0x0  }
0x36c: {  	[sflag:s22] =	ssyncadd.s32 $0xFFFFE000  }
0x36d: {  	[spmem:s23] =	stream.indirect.scatter.add.f32 [tilespmem:s13], [sflag:$0x4], $0x80, s20, s15, $0xb8;
	[tilespmem:$0x1DB80] =	vst v63  }
0x36e: {  	_ =	swait.ge [sflag:s4], $0x2000  }
0x36f: {  	[sflag:s4] =	ssyncset.done $0x0  }
0x370: {  	[sflag:s4] =	ssyncadd.s32 $0xFFFFE000  }
0x371: {  	_ =	swait.ge [sflag:s1], $0x2000  }
0x372: {  	[sflag:s1] =	ssyncset.done $0x0  }
0x373: {  	s2 =	simm.s32 $0x0;
	s3 =	rddreg [dreg:$0x1b];
	[sflag:s1] =	ssyncadd.s32 $0xFFFFE000  }
0x374: {  	[tilespmem:s2], [sflag:$0x5] =	stream.linear.gather [hbm4b:s3+s2], $0x2A00, $0x38;
	[tilespmem:$0x1DB80] =	vst v63  }
0x375: {  	_ =	swait.ge [sflag:s8], $0x2A00  }
0x376: {  	[sflag:s8] =	ssyncset.done $0x0  }
0x377: {  	[sflag:s8] =	ssyncadd.s32 $0xFFFFD600  }
0x378: {  	v8 =	vld [tilespmem:$0x0]  }
0x379: {  	v49 =	vld [tilespmem:$0x10];
	_ =	sdelay $0x1  }
0x37a: {  	v50 =	vld [tilespmem:$0x20];
	_ =	sdelay $0x1  }
0x37b: {  	v52 =	vld [tilespmem:$0x30];
	v51 =	vshrl.u32 v8, $0xE;
	v8 =	vand.u32 $0x3FFF, v8  }
0x37c: {  	v53 =	vshrl.u32 v49, $0xE;
	v11 =	vadd.s32 v0, v51;
	[tilespmem:$0x5780] =	vst v8  }
0x37d: {  	v8 =	vadd.s32 v0, v53;
	[tilespmem:$0x5700] =	vst v11  }
0x37e: {  	v54 =	vshrl.u32 v50, $0xE;
	[tilespmem:$0x5710] =	vst v8;
	v8 =	vand.u32 $0x3FFF, v49  }
0x37f: {  	[tilespmem:$0x5790] =	vst v8;
	v8 =	vadd.s32 v0, v54  }
0x380: {  	v55 =	vshrl.u32 v52, $0xE;
	[tilespmem:$0x5720] =	vst v8;
	v8 =	vand.u32 $0x3FFF, v50  }
0x381: {  	[tilespmem:$0x57A0] =	vst v8;
	v8 =	vadd.s32 v0, v55  }
0x382: {  	[tilespmem:$0x5730] =	vst v8;
	v8 =	vand.u32 $0x3FFF, v52  }
0x383: {  	s31 =	simm.s32 $0x0;
	[tilespmem:$0x57B0] =	vst v8  }
0x384: {  	[tilespmem:s6], [sflag:$0x1] =	stream.indirect.gather [hbm4b:s26+s15], $0x80, s16, s15, $0xb8;
	[tilespmem:$0x1DB80] =	vst v63  }
0x385: {  	v8 =	vld [tilespmem:s31+$0x80];
	_ =	sdelay $0x4  }
0x386: {  	v56 =	vshrl.u32 v8, $0xE;
	v8 =	vand.u32 $0x3FFF, v8  }
0x387: {  	v9 =	vadd.s32 v0, v56;
	[tilespmem:$0x5880] =	vst v8  }
0x388: {  	[tilespmem:$0x5800] =	vst v9  }
0x389: {  	v8 =	vld [tilespmem:s31+$0x90];
	_ =	sdelay $0x4  }
0x38a: {  	v57 =	vshrl.u32 v8, $0xE;
	v8 =	vand.u32 $0x3FFF, v8  }
0x38b: {  	v9 =	vadd.s32 v0, v57;
	[tilespmem:$0x5890] =	vst v8  }
0x38c: {  	[tilespmem:$0x5810] =	vst v9  }
0x38d: {  	v8 =	vld [tilespmem:s31+$0xA0];
	_ =	sdelay $0x4  }
0x38e: {  	v58 =	vshrl.u32 v8, $0xE;
	v8 =	vand.u32 $0x3FFF, v8  }
0x38f: {  	v9 =	vadd.s32 v0, v58;
	[tilespmem:$0x58A0] =	vst v8  }
0x390: {  	[tilespmem:$0x5820] =	vst v9  }
0x391: {  	v8 =	vld [tilespmem:s31+$0xB0];
	_ =	sdelay $0x4  }
0x392: {  	v59 =	vshrl.u32 v8, $0xE;
	v8 =	vand.u32 $0x3FFF, v8  }
0x393: {  	v9 =	vadd.s32 v0, v59;
	[tilespmem:$0x58B0] =	vst v8  }
0x394: {  	[tilespmem:$0x5830] =	vst v9  }
0x395: {  	_ =	swait.ge [sflag:s17], $0x2000  }
0x396: {  	[sflag:s17] =	ssyncset.done $0x0  }
0x397: {  	[sflag:s17] =	ssyncadd.s32 $0xFFFFE000  }
0x398: {  	[tilespmem:s13], [sflag:$0x2] =	stream.indirect.gather [hbm4b:s26+s15], $0x80, s19, s15, $0xb8;
	[tilespmem:$0x1DB80] =	vst v63  }
0x399: {  	_ = 	snop  }
0x39a: {  	[spmem:s23] =	stream.indirect.scatter.add.f32 [tilespmem:s6], [sflag:$0x3], $0x80, s21, s15, $0xb8;
	[tilespmem:$0x1DB80] =	vst v63  }
0x39b: {  	_ =	swait.ge [sflag:s22], $0x2000  }
0x39c: {  	[sflag:s22] =	ssyncset.done $0x0  }
0x39d: {  	[sflag:s22] =	ssyncadd.s32 $0xFFFFE000  }
0x39e: {  	[spmem:s23] =	stream.indirect.scatter.add.f32 [tilespmem:s13], [sflag:$0x4], $0x80, s20, s15, $0xb8;
	[tilespmem:$0x1DB80] =	vst v63  }
0x39f: {  	_ =	swait.ge [sflag:s4], $0x2000  }
0x3a0: {  	[sflag:s4] =	ssyncset.done $0x0  }
0x3a1: {  	[sflag:s4] =	ssyncadd.s32 $0xFFFFE000  }
0x3a2: {  	v8 =	vld [tilespmem:s31+$0x100];
	_ =	sdelay $0x4  }
0x3a3: {  	v60 =	vshrl.u32 v8, $0xE;
	v8 =	vand.u32 $0x3FFF, v8  }
0x3a4: {  	v9 =	vadd.s32 v0, v60;
	[tilespmem:$0x5780] =	vst v8  }
0x3a5: {  	[tilespmem:$0x5700] =	vst v9  }
0x3a6: {  	v8 =	vld [tilespmem:s31+$0x110];
	_ =	sdelay $0x4  }
0x3a7: {  	v61 =	vshrl.u32 v8, $0xE;
	v8 =	vand.u32 $0x3FFF, v8  }
0x3a8: {  	v9 =	vadd.s32 v0, v61;
	[tilespmem:$0x5790] =	vst v8  }
0x3a9: {  	[tilespmem:$0x5710] =	vst v9  }
0x3aa: {  	v8 =	vld [tilespmem:s31+$0x120];
	_ =	sdelay $0x4  }
0x3ab: {  	v62 =	vshrl.u32 v8, $0xE;
	v8 =	vand.u32 $0x3FFF, v8  }
0x3ac: {  	v9 =	vadd.s32 v0, v62;
	[tilespmem:$0x57A0] =	vst v8  }
0x3ad: {  	[tilespmem:$0x5720] =	vst v9  }
0x3ae: {  	v8 =	vld [tilespmem:s31+$0x130];
	_ =	sdelay $0x4  }
0x3af: {  	v63 =	vshrl.u32 v8, $0xE;
	v8 =	vand.u32 $0x3FFF, v8  }
0x3b0: {  	v9 =	vadd.s32 v0, v63;
	[tilespmem:$0x57B0] =	vst v8  }
0x3b1: {  	[tilespmem:$0x5730] =	vst v9  }
0x3b2: {  	[tilespmem:s6], [sflag:$0x1] =	stream.indirect.gather [hbm4b:s26+s15], $0x80, s16, s15, $0xb8;
	[tilespmem:$0x1DB80] =	vst v63  }
0x3b3: {  	_ =	swait.ge [sflag:s1], $0x2000  }
0x3b4: {  	s29 =	simm.s32 $0x400;
	s3 =	simm.s32 $0x800;
	[sflag:s1] =	ssyncset.done $0x0  }
.LBB2_34:
0x3b5: {  	s0 =	sshra.s32 s29, $0x2  }
0x3b6: {  	[sflag:s1] =	ssyncadd.s32 $0xFFFFE000;
	s29 =	smov.u32 s3;
	s31 =	sadd.s32 $0x400, s3  }
0x3b7: {  	p0 =	sne.s32 s3, $0xA000;
	v8 =	vld [tilespmem:s0+$0x80];
	_ =	sdelay $0x4  }
0x3b8: {  	v9 =	vshrl.u32 v8, $0xE;
	v8 =	vand.u32 $0x3FFF, v8  }
0x3b9: {  	v9 =	vadd.s32 v0, v9;
	[tilespmem:$0x5880] =	vst v8  }
0x3ba: {  	[tilespmem:$0x5800] =	vst v9  }
0x3bb: {  	v8 =	vld [tilespmem:s0+$0x90];
	_ =	sdelay $0x4  }
0x3bc: {  	v9 =	vshrl.u32 v8, $0xE;
	v8 =	vand.u32 $0x3FFF, v8  }
0x3bd: {  	v9 =	vadd.s32 v0, v9;
	[tilespmem:$0x5890] =	vst v8  }
0x3be: {  	[tilespmem:$0x5810] =	vst v9  }
0x3bf: {  	v8 =	vld [tilespmem:s0+$0xA0];
	_ =	sdelay $0x4  }
0x3c0: {  	v9 =	vshrl.u32 v8, $0xE;
	v8 =	vand.u32 $0x3FFF, v8  }
0x3c1: {  	v9 =	vadd.s32 v0, v9;
	[tilespmem:$0x58A0] =	vst v8  }
0x3c2: {  	[tilespmem:$0x5820] =	vst v9  }
0x3c3: {  	v8 =	vld [tilespmem:s0+$0xB0];
	_ =	sdelay $0x4  }
0x3c4: {  	v9 =	vshrl.u32 v8, $0xE;
	v8 =	vand.u32 $0x3FFF, v8  }
0x3c5: {  	v9 =	vadd.s32 v0, v9;
	[tilespmem:$0x58B0] =	vst v8  }
0x3c6: {  	[tilespmem:$0x5830] =	vst v9  }
0x3c7: {  	_ =	swait.ge [sflag:s17], $0x2000  }
0x3c8: {  	[sflag:s17] =	ssyncset.done $0x0  }
0x3c9: {  	[sflag:s17] =	ssyncadd.s32 $0xFFFFE000  }
0x3ca: {  	[tilespmem:s13], [sflag:$0x2] =	stream.indirect.gather [hbm4b:s26+s15], $0x80, s19, s15, $0xb8;
	[tilespmem:$0x1DB80] =	vst v63  }
0x3cb: {  	_ = 	snop  }
0x3cc: {  	[spmem:s23] =	stream.indirect.scatter.add.f32 [tilespmem:s6], [sflag:$0x3], $0x80, s21, s15, $0xb8;
	[tilespmem:$0x1DB80] =	vst v63  }
0x3cd: {  	_ =	swait.ge [sflag:s22], $0x2000  }
0x3ce: {  	[sflag:s22] =	ssyncset.done $0x0  }
0x3cf: {  	[sflag:s22] =	ssyncadd.s32 $0xFFFFE000  }
0x3d0: {  	[spmem:s23] =	stream.indirect.scatter.add.f32 [tilespmem:s13], [sflag:$0x4], $0x80, s20, s15, $0xb8;
	[tilespmem:$0x1DB80] =	vst v63  }
0x3d1: {  	_ =	swait.ge [sflag:s4], $0x2000  }
0x3d2: {  	[sflag:s4] =	ssyncset.done $0x0  }
0x3d3: {  	[sflag:s4] =	ssyncadd.s32 $0xFFFFE000  }
0x3d4: {  	v8 =	vld [tilespmem:s0+$0x100];
	_ =	sdelay $0x4  }
0x3d5: {  	v9 =	vshrl.u32 v8, $0xE;
	v8 =	vand.u32 $0x3FFF, v8  }
0x3d6: {  	v9 =	vadd.s32 v0, v9;
	[tilespmem:$0x5780] =	vst v8  }
0x3d7: {  	[tilespmem:$0x5700] =	vst v9  }
0x3d8: {  	v8 =	vld [tilespmem:s0+$0x110];
	_ =	sdelay $0x4  }
0x3d9: {  	v9 =	vshrl.u32 v8, $0xE;
	v8 =	vand.u32 $0x3FFF, v8  }
0x3da: {  	v9 =	vadd.s32 v0, v9;
	[tilespmem:$0x5790] =	vst v8  }
0x3db: {  	[tilespmem:$0x5710] =	vst v9  }
0x3dc: {  	v8 =	vld [tilespmem:s0+$0x120];
	_ =	sdelay $0x4  }
0x3dd: {  	v9 =	vshrl.u32 v8, $0xE;
	v8 =	vand.u32 $0x3FFF, v8  }
0x3de: {  	v9 =	vadd.s32 v0, v9;
	[tilespmem:$0x57A0] =	vst v8  }
0x3df: {  	[tilespmem:$0x5720] =	vst v9  }
0x3e0: {  	v8 =	vld [tilespmem:s0+$0x130];
	_ =	sdelay $0x4  }
0x3e1: {  	v9 =	vshrl.u32 v8, $0xE;
	v8 =	vand.u32 $0x3FFF, v8  }
.Ltmp16:
0x3e2: {  	v9 =	vadd.s32 v0, v9;
	[tilespmem:$0x57B0] =	vst v8;
	(pc) =	sbr.rel @p0 .LBB2_34-.Ltmp16, $4  }
0x3e3: {  	[tilespmem:$0x5730] =	vst v9  }
0x3e4: {  	[tilespmem:s6], [sflag:$0x1] =	stream.indirect.gather [hbm4b:s26+s15], $0x80, s16, s15, $0xb8;
	[tilespmem:$0x1DB80] =	vst v63  }
0x3e5: {  	_ =	swait.ge [sflag:s1], $0x2000  }
0x3e6: {  	s3 =	smov.u32 s31;
	[sflag:s1] =	ssyncset.done $0x0  }
0x3e7: {  	s0 =	sshra.s32 s29, $0x2;
	[sflag:s1] =	ssyncadd.s32 $0xFFFFE000  }
0x3e8: {  	v8 =	vld [tilespmem:s0+$0x80];
	_ =	sdelay $0x4  }
0x3e9: {  	v9 =	vshrl.u32 v8, $0xE;
	v8 =	vand.u32 $0x3FFF, v8  }
0x3ea: {  	v9 =	vadd.s32 v0, v9;
	[tilespmem:$0x5880] =	vst v8  }
0x3eb: {  	[tilespmem:$0x5800] =	vst v9  }
0x3ec: {  	v8 =	vld [tilespmem:s0+$0x90];
	_ =	sdelay $0x4  }
0x3ed: {  	v9 =	vshrl.u32 v8, $0xE;
	v8 =	vand.u32 $0x3FFF, v8  }
0x3ee: {  	v9 =	vadd.s32 v0, v9;
	[tilespmem:$0x5890] =	vst v8  }
0x3ef: {  	[tilespmem:$0x5810] =	vst v9  }
0x3f0: {  	v8 =	vld [tilespmem:s0+$0xA0];
	_ =	sdelay $0x4  }
0x3f1: {  	v9 =	vshrl.u32 v8, $0xE;
	v8 =	vand.u32 $0x3FFF, v8  }
0x3f2: {  	v9 =	vadd.s32 v0, v9;
	[tilespmem:$0x58A0] =	vst v8  }
0x3f3: {  	[tilespmem:$0x5820] =	vst v9  }
0x3f4: {  	v8 =	vld [tilespmem:s0+$0xB0];
	_ =	sdelay $0x4  }
0x3f5: {  	v9 =	vshrl.u32 v8, $0xE;
	v8 =	vand.u32 $0x3FFF, v8  }
0x3f6: {  	v9 =	vadd.s32 v0, v9;
	[tilespmem:$0x58B0] =	vst v8  }
0x3f7: {  	[tilespmem:$0x5830] =	vst v9  }
0x3f8: {  	_ =	swait.ge [sflag:s17], $0x2000  }
0x3f9: {  	[sflag:s17] =	ssyncset.done $0x0  }
0x3fa: {  	[sflag:s17] =	ssyncadd.s32 $0xFFFFE000  }
0x3fb: {  	[tilespmem:s13], [sflag:$0x2] =	stream.indirect.gather [hbm4b:s26+s15], $0x80, s19, s15, $0xb8;
	[tilespmem:$0x1DB80] =	vst v63  }
0x3fc: {  	_ = 	snop  }
0x3fd: {  	[spmem:s23] =	stream.indirect.scatter.add.f32 [tilespmem:s6], [sflag:$0x3], $0x80, s21, s15, $0xb8;
	[tilespmem:$0x1DB80] =	vst v63  }
0x3fe: {  	_ =	swait.ge [sflag:s22], $0x2000  }
0x3ff: {  	[sflag:s22] =	ssyncset.done $0x0  }
0x400: {  	[sflag:s22] =	ssyncadd.s32 $0xFFFFE000  }
0x401: {  	[spmem:s23] =	stream.indirect.scatter.add.f32 [tilespmem:s13], [sflag:$0x4], $0x80, s20, s15, $0xb8;
	[tilespmem:$0x1DB80] =	vst v63  }
0x402: {  	_ =	swait.ge [sflag:s4], $0x2000  }
0x403: {  	[sflag:s4] =	ssyncset.done $0x0  }
0x404: {  	[sflag:s4] =	ssyncadd.s32 $0xFFFFE000  }
0x405: {  	v8 =	vld [tilespmem:s0+$0x100];
	_ =	sdelay $0x4  }
0x406: {  	v9 =	vshrl.u32 v8, $0xE;
	v8 =	vand.u32 $0x3FFF, v8  }
0x407: {  	v9 =	vadd.s32 v0, v9;
	[tilespmem:$0x5780] =	vst v8  }
0x408: {  	[tilespmem:$0x5700] =	vst v9  }
0x409: {  	v8 =	vld [tilespmem:s0+$0x110];
	_ =	sdelay $0x4  }
0x40a: {  	v9 =	vshrl.u32 v8, $0xE;
	v8 =	vand.u32 $0x3FFF, v8  }
0x40b: {  	v9 =	vadd.s32 v0, v9;
	[tilespmem:$0x5790] =	vst v8  }
0x40c: {  	[tilespmem:$0x5710] =	vst v9  }
0x40d: {  	v8 =	vld [tilespmem:s0+$0x120];
	_ =	sdelay $0x4  }
0x40e: {  	v9 =	vshrl.u32 v8, $0xE;
	v8 =	vand.u32 $0x3FFF, v8  }
0x40f: {  	v9 =	vadd.s32 v0, v9;
	[tilespmem:$0x57A0] =	vst v8  }
0x410: {  	[tilespmem:$0x5720] =	vst v9  }
0x411: {  	v8 =	vld [tilespmem:s0+$0x130];
	_ =	sdelay $0x4  }
0x412: {  	v9 =	vshrl.u32 v8, $0xE;
	v8 =	vand.u32 $0x3FFF, v8  }
0x413: {  	v9 =	vadd.s32 v0, v9;
	[tilespmem:$0x57B0] =	vst v8  }
0x414: {  	[tilespmem:$0x5730] =	vst v9  }
0x415: {  	[tilespmem:s6], [sflag:$0x1] =	stream.indirect.gather [hbm4b:s26+s15], $0x80, s16, s15, $0xb8;
	[tilespmem:$0x1DB80] =	vst v63  }
0x416: {  	_ =	swait.ge [sflag:s1], $0x2000  }
0x417: {  	[sflag:s1] =	ssyncset.done $0x0  }
0x418: {  	[sflag:s1] =	ssyncadd.s32 $0xFFFFE000  }
0x419: {  	v8 =	vld [tilespmem:$0x2980];
	_ =	sdelay $0x1  }
0x41a: {  	v9 =	vld [tilespmem:$0x2990];
	_ =	sdelay $0x1  }
0x41b: {  	v10 =	vld [tilespmem:$0x29A0]  }
0x41c: {  	v11 =	vshrl.u32 v8, $0xE  }
0x41d: {  	v12 =	vld [tilespmem:$0x29B0];
	v11 =	vadd.s32 v0, v11  }
0x41e: {  	v8 =	vand.u32 $0x3FFF, v8;
	[tilespmem:$0x5800] =	vst v11;
	v11 =	vshrl.u32 v9, $0xE  }
0x41f: {  	[tilespmem:$0x5880] =	vst v8;
	v8 =	vadd.s32 v0, v11  }
0x420: {  	[tilespmem:$0x5810] =	vst v8;
	v8 =	vand.u32 $0x3FFF, v9;
	v9 =	vshrl.u32 v10, $0xE  }
0x421: {  	[tilespmem:$0x5890] =	vst v8;
	v8 =	vadd.s32 v0, v9  }
0x422: {  	v9 =	vshrl.u32 v12, $0xE;
	[tilespmem:$0x5820] =	vst v8;
	v8 =	vand.u32 $0x3FFF, v10  }
0x423: {  	[tilespmem:$0x58A0] =	vst v8;
	v8 =	vadd.s32 v0, v9  }
0x424: {  	[tilespmem:$0x5830] =	vst v8;
	v8 =	vand.u32 $0x3FFF, v12  }
0x425: {  	[tilespmem:$0x58B0] =	vst v8  }
0x426: {  	_ =	swait.ge [sflag:s17], $0x2000  }
0x427: {  	[sflag:s17] =	ssyncset.done $0x0  }
0x428: {  	[sflag:s17] =	ssyncadd.s32 $0xFFFFE000  }
0x429: {  	[tilespmem:s13], [sflag:$0x2] =	stream.indirect.gather [hbm4b:s26+s15], $0x80, s19, s15, $0xb8;
	[tilespmem:$0x1DB80] =	vst v63  }
0x42a: {  	_ = 	snop  }
0x42b: {  	[spmem:s23] =	stream.indirect.scatter.add.f32 [tilespmem:s6], [sflag:$0x3], $0x80, s21, s15, $0xb8;
	[tilespmem:$0x1DB80] =	vst v63  }
0x42c: {  	_ =	swait.ge [sflag:s22], $0x2000  }
0x42d: {  	[sflag:s22] =	ssyncset.done $0x0  }
0x42e: {  	[sflag:s22] =	ssyncadd.s32 $0xFFFFE000  }
0x42f: {  	[spmem:s23] =	stream.indirect.scatter.add.f32 [tilespmem:s13], [sflag:$0x4], $0x80, s20, s15, $0xb8;
	[tilespmem:$0x1DB80] =	vst v63  }
0x430: {  	_ =	swait.ge [sflag:s4], $0x2000  }
0x431: {  	[sflag:s4] =	ssyncset.done $0x0  }
0x432: {  	[sflag:s4] =	ssyncadd.s32 $0xFFFFE000  }
0x433: {  	_ =	swait.ge [sflag:s1], $0x2000  }
0x434: {  	[sflag:s1] =	ssyncset.done $0x0  }
0x435: {  	[sflag:s1] =	ssyncadd.s32 $0xFFFFE000  }
0x436: {  	[bflag:$0x0] =	sbarrier.arrive $0xFFFF  }
0x437: {  	s2 =	rddreg [dreg:$0x1d]  }
0x438: {  	[tilespmem:s6], [sflag:$0x5] =	stream.linear.gather [spmem:s2], $0x2000, $0x38;
	[tilespmem:$0x1DB80] =	vst v63  }
0x439: {  	s3 =	simm.s32 $0x0;
	_ =	swait.ge [sflag:s8], $0x2000  }
0x43a: {  	v8 =	vmov s3;
	[sflag:s8] =	ssyncset.done $0x0  }
0x43b: {  	s0 =	simm.s32 $0x5940;
	[sflag:s8] =	ssyncadd.s32 $0xFFFFE000  }
0x43c: {  	v12 =	vld [tilespmem:s0+$0x30]  }
0x43d: {  	v15 =	vld [tilespmem:s0+$0x10]  }
0x43e: {  	v13 =	vld [tilespmem:s0+$0xFFFFFFC0]  }
0x43f: {  	v9 =	vld.idx.msk [tilespmem:v8+s14+$0x0], $0xffff  }
0x440: {  	v17 =	vld [tilespmem:s0+$0xFFFFFFE0]  }
0x441: {  	v8 =	vld [tilespmem:s0+$0xFFFFFFF0]  }
0x442: {  	v10 =	vld [tilespmem:s0+$0x20]  }
0x443: {  	v11 =	vld [tilespmem:s0+$0xFFFFFFD0]  }
0x444: {  	v16 =	vmul.f32 v12, v9;
	v12 =	vld [tilespmem:s0+$0x0]  }
0x445: {  	v14 =	vmul.f32 v13, v9  }
0x446: {  	s29 =	simm.s32 $0x1;
	s31 =	simm.s32 $0x5940;
	v13 =	vmul.f32 v17, v9;
	v15 =	vmul.f32 v15, v9  }
.LBB2_36:
0x447: {  	p0 =	sne.s32 s29, $0x3F  }
0x448: {  	v11 =	vmul.f32 v11, v9;
	v10 =	vmul.f32 v10, v9;
	[tilespmem:s0+$0x30] =	vst v16;
	s31 =	sadd.s32 $0x80, s31;
	s3 =	smov.u32 s29;
	s29 =	sadd.s32 $0x1, s29  }
0x449: {  	[tilespmem:s0+$0xFFFFFFC0] =	vst v14;
	v14 =	vmul.f32 v8, v9;
	v9 =	vmul.f32 v12, v9  }
0x44a: {  	[tilespmem:s0+$0x10] =	vst v15  }
0x44b: {  	v12 =	vmov s3;
	[tilespmem:s0+$0xFFFFFFE0] =	vst v13  }
0x44c: {  	v8 =	vld [tilespmem:s31+$0xFFFFFFF0];
	[tilespmem:s0+$0xFFFFFFF0] =	vst v14  }
0x44d: {  	v13 =	vld [tilespmem:s31+$0x30];
	[tilespmem:s0+$0x0] =	vst v9  }
0x44e: {  	v15 =	vld [tilespmem:s31+$0x10];
	[tilespmem:s0+$0x20] =	vst v10  }
0x44f: {  	v14 =	vld [tilespmem:s31+$0xFFFFFFC0];
	[tilespmem:s0+$0xFFFFFFD0] =	vst v11;
	s0 =	smov.u32 s31  }
0x450: {  	v9 =	vld.idx.msk [tilespmem:v12+s14+$0x0], $0xffff  }
0x451: {  	v17 =	vld [tilespmem:s31+$0xFFFFFFE0]  }
0x452: {  	v10 =	vld [tilespmem:s31+$0x20]  }
.Ltmp17:
0x453: {  	v11 =	vld [tilespmem:s31+$0xFFFFFFD0];
	(pc) =	sbr.rel @p0 .LBB2_36-.Ltmp17, $3  }
0x454: {  	v12 =	vld [tilespmem:s31+$0x0];
	_ =	sdelay $0x1  }
0x455: {  	v14 =	vmul.f32 v14, v9;
	v16 =	vmul.f32 v13, v9  }
0x456: {  	v15 =	vmul.f32 v15, v9;
	v13 =	vmul.f32 v17, v9  }
0x457: {  	[tilespmem:s0+$0x30] =	vst v16  }
0x458: {  	[tilespmem:s0+$0xFFFFFFC0] =	vst v14  }
0x459: {  	v8 =	vmul.f32 v8, v9;
	[tilespmem:s0+$0x10] =	vst v15  }
0x45a: {  	v10 =	vmul.f32 v10, v9;
	[tilespmem:s0+$0xFFFFFFE0] =	vst v13  }
0x45b: {  	v12 =	vmul.f32 v12, v9;
	[tilespmem:s0+$0xFFFFFFF0] =	vst v8  }
0x45c: {  	v8 =	vmul.f32 v11, v9;
	[tilespmem:s0+$0x20] =	vst v10  }
0x45d: {  	[tilespmem:s0+$0x0] =	vst v12  }
0x45e: {  	s3 =	rddreg [dreg:$0x11];
	[tilespmem:s0+$0xFFFFFFD0] =	vst v8  }
0x45f: {  	[hbm4b:s3+s11] =	stream.strided.scatter [tilespmem:s6], [sflag:$0x5], $0x2000, s12, s11, $0x38;
	[tilespmem:$0x1DB80] =	vst v63  }
0x460: {  	_ =	swait.ge [sflag:s8], $0x2000  }
0x461: {  	[sflag:s8] =	ssyncset.done $0x0  }
0x462: {  	s2 =	rddreg [dreg:$0x1f];
	[sflag:s8] =	ssyncadd.s32 $0xFFFFE000  }
0x463: {  	[tilespmem:s6], [sflag:$0x5] =	stream.linear.gather [spmem:s2], $0x2000, $0x38;
	[tilespmem:$0x1DB80] =	vst v63  }
0x464: {  	s3 =	simm.s32 $0x40;
	_ =	swait.ge [sflag:s8], $0x2000  }
0x465: {  	v8 =	vmov s3;
	[sflag:s8] =	ssyncset.done $0x0  }
0x466: {  	s0 =	simm.s32 $0x5940;
	[sflag:s8] =	ssyncadd.s32 $0xFFFFE000  }
0x467: {  	v12 =	vld [tilespmem:s0+$0x30]  }
0x468: {  	v15 =	vld [tilespmem:s0+$0x10]  }
0x469: {  	v13 =	vld [tilespmem:s0+$0xFFFFFFC0]  }
0x46a: {  	v9 =	vld.idx.msk [tilespmem:v8+s14+$0x0], $0xffff  }
0x46b: {  	v17 =	vld [tilespmem:s0+$0xFFFFFFE0]  }
0x46c: {  	v8 =	vld [tilespmem:s0+$0xFFFFFFF0]  }
0x46d: {  	v10 =	vld [tilespmem:s0+$0x20]  }
0x46e: {  	v11 =	vld [tilespmem:s0+$0xFFFFFFD0]  }
0x46f: {  	v16 =	vmul.f32 v12, v9;
	v12 =	vld [tilespmem:s0+$0x0]  }
0x470: {  	v14 =	vmul.f32 v13, v9  }
0x471: {  	s29 =	simm.s32 $0x41;
	s31 =	simm.s32 $0x5940;
	v13 =	vmul.f32 v17, v9;
	v15 =	vmul.f32 v15, v9  }
.LBB2_38:
0x472: {  	p0 =	sne.s32 s29, $0x7F  }
0x473: {  	v11 =	vmul.f32 v11, v9;
	v10 =	vmul.f32 v10, v9;
	[tilespmem:s0+$0x30] =	vst v16;
	s31 =	sadd.s32 $0x80, s31;
	s3 =	smov.u32 s29;
	s29 =	sadd.s32 $0x1, s29  }
0x474: {  	[tilespmem:s0+$0xFFFFFFC0] =	vst v14;
	v14 =	vmul.f32 v8, v9;
	v9 =	vmul.f32 v12, v9  }
0x475: {  	[tilespmem:s0+$0x10] =	vst v15  }
0x476: {  	v12 =	vmov s3;
	[tilespmem:s0+$0xFFFFFFE0] =	vst v13  }
0x477: {  	v8 =	vld [tilespmem:s31+$0xFFFFFFF0];
	[tilespmem:s0+$0xFFFFFFF0] =	vst v14  }
0x478: {  	v13 =	vld [tilespmem:s31+$0x30];
	[tilespmem:s0+$0x0] =	vst v9  }
0x479: {  	v15 =	vld [tilespmem:s31+$0x10];
	[tilespmem:s0+$0x20] =	vst v10  }
0x47a: {  	v14 =	vld [tilespmem:s31+$0xFFFFFFC0];
	[tilespmem:s0+$0xFFFFFFD0] =	vst v11;
	s0 =	smov.u32 s31  }
0x47b: {  	v9 =	vld.idx.msk [tilespmem:v12+s14+$0x0], $0xffff  }
0x47c: {  	v17 =	vld [tilespmem:s31+$0xFFFFFFE0]  }
0x47d: {  	v10 =	vld [tilespmem:s31+$0x20]  }
.Ltmp18:
0x47e: {  	v11 =	vld [tilespmem:s31+$0xFFFFFFD0];
	(pc) =	sbr.rel @p0 .LBB2_38-.Ltmp18, $3  }
0x47f: {  	v12 =	vld [tilespmem:s31+$0x0];
	_ =	sdelay $0x1  }
0x480: {  	v14 =	vmul.f32 v14, v9;
	v16 =	vmul.f32 v13, v9  }
0x481: {  	v15 =	vmul.f32 v15, v9;
	v13 =	vmul.f32 v17, v9  }
0x482: {  	[tilespmem:s0+$0x30] =	vst v16  }
0x483: {  	[tilespmem:s0+$0xFFFFFFC0] =	vst v14  }
0x484: {  	v8 =	vmul.f32 v8, v9;
	[tilespmem:s0+$0x10] =	vst v15  }
0x485: {  	v10 =	vmul.f32 v10, v9;
	[tilespmem:s0+$0xFFFFFFE0] =	vst v13  }
0x486: {  	v12 =	vmul.f32 v12, v9;
	[tilespmem:s0+$0xFFFFFFF0] =	vst v8  }
0x487: {  	v8 =	vmul.f32 v11, v9;
	[tilespmem:s0+$0x20] =	vst v10  }
0x488: {  	[tilespmem:s0+$0x0] =	vst v12  }
0x489: {  	s3 =	rddreg [dreg:$0x12];
	[tilespmem:s0+$0xFFFFFFD0] =	vst v8  }
0x48a: {  	[hbm4b:s3+s11] =	stream.strided.scatter [tilespmem:s6], [sflag:$0x5], $0x2000, s12, s11, $0x38;
	[tilespmem:$0x1DB80] =	vst v63  }
0x48b: {  	_ =	swait.ge [sflag:s8], $0x2000  }
0x48c: {  	s2 =	sld [smem:$0x7EA]  }
0x48d: {  	[sflag:s8] =	ssyncset.done $0x0  }
0x48e: {  	[sflag:s8] =	ssyncadd.s32 $0xFFFFE000  }
0x48f: {  	[tilespmem:s6], [sflag:$0x5] =	stream.linear.gather [spmem:s2], $0x2000, $0x38;
	[tilespmem:$0x1DB80] =	vst v63  }
0x490: {  	s3 =	simm.s32 $0x80;
	_ =	swait.ge [sflag:s8], $0x2000  }
0x491: {  	v8 =	vmov s3;
	[sflag:s8] =	ssyncset.done $0x0  }
0x492: {  	s0 =	simm.s32 $0x5940;
	[sflag:s8] =	ssyncadd.s32 $0xFFFFE000  }
0x493: {  	v12 =	vld [tilespmem:s0+$0x30]  }
0x494: {  	v15 =	vld [tilespmem:s0+$0x10]  }
0x495: {  	v13 =	vld [tilespmem:s0+$0xFFFFFFC0]  }
0x496: {  	v9 =	vld.idx.msk [tilespmem:v8+s14+$0x0], $0xffff  }
0x497: {  	v17 =	vld [tilespmem:s0+$0xFFFFFFE0]  }
0x498: {  	v8 =	vld [tilespmem:s0+$0xFFFFFFF0]  }
0x499: {  	v10 =	vld [tilespmem:s0+$0x20]  }
0x49a: {  	v11 =	vld [tilespmem:s0+$0xFFFFFFD0]  }
0x49b: {  	v16 =	vmul.f32 v12, v9;
	v12 =	vld [tilespmem:s0+$0x0]  }
0x49c: {  	v14 =	vmul.f32 v13, v9  }
0x49d: {  	s29 =	simm.s32 $0x81;
	s31 =	simm.s32 $0x5940;
	v13 =	vmul.f32 v17, v9;
	v15 =	vmul.f32 v15, v9  }
.LBB2_40:
0x49e: {  	p0 =	sne.s32 s29, $0xBF  }
0x49f: {  	v11 =	vmul.f32 v11, v9;
	v10 =	vmul.f32 v10, v9;
	[tilespmem:s0+$0x30] =	vst v16;
	s31 =	sadd.s32 $0x80, s31;
	s3 =	smov.u32 s29;
	s29 =	sadd.s32 $0x1, s29  }
0x4a0: {  	[tilespmem:s0+$0xFFFFFFC0] =	vst v14;
	v14 =	vmul.f32 v8, v9;
	v9 =	vmul.f32 v12, v9  }
0x4a1: {  	[tilespmem:s0+$0x10] =	vst v15  }
0x4a2: {  	v12 =	vmov s3;
	[tilespmem:s0+$0xFFFFFFE0] =	vst v13  }
0x4a3: {  	v8 =	vld [tilespmem:s31+$0xFFFFFFF0];
	[tilespmem:s0+$0xFFFFFFF0] =	vst v14  }
0x4a4: {  	v13 =	vld [tilespmem:s31+$0x30];
	[tilespmem:s0+$0x0] =	vst v9  }
0x4a5: {  	v15 =	vld [tilespmem:s31+$0x10];
	[tilespmem:s0+$0x20] =	vst v10  }
0x4a6: {  	v14 =	vld [tilespmem:s31+$0xFFFFFFC0];
	[tilespmem:s0+$0xFFFFFFD0] =	vst v11;
	s0 =	smov.u32 s31  }
0x4a7: {  	v9 =	vld.idx.msk [tilespmem:v12+s14+$0x0], $0xffff  }
0x4a8: {  	v17 =	vld [tilespmem:s31+$0xFFFFFFE0]  }
0x4a9: {  	v10 =	vld [tilespmem:s31+$0x20]  }
.Ltmp19:
0x4aa: {  	v11 =	vld [tilespmem:s31+$0xFFFFFFD0];
	(pc) =	sbr.rel @p0 .LBB2_40-.Ltmp19, $3  }
0x4ab: {  	v12 =	vld [tilespmem:s31+$0x0];
	_ =	sdelay $0x1  }
0x4ac: {  	v14 =	vmul.f32 v14, v9;
	v16 =	vmul.f32 v13, v9  }
0x4ad: {  	v15 =	vmul.f32 v15, v9;
	v13 =	vmul.f32 v17, v9  }
0x4ae: {  	[tilespmem:s0+$0x30] =	vst v16  }
0x4af: {  	[tilespmem:s0+$0xFFFFFFC0] =	vst v14  }
0x4b0: {  	v8 =	vmul.f32 v8, v9;
	[tilespmem:s0+$0x10] =	vst v15  }
0x4b1: {  	v10 =	vmul.f32 v10, v9;
	[tilespmem:s0+$0xFFFFFFE0] =	vst v13  }
0x4b2: {  	v12 =	vmul.f32 v12, v9;
	[tilespmem:s0+$0xFFFFFFF0] =	vst v8  }
0x4b3: {  	v8 =	vmul.f32 v11, v9;
	[tilespmem:s0+$0x20] =	vst v10  }
0x4b4: {  	[tilespmem:s0+$0x0] =	vst v12  }
0x4b5: {  	s3 =	rddreg [dreg:$0x13];
	[tilespmem:s0+$0xFFFFFFD0] =	vst v8  }
0x4b6: {  	[hbm4b:s3+s11] =	stream.strided.scatter [tilespmem:s6], [sflag:$0x5], $0x2000, s12, s11, $0x38;
	[tilespmem:$0x1DB80] =	vst v63  }
0x4b7: {  	_ =	swait.ge [sflag:s8], $0x2000  }
0x4b8: {  	s2 =	sld [smem:$0x7EC]  }
0x4b9: {  	[sflag:s8] =	ssyncset.done $0x0  }
0x4ba: {  	[sflag:s8] =	ssyncadd.s32 $0xFFFFE000  }
0x4bb: {  	[tilespmem:s6], [sflag:$0x5] =	stream.linear.gather [spmem:s2], $0x2000, $0x38;
	[tilespmem:$0x1DB80] =	vst v63  }
0x4bc: {  	s3 =	simm.s32 $0xC0;
	_ =	swait.ge [sflag:s8], $0x2000  }
0x4bd: {  	v8 =	vmov s3;
	[sflag:s8] =	ssyncset.done $0x0  }
0x4be: {  	s0 =	simm.s32 $0x5940;
	[sflag:s8] =	ssyncadd.s32 $0xFFFFE000  }
0x4bf: {  	v12 =	vld [tilespmem:s0+$0x30]  }
0x4c0: {  	v15 =	vld [tilespmem:s0+$0x10]  }
0x4c1: {  	v13 =	vld [tilespmem:s0+$0xFFFFFFC0]  }
0x4c2: {  	v9 =	vld.idx.msk [tilespmem:v8+s14+$0x0], $0xffff  }
0x4c3: {  	v17 =	vld [tilespmem:s0+$0xFFFFFFE0]  }
0x4c4: {  	v8 =	vld [tilespmem:s0+$0xFFFFFFF0]  }
0x4c5: {  	v10 =	vld [tilespmem:s0+$0x20]  }
0x4c6: {  	v11 =	vld [tilespmem:s0+$0xFFFFFFD0]  }
0x4c7: {  	v16 =	vmul.f32 v12, v9;
	v12 =	vld [tilespmem:s0+$0x0]  }
0x4c8: {  	v14 =	vmul.f32 v13, v9  }
0x4c9: {  	s29 =	simm.s32 $0xC1;
	s31 =	simm.s32 $0x5940;
	v13 =	vmul.f32 v17, v9;
	v15 =	vmul.f32 v15, v9  }
.LBB2_42:
0x4ca: {  	p0 =	sne.s32 s29, $0xFF  }
0x4cb: {  	v11 =	vmul.f32 v11, v9;
	v10 =	vmul.f32 v10, v9;
	[tilespmem:s0+$0x30] =	vst v16;
	s31 =	sadd.s32 $0x80, s31;
	s3 =	smov.u32 s29;
	s29 =	sadd.s32 $0x1, s29  }
0x4cc: {  	[tilespmem:s0+$0xFFFFFFC0] =	vst v14;
	v14 =	vmul.f32 v8, v9;
	v9 =	vmul.f32 v12, v9  }
0x4cd: {  	[tilespmem:s0+$0x10] =	vst v15  }
0x4ce: {  	v12 =	vmov s3;
	[tilespmem:s0+$0xFFFFFFE0] =	vst v13  }
0x4cf: {  	v8 =	vld [tilespmem:s31+$0xFFFFFFF0];
	[tilespmem:s0+$0xFFFFFFF0] =	vst v14  }
0x4d0: {  	v13 =	vld [tilespmem:s31+$0x30];
	[tilespmem:s0+$0x0] =	vst v9  }
0x4d1: {  	v15 =	vld [tilespmem:s31+$0x10];
	[tilespmem:s0+$0x20] =	vst v10  }
0x4d2: {  	v14 =	vld [tilespmem:s31+$0xFFFFFFC0];
	[tilespmem:s0+$0xFFFFFFD0] =	vst v11;
	s0 =	smov.u32 s31  }
0x4d3: {  	v9 =	vld.idx.msk [tilespmem:v12+s14+$0x0], $0xffff  }
0x4d4: {  	v17 =	vld [tilespmem:s31+$0xFFFFFFE0]  }
0x4d5: {  	v10 =	vld [tilespmem:s31+$0x20]  }
.Ltmp20:
0x4d6: {  	v11 =	vld [tilespmem:s31+$0xFFFFFFD0];
	(pc) =	sbr.rel @p0 .LBB2_42-.Ltmp20, $3  }
0x4d7: {  	v12 =	vld [tilespmem:s31+$0x0];
	_ =	sdelay $0x1  }
0x4d8: {  	v14 =	vmul.f32 v14, v9;
	v16 =	vmul.f32 v13, v9  }
0x4d9: {  	v15 =	vmul.f32 v15, v9;
	v13 =	vmul.f32 v17, v9  }
0x4da: {  	[tilespmem:s0+$0x30] =	vst v16  }
0x4db: {  	[tilespmem:s0+$0xFFFFFFC0] =	vst v14  }
0x4dc: {  	v8 =	vmul.f32 v8, v9;
	[tilespmem:s0+$0x10] =	vst v15  }
0x4dd: {  	v10 =	vmul.f32 v10, v9;
	[tilespmem:s0+$0xFFFFFFE0] =	vst v13  }
0x4de: {  	v12 =	vmul.f32 v12, v9;
	[tilespmem:s0+$0xFFFFFFF0] =	vst v8  }
0x4df: {  	v8 =	vmul.f32 v11, v9;
	[tilespmem:s0+$0x20] =	vst v10  }
0x4e0: {  	[tilespmem:s0+$0x0] =	vst v12  }
0x4e1: {  	s2 =	rddreg [dreg:$0x14];
	[tilespmem:s0+$0xFFFFFFD0] =	vst v8  }
0x4e2: {  	[hbm4b:s2+s11] =	stream.strided.scatter [tilespmem:s6], [sflag:$0x5], $0x2000, s12, s11, $0x38;
	[tilespmem:$0x1DB80] =	vst v63  }
0x4e3: {  	_ =	swait.ge [sflag:s8], $0x2000  }
0x4e4: {  	[sflag:s8] =	ssyncset.done $0x0  }
0x4e5: {  	[sflag:s8] =	ssyncadd.s32 $0xFFFFE000  }
0x4e6: {  	[tilespmem:s6], [sflag:$0x5] =	stream.linear.gather [spmem:s7], $0x2000, $0x38;
	[tilespmem:$0x1DB80] =	vst v63  }
0x4e7: {  	s3 =	simm.s32 $0x100;
	_ =	swait.ge [sflag:s8], $0x2000  }
0x4e8: {  	v8 =	vmov s3;
	[sflag:s8] =	ssyncset.done $0x0  }
0x4e9: {  	s0 =	simm.s32 $0x5940;
	[sflag:s8] =	ssyncadd.s32 $0xFFFFE000  }
0x4ea: {  	v12 =	vld [tilespmem:s0+$0x30]  }
0x4eb: {  	v15 =	vld [tilespmem:s0+$0x10]  }
0x4ec: {  	v13 =	vld [tilespmem:s0+$0xFFFFFFC0]  }
0x4ed: {  	v9 =	vld.idx.msk [tilespmem:v8+s14+$0x0], $0xffff  }
0x4ee: {  	v17 =	vld [tilespmem:s0+$0xFFFFFFE0]  }
0x4ef: {  	v8 =	vld [tilespmem:s0+$0xFFFFFFF0]  }
0x4f0: {  	v10 =	vld [tilespmem:s0+$0x20]  }
0x4f1: {  	v11 =	vld [tilespmem:s0+$0xFFFFFFD0]  }
0x4f2: {  	v16 =	vmul.f32 v12, v9;
	v12 =	vld [tilespmem:s0+$0x0]  }
0x4f3: {  	v14 =	vmul.f32 v13, v9  }
0x4f4: {  	s29 =	simm.s32 $0x101;
	s31 =	simm.s32 $0x5940;
	v13 =	vmul.f32 v17, v9;
	v15 =	vmul.f32 v15, v9  }
.LBB2_44:
0x4f5: {  	p0 =	sne.s32 s29, $0x13F  }
0x4f6: {  	v11 =	vmul.f32 v11, v9;
	v10 =	vmul.f32 v10, v9;
	[tilespmem:s0+$0x30] =	vst v16;
	s31 =	sadd.s32 $0x80, s31;
	s3 =	smov.u32 s29;
	s29 =	sadd.s32 $0x1, s29  }
0x4f7: {  	[tilespmem:s0+$0xFFFFFFC0] =	vst v14;
	v14 =	vmul.f32 v8, v9;
	v9 =	vmul.f32 v12, v9  }
0x4f8: {  	[tilespmem:s0+$0x10] =	vst v15  }
0x4f9: {  	v12 =	vmov s3;
	[tilespmem:s0+$0xFFFFFFE0] =	vst v13  }
0x4fa: {  	v8 =	vld [tilespmem:s31+$0xFFFFFFF0];
	[tilespmem:s0+$0xFFFFFFF0] =	vst v14  }
0x4fb: {  	v13 =	vld [tilespmem:s31+$0x30];
	[tilespmem:s0+$0x0] =	vst v9  }
0x4fc: {  	v15 =	vld [tilespmem:s31+$0x10];
	[tilespmem:s0+$0x20] =	vst v10  }
0x4fd: {  	v14 =	vld [tilespmem:s31+$0xFFFFFFC0];
	[tilespmem:s0+$0xFFFFFFD0] =	vst v11;
	s0 =	smov.u32 s31  }
0x4fe: {  	v9 =	vld.idx.msk [tilespmem:v12+s14+$0x0], $0xffff  }
0x4ff: {  	v17 =	vld [tilespmem:s31+$0xFFFFFFE0]  }
0x500: {  	v10 =	vld [tilespmem:s31+$0x20]  }
.Ltmp21:
0x501: {  	v11 =	vld [tilespmem:s31+$0xFFFFFFD0];
	(pc) =	sbr.rel @p0 .LBB2_44-.Ltmp21, $3  }
0x502: {  	v12 =	vld [tilespmem:s31+$0x0];
	_ =	sdelay $0x1  }
0x503: {  	v14 =	vmul.f32 v14, v9;
	v16 =	vmul.f32 v13, v9  }
0x504: {  	v15 =	vmul.f32 v15, v9;
	v13 =	vmul.f32 v17, v9  }
0x505: {  	[tilespmem:s0+$0x30] =	vst v16  }
0x506: {  	[tilespmem:s0+$0xFFFFFFC0] =	vst v14  }
0x507: {  	v8 =	vmul.f32 v8, v9;
	[tilespmem:s0+$0x10] =	vst v15  }
0x508: {  	v10 =	vmul.f32 v10, v9;
	[tilespmem:s0+$0xFFFFFFE0] =	vst v13  }
0x509: {  	v12 =	vmul.f32 v12, v9;
	[tilespmem:s0+$0xFFFFFFF0] =	vst v8  }
0x50a: {  	v8 =	vmul.f32 v11, v9;
	[tilespmem:s0+$0x20] =	vst v10  }
0x50b: {  	[tilespmem:s0+$0x0] =	vst v12  }
0x50c: {  	s2 =	rddreg [dreg:$0x15];
	[tilespmem:s0+$0xFFFFFFD0] =	vst v8  }
0x50d: {  	[hbm4b:s2+s11] =	stream.strided.scatter [tilespmem:s6], [sflag:$0x5], $0x2000, s12, s11, $0x38;
	[tilespmem:$0x1DB80] =	vst v63  }
0x50e: {  	_ =	swait.ge [sflag:s8], $0x2000  }
0x50f: {  	[sflag:s8] =	ssyncset.done $0x0  }
0x510: {  	[sflag:s8] =	ssyncadd.s32 $0xFFFFE000  }
0x511: {  	[tilespmem:s6], [sflag:$0x5] =	stream.linear.gather [spmem:s9], $0x2000, $0x38;
	[tilespmem:$0x1DB80] =	vst v63  }
0x512: {  	s3 =	simm.s32 $0x140;
	_ =	swait.ge [sflag:s8], $0x2000  }
0x513: {  	v8 =	vmov s3;
	[sflag:s8] =	ssyncset.done $0x0  }
0x514: {  	s0 =	simm.s32 $0x5940;
	[sflag:s8] =	ssyncadd.s32 $0xFFFFE000  }
0x515: {  	v12 =	vld [tilespmem:s0+$0x30]  }
0x516: {  	v15 =	vld [tilespmem:s0+$0x10]  }
0x517: {  	v13 =	vld [tilespmem:s0+$0xFFFFFFC0]  }
0x518: {  	v9 =	vld.idx.msk [tilespmem:v8+s14+$0x0], $0xffff  }
0x519: {  	v17 =	vld [tilespmem:s0+$0xFFFFFFE0]  }
0x51a: {  	v8 =	vld [tilespmem:s0+$0xFFFFFFF0]  }
0x51b: {  	v10 =	vld [tilespmem:s0+$0x20]  }
0x51c: {  	v11 =	vld [tilespmem:s0+$0xFFFFFFD0]  }
0x51d: {  	v16 =	vmul.f32 v12, v9;
	v12 =	vld [tilespmem:s0+$0x0]  }
0x51e: {  	v14 =	vmul.f32 v13, v9  }
0x51f: {  	s29 =	simm.s32 $0x141;
	s31 =	simm.s32 $0x5940;
	v13 =	vmul.f32 v17, v9;
	v15 =	vmul.f32 v15, v9  }
.LBB2_46:
0x520: {  	p0 =	sne.s32 s29, $0x17F  }
0x521: {  	v11 =	vmul.f32 v11, v9;
	v10 =	vmul.f32 v10, v9;
	[tilespmem:s0+$0x30] =	vst v16;
	s31 =	sadd.s32 $0x80, s31;
	s3 =	smov.u32 s29;
	s29 =	sadd.s32 $0x1, s29  }
0x522: {  	[tilespmem:s0+$0xFFFFFFC0] =	vst v14;
	v14 =	vmul.f32 v8, v9;
	v9 =	vmul.f32 v12, v9  }
0x523: {  	[tilespmem:s0+$0x10] =	vst v15  }
0x524: {  	v12 =	vmov s3;
	[tilespmem:s0+$0xFFFFFFE0] =	vst v13  }
0x525: {  	v8 =	vld [tilespmem:s31+$0xFFFFFFF0];
	[tilespmem:s0+$0xFFFFFFF0] =	vst v14  }
0x526: {  	v13 =	vld [tilespmem:s31+$0x30];
	[tilespmem:s0+$0x0] =	vst v9  }
0x527: {  	v15 =	vld [tilespmem:s31+$0x10];
	[tilespmem:s0+$0x20] =	vst v10  }
0x528: {  	v14 =	vld [tilespmem:s31+$0xFFFFFFC0];
	[tilespmem:s0+$0xFFFFFFD0] =	vst v11;
	s0 =	smov.u32 s31  }
0x529: {  	v9 =	vld.idx.msk [tilespmem:v12+s14+$0x0], $0xffff  }
0x52a: {  	v17 =	vld [tilespmem:s31+$0xFFFFFFE0]  }
0x52b: {  	v10 =	vld [tilespmem:s31+$0x20]  }
.Ltmp22:
0x52c: {  	v11 =	vld [tilespmem:s31+$0xFFFFFFD0];
	(pc) =	sbr.rel @p0 .LBB2_46-.Ltmp22, $3  }
0x52d: {  	v12 =	vld [tilespmem:s31+$0x0];
	_ =	sdelay $0x1  }
0x52e: {  	v14 =	vmul.f32 v14, v9;
	v16 =	vmul.f32 v13, v9  }
0x52f: {  	v15 =	vmul.f32 v15, v9;
	v13 =	vmul.f32 v17, v9  }
0x530: {  	[tilespmem:s0+$0x30] =	vst v16  }
0x531: {  	[tilespmem:s0+$0xFFFFFFC0] =	vst v14  }
0x532: {  	v8 =	vmul.f32 v8, v9;
	[tilespmem:s0+$0x10] =	vst v15  }
0x533: {  	v10 =	vmul.f32 v10, v9;
	[tilespmem:s0+$0xFFFFFFE0] =	vst v13  }
0x534: {  	v12 =	vmul.f32 v12, v9;
	[tilespmem:s0+$0xFFFFFFF0] =	vst v8  }
0x535: {  	v8 =	vmul.f32 v11, v9;
	[tilespmem:s0+$0x20] =	vst v10  }
0x536: {  	[tilespmem:s0+$0x0] =	vst v12  }
0x537: {  	s3 =	rddreg [dreg:$0x16];
	[tilespmem:s0+$0xFFFFFFD0] =	vst v8  }
0x538: {  	[hbm4b:s3+s11] =	stream.strided.scatter [tilespmem:s6], [sflag:$0x5], $0x2000, s12, s11, $0x38;
	[tilespmem:$0x1DB80] =	vst v63  }
0x539: {  	_ =	swait.ge [sflag:s8], $0x2000  }
0x53a: {  	s2 =	sld [smem:$0x7F7]  }
0x53b: {  	[sflag:s8] =	ssyncset.done $0x0  }
0x53c: {  	[sflag:s8] =	ssyncadd.s32 $0xFFFFE000  }
0x53d: {  	[tilespmem:s6], [sflag:$0x5] =	stream.linear.gather [spmem:s2], $0x2000, $0x38;
	[tilespmem:$0x1DB80] =	vst v63  }
0x53e: {  	s3 =	sadd.s32 $0x0, s24;
	_ =	swait.ge [sflag:s8], $0x2000  }
0x53f: {  	v8 =	vmov s3;
	[sflag:s8] =	ssyncset.done $0x0  }
0x540: {  	s0 =	simm.s32 $0x5940;
	[sflag:s8] =	ssyncadd.s32 $0xFFFFE000  }
0x541: {  	v12 =	vld [tilespmem:s0+$0x30]  }
0x542: {  	v15 =	vld [tilespmem:s0+$0x10]  }
0x543: {  	v13 =	vld [tilespmem:s0+$0xFFFFFFC0]  }
0x544: {  	v9 =	vld.idx.msk [tilespmem:v8+s14+$0x0], $0xffff  }
0x545: {  	v17 =	vld [tilespmem:s0+$0xFFFFFFE0]  }
0x546: {  	v8 =	vld [tilespmem:s0+$0xFFFFFFF0]  }
0x547: {  	v10 =	vld [tilespmem:s0+$0x20]  }
0x548: {  	v11 =	vld [tilespmem:s0+$0xFFFFFFD0]  }
0x549: {  	v16 =	vmul.f32 v12, v9;
	v12 =	vld [tilespmem:s0+$0x0]  }
0x54a: {  	v14 =	vmul.f32 v13, v9  }
0x54b: {  	s29 =	simm.s32 $0x1;
	s31 =	simm.s32 $0x5940;
	v13 =	vmul.f32 v17, v9;
	v15 =	vmul.f32 v15, v9  }
.LBB2_48:
0x54c: {  	p0 =	sne.s32 s29, $0x3F  }
0x54d: {  	v11 =	vmul.f32 v11, v9;
	v10 =	vmul.f32 v10, v9;
	[tilespmem:s0+$0x30] =	vst v16;
	s31 =	sadd.s32 $0x80, s31;
	s3 =	smov.u32 s29;
	s29 =	sadd.s32 $0x1, s29  }
0x54e: {  	[tilespmem:s0+$0xFFFFFFC0] =	vst v14;
	v14 =	vmul.f32 v8, v9;
	v9 =	vmul.f32 v12, v9  }
0x54f: {  	s3 =	sadd.s32 s3, s24;
	[tilespmem:s0+$0x10] =	vst v15  }
0x550: {  	v12 =	vmov s3;
	[tilespmem:s0+$0xFFFFFFE0] =	vst v13  }
0x551: {  	v8 =	vld [tilespmem:s31+$0xFFFFFFF0];
	[tilespmem:s0+$0xFFFFFFF0] =	vst v14  }
0x552: {  	v13 =	vld [tilespmem:s31+$0x30];
	[tilespmem:s0+$0x0] =	vst v9  }
0x553: {  	v15 =	vld [tilespmem:s31+$0x10];
	[tilespmem:s0+$0x20] =	vst v10  }
0x554: {  	v14 =	vld [tilespmem:s31+$0xFFFFFFC0];
	[tilespmem:s0+$0xFFFFFFD0] =	vst v11;
	s0 =	smov.u32 s31  }
0x555: {  	v9 =	vld.idx.msk [tilespmem:v12+s14+$0x0], $0xffff  }
0x556: {  	v17 =	vld [tilespmem:s31+$0xFFFFFFE0]  }
0x557: {  	v10 =	vld [tilespmem:s31+$0x20]  }
.Ltmp23:
0x558: {  	v11 =	vld [tilespmem:s31+$0xFFFFFFD0];
	(pc) =	sbr.rel @p0 .LBB2_48-.Ltmp23, $3  }
0x559: {  	v12 =	vld [tilespmem:s31+$0x0];
	_ =	sdelay $0x1  }
0x55a: {  	v14 =	vmul.f32 v14, v9;
	v16 =	vmul.f32 v13, v9  }
0x55b: {  	v15 =	vmul.f32 v15, v9;
	v13 =	vmul.f32 v17, v9  }
0x55c: {  	[tilespmem:s0+$0x30] =	vst v16  }
0x55d: {  	[tilespmem:s0+$0xFFFFFFC0] =	vst v14  }
0x55e: {  	v8 =	vmul.f32 v8, v9;
	[tilespmem:s0+$0x10] =	vst v15  }
0x55f: {  	v10 =	vmul.f32 v10, v9;
	[tilespmem:s0+$0xFFFFFFE0] =	vst v13  }
0x560: {  	v12 =	vmul.f32 v12, v9;
	[tilespmem:s0+$0xFFFFFFF0] =	vst v8  }
0x561: {  	v8 =	vmul.f32 v11, v9;
	[tilespmem:s0+$0x20] =	vst v10  }
0x562: {  	[tilespmem:s0+$0x0] =	vst v12  }
0x563: {  	s3 =	rddreg [dreg:$0x17];
	[tilespmem:s0+$0xFFFFFFD0] =	vst v8  }
0x564: {  	[hbm4b:s3+s11] =	stream.strided.scatter [tilespmem:s6], [sflag:$0x5], $0x2000, s12, s11, $0x38;
	[tilespmem:$0x1DB80] =	vst v63  }
0x565: {  	_ =	swait.ge [sflag:s8], $0x2000  }
0x566: {  	s2 =	sld [smem:$0x7F8]  }
0x567: {  	[sflag:s8] =	ssyncset.done $0x0  }
0x568: {  	[sflag:s8] =	ssyncadd.s32 $0xFFFFE000  }
0x569: {  	[tilespmem:s6], [sflag:$0x5] =	stream.linear.gather [spmem:s2], $0x2000, $0x38;
	[tilespmem:$0x1DB80] =	vst v63  }
0x56a: {  	s3 =	sadd.s32 $0x0, s25;
	_ =	swait.ge [sflag:s8], $0x2000  }
0x56b: {  	v8 =	vmov s3;
	[sflag:s8] =	ssyncset.done $0x0  }
0x56c: {  	s0 =	simm.s32 $0x5940;
	[sflag:s8] =	ssyncadd.s32 $0xFFFFE000  }
0x56d: {  	v12 =	vld [tilespmem:s0+$0x30]  }
0x56e: {  	v15 =	vld [tilespmem:s0+$0x10]  }
0x56f: {  	v13 =	vld [tilespmem:s0+$0xFFFFFFC0]  }
0x570: {  	v9 =	vld.idx.msk [tilespmem:v8+s14+$0x0], $0xffff  }
0x571: {  	v17 =	vld [tilespmem:s0+$0xFFFFFFE0]  }
0x572: {  	v8 =	vld [tilespmem:s0+$0xFFFFFFF0]  }
0x573: {  	v10 =	vld [tilespmem:s0+$0x20]  }
0x574: {  	v11 =	vld [tilespmem:s0+$0xFFFFFFD0]  }
0x575: {  	v16 =	vmul.f32 v12, v9;
	v12 =	vld [tilespmem:s0+$0x0]  }
0x576: {  	v14 =	vmul.f32 v13, v9  }
0x577: {  	s29 =	simm.s32 $0x1;
	s31 =	simm.s32 $0x5940;
	v13 =	vmul.f32 v17, v9;
	v15 =	vmul.f32 v15, v9  }
.LBB2_50:
0x578: {  	p0 =	sne.s32 s29, $0x3F  }
0x579: {  	v11 =	vmul.f32 v11, v9;
	v10 =	vmul.f32 v10, v9;
	[tilespmem:s0+$0x30] =	vst v16;
	s31 =	sadd.s32 $0x80, s31;
	s3 =	smov.u32 s29;
	s29 =	sadd.s32 $0x1, s29  }
0x57a: {  	[tilespmem:s0+$0xFFFFFFC0] =	vst v14;
	v14 =	vmul.f32 v8, v9;
	v9 =	vmul.f32 v12, v9  }
0x57b: {  	s3 =	sadd.s32 s3, s25;
	[tilespmem:s0+$0x10] =	vst v15  }
0x57c: {  	v12 =	vmov s3;
	[tilespmem:s0+$0xFFFFFFE0] =	vst v13  }
0x57d: {  	v8 =	vld [tilespmem:s31+$0xFFFFFFF0];
	[tilespmem:s0+$0xFFFFFFF0] =	vst v14  }
0x57e: {  	v13 =	vld [tilespmem:s31+$0x30];
	[tilespmem:s0+$0x0] =	vst v9  }
0x57f: {  	v15 =	vld [tilespmem:s31+$0x10];
	[tilespmem:s0+$0x20] =	vst v10  }
0x580: {  	v14 =	vld [tilespmem:s31+$0xFFFFFFC0];
	[tilespmem:s0+$0xFFFFFFD0] =	vst v11;
	s0 =	smov.u32 s31  }
0x581: {  	v9 =	vld.idx.msk [tilespmem:v12+s14+$0x0], $0xffff  }
0x582: {  	v17 =	vld [tilespmem:s31+$0xFFFFFFE0]  }
0x583: {  	v10 =	vld [tilespmem:s31+$0x20]  }
.Ltmp24:
0x584: {  	v11 =	vld [tilespmem:s31+$0xFFFFFFD0];
	(pc) =	sbr.rel @p0 .LBB2_50-.Ltmp24, $3  }
0x585: {  	v12 =	vld [tilespmem:s31+$0x0];
	_ =	sdelay $0x1  }
0x586: {  	v14 =	vmul.f32 v14, v9;
	v16 =	vmul.f32 v13, v9  }
0x587: {  	v15 =	vmul.f32 v15, v9;
	v13 =	vmul.f32 v17, v9  }
0x588: {  	[tilespmem:s0+$0x30] =	vst v16  }
0x589: {  	[tilespmem:s0+$0xFFFFFFC0] =	vst v14  }
0x58a: {  	v8 =	vmul.f32 v8, v9;
	[tilespmem:s0+$0x10] =	vst v15  }
0x58b: {  	v10 =	vmul.f32 v10, v9;
	[tilespmem:s0+$0xFFFFFFE0] =	vst v13  }
0x58c: {  	v12 =	vmul.f32 v12, v9;
	[tilespmem:s0+$0xFFFFFFF0] =	vst v8  }
0x58d: {  	v8 =	vmul.f32 v11, v9;
	[tilespmem:s0+$0x20] =	vst v10  }
0x58e: {  	[tilespmem:s0+$0x0] =	vst v12  }
0x58f: {  	s3 =	rddreg [dreg:$0x18];
	[tilespmem:s0+$0xFFFFFFD0] =	vst v8  }
0x590: {  	[hbm4b:s3+s11] =	stream.strided.scatter [tilespmem:s6], [sflag:$0x5], $0x2000, s12, s11, $0x38;
	[tilespmem:$0x1DB80] =	vst v63  }
0x591: {  	_ =	swait.ge [sflag:s8], $0x2000  }
0x592: {  	s2 =	sld [smem:$0x7F9]  }
0x593: {  	[sflag:s8] =	ssyncset.done $0x0  }
0x594: {  	[sflag:s8] =	ssyncadd.s32 $0xFFFFE000  }
0x595: {  	[tilespmem:s6], [sflag:$0x5] =	stream.linear.gather [spmem:s2], $0x2000, $0x38;
	[tilespmem:$0x1DB80] =	vst v63  }
0x596: {  	s3 =	sadd.s32 $0x0, s30;
	_ =	swait.ge [sflag:s8], $0x2000  }
0x597: {  	v8 =	vmov s3;
	[sflag:s8] =	ssyncset.done $0x0  }
0x598: {  	s0 =	simm.s32 $0x5940;
	[sflag:s8] =	ssyncadd.s32 $0xFFFFE000  }
0x599: {  	v12 =	vld [tilespmem:s0+$0x30]  }
0x59a: {  	v15 =	vld [tilespmem:s0+$0x10]  }
0x59b: {  	v13 =	vld [tilespmem:s0+$0xFFFFFFC0]  }
0x59c: {  	v9 =	vld.idx.msk [tilespmem:v8+s14+$0x0], $0xffff  }
0x59d: {  	v17 =	vld [tilespmem:s0+$0xFFFFFFE0]  }
0x59e: {  	v8 =	vld [tilespmem:s0+$0xFFFFFFF0]  }
0x59f: {  	v10 =	vld [tilespmem:s0+$0x20]  }
0x5a0: {  	v11 =	vld [tilespmem:s0+$0xFFFFFFD0]  }
0x5a1: {  	v16 =	vmul.f32 v12, v9;
	v12 =	vld [tilespmem:s0+$0x0]  }
0x5a2: {  	v14 =	vmul.f32 v13, v9  }
0x5a3: {  	s29 =	simm.s32 $0x1;
	s31 =	simm.s32 $0x5940;
	v13 =	vmul.f32 v17, v9;
	v15 =	vmul.f32 v15, v9  }
.LBB2_52:
0x5a4: {  	p0 =	sne.s32 s29, $0x3F  }
0x5a5: {  	v11 =	vmul.f32 v11, v9;
	v10 =	vmul.f32 v10, v9;
	[tilespmem:s0+$0x30] =	vst v16;
	s31 =	sadd.s32 $0x80, s31;
	s3 =	smov.u32 s29;
	s29 =	sadd.s32 $0x1, s29  }
0x5a6: {  	[tilespmem:s0+$0xFFFFFFC0] =	vst v14;
	v14 =	vmul.f32 v8, v9;
	v9 =	vmul.f32 v12, v9  }
0x5a7: {  	s3 =	sadd.s32 s3, s30;
	[tilespmem:s0+$0x10] =	vst v15  }
0x5a8: {  	v12 =	vmov s3;
	[tilespmem:s0+$0xFFFFFFE0] =	vst v13  }
0x5a9: {  	v8 =	vld [tilespmem:s31+$0xFFFFFFF0];
	[tilespmem:s0+$0xFFFFFFF0] =	vst v14  }
0x5aa: {  	v13 =	vld [tilespmem:s31+$0x30];
	[tilespmem:s0+$0x0] =	vst v9  }
0x5ab: {  	v15 =	vld [tilespmem:s31+$0x10];
	[tilespmem:s0+$0x20] =	vst v10  }
0x5ac: {  	v14 =	vld [tilespmem:s31+$0xFFFFFFC0];
	[tilespmem:s0+$0xFFFFFFD0] =	vst v11;
	s0 =	smov.u32 s31  }
0x5ad: {  	v9 =	vld.idx.msk [tilespmem:v12+s14+$0x0], $0xffff  }
0x5ae: {  	v17 =	vld [tilespmem:s31+$0xFFFFFFE0]  }
0x5af: {  	v10 =	vld [tilespmem:s31+$0x20]  }
.Ltmp25:
0x5b0: {  	v11 =	vld [tilespmem:s31+$0xFFFFFFD0];
	(pc) =	sbr.rel @p0 .LBB2_52-.Ltmp25, $3  }
0x5b1: {  	v12 =	vld [tilespmem:s31+$0x0];
	_ =	sdelay $0x1  }
0x5b2: {  	v14 =	vmul.f32 v14, v9;
	v16 =	vmul.f32 v13, v9  }
0x5b3: {  	v15 =	vmul.f32 v15, v9;
	v13 =	vmul.f32 v17, v9  }
0x5b4: {  	[tilespmem:s0+$0x30] =	vst v16  }
0x5b5: {  	[tilespmem:s0+$0xFFFFFFC0] =	vst v14  }
0x5b6: {  	v8 =	vmul.f32 v8, v9;
	[tilespmem:s0+$0x10] =	vst v15  }
0x5b7: {  	v10 =	vmul.f32 v10, v9;
	[tilespmem:s0+$0xFFFFFFE0] =	vst v13  }
0x5b8: {  	v12 =	vmul.f32 v12, v9;
	[tilespmem:s0+$0xFFFFFFF0] =	vst v8  }
0x5b9: {  	v8 =	vmul.f32 v11, v9;
	[tilespmem:s0+$0x20] =	vst v10  }
0x5ba: {  	[tilespmem:s0+$0x0] =	vst v12  }
0x5bb: {  	s3 =	rddreg [dreg:$0x19];
	[tilespmem:s0+$0xFFFFFFD0] =	vst v8  }
0x5bc: {  	[hbm4b:s3+s11] =	stream.strided.scatter [tilespmem:s6], [sflag:$0x5], $0x2000, s12, s11, $0x38;
	[tilespmem:$0x1DB80] =	vst v63  }
0x5bd: {  	_ =	swait.ge [sflag:s8], $0x2000  }
0x5be: {  	s2 =	sld [smem:$0x7FA]  }
0x5bf: {  	[sflag:s8] =	ssyncset.done $0x0  }
0x5c0: {  	[sflag:s8] =	ssyncadd.s32 $0xFFFFE000  }
0x5c1: {  	[tilespmem:s6], [sflag:$0x5] =	stream.linear.gather [spmem:s2], $0x2000, $0x38;
	[tilespmem:$0x1DB80] =	vst v63  }
0x5c2: {  	s3 =	sadd.s32 $0x0, s18;
	_ =	swait.ge [sflag:s8], $0x2000  }
0x5c3: {  	v8 =	vmov s3;
	[sflag:s8] =	ssyncset.done $0x0  }
0x5c4: {  	s0 =	simm.s32 $0x5940;
	[sflag:s8] =	ssyncadd.s32 $0xFFFFE000  }
0x5c5: {  	v12 =	vld [tilespmem:s0+$0x30]  }
0x5c6: {  	v15 =	vld [tilespmem:s0+$0x10]  }
0x5c7: {  	v13 =	vld [tilespmem:s0+$0xFFFFFFC0]  }
0x5c8: {  	v9 =	vld.idx.msk [tilespmem:v8+s14+$0x0], $0xffff  }
0x5c9: {  	v17 =	vld [tilespmem:s0+$0xFFFFFFE0]  }
0x5ca: {  	v8 =	vld [tilespmem:s0+$0xFFFFFFF0]  }
0x5cb: {  	v10 =	vld [tilespmem:s0+$0x20]  }
0x5cc: {  	v11 =	vld [tilespmem:s0+$0xFFFFFFD0]  }
0x5cd: {  	v16 =	vmul.f32 v12, v9;
	v12 =	vld [tilespmem:s0+$0x0]  }
0x5ce: {  	v14 =	vmul.f32 v13, v9  }
0x5cf: {  	s29 =	simm.s32 $0x1;
	s31 =	simm.s32 $0x5940;
	v13 =	vmul.f32 v17, v9;
	v15 =	vmul.f32 v15, v9  }
.LBB2_54:
0x5d0: {  	p0 =	sne.s32 s29, $0x3F  }
0x5d1: {  	v11 =	vmul.f32 v11, v9;
	v10 =	vmul.f32 v10, v9;
	[tilespmem:s0+$0x30] =	vst v16;
	s31 =	sadd.s32 $0x80, s31;
	s3 =	smov.u32 s29;
	s29 =	sadd.s32 $0x1, s29  }
0x5d2: {  	[tilespmem:s0+$0xFFFFFFC0] =	vst v14;
	v14 =	vmul.f32 v8, v9;
	v9 =	vmul.f32 v12, v9  }
0x5d3: {  	s3 =	sadd.s32 s3, s18;
	[tilespmem:s0+$0x10] =	vst v15  }
0x5d4: {  	v12 =	vmov s3;
	[tilespmem:s0+$0xFFFFFFE0] =	vst v13  }
0x5d5: {  	v8 =	vld [tilespmem:s31+$0xFFFFFFF0];
	[tilespmem:s0+$0xFFFFFFF0] =	vst v14  }
0x5d6: {  	v13 =	vld [tilespmem:s31+$0x30];
	[tilespmem:s0+$0x0] =	vst v9  }
0x5d7: {  	v15 =	vld [tilespmem:s31+$0x10];
	[tilespmem:s0+$0x20] =	vst v10  }
0x5d8: {  	v14 =	vld [tilespmem:s31+$0xFFFFFFC0];
	[tilespmem:s0+$0xFFFFFFD0] =	vst v11;
	s0 =	smov.u32 s31  }
0x5d9: {  	v9 =	vld.idx.msk [tilespmem:v12+s14+$0x0], $0xffff  }
0x5da: {  	v17 =	vld [tilespmem:s31+$0xFFFFFFE0]  }
0x5db: {  	v10 =	vld [tilespmem:s31+$0x20]  }
.Ltmp26:
0x5dc: {  	v11 =	vld [tilespmem:s31+$0xFFFFFFD0];
	(pc) =	sbr.rel @p0 .LBB2_54-.Ltmp26, $3  }
0x5dd: {  	v12 =	vld [tilespmem:s31+$0x0];
	_ =	sdelay $0x1  }
0x5de: {  	v14 =	vmul.f32 v14, v9;
	v16 =	vmul.f32 v13, v9  }
0x5df: {  	v15 =	vmul.f32 v15, v9;
	v13 =	vmul.f32 v17, v9  }
0x5e0: {  	[tilespmem:s0+$0x30] =	vst v16  }
0x5e1: {  	[tilespmem:s0+$0xFFFFFFC0] =	vst v14  }
0x5e2: {  	v8 =	vmul.f32 v8, v9;
	[tilespmem:s0+$0x10] =	vst v15  }
0x5e3: {  	v10 =	vmul.f32 v10, v9;
	[tilespmem:s0+$0xFFFFFFE0] =	vst v13  }
0x5e4: {  	v12 =	vmul.f32 v12, v9;
	[tilespmem:s0+$0xFFFFFFF0] =	vst v8  }
0x5e5: {  	v8 =	vmul.f32 v11, v9;
	[tilespmem:s0+$0x20] =	vst v10  }
0x5e6: {  	[tilespmem:s0+$0x0] =	vst v12  }
0x5e7: {  	s3 =	rddreg [dreg:$0x1a];
	[tilespmem:s0+$0xFFFFFFD0] =	vst v8  }
0x5e8: {  	[hbm4b:s3+s11] =	stream.strided.scatter [tilespmem:s6], [sflag:$0x5], $0x2000, s12, s11, $0x38;
	[tilespmem:$0x1DB80] =	vst v63  }
0x5e9: {  	_ =	swait.ge [sflag:s8], $0x2000  }
0x5ea: {  	s29 =	sld [smem:$0x7FC];
	_ =	sdelay $0x1  }
0x5eb: {  	s28 =	sadd.s32 $0x1, s28  }
0x5ec: {  	p0 =	sne.s32 s28, s29  }
.Ltmp27:
0x5ed: {  	_ = 	snop;
	(pc) =	sbr.rel @p0 .LBB2_1-.Ltmp27, $3  }
0x5ee: {  	_ =	sdelay $0x1  }
0x5ef: {  	[sflag:s8] =	ssyncset.done $0x0  }
0x5f0: {  	s31 =	sld [smem:$0x7FD];
	[sflag:s8] =	ssyncadd.s32 $0xFFFFE000  }
0x5f1: {  	_ =	sfence.sel $0x180000  }
0x5f2: {  	[bflag:$0x0] =	sbarrier.arrive $0xFFFF  }
0x5f3: {  	_ =	strace $0x90000047  }
0x5f4: {  	s0 =	stileid.u32;
	[bflag:$0x2] =	sbarrier.arrive $0xFFFF  }
0x5f5: {  	p0 =	sne.s32 s0, $0x0;
	s0 =	rddreg [dreg:$0x5]  }
0x5f6: {  	s0 =	sadd.s32 @!p0 $0x100000, s0  }
0x5f7: {  	[sflag:s0] =	ssyncadd.tile.s32 @!p0 $0x1;
	_ =	shalt  }
.Lfunc_end2:
_tile_overlayer_lowered:
.L_overlay_start_2:
0x5f8: {  	(tag) =	ssettag $0x2  }
0x5f9: {  	s0 =	rddreg [dreg:$0x0];
	s2 =	stileid.u32  }
0x5fa: {  	s1 =	rddreg [dreg:$0x1];
	p0 =	sne.s32 s2, $0x0  }
0x5fb: {  	s3 =	rddreg [dreg:$0x2];
	[bflag:$0x3] =	sbarrier.arrive $0xFFFF;
	s2 =	simm.s32 @!p0 $0x1C05  }
0x5fc: {  	[timem:s3], [sflag:s2] =	dma.local @!p0 [hbm:s0], s1  }
0x5fd: {  	s0 =	simm.s32 @!p0 $0x5  }
0x5fe: {  	_ =	swait.ge @!p0 [sflag:s0], s1  }
0x5ff: {  	s1 =	ssub.s32 @!p0 $0x0, s1;
	[sflag:s0] =	ssyncset.done @!p0 $0x0  }
0x600: {  	[sflag:s0] =	ssyncadd.s32 @!p0 s1  }
0x601: {  	[bflag:$0x3] =	sbarrier.arrive $0xFFFF  }
0x602: {  	_ =	shalt  }

</sc_bundles>
